<compile_context>
chip_gen: v7x
topology: tpu7x:2x2x1
jax: 0.10.2.dev20260603
libtpu: 0.0.44.dev20260713+nightly
codegen_flags: <defaults>
</compile_context>

<pallas_src>
import functools
import jax
import jax.numpy as jnp
from jax import lax
from jax.experimental import pallas as pl
from jax.experimental.pallas import tpu as pltpu
from jax.experimental.pallas import tpu_sc as plsc

N_ENT = 10000
N_REL = 200
D = 256
B = 4096
N_EDGES = 160000
DECAY = 0.0001
H = 128
NC, NS = 2, 16
EPT = N_EDGES // NS
CH = 128
NFULL = EPT // CH
TAIL = EPT - NFULL * CH
RPW = 624
RTAIL = N_ENT - NS * RPW
W = NC * NS
BPT = B // W
SHIFTS = (42, 85, 128, 170, 213)
SLICES = ((0, 128), (128, 128), (256, 128), (384, 128), (512, 112))


@functools.cache
def _sc_kernels():
    _mesh = plsc.VectorSubcoreMesh(
        core_axis_name="c", subcore_axis_name="s",
        num_cores=NC, num_subcores=NS)

    def _zero_shared(buf, zeros_hbm, dst_sh, s):
        pltpu.sync_copy(zeros_hbm, buf)
        for (o, n) in SLICES:
            pltpu.sync_copy(buf.at[pl.ds(0, n)],
                            dst_sh.at[pl.ds(s * RPW + o, n)])

        @pl.when(s == 0)
        def _():
            pltpu.sync_copy(buf.at[pl.ds(0, RTAIL)],
                            dst_sh.at[pl.ds(NS * RPW, RTAIL)])

    def _write_shared(buf, src_sh, out_hbm, s, hbm_base):
        for (o, n) in SLICES:
            pltpu.sync_copy(src_sh.at[pl.ds(s * RPW + o, n)],
                            buf.at[pl.ds(0, n)])
            pltpu.sync_copy(buf.at[pl.ds(0, n)],
                            out_hbm.at[pl.ds(hbm_base + s * RPW + o, n)])

        @pl.when(s == 0)
        def _():
            pltpu.sync_copy(src_sh.at[pl.ds(NS * RPW, RTAIL)],
                            buf.at[pl.ds(0, RTAIL)])
            pltpu.sync_copy(buf.at[pl.ds(0, RTAIL)],
                            out_hbm.at[pl.ds(hbm_base + NS * RPW, RTAIL)])

    @functools.partial(
        pl.kernel,
        out_type=jax.ShapeDtypeStruct((2 * N_ENT, H), jnp.float32),
        mesh=_mesh,
        scratch_types=[
            pltpu.VMEM((CH,), jnp.int32),
            pltpu.VMEM((TAIL,), jnp.int32),
            pltpu.VMEM((CH, H), jnp.float32),
            pltpu.VMEM_SHARED((N_ENT, H), jnp.float32),
            pltpu.SemaphoreType.DMA,
        ],
    )
    def _deg(ecat, ones_hbm, zeros_hbm, cntcat, idx_v, tidx_v, buf,
             cnt_sh, sem):
        c = lax.axis_index("c")
        s = lax.axis_index("s")
        _zero_shared(buf, zeros_hbm, cnt_sh, s)
        pltpu.sync_copy(ones_hbm, buf)
        plsc.subcore_barrier()
        base = c * N_EDGES + s * EPT

        def body(j, carry):
            pltpu.sync_copy(ecat.at[pl.ds(base + j * CH, CH)], idx_v)
            pltpu.sync_copy(buf, cnt_sh.at[idx_v], add=True)
            return carry

        lax.fori_loop(0, NFULL, body, 0)
        pltpu.sync_copy(ecat.at[pl.ds(base + NFULL * CH, TAIL)], tidx_v)
        pltpu.sync_copy(buf.at[pl.ds(0, TAIL)], cnt_sh.at[tidx_v], add=True)
        plsc.subcore_barrier()
        _write_shared(buf, cnt_sh, cntcat, s, c * N_ENT)

    @functools.partial(
        pl.kernel,
        out_type=jax.ShapeDtypeStruct((2 * N_ENT, H), jnp.float32),
        mesh=_mesh,
        scratch_types=[
            pltpu.VMEM((CH,), jnp.int32),
            pltpu.VMEM((CH,), jnp.int32),
            pltpu.VMEM((CH,), jnp.int32),
            pltpu.VMEM((CH,), jnp.int32),
            pltpu.VMEM((TAIL,), jnp.int32),
            pltpu.VMEM((TAIL,), jnp.int32),
            pltpu.VMEM((CH, H), jnp.float32),
            pltpu.VMEM((CH, H), jnp.float32),
            pltpu.VMEM_SHARED((N_ENT, H), jnp.float32),
            pltpu.SemaphoreType.DMA,
            pltpu.SemaphoreType.DMA,
        ],
    )
    def _prop(gidx, dstix, ycat, zeros_hbm, zcat,
              sidx0, didx0, sidx1, didx1, tsidx, tdidx, rows0, rows1,
              acc, sem0, sem1):
        c = lax.axis_index("c")
        s = lax.axis_index("s")
        _zero_shared(rows0, zeros_hbm, acc, s)
        plsc.subcore_barrier()
        ebase = s * EPT
        gbase = c * N_EDGES + ebase
        nhalf = NFULL // 2

        def load_start(j, sidx, didx, rows, sem):
            pltpu.sync_copy(gidx.at[pl.ds(gbase + j * CH, CH)], sidx)
            pltpu.sync_copy(dstix.at[pl.ds(ebase + j * CH, CH)], didx)
            pltpu.async_copy(ycat.at[sidx], rows, sem)

        load_start(0, sidx0, didx0, rows0, sem0)
        load_start(1, sidx1, didx1, rows1, sem1)

        def body(j2, carry):
            j = 2 * j2
            pltpu.make_async_copy(ycat.at[sidx0], rows0, sem0).wait()
            pltpu.sync_copy(rows0, acc.at[didx0], add=True)

            @pl.when(j2 < nhalf - 1)
            def _():
                load_start(j + 2, sidx0, didx0, rows0, sem0)

            pltpu.make_async_copy(ycat.at[sidx1], rows1, sem1).wait()
            pltpu.sync_copy(rows1, acc.at[didx1], add=True)

            @pl.when(j2 < nhalf - 1)
            def _():
                load_start(j + 3, sidx1, didx1, rows1, sem1)

            return carry

        lax.fori_loop(0, nhalf, body, 0)
        toff = ebase + NFULL * CH
        pltpu.sync_copy(gidx.at[pl.ds(c * N_EDGES + toff, TAIL)], tsidx)
        pltpu.sync_copy(dstix.at[pl.ds(toff, TAIL)], tdidx)
        pltpu.async_copy(ycat.at[tsidx], rows0.at[pl.ds(0, TAIL)],
                         sem0).wait()
        pltpu.sync_copy(rows0.at[pl.ds(0, TAIL)], acc.at[tdidx], add=True)
        plsc.subcore_barrier()
        _write_shared(rows0, acc, zcat, s, c * N_ENT)

    @functools.partial(
        pl.kernel,
        out_type=[
            jax.ShapeDtypeStruct((7 * B, D), jnp.float32),
            jax.ShapeDtypeStruct((4 * B, H), jnp.float32),
        ],
        mesh=_mesh,
        scratch_types=[
            pltpu.VMEM((BPT,), jnp.int32),
            pltpu.VMEM((BPT,), jnp.int32),
            pltpu.VMEM((BPT, D), jnp.float32),
            pltpu.VMEM((BPT, D), jnp.float32),
            pltpu.VMEM((BPT, H), jnp.float32),
            pltpu.VMEM((BPT, H), jnp.float32),
            pltpu.SemaphoreType.DMA,
            pltpu.SemaphoreType.DMA,
        ],
    )
    def _gath(icat, emb, rw, s128, ocat, socat, idx0, idx1, rows0, rows1,
              srows0, srows1, sem0, sem1):
        c = lax.axis_index("c")
        s = lax.axis_index("s")
        wid = s * NC + c
        idxs = (idx0, idx1)
        rowss = (rows0, rows1)
        srowss = (srows0, srows1)
        sems = (sem0, sem1)
        descs = [None] * 11

        def start(k):
            p = k % 2
            table = (emb, rw)[1 if k == 6 else 0] if k < 7 else s128
            ioff = (k if k < 7 else k - 7) * B + wid * BPT
            pltpu.sync_copy(icat.at[pl.ds(ioff, BPT)], idxs[p])
            dstbuf = rowss[p] if k < 7 else srowss[p]
            descs[k] = pltpu.async_copy(table.at[idxs[p]], dstbuf, sems[p])

        start(0)
        for k in range(11):
            if k + 1 < 11:
                start(k + 1)
            p = k % 2
            descs[k].wait()
            if k < 7:
                off = k * B + wid * BPT
                pltpu.sync_copy(rowss[p], ocat.at[pl.ds(off, BPT)])
            else:
                off = (k - 7) * B + wid * BPT
                pltpu.sync_copy(srowss[p], socat.at[pl.ds(off, BPT)])

    return _deg, _prop, _gath


_R2 = 1000
_NB2 = N_ENT // _R2
_R8 = 512
_NB8 = B // _R8


def _prep_body(e_ref, cs_ref, cd_ref, yh0_ref, yh1_ref, ab_ref, b_ref,
               s_ref):
    e = e_ref[...]
    a = lax.rsqrt(jnp.maximum(cs_ref[...][:, 0:1], 1.0))
    b = lax.rsqrt(jnp.maximum(cd_ref[...][:, 0:1], 1.0))
    y = e * a
    yh0_ref[...] = y[:, :H]
    yh1_ref[...] = y[:, H:]
    ab_ref[...] = jnp.broadcast_to(a * b, ab_ref.shape)
    b_ref[...] = jnp.broadcast_to(b, b_ref.shape)
    s_ref[...] = jnp.broadcast_to(
        jnp.sum(e * e, axis=1, keepdims=True), s_ref.shape)


_prep = pl.pallas_call(
    _prep_body,
    grid=(_NB2,),
    in_specs=[
        pl.BlockSpec((_R2, D), lambda i: (i, 0)),
        pl.BlockSpec((_R2, H), lambda i: (i, 0)),
        pl.BlockSpec((_R2, H), lambda i: (_NB2 + i, 0)),
    ],
    out_specs=[
        pl.BlockSpec((_R2, H), lambda i: (i, 0)),
        pl.BlockSpec((_R2, H), lambda i: (i, 0)),
        pl.BlockSpec((_R2, 16), lambda i: (i, 0)),
        pl.BlockSpec((_R2, 16), lambda i: (i, 0)),
        pl.BlockSpec((_R2, H), lambda i: (i, 0)),
    ],
    out_shape=[
        jax.ShapeDtypeStruct((N_ENT, H), jnp.float32),
        jax.ShapeDtypeStruct((N_ENT, H), jnp.float32),
        jax.ShapeDtypeStruct((N_ENT, 16), jnp.float32),
        jax.ShapeDtypeStruct((N_ENT, 16), jnp.float32),
        jax.ShapeDtypeStruct((N_ENT, H), jnp.float32),
    ],
)


def _mid_body(z_ref, ab_ref, y_ref):
    y_ref[...] = z_ref[...] * ab_ref[...][:, 0:1]


_mid = pl.pallas_call(
    _mid_body,
    grid=(2 * _NB2,),
    in_specs=[
        pl.BlockSpec((_R2, H), lambda i: (i, 0)),
        pl.BlockSpec((_R2, 16), lambda i: (i % _NB2, 0)),
    ],
    out_specs=pl.BlockSpec((_R2, H), lambda i: (i, 0)),
    out_shape=jax.ShapeDtypeStruct((2 * N_ENT, H), jnp.float32),
)


def _emb_body(e_ref, z10, z11, z20, z21, b_ref, emb_ref):
    b = b_ref[...][:, 0:1]
    zs = jnp.concatenate([z10[...] + z20[...], z11[...] + z21[...]], axis=1)
    emb_ref[...] = (e_ref[...] + b * zs) * (1.0 / 3.0)


_emb = pl.pallas_call(
    _emb_body,
    grid=(_NB2,),
    in_specs=[
        pl.BlockSpec((_R2, D), lambda i: (i, 0)),
        pl.BlockSpec((_R2, H), lambda i: (i, 0)),
        pl.BlockSpec((_R2, H), lambda i: (_NB2 + i, 0)),
        pl.BlockSpec((_R2, H), lambda i: (i, 0)),
        pl.BlockSpec((_R2, H), lambda i: (_NB2 + i, 0)),
        pl.BlockSpec((_R2, 16), lambda i: (i, 0)),
    ],
    out_specs=pl.BlockSpec((_R2, D), lambda i: (i, 0)),
    out_shape=jax.ShapeDtypeStruct((N_ENT, D), jnp.float32),
)


def _fin_body(g1, g2, g3, g4, g5, g6, gr, s1, s2, s3, s4,
              x_ref, r4_ref, rf_ref):
    i = pl.program_id(0)

    def roll(v, sh):
        return jnp.concatenate([v[:, sh:], v[:, :sh]], axis=1)

    p = gr[...] * g1[...]
    p = p * roll(g2[...], SHIFTS[0])
    p = p * roll(g3[...], SHIFTS[1])
    p = p * roll(g4[...], SHIFTS[2])
    p = p * roll(g5[...], SHIFTS[3])
    p = p * roll(g6[...], SHIFTS[4])
    x_ref[...] = jnp.sum(p, axis=1)
    parts = jnp.stack([
        jnp.sum(s1[...][:, 0]), jnp.sum(s2[...][:, 0]),
        jnp.sum(s3[...][:, 0]), jnp.sum(s4[...][:, 0])]).reshape(1, 4)

    @pl.when(i == 0)
    def _():
        r4_ref[...] = jnp.zeros((1, 4), jnp.float32)

    r4_ref[...] += parts

    @pl.when(i == _NB8 - 1)
    def _():
        rf_ref[...] = (DECAY * jnp.sum(jnp.sqrt(r4_ref[...]))).reshape(1, 1)


def _slot_map(k):
    return lambda i: (k * _NB8 + i, 0)


_fin = pl.pallas_call(
    _fin_body,
    grid=(_NB8,),
    in_specs=(
        [pl.BlockSpec((_R8, D), _slot_map(k)) for k in range(7)]
        + [pl.BlockSpec((_R8, H), _slot_map(k)) for k in range(4)]
    ),
    out_specs=[
        pl.BlockSpec((_R8,), lambda i: (i,)),
        pl.BlockSpec((1, 4), lambda i: (0, 0)),
        pl.BlockSpec((1, 1), lambda i: (0, 0)),
    ],
    out_shape=[
        jax.ShapeDtypeStruct((B,), jnp.float32),
        jax.ShapeDtypeStruct((1, 4), jnp.float32),
        jax.ShapeDtypeStruct((1, 1), jnp.float32),
    ],
)


@jax.jit
def kernel(r_idx, e1_idx, e2_idx, e3_idx, e4_idx, e5_idx, e6_idx,
           edge_index, E_weight, R_weight):
    src = edge_index[0].astype(jnp.int32)
    dst = edge_index[1].astype(jnp.int32)
    ecat = jnp.concatenate([src, dst])
    gidx = jnp.concatenate([src, src + N_ENT])
    ones128 = jnp.ones((CH, H), jnp.float32)
    zeros128 = jnp.zeros((CH, H), jnp.float32)

    _deg, _prop, _gath = _sc_kernels()
    cntcat = _deg(ecat, ones128, zeros128)
    yh0, yh1, ab16, b16, s128 = _prep(E_weight, cntcat, cntcat)
    ycat0 = jnp.concatenate([yh0, yh1], axis=0)
    zcat1 = _prop(gidx, dst, ycat0, zeros128)
    ycat1 = _mid(zcat1, ab16)
    zcat2 = _prop(gidx, dst, ycat1, zeros128)
    emb = _emb(E_weight, zcat1, zcat1, zcat2, zcat2, b16)
    icat = jnp.concatenate([
        e1_idx, e2_idx, e3_idx, e4_idx, e5_idx, e6_idx, r_idx]
    ).astype(jnp.int32)
    ocat, socat = _gath(icat, emb, R_weight, s128)
    x, _r4, rf = _fin(*([ocat] * 7), *([socat] * 4))
    return x, rf[0, 0]

# --- scband reference (transcript-rebuilt; emitter-appended) ---
"""Pipeline reference for scband-hgcn-61254823575652 (READ-ONLY COPY).

The authoritative reference and input builder live on the scoring server;
editing this copy changes nothing except your own understanding.
"""

import jax, jax.numpy as jnp
import numpy as np

N_ENT = 10000
N_REL = 200
D = 256
B = 4096
N_EDGES = 160000
MAX_ARITY = 6
DECAY = 0.0001
N_LAYERS = 2


def setup_inputs(seed: int = 0) -> dict:
    key = jax.random.key(seed)
    ks = jax.random.split(key, 10)
    r_idx = jax.random.randint(ks[0], (B,), 0, N_REL)
    e1_idx = jax.random.randint(ks[1], (B,), 0, N_ENT)
    e2_idx = jax.random.randint(ks[2], (B,), 0, N_ENT)
    e3_idx = jax.random.randint(ks[3], (B,), 0, N_ENT)
    e4_idx = jax.random.randint(ks[4], (B,), 0, N_ENT)
    e5_idx = jax.random.randint(ks[5], (B,), 0, N_ENT)
    e6_idx = jax.random.randint(ks[6], (B,), 0, N_ENT)
    edge_index = jax.random.randint(ks[7], (2, N_EDGES), 0, N_ENT)
    E_weight = jax.random.normal(ks[8], (N_ENT, D), dtype=jnp.float32)
    R_weight = jax.random.normal(ks[9], (N_REL, D), dtype=jnp.float32)
    return {"r_idx": r_idx, "e1_idx": e1_idx, "e2_idx": e2_idx, "e3_idx": e3_idx,
            "e4_idx": e4_idx, "e5_idx": e5_idx, "e6_idx": e6_idx,
            "edge_index": edge_index, "E_weight": E_weight, "R_weight": R_weight}


def _shift(v, sh):
    # torch.cat((v[:, sh:], v[:, :sh]), dim=1)
    return jnp.concatenate([v[:, sh:], v[:, :sh]], axis=1)


def _computer(E_w, edge_index):
    # LightGCN-style sparse propagation over the training hypergraph incidence graph.
    src = edge_index[0]
    dst = edge_index[1]
    deg_src = jnp.bincount(src, length=N_ENT).astype(jnp.float32)
    deg_dst = jnp.bincount(dst, length=N_ENT).astype(jnp.float32)
    norm = jax.lax.rsqrt(jnp.maximum(deg_src[src], 1.0) * jnp.maximum(deg_dst[dst], 1.0))
    x = E_w
    acc = E_w
    for _ in range(N_LAYERS):
        msg = x[src] * norm[:, None]
        x = jax.ops.segment_sum(msg, dst, num_segments=N_ENT)
        acc = acc + x
    return acc / float(N_LAYERS + 1)


def _l2(t):
    return jnp.sqrt(jnp.sum(t * t))


def reference(r_idx, e1_idx, e2_idx, e3_idx, e4_idx, e5_idx, e6_idx, edge_index, E_weight, R_weight):
    e_emb = _computer(E_weight, edge_index)
    r = R_weight[r_idx]
    e1 = e_emb[e1_idx]
    e2 = _shift(e_emb[e2_idx], int(1 * D / MAX_ARITY))
    e3 = _shift(e_emb[e3_idx], int(2 * D / MAX_ARITY))
    e4 = _shift(e_emb[e4_idx], int(3 * D / MAX_ARITY))
    e5 = _shift(e_emb[e5_idx], int(4 * D / MAX_ARITY))
    e6 = _shift(e_emb[e6_idx], int(5 * D / MAX_ARITY))
    x = r * e1 * e2 * e3 * e4 * e5 * e6
    loss = _l2(E_weight[e1_idx]) + _l2(E_weight[e2_idx]) + _l2(E_weight[e3_idx]) + _l2(E_weight[e4_idx])
    reg_loss = loss * DECAY
    # hidden_drop is identity in eval mode
    x = jnp.sum(x, axis=1)
    return (x, reg_loss)

if __name__ == "__main__":
    import jax
    _d = setup_inputs()
    print(jax.jit(kernel)(*tuple(_d.values())))

</pallas_src>

<mosaic_0001>
#map = affine_map<(d0, d1) -> (0)>
#map1 = affine_map<(d0, d1) -> (0, 0)>
module attributes {stable_mosaic.version = 14 : i64} {
  func.func @_deg(%arg0: i32, %arg1: i32, %arg2: memref<320000xi32, #tpu.memory_space<hbm>>, %arg3: memref<128x128xf32, #tpu.memory_space<hbm>>, %arg4: memref<128x128xf32, #tpu.memory_space<hbm>>, %arg5: memref<20000x128xf32, #tpu.memory_space<hbm>>, %arg6: memref<128xi32, #tpu.memory_space<vmem>>, %arg7: memref<16xi32, #tpu.memory_space<vmem>>, %arg8: memref<128x128xf32, #tpu.memory_space<vmem>>, %arg9: memref<10000x128xf32, #tpu.memory_space<vmem_shared>>, %arg10: memref<!tpu.dma_semaphore, #tpu.memory_space<semaphore_mem>>) attributes {dimension_semantics = [#tpu.dimension_semantics<core_parallel>, #tpu.dimension_semantics<subcore_parallel>], iteration_bounds = array<i64: 2, 16>, scalar_prefetch = 0 : i64, scratch_operands = 5 : i64, tpu.core_type = #tpu.core_type<sc_vector_subcore>, window_params = [{transform_indices = #map}, {transform_indices = #map1}, {transform_indices = #map1}, {transform_indices = #map1}]} {
    "tpu.region"() ({
      %run_scoped3A = tpu.sem_alloc : memref<!tpu.dma_semaphore, #tpu.memory_space<semaphore_mem>>
      tpu.enqueue_dma source(%arg4 : memref<128x128xf32, #tpu.memory_space<hbm>>) target(%arg8 : memref<128x128xf32, #tpu.memory_space<vmem>>) target_semaphore(%run_scoped3A : memref<!tpu.dma_semaphore, #tpu.memory_space<semaphore_mem>>)
      tpu.wait_dma2 semaphore(%run_scoped3A : memref<!tpu.dma_semaphore, #tpu.memory_space<semaphore_mem>>) src(%arg4 : memref<128x128xf32, #tpu.memory_space<hbm>>) dst(%arg8 : memref<128x128xf32, #tpu.memory_space<vmem>>)
      tpu.yield
    }) : () -> ()
    %mul3A = arith.constant 624 : i32
    %mul3A_0 = arith.muli %arg1, %mul3A : i32
    %add3A = arith.constant 0 : i32
    %add3A_1 = arith.addi %mul3A_0, %add3A : i32
    "tpu.region"() ({
      %run_scoped3A = tpu.sem_alloc : memref<!tpu.dma_semaphore, #tpu.memory_space<semaphore_mem>>
      %dma_start3A = arith.constant 0 : i32
      %dma_start3A_85 = arith.constant 0 : i32
      %dma_start3A_86 = tpu.memref_slice %arg8[%dma_start3A, %dma_start3A_85] : memref<128x128xf32, #tpu.memory_space<vmem>> -> memref<128x128xf32, #tpu.memory_space<vmem>>
      %dma_start3A_87 = arith.constant 0 : i32
      %dma_start3A_88 = tpu.memref_slice %arg9[%add3A_1, %dma_start3A_87] : memref<10000x128xf32, #tpu.memory_space<vmem_shared>> -> memref<128x128xf32, #tpu.memory_space<vmem_shared>>
      %dma_start3A_89 = arith.constant 0 : i32
      %dma_start3A_90 = tpu.memref_slice %arg9[%add3A_1, %dma_start3A_89] : memref<10000x128xf32, #tpu.memory_space<vmem_shared>> -> memref<128x128xf32, #tpu.memory_space<vmem_shared>>
      %dma_start3A_91 = arith.constant 0 : i32
      %dma_start3A_92 = arith.constant 0 : i32
      %dma_start3A_93 = tpu.memref_slice %arg8[%dma_start3A_91, %dma_start3A_92] : memref<128x128xf32, #tpu.memory_space<vmem>> -> memref<128x128xf32, #tpu.memory_space<vmem>>
      tpu.enqueue_dma source(%dma_start3A_93 : memref<128x128xf32, #tpu.memory_space<vmem>>) target(%dma_start3A_90 : memref<128x128xf32, #tpu.memory_space<vmem_shared>>) target_semaphore(%run_scoped3A : memref<!tpu.dma_semaphore, #tpu.memory_space<semaphore_mem>>)
      %dma_wait3A = arith.constant 0 : i32
      %dma_wait3A_94 = arith.constant 0 : i32
      %dma_wait3A_95 = tpu.memref_slice %arg8[%dma_wait3A, %dma_wait3A_94] : memref<128x128xf32, #tpu.memory_space<vmem>> -> memref<128x128xf32, #tpu.memory_space<vmem>>
      %dma_wait3A_96 = arith.constant 0 : i32
      %dma_wait3A_97 = tpu.memref_slice %arg9[%add3A_1, %dma_wait3A_96] : memref<10000x128xf32, #tpu.memory_space<vmem_shared>> -> memref<128x128xf32, #tpu.memory_space<vmem_shared>>
      %dma_wait3A_98 = arith.constant 0 : i32
      %dma_wait3A_99 = tpu.memref_slice %arg9[%add3A_1, %dma_wait3A_98] : memref<10000x128xf32, #tpu.memory_space<vmem_shared>> -> memref<128x128xf32, #tpu.memory_space<vmem_shared>>
      %dma_wait3A_100 = arith.constant 0 : i32
      %dma_wait3A_101 = arith.constant 0 : i32
      %dma_wait3A_102 = tpu.memref_slice %arg8[%dma_wait3A_100, %dma_wait3A_101] : memref<128x128xf32, #tpu.memory_space<vmem>> -> memref<128x128xf32, #tpu.memory_space<vmem>>
      tpu.wait_dma2 semaphore(%run_scoped3A : memref<!tpu.dma_semaphore, #tpu.memory_space<semaphore_mem>>) src(%dma_wait3A_102 : memref<128x128xf32, #tpu.memory_space<vmem>>) dst(%dma_wait3A_99 : memref<128x128xf32, #tpu.memory_space<vmem_shared>>)
      tpu.yield
    }) : () -> ()
    %mul3A_2 = arith.constant 624 : i32
    %mul3A_3 = arith.muli %arg1, %mul3A_2 : i32
    %add3A_4 = arith.constant 128 : i32
    %add3A_5 = arith.addi %mul3A_3, %add3A_4 : i32
    "tpu.region"() ({
      %run_scoped3A = tpu.sem_alloc : memref<!tpu.dma_semaphore, #tpu.memory_space<semaphore_mem>>
      %dma_start3A = arith.constant 0 : i32
      %dma_start3A_85 = arith.constant 0 : i32
      %dma_start3A_86 = tpu.memref_slice %arg8[%dma_start3A, %dma_start3A_85] : memref<128x128xf32, #tpu.memory_space<vmem>> -> memref<128x128xf32, #tpu.memory_space<vmem>>
      %dma_start3A_87 = arith.constant 0 : i32
      %dma_start3A_88 = tpu.memref_slice %arg9[%add3A_5, %dma_start3A_87] : memref<10000x128xf32, #tpu.memory_space<vmem_shared>> -> memref<128x128xf32, #tpu.memory_space<vmem_shared>>
      %dma_start3A_89 = arith.constant 0 : i32
      %dma_start3A_90 = tpu.memref_slice %arg9[%add3A_5, %dma_start3A_89] : memref<10000x128xf32, #tpu.memory_space<vmem_shared>> -> memref<128x128xf32, #tpu.memory_space<vmem_shared>>
      %dma_start3A_91 = arith.constant 0 : i32
      %dma_start3A_92 = arith.constant 0 : i32
      %dma_start3A_93 = tpu.memref_slice %arg8[%dma_start3A_91, %dma_start3A_92] : memref<128x128xf32, #tpu.memory_space<vmem>> -> memref<128x128xf32, #tpu.memory_space<vmem>>
      tpu.enqueue_dma source(%dma_start3A_93 : memref<128x128xf32, #tpu.memory_space<vmem>>) target(%dma_start3A_90 : memref<128x128xf32, #tpu.memory_space<vmem_shared>>) target_semaphore(%run_scoped3A : memref<!tpu.dma_semaphore, #tpu.memory_space<semaphore_mem>>)
      %dma_wait3A = arith.constant 0 : i32
      %dma_wait3A_94 = arith.constant 0 : i32
      %dma_wait3A_95 = tpu.memref_slice %arg8[%dma_wait3A, %dma_wait3A_94] : memref<128x128xf32, #tpu.memory_space<vmem>> -> memref<128x128xf32, #tpu.memory_space<vmem>>
      %dma_wait3A_96 = arith.constant 0 : i32
      %dma_wait3A_97 = tpu.memref_slice %arg9[%add3A_5, %dma_wait3A_96] : memref<10000x128xf32, #tpu.memory_space<vmem_shared>> -> memref<128x128xf32, #tpu.memory_space<vmem_shared>>
      %dma_wait3A_98 = arith.constant 0 : i32
      %dma_wait3A_99 = tpu.memref_slice %arg9[%add3A_5, %dma_wait3A_98] : memref<10000x128xf32, #tpu.memory_space<vmem_shared>> -> memref<128x128xf32, #tpu.memory_space<vmem_shared>>
      %dma_wait3A_100 = arith.constant 0 : i32
      %dma_wait3A_101 = arith.constant 0 : i32
      %dma_wait3A_102 = tpu.memref_slice %arg8[%dma_wait3A_100, %dma_wait3A_101] : memref<128x128xf32, #tpu.memory_space<vmem>> -> memref<128x128xf32, #tpu.memory_space<vmem>>
      tpu.wait_dma2 semaphore(%run_scoped3A : memref<!tpu.dma_semaphore, #tpu.memory_space<semaphore_mem>>) src(%dma_wait3A_102 : memref<128x128xf32, #tpu.memory_space<vmem>>) dst(%dma_wait3A_99 : memref<128x128xf32, #tpu.memory_space<vmem_shared>>)
      tpu.yield
    }) : () -> ()
    %mul3A_6 = arith.constant 624 : i32
    %mul3A_7 = arith.muli %arg1, %mul3A_6 : i32
    %add3A_8 = arith.constant 256 : i32
    %add3A_9 = arith.addi %mul3A_7, %add3A_8 : i32
    "tpu.region"() ({
      %run_scoped3A = tpu.sem_alloc : memref<!tpu.dma_semaphore, #tpu.memory_space<semaphore_mem>>
      %dma_start3A = arith.constant 0 : i32
      %dma_start3A_85 = arith.constant 0 : i32
      %dma_start3A_86 = tpu.memref_slice %arg8[%dma_start3A, %dma_start3A_85] : memref<128x128xf32, #tpu.memory_space<vmem>> -> memref<128x128xf32, #tpu.memory_space<vmem>>
      %dma_start3A_87 = arith.constant 0 : i32
      %dma_start3A_88 = tpu.memref_slice %arg9[%add3A_9, %dma_start3A_87] : memref<10000x128xf32, #tpu.memory_space<vmem_shared>> -> memref<128x128xf32, #tpu.memory_space<vmem_shared>>
      %dma_start3A_89 = arith.constant 0 : i32
      %dma_start3A_90 = tpu.memref_slice %arg9[%add3A_9, %dma_start3A_89] : memref<10000x128xf32, #tpu.memory_space<vmem_shared>> -> memref<128x128xf32, #tpu.memory_space<vmem_shared>>
      %dma_start3A_91 = arith.constant 0 : i32
      %dma_start3A_92 = arith.constant 0 : i32
      %dma_start3A_93 = tpu.memref_slice %arg8[%dma_start3A_91, %dma_start3A_92] : memref<128x128xf32, #tpu.memory_space<vmem>> -> memref<128x128xf32, #tpu.memory_space<vmem>>
      tpu.enqueue_dma source(%dma_start3A_93 : memref<128x128xf32, #tpu.memory_space<vmem>>) target(%dma_start3A_90 : memref<128x128xf32, #tpu.memory_space<vmem_shared>>) target_semaphore(%run_scoped3A : memref<!tpu.dma_semaphore, #tpu.memory_space<semaphore_mem>>)
      %dma_wait3A = arith.constant 0 : i32
      %dma_wait3A_94 = arith.constant 0 : i32
      %dma_wait3A_95 = tpu.memref_slice %arg8[%dma_wait3A, %dma_wait3A_94] : memref<128x128xf32, #tpu.memory_space<vmem>> -> memref<128x128xf32, #tpu.memory_space<vmem>>
      %dma_wait3A_96 = arith.constant 0 : i32
      %dma_wait3A_97 = tpu.memref_slice %arg9[%add3A_9, %dma_wait3A_96] : memref<10000x128xf32, #tpu.memory_space<vmem_shared>> -> memref<128x128xf32, #tpu.memory_space<vmem_shared>>
      %dma_wait3A_98 = arith.constant 0 : i32
      %dma_wait3A_99 = tpu.memref_slice %arg9[%add3A_9, %dma_wait3A_98] : memref<10000x128xf32, #tpu.memory_space<vmem_shared>> -> memref<128x128xf32, #tpu.memory_space<vmem_shared>>
      %dma_wait3A_100 = arith.constant 0 : i32
      %dma_wait3A_101 = arith.constant 0 : i32
      %dma_wait3A_102 = tpu.memref_slice %arg8[%dma_wait3A_100, %dma_wait3A_101] : memref<128x128xf32, #tpu.memory_space<vmem>> -> memref<128x128xf32, #tpu.memory_space<vmem>>
      tpu.wait_dma2 semaphore(%run_scoped3A : memref<!tpu.dma_semaphore, #tpu.memory_space<semaphore_mem>>) src(%dma_wait3A_102 : memref<128x128xf32, #tpu.memory_space<vmem>>) dst(%dma_wait3A_99 : memref<128x128xf32, #tpu.memory_space<vmem_shared>>)
      tpu.yield
    }) : () -> ()
    %mul3A_10 = arith.constant 624 : i32
    %mul3A_11 = arith.muli %arg1, %mul3A_10 : i32
    %add3A_12 = arith.constant 384 : i32
    %add3A_13 = arith.addi %mul3A_11, %add3A_12 : i32
    "tpu.region"() ({
      %run_scoped3A = tpu.sem_alloc : memref<!tpu.dma_semaphore, #tpu.memory_space<semaphore_mem>>
      %dma_start3A = arith.constant 0 : i32
      %dma_start3A_85 = arith.constant 0 : i32
      %dma_start3A_86 = tpu.memref_slice %arg8[%dma_start3A, %dma_start3A_85] : memref<128x128xf32, #tpu.memory_space<vmem>> -> memref<128x128xf32, #tpu.memory_space<vmem>>
      %dma_start3A_87 = arith.constant 0 : i32
      %dma_start3A_88 = tpu.memref_slice %arg9[%add3A_13, %dma_start3A_87] : memref<10000x128xf32, #tpu.memory_space<vmem_shared>> -> memref<128x128xf32, #tpu.memory_space<vmem_shared>>
      %dma_start3A_89 = arith.constant 0 : i32
      %dma_start3A_90 = tpu.memref_slice %arg9[%add3A_13, %dma_start3A_89] : memref<10000x128xf32, #tpu.memory_space<vmem_shared>> -> memref<128x128xf32, #tpu.memory_space<vmem_shared>>
      %dma_start3A_91 = arith.constant 0 : i32
      %dma_start3A_92 = arith.constant 0 : i32
      %dma_start3A_93 = tpu.memref_slice %arg8[%dma_start3A_91, %dma_start3A_92] : memref<128x128xf32, #tpu.memory_space<vmem>> -> memref<128x128xf32, #tpu.memory_space<vmem>>
      tpu.enqueue_dma source(%dma_start3A_93 : memref<128x128xf32, #tpu.memory_space<vmem>>) target(%dma_start3A_90 : memref<128x128xf32, #tpu.memory_space<vmem_shared>>) target_semaphore(%run_scoped3A : memref<!tpu.dma_semaphore, #tpu.memory_space<semaphore_mem>>)
      %dma_wait3A = arith.constant 0 : i32
      %dma_wait3A_94 = arith.constant 0 : i32
      %dma_wait3A_95 = tpu.memref_slice %arg8[%dma_wait3A, %dma_wait3A_94] : memref<128x128xf32, #tpu.memory_space<vmem>> -> memref<128x128xf32, #tpu.memory_space<vmem>>
      %dma_wait3A_96 = arith.constant 0 : i32
      %dma_wait3A_97 = tpu.memref_slice %arg9[%add3A_13, %dma_wait3A_96] : memref<10000x128xf32, #tpu.memory_space<vmem_shared>> -> memref<128x128xf32, #tpu.memory_space<vmem_shared>>
      %dma_wait3A_98 = arith.constant 0 : i32
      %dma_wait3A_99 = tpu.memref_slice %arg9[%add3A_13, %dma_wait3A_98] : memref<10000x128xf32, #tpu.memory_space<vmem_shared>> -> memref<128x128xf32, #tpu.memory_space<vmem_shared>>
      %dma_wait3A_100 = arith.constant 0 : i32
      %dma_wait3A_101 = arith.constant 0 : i32
      %dma_wait3A_102 = tpu.memref_slice %arg8[%dma_wait3A_100, %dma_wait3A_101] : memref<128x128xf32, #tpu.memory_space<vmem>> -> memref<128x128xf32, #tpu.memory_space<vmem>>
      tpu.wait_dma2 semaphore(%run_scoped3A : memref<!tpu.dma_semaphore, #tpu.memory_space<semaphore_mem>>) src(%dma_wait3A_102 : memref<128x128xf32, #tpu.memory_space<vmem>>) dst(%dma_wait3A_99 : memref<128x128xf32, #tpu.memory_space<vmem_shared>>)
      tpu.yield
    }) : () -> ()
    %mul3A_14 = arith.constant 624 : i32
    %mul3A_15 = arith.muli %arg1, %mul3A_14 : i32
    %add3A_16 = arith.constant 512 : i32
    %add3A_17 = arith.addi %mul3A_15, %add3A_16 : i32
    "tpu.region"() ({
      %run_scoped3A = tpu.sem_alloc : memref<!tpu.dma_semaphore, #tpu.memory_space<semaphore_mem>>
      %dma_start3A = arith.constant 0 : i32
      %dma_start3A_85 = arith.constant 0 : i32
      %dma_start3A_86 = tpu.memref_slice %arg8[%dma_start3A, %dma_start3A_85] : memref<128x128xf32, #tpu.memory_space<vmem>> -> memref<112x128xf32, #tpu.memory_space<vmem>>
      %dma_start3A_87 = arith.constant 0 : i32
      %dma_start3A_88 = tpu.memref_slice %arg9[%add3A_17, %dma_start3A_87] : memref<10000x128xf32, #tpu.memory_space<vmem_shared>> -> memref<112x128xf32, #tpu.memory_space<vmem_shared>>
      %dma_start3A_89 = arith.constant 0 : i32
      %dma_start3A_90 = tpu.memref_slice %arg9[%add3A_17, %dma_start3A_89] : memref<10000x128xf32, #tpu.memory_space<vmem_shared>> -> memref<112x128xf32, #tpu.memory_space<vmem_shared>>
      %dma_start3A_91 = arith.constant 0 : i32
      %dma_start3A_92 = arith.constant 0 : i32
      %dma_start3A_93 = tpu.memref_slice %arg8[%dma_start3A_91, %dma_start3A_92] : memref<128x128xf32, #tpu.memory_space<vmem>> -> memref<112x128xf32, #tpu.memory_space<vmem>>
      tpu.enqueue_dma source(%dma_start3A_93 : memref<112x128xf32, #tpu.memory_space<vmem>>) target(%dma_start3A_90 : memref<112x128xf32, #tpu.memory_space<vmem_shared>>) target_semaphore(%run_scoped3A : memref<!tpu.dma_semaphore, #tpu.memory_space<semaphore_mem>>)
      %dma_wait3A = arith.constant 0 : i32
      %dma_wait3A_94 = arith.constant 0 : i32
      %dma_wait3A_95 = tpu.memref_slice %arg8[%dma_wait3A, %dma_wait3A_94] : memref<128x128xf32, #tpu.memory_space<vmem>> -> memref<112x128xf32, #tpu.memory_space<vmem>>
      %dma_wait3A_96 = arith.constant 0 : i32
      %dma_wait3A_97 = tpu.memref_slice %arg9[%add3A_17, %dma_wait3A_96] : memref<10000x128xf32, #tpu.memory_space<vmem_shared>> -> memref<112x128xf32, #tpu.memory_space<vmem_shared>>
      %dma_wait3A_98 = arith.constant 0 : i32
      %dma_wait3A_99 = tpu.memref_slice %arg9[%add3A_17, %dma_wait3A_98] : memref<10000x128xf32, #tpu.memory_space<vmem_shared>> -> memref<112x128xf32, #tpu.memory_space<vmem_shared>>
      %dma_wait3A_100 = arith.constant 0 : i32
      %dma_wait3A_101 = arith.constant 0 : i32
      %dma_wait3A_102 = tpu.memref_slice %arg8[%dma_wait3A_100, %dma_wait3A_101] : memref<128x128xf32, #tpu.memory_space<vmem>> -> memref<112x128xf32, #tpu.memory_space<vmem>>
      tpu.wait_dma2 semaphore(%run_scoped3A : memref<!tpu.dma_semaphore, #tpu.memory_space<semaphore_mem>>) src(%dma_wait3A_102 : memref<112x128xf32, #tpu.memory_space<vmem>>) dst(%dma_wait3A_99 : memref<112x128xf32, #tpu.memory_space<vmem_shared>>)
      tpu.yield
    }) : () -> ()
    %eq3A = arith.constant 0 : i32
    %eq3A_18 = arith.cmpi eq, %arg1, %eq3A : i32
    %convert_element_type3A = arith.extui %eq3A_18 : i1 to i32
    %cond3A = arith.constant 0 : i32
    %cond3A_19 = arith.cmpi ne, %convert_element_type3A, %cond3A : i32
    scf.if %cond3A_19 {
      "tpu.region"() ({
        %run_scoped3A = tpu.sem_alloc : memref<!tpu.dma_semaphore, #tpu.memory_space<semaphore_mem>>
        %dma_start3A = arith.constant 0 : i32
        %dma_start3A_85 = arith.constant 0 : i32
        %dma_start3A_86 = tpu.memref_slice %arg8[%dma_start3A, %dma_start3A_85] : memref<128x128xf32, #tpu.memory_space<vmem>> -> memref<16x128xf32, #tpu.memory_space<vmem>>
        %dma_start3A_87 = arith.constant 9984 : i32
        %dma_start3A_88 = arith.constant 0 : i32
        %dma_start3A_89 = tpu.memref_slice %arg9[%dma_start3A_87, %dma_start3A_88] : memref<10000x128xf32, #tpu.memory_space<vmem_shared>> -> memref<16x128xf32, #tpu.memory_space<vmem_shared>>
        %dma_start3A_90 = arith.constant 9984 : i32
        %dma_start3A_91 = arith.constant 0 : i32
        %dma_start3A_92 = tpu.memref_slice %arg9[%dma_start3A_90, %dma_start3A_91] : memref<10000x128xf32, #tpu.memory_space<vmem_shared>> -> memref<16x128xf32, #tpu.memory_space<vmem_shared>>
        %dma_start3A_93 = arith.constant 0 : i32
        %dma_start3A_94 = arith.constant 0 : i32
        %dma_start3A_95 = tpu.memref_slice %arg8[%dma_start3A_93, %dma_start3A_94] : memref<128x128xf32, #tpu.memory_space<vmem>> -> memref<16x128xf32, #tpu.memory_space<vmem>>
        tpu.enqueue_dma source(%dma_start3A_95 : memref<16x128xf32, #tpu.memory_space<vmem>>) target(%dma_start3A_92 : memref<16x128xf32, #tpu.memory_space<vmem_shared>>) target_semaphore(%run_scoped3A : memref<!tpu.dma_semaphore, #tpu.memory_space<semaphore_mem>>)
        %dma_wait3A = arith.constant 0 : i32
        %dma_wait3A_96 = arith.constant 0 : i32
        %dma_wait3A_97 = tpu.memref_slice %arg8[%dma_wait3A, %dma_wait3A_96] : memref<128x128xf32, #tpu.memory_space<vmem>> -> memref<16x128xf32, #tpu.memory_space<vmem>>
        %dma_wait3A_98 = arith.constant 9984 : i32
        %dma_wait3A_99 = arith.constant 0 : i32
        %dma_wait3A_100 = tpu.memref_slice %arg9[%dma_wait3A_98, %dma_wait3A_99] : memref<10000x128xf32, #tpu.memory_space<vmem_shared>> -> memref<16x128xf32, #tpu.memory_space<vmem_shared>>
        %dma_wait3A_101 = arith.constant 9984 : i32
        %dma_wait3A_102 = arith.constant 0 : i32
        %dma_wait3A_103 = tpu.memref_slice %arg9[%dma_wait3A_101, %dma_wait3A_102] : memref<10000x128xf32, #tpu.memory_space<vmem_shared>> -> memref<16x128xf32, #tpu.memory_space<vmem_shared>>
        %dma_wait3A_104 = arith.constant 0 : i32
        %dma_wait3A_105 = arith.constant 0 : i32
        %dma_wait3A_106 = tpu.memref_slice %arg8[%dma_wait3A_104, %dma_wait3A_105] : memref<128x128xf32, #tpu.memory_space<vmem>> -> memref<16x128xf32, #tpu.memory_space<vmem>>
        tpu.wait_dma2 semaphore(%run_scoped3A : memref<!tpu.dma_semaphore, #tpu.memory_space<semaphore_mem>>) src(%dma_wait3A_106 : memref<16x128xf32, #tpu.memory_space<vmem>>) dst(%dma_wait3A_103 : memref<16x128xf32, #tpu.memory_space<vmem_shared>>)
        tpu.yield
      }) : () -> ()
    } else {
    }
    "tpu.region"() ({
      %run_scoped3A = tpu.sem_alloc : memref<!tpu.dma_semaphore, #tpu.memory_space<semaphore_mem>>
      tpu.enqueue_dma source(%arg3 : memref<128x128xf32, #tpu.memory_space<hbm>>) target(%arg8 : memref<128x128xf32, #tpu.memory_space<vmem>>) target_semaphore(%run_scoped3A : memref<!tpu.dma_semaphore, #tpu.memory_space<semaphore_mem>>)
      tpu.wait_dma2 semaphore(%run_scoped3A : memref<!tpu.dma_semaphore, #tpu.memory_space<semaphore_mem>>) src(%arg3 : memref<128x128xf32, #tpu.memory_space<hbm>>) dst(%arg8 : memref<128x128xf32, #tpu.memory_space<vmem>>)
      tpu.yield
    }) : () -> ()
    %barrier3A = arith.constant 0 : index
    tpu.barrier barrier_id(%barrier3A)
    %mul3A_20 = arith.constant 160000 : i32
    %mul3A_21 = arith.muli %arg0, %mul3A_20 : i32
    %mul3A_22 = arith.constant 10000 : i32
    %mul3A_23 = arith.muli %arg1, %mul3A_22 : i32
    %add3A_24 = arith.addi %mul3A_21, %mul3A_23 : i32
    %scan3A = arith.constant 0 : i32
    %scan3A_25 = arith.constant 0 : i32
    %scan3A_26 = arith.constant 78 : i32
    %scan3A_27 = arith.addi %scan3A_25, %scan3A_26 : i32
    %scan3A_28 = arith.constant 1 : i32
    scf.for %scan3A_85 = %scan3A_25 to %scan3A_27 step %scan3A_28  : i32 {
      %mul3A_86 = arith.constant 128 : i32
      %mul3A_87 = arith.muli %scan3A_85, %mul3A_86 : i32
      %add3A_88 = arith.addi %add3A_24, %mul3A_87 : i32
      "tpu.region"() ({
        %run_scoped3A = tpu.sem_alloc : memref<!tpu.dma_semaphore, #tpu.memory_space<semaphore_mem>>
        %dma_start3A = tpu.memref_slice %arg2[%add3A_88] : memref<320000xi32, #tpu.memory_space<hbm>> -> memref<128xi32, #tpu.memory_space<hbm>>
        %dma_start3A_89 = tpu.memref_slice %arg2[%add3A_88] : memref<320000xi32, #tpu.memory_space<hbm>> -> memref<128xi32, #tpu.memory_space<hbm>>
        tpu.enqueue_dma source(%dma_start3A_89 : memref<128xi32, #tpu.memory_space<hbm>>) target(%arg6 : memref<128xi32, #tpu.memory_space<vmem>>) target_semaphore(%run_scoped3A : memref<!tpu.dma_semaphore, #tpu.memory_space<semaphore_mem>>)
        %dma_wait3A = tpu.memref_slice %arg2[%add3A_88] : memref<320000xi32, #tpu.memory_space<hbm>> -> memref<128xi32, #tpu.memory_space<hbm>>
        %dma_wait3A_90 = tpu.memref_slice %arg2[%add3A_88] : memref<320000xi32, #tpu.memory_space<hbm>> -> memref<128xi32, #tpu.memory_space<hbm>>
        tpu.wait_dma2 semaphore(%run_scoped3A : memref<!tpu.dma_semaphore, #tpu.memory_space<semaphore_mem>>) src(%dma_wait3A_90 : memref<128xi32, #tpu.memory_space<hbm>>) dst(%arg6 : memref<128xi32, #tpu.memory_space<vmem>>)
        tpu.yield
      }) : () -> ()
      "tpu.region"() ({
        %run_scoped3A = tpu.sem_alloc : memref<!tpu.dma_semaphore, #tpu.memory_space<semaphore_mem>>
        %dma_start3A = arith.constant 0 : i32
        %dma_start3A_89 = arith.constant 0 : i32
        %dma_start3A_90 = tpu.memref_slice %arg9[%dma_start3A, %dma_start3A_89] : memref<10000x128xf32, #tpu.memory_space<vmem_shared>> -> memref<10000x128xf32, #tpu.memory_space<vmem_shared>>
        tpu.enqueue_indirect_dma source(%arg8 : memref<128x128xf32, #tpu.memory_space<vmem>>) target(%dma_start3A_90 : memref<10000x128xf32, #tpu.memory_space<vmem_shared>>) offsets(%arg6 : memref<128xi32, #tpu.memory_space<vmem>>) semaphore(%run_scoped3A : memref<!tpu.dma_semaphore, #tpu.memory_space<semaphore_mem>>) {add = true}
        %dma_wait3A = arith.constant 0 : i32
        %dma_wait3A_91 = arith.constant 0 : i32
        %dma_wait3A_92 = tpu.memref_slice %arg9[%dma_wait3A, %dma_wait3A_91] : memref<10000x128xf32, #tpu.memory_space<vmem_shared>> -> memref<10000x128xf32, #tpu.memory_space<vmem_shared>>
        tpu.wait_indirect_dma semaphore(%run_scoped3A : memref<!tpu.dma_semaphore, #tpu.memory_space<semaphore_mem>>) src(%arg8 : memref<128x128xf32, #tpu.memory_space<vmem>>) dst(%dma_wait3A_92 : memref<10000x128xf32, #tpu.memory_space<vmem_shared>>)
        tpu.yield
      }) : () -> ()
    }
    %scan3A_29 = arith.constant 78 : i32
    %add3A_30 = arith.constant 9984 : i32
    %add3A_31 = arith.addi %add3A_24, %add3A_30 : i32
    "tpu.region"() ({
      %run_scoped3A = tpu.sem_alloc : memref<!tpu.dma_semaphore, #tpu.memory_space<semaphore_mem>>
      %dma_start3A = tpu.memref_slice %arg2[%add3A_31] : memref<320000xi32, #tpu.memory_space<hbm>> -> memref<16xi32, #tpu.memory_space<hbm>>
      %dma_start3A_85 = tpu.memref_slice %arg2[%add3A_31] : memref<320000xi32, #tpu.memory_space<hbm>> -> memref<16xi32, #tpu.memory_space<hbm>>
      tpu.enqueue_dma source(%dma_start3A_85 : memref<16xi32, #tpu.memory_space<hbm>>) target(%arg7 : memref<16xi32, #tpu.memory_space<vmem>>) target_semaphore(%run_scoped3A : memref<!tpu.dma_semaphore, #tpu.memory_space<semaphore_mem>>)
      %dma_wait3A = tpu.memref_slice %arg2[%add3A_31] : memref<320000xi32, #tpu.memory_space<hbm>> -> memref<16xi32, #tpu.memory_space<hbm>>
      %dma_wait3A_86 = tpu.memref_slice %arg2[%add3A_31] : memref<320000xi32, #tpu.memory_space<hbm>> -> memref<16xi32, #tpu.memory_space<hbm>>
      tpu.wait_dma2 semaphore(%run_scoped3A : memref<!tpu.dma_semaphore, #tpu.memory_space<semaphore_mem>>) src(%dma_wait3A_86 : memref<16xi32, #tpu.memory_space<hbm>>) dst(%arg7 : memref<16xi32, #tpu.memory_space<vmem>>)
      tpu.yield
    }) : () -> ()
    "tpu.region"() ({
      %run_scoped3A = tpu.sem_alloc : memref<!tpu.dma_semaphore, #tpu.memory_space<semaphore_mem>>
      %dma_start3A = arith.constant 0 : i32
      %dma_start3A_85 = arith.constant 0 : i32
      %dma_start3A_86 = tpu.memref_slice %arg8[%dma_start3A, %dma_start3A_85] : memref<128x128xf32, #tpu.memory_space<vmem>> -> memref<16x128xf32, #tpu.memory_space<vmem>>
      %dma_start3A_87 = arith.constant 0 : i32
      %dma_start3A_88 = arith.constant 0 : i32
      %dma_start3A_89 = tpu.memref_slice %arg9[%dma_start3A_87, %dma_start3A_88] : memref<10000x128xf32, #tpu.memory_space<vmem_shared>> -> memref<10000x128xf32, #tpu.memory_space<vmem_shared>>
      tpu.enqueue_indirect_dma source(%dma_start3A_86 : memref<16x128xf32, #tpu.memory_space<vmem>>) target(%dma_start3A_89 : memref<10000x128xf32, #tpu.memory_space<vmem_shared>>) offsets(%arg7 : memref<16xi32, #tpu.memory_space<vmem>>) semaphore(%run_scoped3A : memref<!tpu.dma_semaphore, #tpu.memory_space<semaphore_mem>>) {add = true}
      %dma_wait3A = arith.constant 0 : i32
      %dma_wait3A_90 = arith.constant 0 : i32
      %dma_wait3A_91 = tpu.memref_slice %arg8[%dma_wait3A, %dma_wait3A_90] : memref<128x128xf32, #tpu.memory_space<vmem>> -> memref<16x128xf32, #tpu.memory_space<vmem>>
      %dma_wait3A_92 = arith.constant 0 : i32
      %dma_wait3A_93 = arith.constant 0 : i32
      %dma_wait3A_94 = tpu.memref_slice %arg9[%dma_wait3A_92, %dma_wait3A_93] : memref<10000x128xf32, #tpu.memory_space<vmem_shared>> -> memref<10000x128xf32, #tpu.memory_space<vmem_shared>>
      tpu.wait_indirect_dma semaphore(%run_scoped3A : memref<!tpu.dma_semaphore, #tpu.memory_space<semaphore_mem>>) src(%dma_wait3A_91 : memref<16x128xf32, #tpu.memory_space<vmem>>) dst(%dma_wait3A_94 : memref<10000x128xf32, #tpu.memory_space<vmem_shared>>)
      tpu.yield
    }) : () -> ()
    %barrier3A_32 = arith.constant 0 : index
    tpu.barrier barrier_id(%barrier3A_32)
    %mul3A_33 = arith.constant 10000 : i32
    %mul3A_34 = arith.muli %arg0, %mul3A_33 : i32
    %mul3A_35 = arith.constant 624 : i32
    %mul3A_36 = arith.muli %arg1, %mul3A_35 : i32
    %add3A_37 = arith.constant 0 : i32
    %add3A_38 = arith.addi %mul3A_36, %add3A_37 : i32
    "tpu.region"() ({
      %run_scoped3A = tpu.sem_alloc : memref<!tpu.dma_semaphore, #tpu.memory_space<semaphore_mem>>
      %dma_start3A = arith.constant 0 : i32
      %dma_start3A_85 = arith.constant 0 : i32
      %dma_start3A_86 = tpu.memref_slice %arg8[%dma_start3A, %dma_start3A_85] : memref<128x128xf32, #tpu.memory_space<vmem>> -> memref<128x128xf32, #tpu.memory_space<vmem>>
      %dma_start3A_87 = arith.constant 0 : i32
      %dma_start3A_88 = tpu.memref_slice %arg9[%add3A_38, %dma_start3A_87] : memref<10000x128xf32, #tpu.memory_space<vmem_shared>> -> memref<128x128xf32, #tpu.memory_space<vmem_shared>>
      %dma_start3A_89 = arith.constant 0 : i32
      %dma_start3A_90 = arith.constant 0 : i32
      %dma_start3A_91 = tpu.memref_slice %arg8[%dma_start3A_89, %dma_start3A_90] : memref<128x128xf32, #tpu.memory_space<vmem>> -> memref<128x128xf32, #tpu.memory_space<vmem>>
      %dma_start3A_92 = arith.constant 0 : i32
      %dma_start3A_93 = tpu.memref_slice %arg9[%add3A_38, %dma_start3A_92] : memref<10000x128xf32, #tpu.memory_space<vmem_shared>> -> memref<128x128xf32, #tpu.memory_space<vmem_shared>>
      tpu.enqueue_dma source(%dma_start3A_93 : memref<128x128xf32, #tpu.memory_space<vmem_shared>>) target(%dma_start3A_91 : memref<128x128xf32, #tpu.memory_space<vmem>>) target_semaphore(%run_scoped3A : memref<!tpu.dma_semaphore, #tpu.memory_space<semaphore_mem>>)
      %dma_wait3A = arith.constant 0 : i32
      %dma_wait3A_94 = arith.constant 0 : i32
      %dma_wait3A_95 = tpu.memref_slice %arg8[%dma_wait3A, %dma_wait3A_94] : memref<128x128xf32, #tpu.memory_space<vmem>> -> memref<128x128xf32, #tpu.memory_space<vmem>>
      %dma_wait3A_96 = arith.constant 0 : i32
      %dma_wait3A_97 = tpu.memref_slice %arg9[%add3A_38, %dma_wait3A_96] : memref<10000x128xf32, #tpu.memory_space<vmem_shared>> -> memref<128x128xf32, #tpu.memory_space<vmem_shared>>
      %dma_wait3A_98 = arith.constant 0 : i32
      %dma_wait3A_99 = arith.constant 0 : i32
      %dma_wait3A_100 = tpu.memref_slice %arg8[%dma_wait3A_98, %dma_wait3A_99] : memref<128x128xf32, #tpu.memory_space<vmem>> -> memref<128x128xf32, #tpu.memory_space<vmem>>
      %dma_wait3A_101 = arith.constant 0 : i32
      %dma_wait3A_102 = tpu.memref_slice %arg9[%add3A_38, %dma_wait3A_101] : memref<10000x128xf32, #tpu.memory_space<vmem_shared>> -> memref<128x128xf32, #tpu.memory_space<vmem_shared>>
      tpu.wait_dma2 semaphore(%run_scoped3A : memref<!tpu.dma_semaphore, #tpu.memory_space<semaphore_mem>>) src(%dma_wait3A_102 : memref<128x128xf32, #tpu.memory_space<vmem_shared>>) dst(%dma_wait3A_100 : memref<128x128xf32, #tpu.memory_space<vmem>>)
      tpu.yield
    }) : () -> ()
    %mul3A_39 = arith.constant 624 : i32
    %mul3A_40 = arith.muli %arg1, %mul3A_39 : i32
    %add3A_41 = arith.addi %mul3A_34, %mul3A_40 : i32
    %add3A_42 = arith.constant 0 : i32
    %add3A_43 = arith.addi %add3A_41, %add3A_42 : i32
    "tpu.region"() ({
      %run_scoped3A = tpu.sem_alloc : memref<!tpu.dma_semaphore, #tpu.memory_space<semaphore_mem>>
      %dma_start3A = arith.constant 0 : i32
      %dma_start3A_85 = arith.constant 0 : i32
      %dma_start3A_86 = tpu.memref_slice %arg8[%dma_start3A, %dma_start3A_85] : memref<128x128xf32, #tpu.memory_space<vmem>> -> memref<128x128xf32, #tpu.memory_space<vmem>>
      %dma_start3A_87 = arith.constant 0 : i32
      %dma_start3A_88 = tpu.memref_slice %arg5[%add3A_43, %dma_start3A_87] : memref<20000x128xf32, #tpu.memory_space<hbm>> -> memref<128x128xf32, #tpu.memory_space<hbm>>
      %dma_start3A_89 = arith.constant 0 : i32
      %dma_start3A_90 = tpu.memref_slice %arg5[%add3A_43, %dma_start3A_89] : memref<20000x128xf32, #tpu.memory_space<hbm>> -> memref<128x128xf32, #tpu.memory_space<hbm>>
      %dma_start3A_91 = arith.constant 0 : i32
      %dma_start3A_92 = arith.constant 0 : i32
      %dma_start3A_93 = tpu.memref_slice %arg8[%dma_start3A_91, %dma_start3A_92] : memref<128x128xf32, #tpu.memory_space<vmem>> -> memref<128x128xf32, #tpu.memory_space<vmem>>
      tpu.enqueue_dma source(%dma_start3A_93 : memref<128x128xf32, #tpu.memory_space<vmem>>) target(%dma_start3A_90 : memref<128x128xf32, #tpu.memory_space<hbm>>) target_semaphore(%run_scoped3A : memref<!tpu.dma_semaphore, #tpu.memory_space<semaphore_mem>>)
      %dma_wait3A = arith.constant 0 : i32
      %dma_wait3A_94 = arith.constant 0 : i32
      %dma_wait3A_95 = tpu.memref_slice %arg8[%dma_wait3A, %dma_wait3A_94] : memref<128x128xf32, #tpu.memory_space<vmem>> -> memref<128x128xf32, #tpu.memory_space<vmem>>
      %dma_wait3A_96 = arith.constant 0 : i32
      %dma_wait3A_97 = tpu.memref_slice %arg5[%add3A_43, %dma_wait3A_96] : memref<20000x128xf32, #tpu.memory_space<hbm>> -> memref<128x128xf32, #tpu.memory_space<hbm>>
      %dma_wait3A_98 = arith.constant 0 : i32
      %dma_wait3A_99 = tpu.memref_slice %arg5[%add3A_43, %dma_wait3A_98] : memref<20000x128xf32, #tpu.memory_space<hbm>> -> memref<128x128xf32, #tpu.memory_space<hbm>>
      %dma_wait3A_100 = arith.constant 0 : i32
      %dma_wait3A_101 = arith.constant 0 : i32
      %dma_wait3A_102 = tpu.memref_slice %arg8[%dma_wait3A_100, %dma_wait3A_101] : memref<128x128xf32, #tpu.memory_space<vmem>> -> memref<128x128xf32, #tpu.memory_space<vmem>>
      tpu.wait_dma2 semaphore(%run_scoped3A : memref<!tpu.dma_semaphore, #tpu.memory_space<semaphore_mem>>) src(%dma_wait3A_102 : memref<128x128xf32, #tpu.memory_space<vmem>>) dst(%dma_wait3A_99 : memref<128x128xf32, #tpu.memory_space<hbm>>)
      tpu.yield
    }) : () -> ()
    %mul3A_44 = arith.constant 624 : i32
    %mul3A_45 = arith.muli %arg1, %mul3A_44 : i32
    %add3A_46 = arith.constant 128 : i32
    %add3A_47 = arith.addi %mul3A_45, %add3A_46 : i32
    "tpu.region"() ({
      %run_scoped3A = tpu.sem_alloc : memref<!tpu.dma_semaphore, #tpu.memory_space<semaphore_mem>>
      %dma_start3A = arith.constant 0 : i32
      %dma_start3A_85 = arith.constant 0 : i32
      %dma_start3A_86 = tpu.memref_slice %arg8[%dma_start3A, %dma_start3A_85] : memref<128x128xf32, #tpu.memory_space<vmem>> -> memref<128x128xf32, #tpu.memory_space<vmem>>
      %dma_start3A_87 = arith.constant 0 : i32
      %dma_start3A_88 = tpu.memref_slice %arg9[%add3A_47, %dma_start3A_87] : memref<10000x128xf32, #tpu.memory_space<vmem_shared>> -> memref<128x128xf32, #tpu.memory_space<vmem_shared>>
      %dma_start3A_89 = arith.constant 0 : i32
      %dma_start3A_90 = arith.constant 0 : i32
      %dma_start3A_91 = tpu.memref_slice %arg8[%dma_start3A_89, %dma_start3A_90] : memref<128x128xf32, #tpu.memory_space<vmem>> -> memref<128x128xf32, #tpu.memory_space<vmem>>
      %dma_start3A_92 = arith.constant 0 : i32
      %dma_start3A_93 = tpu.memref_slice %arg9[%add3A_47, %dma_start3A_92] : memref<10000x128xf32, #tpu.memory_space<vmem_shared>> -> memref<128x128xf32, #tpu.memory_space<vmem_shared>>
      tpu.enqueue_dma source(%dma_start3A_93 : memref<128x128xf32, #tpu.memory_space<vmem_shared>>) target(%dma_start3A_91 : memref<128x128xf32, #tpu.memory_space<vmem>>) target_semaphore(%run_scoped3A : memref<!tpu.dma_semaphore, #tpu.memory_space<semaphore_mem>>)
      %dma_wait3A = arith.constant 0 : i32
      %dma_wait3A_94 = arith.constant 0 : i32
      %dma_wait3A_95 = tpu.memref_slice %arg8[%dma_wait3A, %dma_wait3A_94] : memref<128x128xf32, #tpu.memory_space<vmem>> -> memref<128x128xf32, #tpu.memory_space<vmem>>
      %dma_wait3A_96 = arith.constant 0 : i32
      %dma_wait3A_97 = tpu.memref_slice %arg9[%add3A_47, %dma_wait3A_96] : memref<10000x128xf32, #tpu.memory_space<vmem_shared>> -> memref<128x128xf32, #tpu.memory_space<vmem_shared>>
      %dma_wait3A_98 = arith.constant 0 : i32
      %dma_wait3A_99 = arith.constant 0 : i32
      %dma_wait3A_100 = tpu.memref_slice %arg8[%dma_wait3A_98, %dma_wait3A_99] : memref<128x128xf32, #tpu.memory_space<vmem>> -> memref<128x128xf32, #tpu.memory_space<vmem>>
      %dma_wait3A_101 = arith.constant 0 : i32
      %dma_wait3A_102 = tpu.memref_slice %arg9[%add3A_47, %dma_wait3A_101] : memref<10000x128xf32, #tpu.memory_space<vmem_shared>> -> memref<128x128xf32, #tpu.memory_space<vmem_shared>>
      tpu.wait_dma2 semaphore(%run_scoped3A : memref<!tpu.dma_semaphore, #tpu.memory_space<semaphore_mem>>) src(%dma_wait3A_102 : memref<128x128xf32, #tpu.memory_space<vmem_shared>>) dst(%dma_wait3A_100 : memref<128x128xf32, #tpu.memory_space<vmem>>)
      tpu.yield
    }) : () -> ()
    %mul3A_48 = arith.constant 624 : i32
    %mul3A_49 = arith.muli %arg1, %mul3A_48 : i32
    %add3A_50 = arith.addi %mul3A_34, %mul3A_49 : i32
    %add3A_51 = arith.constant 128 : i32
    %add3A_52 = arith.addi %add3A_50, %add3A_51 : i32
    "tpu.region"() ({
      %run_scoped3A = tpu.sem_alloc : memref<!tpu.dma_semaphore, #tpu.memory_space<semaphore_mem>>
      %dma_start3A = arith.constant 0 : i32
      %dma_start3A_85 = arith.constant 0 : i32
      %dma_start3A_86 = tpu.memref_slice %arg8[%dma_start3A, %dma_start3A_85] : memref<128x128xf32, #tpu.memory_space<vmem>> -> memref<128x128xf32, #tpu.memory_space<vmem>>
      %dma_start3A_87 = arith.constant 0 : i32
      %dma_start3A_88 = tpu.memref_slice %arg5[%add3A_52, %dma_start3A_87] : memref<20000x128xf32, #tpu.memory_space<hbm>> -> memref<128x128xf32, #tpu.memory_space<hbm>>
      %dma_start3A_89 = arith.constant 0 : i32
      %dma_start3A_90 = tpu.memref_slice %arg5[%add3A_52, %dma_start3A_89] : memref<20000x128xf32, #tpu.memory_space<hbm>> -> memref<128x128xf32, #tpu.memory_space<hbm>>
      %dma_start3A_91 = arith.constant 0 : i32
      %dma_start3A_92 = arith.constant 0 : i32
      %dma_start3A_93 = tpu.memref_slice %arg8[%dma_start3A_91, %dma_start3A_92] : memref<128x128xf32, #tpu.memory_space<vmem>> -> memref<128x128xf32, #tpu.memory_space<vmem>>
      tpu.enqueue_dma source(%dma_start3A_93 : memref<128x128xf32, #tpu.memory_space<vmem>>) target(%dma_start3A_90 : memref<128x128xf32, #tpu.memory_space<hbm>>) target_semaphore(%run_scoped3A : memref<!tpu.dma_semaphore, #tpu.memory_space<semaphore_mem>>)
      %dma_wait3A = arith.constant 0 : i32
      %dma_wait3A_94 = arith.constant 0 : i32
      %dma_wait3A_95 = tpu.memref_slice %arg8[%dma_wait3A, %dma_wait3A_94] : memref<128x128xf32, #tpu.memory_space<vmem>> -> memref<128x128xf32, #tpu.memory_space<vmem>>
      %dma_wait3A_96 = arith.constant 0 : i32
      %dma_wait3A_97 = tpu.memref_slice %arg5[%add3A_52, %dma_wait3A_96] : memref<20000x128xf32, #tpu.memory_space<hbm>> -> memref<128x128xf32, #tpu.memory_space<hbm>>
      %dma_wait3A_98 = arith.constant 0 : i32
      %dma_wait3A_99 = tpu.memref_slice %arg5[%add3A_52, %dma_wait3A_98] : memref<20000x128xf32, #tpu.memory_space<hbm>> -> memref<128x128xf32, #tpu.memory_space<hbm>>
      %dma_wait3A_100 = arith.constant 0 : i32
      %dma_wait3A_101 = arith.constant 0 : i32
      %dma_wait3A_102 = tpu.memref_slice %arg8[%dma_wait3A_100, %dma_wait3A_101] : memref<128x128xf32, #tpu.memory_space<vmem>> -> memref<128x128xf32, #tpu.memory_space<vmem>>
      tpu.wait_dma2 semaphore(%run_scoped3A : memref<!tpu.dma_semaphore, #tpu.memory_space<semaphore_mem>>) src(%dma_wait3A_102 : memref<128x128xf32, #tpu.memory_space<vmem>>) dst(%dma_wait3A_99 : memref<128x128xf32, #tpu.memory_space<hbm>>)
      tpu.yield
    }) : () -> ()
    %mul3A_53 = arith.constant 624 : i32
    %mul3A_54 = arith.muli %arg1, %mul3A_53 : i32
    %add3A_55 = arith.constant 256 : i32
    %add3A_56 = arith.addi %mul3A_54, %add3A_55 : i32
    "tpu.region"() ({
      %run_scoped3A = tpu.sem_alloc : memref<!tpu.dma_semaphore, #tpu.memory_space<semaphore_mem>>
      %dma_start3A = arith.constant 0 : i32
      %dma_start3A_85 = arith.constant 0 : i32
      %dma_start3A_86 = tpu.memref_slice %arg8[%dma_start3A, %dma_start3A_85] : memref<128x128xf32, #tpu.memory_space<vmem>> -> memref<128x128xf32, #tpu.memory_space<vmem>>
      %dma_start3A_87 = arith.constant 0 : i32
      %dma_start3A_88 = tpu.memref_slice %arg9[%add3A_56, %dma_start3A_87] : memref<10000x128xf32, #tpu.memory_space<vmem_shared>> -> memref<128x128xf32, #tpu.memory_space<vmem_shared>>
      %dma_start3A_89 = arith.constant 0 : i32
      %dma_start3A_90 = arith.constant 0 : i32
      %dma_start3A_91 = tpu.memref_slice %arg8[%dma_start3A_89, %dma_start3A_90] : memref<128x128xf32, #tpu.memory_space<vmem>> -> memref<128x128xf32, #tpu.memory_space<vmem>>
      %dma_start3A_92 = arith.constant 0 : i32
      %dma_start3A_93 = tpu.memref_slice %arg9[%add3A_56, %dma_start3A_92] : memref<10000x128xf32, #tpu.memory_space<vmem_shared>> -> memref<128x128xf32, #tpu.memory_space<vmem_shared>>
      tpu.enqueue_dma source(%dma_start3A_93 : memref<128x128xf32, #tpu.memory_space<vmem_shared>>) target(%dma_start3A_91 : memref<128x128xf32, #tpu.memory_space<vmem>>) target_semaphore(%run_scoped3A : memref<!tpu.dma_semaphore, #tpu.memory_space<semaphore_mem>>)
      %dma_wait3A = arith.constant 0 : i32
      %dma_wait3A_94 = arith.constant 0 : i32
      %dma_wait3A_95 = tpu.memref_slice %arg8[%dma_wait3A, %dma_wait3A_94] : memref<128x128xf32, #tpu.memory_space<vmem>> -> memref<128x128xf32, #tpu.memory_space<vmem>>
      %dma_wait3A_96 = arith.constant 0 : i32
      %dma_wait3A_97 = tpu.memref_slice %arg9[%add3A_56, %dma_wait3A_96] : memref<10000x128xf32, #tpu.memory_space<vmem_shared>> -> memref<128x128xf32, #tpu.memory_space<vmem_shared>>
      %dma_wait3A_98 = arith.constant 0 : i32
      %dma_wait3A_99 = arith.constant 0 : i32
      %dma_wait3A_100 = tpu.memref_slice %arg8[%dma_wait3A_98, %dma_wait3A_99] : memref<128x128xf32, #tpu.memory_space<vmem>> -> memref<128x128xf32, #tpu.memory_space<vmem>>
      %dma_wait3A_101 = arith.constant 0 : i32
      %dma_wait3A_102 = tpu.memref_slice %arg9[%add3A_56, %dma_wait3A_101] : memref<10000x128xf32, #tpu.memory_space<vmem_shared>> -> memref<128x128xf32, #tpu.memory_space<vmem_shared>>
      tpu.wait_dma2 semaphore(%run_scoped3A : memref<!tpu.dma_semaphore, #tpu.memory_space<semaphore_mem>>) src(%dma_wait3A_102 : memref<128x128xf32, #tpu.memory_space<vmem_shared>>) dst(%dma_wait3A_100 : memref<128x128xf32, #tpu.memory_space<vmem>>)
      tpu.yield
    }) : () -> ()
    %mul3A_57 = arith.constant 624 : i32
    %mul3A_58 = arith.muli %arg1, %mul3A_57 : i32
    %add3A_59 = arith.addi %mul3A_34, %mul3A_58 : i32
    %add3A_60 = arith.constant 256 : i32
    %add3A_61 = arith.addi %add3A_59, %add3A_60 : i32
    "tpu.region"() ({
      %run_scoped3A = tpu.sem_alloc : memref<!tpu.dma_semaphore, #tpu.memory_space<semaphore_mem>>
      %dma_start3A = arith.constant 0 : i32
      %dma_start3A_85 = arith.constant 0 : i32
      %dma_start3A_86 = tpu.memref_slice %arg8[%dma_start3A, %dma_start3A_85] : memref<128x128xf32, #tpu.memory_space<vmem>> -> memref<128x128xf32, #tpu.memory_space<vmem>>
      %dma_start3A_87 = arith.constant 0 : i32
      %dma_start3A_88 = tpu.memref_slice %arg5[%add3A_61, %dma_start3A_87] : memref<20000x128xf32, #tpu.memory_space<hbm>> -> memref<128x128xf32, #tpu.memory_space<hbm>>
      %dma_start3A_89 = arith.constant 0 : i32
      %dma_start3A_90 = tpu.memref_slice %arg5[%add3A_61, %dma_start3A_89] : memref<20000x128xf32, #tpu.memory_space<hbm>> -> memref<128x128xf32, #tpu.memory_space<hbm>>
      %dma_start3A_91 = arith.constant 0 : i32
      %dma_start3A_92 = arith.constant 0 : i32
      %dma_start3A_93 = tpu.memref_slice %arg8[%dma_start3A_91, %dma_start3A_92] : memref<128x128xf32, #tpu.memory_space<vmem>> -> memref<128x128xf32, #tpu.memory_space<vmem>>
      tpu.enqueue_dma source(%dma_start3A_93 : memref<128x128xf32, #tpu.memory_space<vmem>>) target(%dma_start3A_90 : memref<128x128xf32, #tpu.memory_space<hbm>>) target_semaphore(%run_scoped3A : memref<!tpu.dma_semaphore, #tpu.memory_space<semaphore_mem>>)
      %dma_wait3A = arith.constant 0 : i32
      %dma_wait3A_94 = arith.constant 0 : i32
      %dma_wait3A_95 = tpu.memref_slice %arg8[%dma_wait3A, %dma_wait3A_94] : memref<128x128xf32, #tpu.memory_space<vmem>> -> memref<128x128xf32, #tpu.memory_space<vmem>>
      %dma_wait3A_96 = arith.constant 0 : i32
      %dma_wait3A_97 = tpu.memref_slice %arg5[%add3A_61, %dma_wait3A_96] : memref<20000x128xf32, #tpu.memory_space<hbm>> -> memref<128x128xf32, #tpu.memory_space<hbm>>
      %dma_wait3A_98 = arith.constant 0 : i32
      %dma_wait3A_99 = tpu.memref_slice %arg5[%add3A_61, %dma_wait3A_98] : memref<20000x128xf32, #tpu.memory_space<hbm>> -> memref<128x128xf32, #tpu.memory_space<hbm>>
      %dma_wait3A_100 = arith.constant 0 : i32
      %dma_wait3A_101 = arith.constant 0 : i32
      %dma_wait3A_102 = tpu.memref_slice %arg8[%dma_wait3A_100, %dma_wait3A_101] : memref<128x128xf32, #tpu.memory_space<vmem>> -> memref<128x128xf32, #tpu.memory_space<vmem>>
      tpu.wait_dma2 semaphore(%run_scoped3A : memref<!tpu.dma_semaphore, #tpu.memory_space<semaphore_mem>>) src(%dma_wait3A_102 : memref<128x128xf32, #tpu.memory_space<vmem>>) dst(%dma_wait3A_99 : memref<128x128xf32, #tpu.memory_space<hbm>>)
      tpu.yield
    }) : () -> ()
    %mul3A_62 = arith.constant 624 : i32
    %mul3A_63 = arith.muli %arg1, %mul3A_62 : i32
    %add3A_64 = arith.constant 384 : i32
    %add3A_65 = arith.addi %mul3A_63, %add3A_64 : i32
    "tpu.region"() ({
      %run_scoped3A = tpu.sem_alloc : memref<!tpu.dma_semaphore, #tpu.memory_space<semaphore_mem>>
      %dma_start3A = arith.constant 0 : i32
      %dma_start3A_85 = arith.constant 0 : i32
      %dma_start3A_86 = tpu.memref_slice %arg8[%dma_start3A, %dma_start3A_85] : memref<128x128xf32, #tpu.memory_space<vmem>> -> memref<128x128xf32, #tpu.memory_space<vmem>>
      %dma_start3A_87 = arith.constant 0 : i32
      %dma_start3A_88 = tpu.memref_slice %arg9[%add3A_65, %dma_start3A_87] : memref<10000x128xf32, #tpu.memory_space<vmem_shared>> -> memref<128x128xf32, #tpu.memory_space<vmem_shared>>
      %dma_start3A_89 = arith.constant 0 : i32
      %dma_start3A_90 = arith.constant 0 : i32
      %dma_start3A_91 = tpu.memref_slice %arg8[%dma_start3A_89, %dma_start3A_90] : memref<128x128xf32, #tpu.memory_space<vmem>> -> memref<128x128xf32, #tpu.memory_space<vmem>>
      %dma_start3A_92 = arith.constant 0 : i32
      %dma_start3A_93 = tpu.memref_slice %arg9[%add3A_65, %dma_start3A_92] : memref<10000x128xf32, #tpu.memory_space<vmem_shared>> -> memref<128x128xf32, #tpu.memory_space<vmem_shared>>
      tpu.enqueue_dma source(%dma_start3A_93 : memref<128x128xf32, #tpu.memory_space<vmem_shared>>) target(%dma_start3A_91 : memref<128x128xf32, #tpu.memory_space<vmem>>) target_semaphore(%run_scoped3A : memref<!tpu.dma_semaphore, #tpu.memory_space<semaphore_mem>>)
      %dma_wait3A = arith.constant 0 : i32
      %dma_wait3A_94 = arith.constant 0 : i32
      %dma_wait3A_95 = tpu.memref_slice %arg8[%dma_wait3A, %dma_wait3A_94] : memref<128x128xf32, #tpu.memory_space<vmem>> -> memref<128x128xf32, #tpu.memory_space<vmem>>
      %dma_wait3A_96 = arith.constant 0 : i32
      %dma_wait3A_97 = tpu.memref_slice %arg9[%add3A_65, %dma_wait3A_96] : memref<10000x128xf32, #tpu.memory_space<vmem_shared>> -> memref<128x128xf32, #tpu.memory_space<vmem_shared>>
      %dma_wait3A_98 = arith.constant 0 : i32
      %dma_wait3A_99 = arith.constant 0 : i32
      %dma_wait3A_100 = tpu.memref_slice %arg8[%dma_wait3A_98, %dma_wait3A_99] : memref<128x128xf32, #tpu.memory_space<vmem>> -> memref<128x128xf32, #tpu.memory_space<vmem>>
      %dma_wait3A_101 = arith.constant 0 : i32
      %dma_wait3A_102 = tpu.memref_slice %arg9[%add3A_65, %dma_wait3A_101] : memref<10000x128xf32, #tpu.memory_space<vmem_shared>> -> memref<128x128xf32, #tpu.memory_space<vmem_shared>>
      tpu.wait_dma2 semaphore(%run_scoped3A : memref<!tpu.dma_semaphore, #tpu.memory_space<semaphore_mem>>) src(%dma_wait3A_102 : memref<128x128xf32, #tpu.memory_space<vmem_shared>>) dst(%dma_wait3A_100 : memref<128x128xf32, #tpu.memory_space<vmem>>)
      tpu.yield
    }) : () -> ()
    %mul3A_66 = arith.constant 624 : i32
    %mul3A_67 = arith.muli %arg1, %mul3A_66 : i32
    %add3A_68 = arith.addi %mul3A_34, %mul3A_67 : i32
    %add3A_69 = arith.constant 384 : i32
    %add3A_70 = arith.addi %add3A_68, %add3A_69 : i32
    "tpu.region"() ({
      %run_scoped3A = tpu.sem_alloc : memref<!tpu.dma_semaphore, #tpu.memory_space<semaphore_mem>>
      %dma_start3A = arith.constant 0 : i32
      %dma_start3A_85 = arith.constant 0 : i32
      %dma_start3A_86 = tpu.memref_slice %arg8[%dma_start3A, %dma_start3A_85] : memref<128x128xf32, #tpu.memory_space<vmem>> -> memref<128x128xf32, #tpu.memory_space<vmem>>
      %dma_start3A_87 = arith.constant 0 : i32
      %dma_start3A_88 = tpu.memref_slice %arg5[%add3A_70, %dma_start3A_87] : memref<20000x128xf32, #tpu.memory_space<hbm>> -> memref<128x128xf32, #tpu.memory_space<hbm>>
      %dma_start3A_89 = arith.constant 0 : i32
      %dma_start3A_90 = tpu.memref_slice %arg5[%add3A_70, %dma_start3A_89] : memref<20000x128xf32, #tpu.memory_space<hbm>> -> memref<128x128xf32, #tpu.memory_space<hbm>>
      %dma_start3A_91 = arith.constant 0 : i32
      %dma_start3A_92 = arith.constant 0 : i32
      %dma_start3A_93 = tpu.memref_slice %arg8[%dma_start3A_91, %dma_start3A_92] : memref<128x128xf32, #tpu.memory_space<vmem>> -> memref<128x128xf32, #tpu.memory_space<vmem>>
      tpu.enqueue_dma source(%dma_start3A_93 : memref<128x128xf32, #tpu.memory_space<vmem>>) target(%dma_start3A_90 : memref<128x128xf32, #tpu.memory_space<hbm>>) target_semaphore(%run_scoped3A : memref<!tpu.dma_semaphore, #tpu.memory_space<semaphore_mem>>)
      %dma_wait3A = arith.constant 0 : i32
      %dma_wait3A_94 = arith.constant 0 : i32
      %dma_wait3A_95 = tpu.memref_slice %arg8[%dma_wait3A, %dma_wait3A_94] : memref<128x128xf32, #tpu.memory_space<vmem>> -> memref<128x128xf32, #tpu.memory_space<vmem>>
      %dma_wait3A_96 = arith.constant 0 : i32
      %dma_wait3A_97 = tpu.memref_slice %arg5[%add3A_70, %dma_wait3A_96] : memref<20000x128xf32, #tpu.memory_space<hbm>> -> memref<128x128xf32, #tpu.memory_space<hbm>>
      %dma_wait3A_98 = arith.constant 0 : i32
      %dma_wait3A_99 = tpu.memref_slice %arg5[%add3A_70, %dma_wait3A_98] : memref<20000x128xf32, #tpu.memory_space<hbm>> -> memref<128x128xf32, #tpu.memory_space<hbm>>
      %dma_wait3A_100 = arith.constant 0 : i32
      %dma_wait3A_101 = arith.constant 0 : i32
      %dma_wait3A_102 = tpu.memref_slice %arg8[%dma_wait3A_100, %dma_wait3A_101] : memref<128x128xf32, #tpu.memory_space<vmem>> -> memref<128x128xf32, #tpu.memory_space<vmem>>
      tpu.wait_dma2 semaphore(%run_scoped3A : memref<!tpu.dma_semaphore, #tpu.memory_space<semaphore_mem>>) src(%dma_wait3A_102 : memref<128x128xf32, #tpu.memory_space<vmem>>) dst(%dma_wait3A_99 : memref<128x128xf32, #tpu.memory_space<hbm>>)
      tpu.yield
    }) : () -> ()
    %mul3A_71 = arith.constant 624 : i32
    %mul3A_72 = arith.muli %arg1, %mul3A_71 : i32
    %add3A_73 = arith.constant 512 : i32
    %add3A_74 = arith.addi %mul3A_72, %add3A_73 : i32
    "tpu.region"() ({
      %run_scoped3A = tpu.sem_alloc : memref<!tpu.dma_semaphore, #tpu.memory_space<semaphore_mem>>
      %dma_start3A = arith.constant 0 : i32
      %dma_start3A_85 = arith.constant 0 : i32
      %dma_start3A_86 = tpu.memref_slice %arg8[%dma_start3A, %dma_start3A_85] : memref<128x128xf32, #tpu.memory_space<vmem>> -> memref<112x128xf32, #tpu.memory_space<vmem>>
      %dma_start3A_87 = arith.constant 0 : i32
      %dma_start3A_88 = tpu.memref_slice %arg9[%add3A_74, %dma_start3A_87] : memref<10000x128xf32, #tpu.memory_space<vmem_shared>> -> memref<112x128xf32, #tpu.memory_space<vmem_shared>>
      %dma_start3A_89 = arith.constant 0 : i32
      %dma_start3A_90 = arith.constant 0 : i32
      %dma_start3A_91 = tpu.memref_slice %arg8[%dma_start3A_89, %dma_start3A_90] : memref<128x128xf32, #tpu.memory_space<vmem>> -> memref<112x128xf32, #tpu.memory_space<vmem>>
      %dma_start3A_92 = arith.constant 0 : i32
      %dma_start3A_93 = tpu.memref_slice %arg9[%add3A_74, %dma_start3A_92] : memref<10000x128xf32, #tpu.memory_space<vmem_shared>> -> memref<112x128xf32, #tpu.memory_space<vmem_shared>>
      tpu.enqueue_dma source(%dma_start3A_93 : memref<112x128xf32, #tpu.memory_space<vmem_shared>>) target(%dma_start3A_91 : memref<112x128xf32, #tpu.memory_space<vmem>>) target_semaphore(%run_scoped3A : memref<!tpu.dma_semaphore, #tpu.memory_space<semaphore_mem>>)
      %dma_wait3A = arith.constant 0 : i32
      %dma_wait3A_94 = arith.constant 0 : i32
      %dma_wait3A_95 = tpu.memref_slice %arg8[%dma_wait3A, %dma_wait3A_94] : memref<128x128xf32, #tpu.memory_space<vmem>> -> memref<112x128xf32, #tpu.memory_space<vmem>>
      %dma_wait3A_96 = arith.constant 0 : i32
      %dma_wait3A_97 = tpu.memref_slice %arg9[%add3A_74, %dma_wait3A_96] : memref<10000x128xf32, #tpu.memory_space<vmem_shared>> -> memref<112x128xf32, #tpu.memory_space<vmem_shared>>
      %dma_wait3A_98 = arith.constant 0 : i32
      %dma_wait3A_99 = arith.constant 0 : i32
      %dma_wait3A_100 = tpu.memref_slice %arg8[%dma_wait3A_98, %dma_wait3A_99] : memref<128x128xf32, #tpu.memory_space<vmem>> -> memref<112x128xf32, #tpu.memory_space<vmem>>
      %dma_wait3A_101 = arith.constant 0 : i32
      %dma_wait3A_102 = tpu.memref_slice %arg9[%add3A_74, %dma_wait3A_101] : memref<10000x128xf32, #tpu.memory_space<vmem_shared>> -> memref<112x128xf32, #tpu.memory_space<vmem_shared>>
      tpu.wait_dma2 semaphore(%run_scoped3A : memref<!tpu.dma_semaphore, #tpu.memory_space<semaphore_mem>>) src(%dma_wait3A_102 : memref<112x128xf32, #tpu.memory_space<vmem_shared>>) dst(%dma_wait3A_100 : memref<112x128xf32, #tpu.memory_space<vmem>>)
      tpu.yield
    }) : () -> ()
    %mul3A_75 = arith.constant 624 : i32
    %mul3A_76 = arith.muli %arg1, %mul3A_75 : i32
    %add3A_77 = arith.addi %mul3A_34, %mul3A_76 : i32
    %add3A_78 = arith.constant 512 : i32
    %add3A_79 = arith.addi %add3A_77, %add3A_78 : i32
    "tpu.region"() ({
      %run_scoped3A = tpu.sem_alloc : memref<!tpu.dma_semaphore, #tpu.memory_space<semaphore_mem>>
      %dma_start3A = arith.constant 0 : i32
      %dma_start3A_85 = arith.constant 0 : i32
      %dma_start3A_86 = tpu.memref_slice %arg8[%dma_start3A, %dma_start3A_85] : memref<128x128xf32, #tpu.memory_space<vmem>> -> memref<112x128xf32, #tpu.memory_space<vmem>>
      %dma_start3A_87 = arith.constant 0 : i32
      %dma_start3A_88 = tpu.memref_slice %arg5[%add3A_79, %dma_start3A_87] : memref<20000x128xf32, #tpu.memory_space<hbm>> -> memref<112x128xf32, #tpu.memory_space<hbm>>
      %dma_start3A_89 = arith.constant 0 : i32
      %dma_start3A_90 = tpu.memref_slice %arg5[%add3A_79, %dma_start3A_89] : memref<20000x128xf32, #tpu.memory_space<hbm>> -> memref<112x128xf32, #tpu.memory_space<hbm>>
      %dma_start3A_91 = arith.constant 0 : i32
      %dma_start3A_92 = arith.constant 0 : i32
      %dma_start3A_93 = tpu.memref_slice %arg8[%dma_start3A_91, %dma_start3A_92] : memref<128x128xf32, #tpu.memory_space<vmem>> -> memref<112x128xf32, #tpu.memory_space<vmem>>
      tpu.enqueue_dma source(%dma_start3A_93 : memref<112x128xf32, #tpu.memory_space<vmem>>) target(%dma_start3A_90 : memref<112x128xf32, #tpu.memory_space<hbm>>) target_semaphore(%run_scoped3A : memref<!tpu.dma_semaphore, #tpu.memory_space<semaphore_mem>>)
      %dma_wait3A = arith.constant 0 : i32
      %dma_wait3A_94 = arith.constant 0 : i32
      %dma_wait3A_95 = tpu.memref_slice %arg8[%dma_wait3A, %dma_wait3A_94] : memref<128x128xf32, #tpu.memory_space<vmem>> -> memref<112x128xf32, #tpu.memory_space<vmem>>
      %dma_wait3A_96 = arith.constant 0 : i32
      %dma_wait3A_97 = tpu.memref_slice %arg5[%add3A_79, %dma_wait3A_96] : memref<20000x128xf32, #tpu.memory_space<hbm>> -> memref<112x128xf32, #tpu.memory_space<hbm>>
      %dma_wait3A_98 = arith.constant 0 : i32
      %dma_wait3A_99 = tpu.memref_slice %arg5[%add3A_79, %dma_wait3A_98] : memref<20000x128xf32, #tpu.memory_space<hbm>> -> memref<112x128xf32, #tpu.memory_space<hbm>>
      %dma_wait3A_100 = arith.constant 0 : i32
      %dma_wait3A_101 = arith.constant 0 : i32
      %dma_wait3A_102 = tpu.memref_slice %arg8[%dma_wait3A_100, %dma_wait3A_101] : memref<128x128xf32, #tpu.memory_space<vmem>> -> memref<112x128xf32, #tpu.memory_space<vmem>>
      tpu.wait_dma2 semaphore(%run_scoped3A : memref<!tpu.dma_semaphore, #tpu.memory_space<semaphore_mem>>) src(%dma_wait3A_102 : memref<112x128xf32, #tpu.memory_space<vmem>>) dst(%dma_wait3A_99 : memref<112x128xf32, #tpu.memory_space<hbm>>)
      tpu.yield
    }) : () -> ()
    %eq3A_80 = arith.constant 0 : i32
    %eq3A_81 = arith.cmpi eq, %arg1, %eq3A_80 : i32
    %convert_element_type3A_82 = arith.extui %eq3A_81 : i1 to i32
    %cond3A_83 = arith.constant 0 : i32
    %cond3A_84 = arith.cmpi ne, %convert_element_type3A_82, %cond3A_83 : i32
    scf.if %cond3A_84 {
      "tpu.region"() ({
        %run_scoped3A = tpu.sem_alloc : memref<!tpu.dma_semaphore, #tpu.memory_space<semaphore_mem>>
        %dma_start3A = arith.constant 0 : i32
        %dma_start3A_87 = arith.constant 0 : i32
        %dma_start3A_88 = tpu.memref_slice %arg8[%dma_start3A, %dma_start3A_87] : memref<128x128xf32, #tpu.memory_space<vmem>> -> memref<16x128xf32, #tpu.memory_space<vmem>>
        %dma_start3A_89 = arith.constant 9984 : i32
        %dma_start3A_90 = arith.constant 0 : i32
        %dma_start3A_91 = tpu.memref_slice %arg9[%dma_start3A_89, %dma_start3A_90] : memref<10000x128xf32, #tpu.memory_space<vmem_shared>> -> memref<16x128xf32, #tpu.memory_space<vmem_shared>>
        %dma_start3A_92 = arith.constant 0 : i32
        %dma_start3A_93 = arith.constant 0 : i32
        %dma_start3A_94 = tpu.memref_slice %arg8[%dma_start3A_92, %dma_start3A_93] : memref<128x128xf32, #tpu.memory_space<vmem>> -> memref<16x128xf32, #tpu.memory_space<vmem>>
        %dma_start3A_95 = arith.constant 9984 : i32
        %dma_start3A_96 = arith.constant 0 : i32
        %dma_start3A_97 = tpu.memref_slice %arg9[%dma_start3A_95, %dma_start3A_96] : memref<10000x128xf32, #tpu.memory_space<vmem_shared>> -> memref<16x128xf32, #tpu.memory_space<vmem_shared>>
        tpu.enqueue_dma source(%dma_start3A_97 : memref<16x128xf32, #tpu.memory_space<vmem_shared>>) target(%dma_start3A_94 : memref<16x128xf32, #tpu.memory_space<vmem>>) target_semaphore(%run_scoped3A : memref<!tpu.dma_semaphore, #tpu.memory_space<semaphore_mem>>)
        %dma_wait3A = arith.constant 0 : i32
        %dma_wait3A_98 = arith.constant 0 : i32
        %dma_wait3A_99 = tpu.memref_slice %arg8[%dma_wait3A, %dma_wait3A_98] : memref<128x128xf32, #tpu.memory_space<vmem>> -> memref<16x128xf32, #tpu.memory_space<vmem>>
        %dma_wait3A_100 = arith.constant 9984 : i32
        %dma_wait3A_101 = arith.constant 0 : i32
        %dma_wait3A_102 = tpu.memref_slice %arg9[%dma_wait3A_100, %dma_wait3A_101] : memref<10000x128xf32, #tpu.memory_space<vmem_shared>> -> memref<16x128xf32, #tpu.memory_space<vmem_shared>>
        %dma_wait3A_103 = arith.constant 0 : i32
        %dma_wait3A_104 = arith.constant 0 : i32
        %dma_wait3A_105 = tpu.memref_slice %arg8[%dma_wait3A_103, %dma_wait3A_104] : memref<128x128xf32, #tpu.memory_space<vmem>> -> memref<16x128xf32, #tpu.memory_space<vmem>>
        %dma_wait3A_106 = arith.constant 9984 : i32
        %dma_wait3A_107 = arith.constant 0 : i32
        %dma_wait3A_108 = tpu.memref_slice %arg9[%dma_wait3A_106, %dma_wait3A_107] : memref<10000x128xf32, #tpu.memory_space<vmem_shared>> -> memref<16x128xf32, #tpu.memory_space<vmem_shared>>
        tpu.wait_dma2 semaphore(%run_scoped3A : memref<!tpu.dma_semaphore, #tpu.memory_space<semaphore_mem>>) src(%dma_wait3A_108 : memref<16x128xf32, #tpu.memory_space<vmem_shared>>) dst(%dma_wait3A_105 : memref<16x128xf32, #tpu.memory_space<vmem>>)
        tpu.yield
      }) : () -> ()
      %add3A_85 = arith.constant 9984 : i32
      %add3A_86 = arith.addi %mul3A_34, %add3A_85 : i32
      "tpu.region"() ({
        %run_scoped3A = tpu.sem_alloc : memref<!tpu.dma_semaphore, #tpu.memory_space<semaphore_mem>>
        %dma_start3A = arith.constant 0 : i32
        %dma_start3A_87 = arith.constant 0 : i32
        %dma_start3A_88 = tpu.memref_slice %arg8[%dma_start3A, %dma_start3A_87] : memref<128x128xf32, #tpu.memory_space<vmem>> -> memref<16x128xf32, #tpu.memory_space<vmem>>
        %dma_start3A_89 = arith.constant 0 : i32
        %dma_start3A_90 = tpu.memref_slice %arg5[%add3A_86, %dma_start3A_89] : memref<20000x128xf32, #tpu.memory_space<hbm>> -> memref<16x128xf32, #tpu.memory_space<hbm>>
        %dma_start3A_91 = arith.constant 0 : i32
        %dma_start3A_92 = tpu.memref_slice %arg5[%add3A_86, %dma_start3A_91] : memref<20000x128xf32, #tpu.memory_space<hbm>> -> memref<16x128xf32, #tpu.memory_space<hbm>>
        %dma_start3A_93 = arith.constant 0 : i32
        %dma_start3A_94 = arith.constant 0 : i32
        %dma_start3A_95 = tpu.memref_slice %arg8[%dma_start3A_93, %dma_start3A_94] : memref<128x128xf32, #tpu.memory_space<vmem>> -> memref<16x128xf32, #tpu.memory_space<vmem>>
        tpu.enqueue_dma source(%dma_start3A_95 : memref<16x128xf32, #tpu.memory_space<vmem>>) target(%dma_start3A_92 : memref<16x128xf32, #tpu.memory_space<hbm>>) target_semaphore(%run_scoped3A : memref<!tpu.dma_semaphore, #tpu.memory_space<semaphore_mem>>)
        %dma_wait3A = arith.constant 0 : i32
        %dma_wait3A_96 = arith.constant 0 : i32
        %dma_wait3A_97 = tpu.memref_slice %arg8[%dma_wait3A, %dma_wait3A_96] : memref<128x128xf32, #tpu.memory_space<vmem>> -> memref<16x128xf32, #tpu.memory_space<vmem>>
        %dma_wait3A_98 = arith.constant 0 : i32
        %dma_wait3A_99 = tpu.memref_slice %arg5[%add3A_86, %dma_wait3A_98] : memref<20000x128xf32, #tpu.memory_space<hbm>> -> memref<16x128xf32, #tpu.memory_space<hbm>>
        %dma_wait3A_100 = arith.constant 0 : i32
        %dma_wait3A_101 = tpu.memref_slice %arg5[%add3A_86, %dma_wait3A_100] : memref<20000x128xf32, #tpu.memory_space<hbm>> -> memref<16x128xf32, #tpu.memory_space<hbm>>
        %dma_wait3A_102 = arith.constant 0 : i32
        %dma_wait3A_103 = arith.constant 0 : i32
        %dma_wait3A_104 = tpu.memref_slice %arg8[%dma_wait3A_102, %dma_wait3A_103] : memref<128x128xf32, #tpu.memory_space<vmem>> -> memref<16x128xf32, #tpu.memory_space<vmem>>
        tpu.wait_dma2 semaphore(%run_scoped3A : memref<!tpu.dma_semaphore, #tpu.memory_space<semaphore_mem>>) src(%dma_wait3A_104 : memref<16x128xf32, #tpu.memory_space<vmem>>) dst(%dma_wait3A_101 : memref<16x128xf32, #tpu.memory_space<hbm>>)
        tpu.yield
      }) : () -> ()
    } else {
    }
    return
  }
}

#map = affine_map<(d0, d1) -> (0)>
#map1 = affine_map<(d0, d1) -> (0, 0)>
module attributes {stable_mosaic.version = 14 : i64} {
  func.func @_prop(%arg0: i32, %arg1: i32, %arg2: memref<320000xi32, #tpu.memory_space<hbm>>, %arg3: memref<160000xi32, #tpu.memory_space<hbm>>, %arg4: memref<20000x128xf32, #tpu.memory_space<hbm>>, %arg5: memref<128x128xf32, #tpu.memory_space<hbm>>, %arg6: memref<20000x128xf32, #tpu.memory_space<hbm>>, %arg7: memref<128xi32, #tpu.memory_space<vmem>>, %arg8: memref<128xi32, #tpu.memory_space<vmem>>, %arg9: memref<128xi32, #tpu.memory_space<vmem>>, %arg10: memref<128xi32, #tpu.memory_space<vmem>>, %arg11: memref<16xi32, #tpu.memory_space<vmem>>, %arg12: memref<16xi32, #tpu.memory_space<vmem>>, %arg13: memref<128x128xf32, #tpu.memory_space<vmem>>, %arg14: memref<128x128xf32, #tpu.memory_space<vmem>>, %arg15: memref<10000x128xf32, #tpu.memory_space<vmem_shared>>, %arg16: memref<!tpu.dma_semaphore, #tpu.memory_space<semaphore_mem>>, %arg17: memref<!tpu.dma_semaphore, #tpu.memory_space<semaphore_mem>>) attributes {dimension_semantics = [#tpu.dimension_semantics<core_parallel>, #tpu.dimension_semantics<subcore_parallel>], iteration_bounds = array<i64: 2, 16>, scalar_prefetch = 0 : i64, scratch_operands = 11 : i64, tpu.core_type = #tpu.core_type<sc_vector_subcore>, window_params = [{transform_indices = #map}, {transform_indices = #map}, {transform_indices = #map1}, {transform_indices = #map1}, {transform_indices = #map1}]} {
    "tpu.region"() ({
      %run_scoped3A = tpu.sem_alloc : memref<!tpu.dma_semaphore, #tpu.memory_space<semaphore_mem>>
      tpu.enqueue_dma source(%arg5 : memref<128x128xf32, #tpu.memory_space<hbm>>) target(%arg13 : memref<128x128xf32, #tpu.memory_space<vmem>>) target_semaphore(%run_scoped3A : memref<!tpu.dma_semaphore, #tpu.memory_space<semaphore_mem>>)
      tpu.wait_dma2 semaphore(%run_scoped3A : memref<!tpu.dma_semaphore, #tpu.memory_space<semaphore_mem>>) src(%arg5 : memref<128x128xf32, #tpu.memory_space<hbm>>) dst(%arg13 : memref<128x128xf32, #tpu.memory_space<vmem>>)
      tpu.yield
    }) : () -> ()
    %mul3A = arith.constant 624 : i32
    %mul3A_0 = arith.muli %arg1, %mul3A : i32
    %add3A = arith.constant 0 : i32
    %add3A_1 = arith.addi %mul3A_0, %add3A : i32
    "tpu.region"() ({
      %run_scoped3A = tpu.sem_alloc : memref<!tpu.dma_semaphore, #tpu.memory_space<semaphore_mem>>
      %dma_start3A_112 = arith.constant 0 : i32
      %dma_start3A_113 = arith.constant 0 : i32
      %dma_start3A_114 = tpu.memref_slice %arg13[%dma_start3A_112, %dma_start3A_113] : memref<128x128xf32, #tpu.memory_space<vmem>> -> memref<128x128xf32, #tpu.memory_space<vmem>>
      %dma_start3A_115 = arith.constant 0 : i32
      %dma_start3A_116 = tpu.memref_slice %arg15[%add3A_1, %dma_start3A_115] : memref<10000x128xf32, #tpu.memory_space<vmem_shared>> -> memref<128x128xf32, #tpu.memory_space<vmem_shared>>
      %dma_start3A_117 = arith.constant 0 : i32
      %dma_start3A_118 = tpu.memref_slice %arg15[%add3A_1, %dma_start3A_117] : memref<10000x128xf32, #tpu.memory_space<vmem_shared>> -> memref<128x128xf32, #tpu.memory_space<vmem_shared>>
      %dma_start3A_119 = arith.constant 0 : i32
      %dma_start3A_120 = arith.constant 0 : i32
      %dma_start3A_121 = tpu.memref_slice %arg13[%dma_start3A_119, %dma_start3A_120] : memref<128x128xf32, #tpu.memory_space<vmem>> -> memref<128x128xf32, #tpu.memory_space<vmem>>
      tpu.enqueue_dma source(%dma_start3A_121 : memref<128x128xf32, #tpu.memory_space<vmem>>) target(%dma_start3A_118 : memref<128x128xf32, #tpu.memory_space<vmem_shared>>) target_semaphore(%run_scoped3A : memref<!tpu.dma_semaphore, #tpu.memory_space<semaphore_mem>>)
      %dma_wait3A_122 = arith.constant 0 : i32
      %dma_wait3A_123 = arith.constant 0 : i32
      %dma_wait3A_124 = tpu.memref_slice %arg13[%dma_wait3A_122, %dma_wait3A_123] : memref<128x128xf32, #tpu.memory_space<vmem>> -> memref<128x128xf32, #tpu.memory_space<vmem>>
      %dma_wait3A_125 = arith.constant 0 : i32
      %dma_wait3A_126 = tpu.memref_slice %arg15[%add3A_1, %dma_wait3A_125] : memref<10000x128xf32, #tpu.memory_space<vmem_shared>> -> memref<128x128xf32, #tpu.memory_space<vmem_shared>>
      %dma_wait3A_127 = arith.constant 0 : i32
      %dma_wait3A_128 = tpu.memref_slice %arg15[%add3A_1, %dma_wait3A_127] : memref<10000x128xf32, #tpu.memory_space<vmem_shared>> -> memref<128x128xf32, #tpu.memory_space<vmem_shared>>
      %dma_wait3A_129 = arith.constant 0 : i32
      %dma_wait3A_130 = arith.constant 0 : i32
      %dma_wait3A_131 = tpu.memref_slice %arg13[%dma_wait3A_129, %dma_wait3A_130] : memref<128x128xf32, #tpu.memory_space<vmem>> -> memref<128x128xf32, #tpu.memory_space<vmem>>
      tpu.wait_dma2 semaphore(%run_scoped3A : memref<!tpu.dma_semaphore, #tpu.memory_space<semaphore_mem>>) src(%dma_wait3A_131 : memref<128x128xf32, #tpu.memory_space<vmem>>) dst(%dma_wait3A_128 : memref<128x128xf32, #tpu.memory_space<vmem_shared>>)
      tpu.yield
    }) : () -> ()
    %mul3A_2 = arith.constant 624 : i32
    %mul3A_3 = arith.muli %arg1, %mul3A_2 : i32
    %add3A_4 = arith.constant 128 : i32
    %add3A_5 = arith.addi %mul3A_3, %add3A_4 : i32
    "tpu.region"() ({
      %run_scoped3A = tpu.sem_alloc : memref<!tpu.dma_semaphore, #tpu.memory_space<semaphore_mem>>
      %dma_start3A_112 = arith.constant 0 : i32
      %dma_start3A_113 = arith.constant 0 : i32
      %dma_start3A_114 = tpu.memref_slice %arg13[%dma_start3A_112, %dma_start3A_113] : memref<128x128xf32, #tpu.memory_space<vmem>> -> memref<128x128xf32, #tpu.memory_space<vmem>>
      %dma_start3A_115 = arith.constant 0 : i32
      %dma_start3A_116 = tpu.memref_slice %arg15[%add3A_5, %dma_start3A_115] : memref<10000x128xf32, #tpu.memory_space<vmem_shared>> -> memref<128x128xf32, #tpu.memory_space<vmem_shared>>
      %dma_start3A_117 = arith.constant 0 : i32
      %dma_start3A_118 = tpu.memref_slice %arg15[%add3A_5, %dma_start3A_117] : memref<10000x128xf32, #tpu.memory_space<vmem_shared>> -> memref<128x128xf32, #tpu.memory_space<vmem_shared>>
      %dma_start3A_119 = arith.constant 0 : i32
      %dma_start3A_120 = arith.constant 0 : i32
      %dma_start3A_121 = tpu.memref_slice %arg13[%dma_start3A_119, %dma_start3A_120] : memref<128x128xf32, #tpu.memory_space<vmem>> -> memref<128x128xf32, #tpu.memory_space<vmem>>
      tpu.enqueue_dma source(%dma_start3A_121 : memref<128x128xf32, #tpu.memory_space<vmem>>) target(%dma_start3A_118 : memref<128x128xf32, #tpu.memory_space<vmem_shared>>) target_semaphore(%run_scoped3A : memref<!tpu.dma_semaphore, #tpu.memory_space<semaphore_mem>>)
      %dma_wait3A_122 = arith.constant 0 : i32
      %dma_wait3A_123 = arith.constant 0 : i32
      %dma_wait3A_124 = tpu.memref_slice %arg13[%dma_wait3A_122, %dma_wait3A_123] : memref<128x128xf32, #tpu.memory_space<vmem>> -> memref<128x128xf32, #tpu.memory_space<vmem>>
      %dma_wait3A_125 = arith.constant 0 : i32
      %dma_wait3A_126 = tpu.memref_slice %arg15[%add3A_5, %dma_wait3A_125] : memref<10000x128xf32, #tpu.memory_space<vmem_shared>> -> memref<128x128xf32, #tpu.memory_space<vmem_shared>>
      %dma_wait3A_127 = arith.constant 0 : i32
      %dma_wait3A_128 = tpu.memref_slice %arg15[%add3A_5, %dma_wait3A_127] : memref<10000x128xf32, #tpu.memory_space<vmem_shared>> -> memref<128x128xf32, #tpu.memory_space<vmem_shared>>
      %dma_wait3A_129 = arith.constant 0 : i32
      %dma_wait3A_130 = arith.constant 0 : i32
      %dma_wait3A_131 = tpu.memref_slice %arg13[%dma_wait3A_129, %dma_wait3A_130] : memref<128x128xf32, #tpu.memory_space<vmem>> -> memref<128x128xf32, #tpu.memory_space<vmem>>
      tpu.wait_dma2 semaphore(%run_scoped3A : memref<!tpu.dma_semaphore, #tpu.memory_space<semaphore_mem>>) src(%dma_wait3A_131 : memref<128x128xf32, #tpu.memory_space<vmem>>) dst(%dma_wait3A_128 : memref<128x128xf32, #tpu.memory_space<vmem_shared>>)
      tpu.yield
    }) : () -> ()
    %mul3A_6 = arith.constant 624 : i32
    %mul3A_7 = arith.muli %arg1, %mul3A_6 : i32
    %add3A_8 = arith.constant 256 : i32
    %add3A_9 = arith.addi %mul3A_7, %add3A_8 : i32
    "tpu.region"() ({
      %run_scoped3A = tpu.sem_alloc : memref<!tpu.dma_semaphore, #tpu.memory_space<semaphore_mem>>
      %dma_start3A_112 = arith.constant 0 : i32
      %dma_start3A_113 = arith.constant 0 : i32
      %dma_start3A_114 = tpu.memref_slice %arg13[%dma_start3A_112, %dma_start3A_113] : memref<128x128xf32, #tpu.memory_space<vmem>> -> memref<128x128xf32, #tpu.memory_space<vmem>>
      %dma_start3A_115 = arith.constant 0 : i32
      %dma_start3A_116 = tpu.memref_slice %arg15[%add3A_9, %dma_start3A_115] : memref<10000x128xf32, #tpu.memory_space<vmem_shared>> -> memref<128x128xf32, #tpu.memory_space<vmem_shared>>
      %dma_start3A_117 = arith.constant 0 : i32
      %dma_start3A_118 = tpu.memref_slice %arg15[%add3A_9, %dma_start3A_117] : memref<10000x128xf32, #tpu.memory_space<vmem_shared>> -> memref<128x128xf32, #tpu.memory_space<vmem_shared>>
      %dma_start3A_119 = arith.constant 0 : i32
      %dma_start3A_120 = arith.constant 0 : i32
      %dma_start3A_121 = tpu.memref_slice %arg13[%dma_start3A_119, %dma_start3A_120] : memref<128x128xf32, #tpu.memory_space<vmem>> -> memref<128x128xf32, #tpu.memory_space<vmem>>
      tpu.enqueue_dma source(%dma_start3A_121 : memref<128x128xf32, #tpu.memory_space<vmem>>) target(%dma_start3A_118 : memref<128x128xf32, #tpu.memory_space<vmem_shared>>) target_semaphore(%run_scoped3A : memref<!tpu.dma_semaphore, #tpu.memory_space<semaphore_mem>>)
      %dma_wait3A_122 = arith.constant 0 : i32
      %dma_wait3A_123 = arith.constant 0 : i32
      %dma_wait3A_124 = tpu.memref_slice %arg13[%dma_wait3A_122, %dma_wait3A_123] : memref<128x128xf32, #tpu.memory_space<vmem>> -> memref<128x128xf32, #tpu.memory_space<vmem>>
      %dma_wait3A_125 = arith.constant 0 : i32
      %dma_wait3A_126 = tpu.memref_slice %arg15[%add3A_9, %dma_wait3A_125] : memref<10000x128xf32, #tpu.memory_space<vmem_shared>> -> memref<128x128xf32, #tpu.memory_space<vmem_shared>>
      %dma_wait3A_127 = arith.constant 0 : i32
      %dma_wait3A_128 = tpu.memref_slice %arg15[%add3A_9, %dma_wait3A_127] : memref<10000x128xf32, #tpu.memory_space<vmem_shared>> -> memref<128x128xf32, #tpu.memory_space<vmem_shared>>
      %dma_wait3A_129 = arith.constant 0 : i32
      %dma_wait3A_130 = arith.constant 0 : i32
      %dma_wait3A_131 = tpu.memref_slice %arg13[%dma_wait3A_129, %dma_wait3A_130] : memref<128x128xf32, #tpu.memory_space<vmem>> -> memref<128x128xf32, #tpu.memory_space<vmem>>
      tpu.wait_dma2 semaphore(%run_scoped3A : memref<!tpu.dma_semaphore, #tpu.memory_space<semaphore_mem>>) src(%dma_wait3A_131 : memref<128x128xf32, #tpu.memory_space<vmem>>) dst(%dma_wait3A_128 : memref<128x128xf32, #tpu.memory_space<vmem_shared>>)
      tpu.yield
    }) : () -> ()
    %mul3A_10 = arith.constant 624 : i32
    %mul3A_11 = arith.muli %arg1, %mul3A_10 : i32
    %add3A_12 = arith.constant 384 : i32
    %add3A_13 = arith.addi %mul3A_11, %add3A_12 : i32
    "tpu.region"() ({
      %run_scoped3A = tpu.sem_alloc : memref<!tpu.dma_semaphore, #tpu.memory_space<semaphore_mem>>
      %dma_start3A_112 = arith.constant 0 : i32
      %dma_start3A_113 = arith.constant 0 : i32
      %dma_start3A_114 = tpu.memref_slice %arg13[%dma_start3A_112, %dma_start3A_113] : memref<128x128xf32, #tpu.memory_space<vmem>> -> memref<128x128xf32, #tpu.memory_space<vmem>>
      %dma_start3A_115 = arith.constant 0 : i32
      %dma_start3A_116 = tpu.memref_slice %arg15[%add3A_13, %dma_start3A_115] : memref<10000x128xf32, #tpu.memory_space<vmem_shared>> -> memref<128x128xf32, #tpu.memory_space<vmem_shared>>
      %dma_start3A_117 = arith.constant 0 : i32
      %dma_start3A_118 = tpu.memref_slice %arg15[%add3A_13, %dma_start3A_117] : memref<10000x128xf32, #tpu.memory_space<vmem_shared>> -> memref<128x128xf32, #tpu.memory_space<vmem_shared>>
      %dma_start3A_119 = arith.constant 0 : i32
      %dma_start3A_120 = arith.constant 0 : i32
      %dma_start3A_121 = tpu.memref_slice %arg13[%dma_start3A_119, %dma_start3A_120] : memref<128x128xf32, #tpu.memory_space<vmem>> -> memref<128x128xf32, #tpu.memory_space<vmem>>
      tpu.enqueue_dma source(%dma_start3A_121 : memref<128x128xf32, #tpu.memory_space<vmem>>) target(%dma_start3A_118 : memref<128x128xf32, #tpu.memory_space<vmem_shared>>) target_semaphore(%run_scoped3A : memref<!tpu.dma_semaphore, #tpu.memory_space<semaphore_mem>>)
      %dma_wait3A_122 = arith.constant 0 : i32
      %dma_wait3A_123 = arith.constant 0 : i32
      %dma_wait3A_124 = tpu.memref_slice %arg13[%dma_wait3A_122, %dma_wait3A_123] : memref<128x128xf32, #tpu.memory_space<vmem>> -> memref<128x128xf32, #tpu.memory_space<vmem>>
      %dma_wait3A_125 = arith.constant 0 : i32
      %dma_wait3A_126 = tpu.memref_slice %arg15[%add3A_13, %dma_wait3A_125] : memref<10000x128xf32, #tpu.memory_space<vmem_shared>> -> memref<128x128xf32, #tpu.memory_space<vmem_shared>>
      %dma_wait3A_127 = arith.constant 0 : i32
      %dma_wait3A_128 = tpu.memref_slice %arg15[%add3A_13, %dma_wait3A_127] : memref<10000x128xf32, #tpu.memory_space<vmem_shared>> -> memref<128x128xf32, #tpu.memory_space<vmem_shared>>
      %dma_wait3A_129 = arith.constant 0 : i32
      %dma_wait3A_130 = arith.constant 0 : i32
      %dma_wait3A_131 = tpu.memref_slice %arg13[%dma_wait3A_129, %dma_wait3A_130] : memref<128x128xf32, #tpu.memory_space<vmem>> -> memref<128x128xf32, #tpu.memory_space<vmem>>
      tpu.wait_dma2 semaphore(%run_scoped3A : memref<!tpu.dma_semaphore, #tpu.memory_space<semaphore_mem>>) src(%dma_wait3A_131 : memref<128x128xf32, #tpu.memory_space<vmem>>) dst(%dma_wait3A_128 : memref<128x128xf32, #tpu.memory_space<vmem_shared>>)
      tpu.yield
    }) : () -> ()
    %mul3A_14 = arith.constant 624 : i32
    %mul3A_15 = arith.muli %arg1, %mul3A_14 : i32
    %add3A_16 = arith.constant 512 : i32
    %add3A_17 = arith.addi %mul3A_15, %add3A_16 : i32
    "tpu.region"() ({
      %run_scoped3A = tpu.sem_alloc : memref<!tpu.dma_semaphore, #tpu.memory_space<semaphore_mem>>
      %dma_start3A_112 = arith.constant 0 : i32
      %dma_start3A_113 = arith.constant 0 : i32
      %dma_start3A_114 = tpu.memref_slice %arg13[%dma_start3A_112, %dma_start3A_113] : memref<128x128xf32, #tpu.memory_space<vmem>> -> memref<112x128xf32, #tpu.memory_space<vmem>>
      %dma_start3A_115 = arith.constant 0 : i32
      %dma_start3A_116 = tpu.memref_slice %arg15[%add3A_17, %dma_start3A_115] : memref<10000x128xf32, #tpu.memory_space<vmem_shared>> -> memref<112x128xf32, #tpu.memory_space<vmem_shared>>
      %dma_start3A_117 = arith.constant 0 : i32
      %dma_start3A_118 = tpu.memref_slice %arg15[%add3A_17, %dma_start3A_117] : memref<10000x128xf32, #tpu.memory_space<vmem_shared>> -> memref<112x128xf32, #tpu.memory_space<vmem_shared>>
      %dma_start3A_119 = arith.constant 0 : i32
      %dma_start3A_120 = arith.constant 0 : i32
      %dma_start3A_121 = tpu.memref_slice %arg13[%dma_start3A_119, %dma_start3A_120] : memref<128x128xf32, #tpu.memory_space<vmem>> -> memref<112x128xf32, #tpu.memory_space<vmem>>
      tpu.enqueue_dma source(%dma_start3A_121 : memref<112x128xf32, #tpu.memory_space<vmem>>) target(%dma_start3A_118 : memref<112x128xf32, #tpu.memory_space<vmem_shared>>) target_semaphore(%run_scoped3A : memref<!tpu.dma_semaphore, #tpu.memory_space<semaphore_mem>>)
      %dma_wait3A_122 = arith.constant 0 : i32
      %dma_wait3A_123 = arith.constant 0 : i32
      %dma_wait3A_124 = tpu.memref_slice %arg13[%dma_wait3A_122, %dma_wait3A_123] : memref<128x128xf32, #tpu.memory_space<vmem>> -> memref<112x128xf32, #tpu.memory_space<vmem>>
      %dma_wait3A_125 = arith.constant 0 : i32
      %dma_wait3A_126 = tpu.memref_slice %arg15[%add3A_17, %dma_wait3A_125] : memref<10000x128xf32, #tpu.memory_space<vmem_shared>> -> memref<112x128xf32, #tpu.memory_space<vmem_shared>>
      %dma_wait3A_127 = arith.constant 0 : i32
      %dma_wait3A_128 = tpu.memref_slice %arg15[%add3A_17, %dma_wait3A_127] : memref<10000x128xf32, #tpu.memory_space<vmem_shared>> -> memref<112x128xf32, #tpu.memory_space<vmem_shared>>
      %dma_wait3A_129 = arith.constant 0 : i32
      %dma_wait3A_130 = arith.constant 0 : i32
      %dma_wait3A_131 = tpu.memref_slice %arg13[%dma_wait3A_129, %dma_wait3A_130] : memref<128x128xf32, #tpu.memory_space<vmem>> -> memref<112x128xf32, #tpu.memory_space<vmem>>
      tpu.wait_dma2 semaphore(%run_scoped3A : memref<!tpu.dma_semaphore, #tpu.memory_space<semaphore_mem>>) src(%dma_wait3A_131 : memref<112x128xf32, #tpu.memory_space<vmem>>) dst(%dma_wait3A_128 : memref<112x128xf32, #tpu.memory_space<vmem_shared>>)
      tpu.yield
    }) : () -> ()
    %eq3A = arith.constant 0 : i32
    %eq3A_18 = arith.cmpi eq, %arg1, %eq3A : i32
    %convert_element_type3A = arith.extui %eq3A_18 : i1 to i32
    %cond3A = arith.constant 0 : i32
    %cond3A_19 = arith.cmpi ne, %convert_element_type3A, %cond3A : i32
    scf.if %cond3A_19 {
      "tpu.region"() ({
        %run_scoped3A = tpu.sem_alloc : memref<!tpu.dma_semaphore, #tpu.memory_space<semaphore_mem>>
        %dma_start3A_112 = arith.constant 0 : i32
        %dma_start3A_113 = arith.constant 0 : i32
        %dma_start3A_114 = tpu.memref_slice %arg13[%dma_start3A_112, %dma_start3A_113] : memref<128x128xf32, #tpu.memory_space<vmem>> -> memref<16x128xf32, #tpu.memory_space<vmem>>
        %dma_start3A_115 = arith.constant 9984 : i32
        %dma_start3A_116 = arith.constant 0 : i32
        %dma_start3A_117 = tpu.memref_slice %arg15[%dma_start3A_115, %dma_start3A_116] : memref<10000x128xf32, #tpu.memory_space<vmem_shared>> -> memref<16x128xf32, #tpu.memory_space<vmem_shared>>
        %dma_start3A_118 = arith.constant 9984 : i32
        %dma_start3A_119 = arith.constant 0 : i32
        %dma_start3A_120 = tpu.memref_slice %arg15[%dma_start3A_118, %dma_start3A_119] : memref<10000x128xf32, #tpu.memory_space<vmem_shared>> -> memref<16x128xf32, #tpu.memory_space<vmem_shared>>
        %dma_start3A_121 = arith.constant 0 : i32
        %dma_start3A_122 = arith.constant 0 : i32
        %dma_start3A_123 = tpu.memref_slice %arg13[%dma_start3A_121, %dma_start3A_122] : memref<128x128xf32, #tpu.memory_space<vmem>> -> memref<16x128xf32, #tpu.memory_space<vmem>>
        tpu.enqueue_dma source(%dma_start3A_123 : memref<16x128xf32, #tpu.memory_space<vmem>>) target(%dma_start3A_120 : memref<16x128xf32, #tpu.memory_space<vmem_shared>>) target_semaphore(%run_scoped3A : memref<!tpu.dma_semaphore, #tpu.memory_space<semaphore_mem>>)
        %dma_wait3A_124 = arith.constant 0 : i32
        %dma_wait3A_125 = arith.constant 0 : i32
        %dma_wait3A_126 = tpu.memref_slice %arg13[%dma_wait3A_124, %dma_wait3A_125] : memref<128x128xf32, #tpu.memory_space<vmem>> -> memref<16x128xf32, #tpu.memory_space<vmem>>
        %dma_wait3A_127 = arith.constant 9984 : i32
        %dma_wait3A_128 = arith.constant 0 : i32
        %dma_wait3A_129 = tpu.memref_slice %arg15[%dma_wait3A_127, %dma_wait3A_128] : memref<10000x128xf32, #tpu.memory_space<vmem_shared>> -> memref<16x128xf32, #tpu.memory_space<vmem_shared>>
        %dma_wait3A_130 = arith.constant 9984 : i32
        %dma_wait3A_131 = arith.constant 0 : i32
        %dma_wait3A_132 = tpu.memref_slice %arg15[%dma_wait3A_130, %dma_wait3A_131] : memref<10000x128xf32, #tpu.memory_space<vmem_shared>> -> memref<16x128xf32, #tpu.memory_space<vmem_shared>>
        %dma_wait3A_133 = arith.constant 0 : i32
        %dma_wait3A_134 = arith.constant 0 : i32
        %dma_wait3A_135 = tpu.memref_slice %arg13[%dma_wait3A_133, %dma_wait3A_134] : memref<128x128xf32, #tpu.memory_space<vmem>> -> memref<16x128xf32, #tpu.memory_space<vmem>>
        tpu.wait_dma2 semaphore(%run_scoped3A : memref<!tpu.dma_semaphore, #tpu.memory_space<semaphore_mem>>) src(%dma_wait3A_135 : memref<16x128xf32, #tpu.memory_space<vmem>>) dst(%dma_wait3A_132 : memref<16x128xf32, #tpu.memory_space<vmem_shared>>)
        tpu.yield
      }) : () -> ()
    } else {
    }
    %barrier3A = arith.constant 0 : index
    tpu.barrier barrier_id(%barrier3A)
    %mul3A_20 = arith.constant 10000 : i32
    %mul3A_21 = arith.muli %arg1, %mul3A_20 : i32
    %mul3A_22 = arith.constant 160000 : i32
    %mul3A_23 = arith.muli %arg0, %mul3A_22 : i32
    %add3A_24 = arith.addi %mul3A_23, %mul3A_21 : i32
    %add3A_25 = arith.constant 0 : i32
    %add3A_26 = arith.addi %add3A_24, %add3A_25 : i32
    "tpu.region"() ({
      %run_scoped3A = tpu.sem_alloc : memref<!tpu.dma_semaphore, #tpu.memory_space<semaphore_mem>>
      %dma_start3A_112 = tpu.memref_slice %arg2[%add3A_26] : memref<320000xi32, #tpu.memory_space<hbm>> -> memref<128xi32, #tpu.memory_space<hbm>>
      %dma_start3A_113 = tpu.memref_slice %arg2[%add3A_26] : memref<320000xi32, #tpu.memory_space<hbm>> -> memref<128xi32, #tpu.memory_space<hbm>>
      tpu.enqueue_dma source(%dma_start3A_113 : memref<128xi32, #tpu.memory_space<hbm>>) target(%arg7 : memref<128xi32, #tpu.memory_space<vmem>>) target_semaphore(%run_scoped3A : memref<!tpu.dma_semaphore, #tpu.memory_space<semaphore_mem>>)
      %dma_wait3A_114 = tpu.memref_slice %arg2[%add3A_26] : memref<320000xi32, #tpu.memory_space<hbm>> -> memref<128xi32, #tpu.memory_space<hbm>>
      %dma_wait3A_115 = tpu.memref_slice %arg2[%add3A_26] : memref<320000xi32, #tpu.memory_space<hbm>> -> memref<128xi32, #tpu.memory_space<hbm>>
      tpu.wait_dma2 semaphore(%run_scoped3A : memref<!tpu.dma_semaphore, #tpu.memory_space<semaphore_mem>>) src(%dma_wait3A_115 : memref<128xi32, #tpu.memory_space<hbm>>) dst(%arg7 : memref<128xi32, #tpu.memory_space<vmem>>)
      tpu.yield
    }) : () -> ()
    %add3A_27 = arith.constant 0 : i32
    %add3A_28 = arith.addi %mul3A_21, %add3A_27 : i32
    "tpu.region"() ({
      %run_scoped3A = tpu.sem_alloc : memref<!tpu.dma_semaphore, #tpu.memory_space<semaphore_mem>>
      %dma_start3A_112 = tpu.memref_slice %arg3[%add3A_28] : memref<160000xi32, #tpu.memory_space<hbm>> -> memref<128xi32, #tpu.memory_space<hbm>>
      %dma_start3A_113 = tpu.memref_slice %arg3[%add3A_28] : memref<160000xi32, #tpu.memory_space<hbm>> -> memref<128xi32, #tpu.memory_space<hbm>>
      tpu.enqueue_dma source(%dma_start3A_113 : memref<128xi32, #tpu.memory_space<hbm>>) target(%arg8 : memref<128xi32, #tpu.memory_space<vmem>>) target_semaphore(%run_scoped3A : memref<!tpu.dma_semaphore, #tpu.memory_space<semaphore_mem>>)
      %dma_wait3A_114 = tpu.memref_slice %arg3[%add3A_28] : memref<160000xi32, #tpu.memory_space<hbm>> -> memref<128xi32, #tpu.memory_space<hbm>>
      %dma_wait3A_115 = tpu.memref_slice %arg3[%add3A_28] : memref<160000xi32, #tpu.memory_space<hbm>> -> memref<128xi32, #tpu.memory_space<hbm>>
      tpu.wait_dma2 semaphore(%run_scoped3A : memref<!tpu.dma_semaphore, #tpu.memory_space<semaphore_mem>>) src(%dma_wait3A_115 : memref<128xi32, #tpu.memory_space<hbm>>) dst(%arg8 : memref<128xi32, #tpu.memory_space<vmem>>)
      tpu.yield
    }) : () -> ()
    %dma_start3A = arith.constant 0 : i32
    %dma_start3A_29 = arith.constant 0 : i32
    %dma_start3A_30 = tpu.memref_slice %arg4[%dma_start3A, %dma_start3A_29] : memref<20000x128xf32, #tpu.memory_space<hbm>> -> memref<20000x128xf32, #tpu.memory_space<hbm>>
    tpu.enqueue_indirect_dma source(%dma_start3A_30 : memref<20000x128xf32, #tpu.memory_space<hbm>>) target(%arg13 : memref<128x128xf32, #tpu.memory_space<vmem>>) offsets(%arg7 : memref<128xi32, #tpu.memory_space<vmem>>) semaphore(%arg16 : memref<!tpu.dma_semaphore, #tpu.memory_space<semaphore_mem>>)
    %add3A_31 = arith.constant 128 : i32
    %add3A_32 = arith.addi %add3A_24, %add3A_31 : i32
    "tpu.region"() ({
      %run_scoped3A = tpu.sem_alloc : memref<!tpu.dma_semaphore, #tpu.memory_space<semaphore_mem>>
      %dma_start3A_112 = tpu.memref_slice %arg2[%add3A_32] : memref<320000xi32, #tpu.memory_space<hbm>> -> memref<128xi32, #tpu.memory_space<hbm>>
      %dma_start3A_113 = tpu.memref_slice %arg2[%add3A_32] : memref<320000xi32, #tpu.memory_space<hbm>> -> memref<128xi32, #tpu.memory_space<hbm>>
      tpu.enqueue_dma source(%dma_start3A_113 : memref<128xi32, #tpu.memory_space<hbm>>) target(%arg9 : memref<128xi32, #tpu.memory_space<vmem>>) target_semaphore(%run_scoped3A : memref<!tpu.dma_semaphore, #tpu.memory_space<semaphore_mem>>)
      %dma_wait3A_114 = tpu.memref_slice %arg2[%add3A_32] : memref<320000xi32, #tpu.memory_space<hbm>> -> memref<128xi32, #tpu.memory_space<hbm>>
      %dma_wait3A_115 = tpu.memref_slice %arg2[%add3A_32] : memref<320000xi32, #tpu.memory_space<hbm>> -> memref<128xi32, #tpu.memory_space<hbm>>
      tpu.wait_dma2 semaphore(%run_scoped3A : memref<!tpu.dma_semaphore, #tpu.memory_space<semaphore_mem>>) src(%dma_wait3A_115 : memref<128xi32, #tpu.memory_space<hbm>>) dst(%arg9 : memref<128xi32, #tpu.memory_space<vmem>>)
      tpu.yield
    }) : () -> ()
    %add3A_33 = arith.constant 128 : i32
    %add3A_34 = arith.addi %mul3A_21, %add3A_33 : i32
    "tpu.region"() ({
      %run_scoped3A = tpu.sem_alloc : memref<!tpu.dma_semaphore, #tpu.memory_space<semaphore_mem>>
      %dma_start3A_112 = tpu.memref_slice %arg3[%add3A_34] : memref<160000xi32, #tpu.memory_space<hbm>> -> memref<128xi32, #tpu.memory_space<hbm>>
      %dma_start3A_113 = tpu.memref_slice %arg3[%add3A_34] : memref<160000xi32, #tpu.memory_space<hbm>> -> memref<128xi32, #tpu.memory_space<hbm>>
      tpu.enqueue_dma source(%dma_start3A_113 : memref<128xi32, #tpu.memory_space<hbm>>) target(%arg10 : memref<128xi32, #tpu.memory_space<vmem>>) target_semaphore(%run_scoped3A : memref<!tpu.dma_semaphore, #tpu.memory_space<semaphore_mem>>)
      %dma_wait3A_114 = tpu.memref_slice %arg3[%add3A_34] : memref<160000xi32, #tpu.memory_space<hbm>> -> memref<128xi32, #tpu.memory_space<hbm>>
      %dma_wait3A_115 = tpu.memref_slice %arg3[%add3A_34] : memref<160000xi32, #tpu.memory_space<hbm>> -> memref<128xi32, #tpu.memory_space<hbm>>
      tpu.wait_dma2 semaphore(%run_scoped3A : memref<!tpu.dma_semaphore, #tpu.memory_space<semaphore_mem>>) src(%dma_wait3A_115 : memref<128xi32, #tpu.memory_space<hbm>>) dst(%arg10 : memref<128xi32, #tpu.memory_space<vmem>>)
      tpu.yield
    }) : () -> ()
    %dma_start3A_35 = arith.constant 0 : i32
    %dma_start3A_36 = arith.constant 0 : i32
    %dma_start3A_37 = tpu.memref_slice %arg4[%dma_start3A_35, %dma_start3A_36] : memref<20000x128xf32, #tpu.memory_space<hbm>> -> memref<20000x128xf32, #tpu.memory_space<hbm>>
    tpu.enqueue_indirect_dma source(%dma_start3A_37 : memref<20000x128xf32, #tpu.memory_space<hbm>>) target(%arg14 : memref<128x128xf32, #tpu.memory_space<vmem>>) offsets(%arg9 : memref<128xi32, #tpu.memory_space<vmem>>) semaphore(%arg17 : memref<!tpu.dma_semaphore, #tpu.memory_space<semaphore_mem>>)
    %scan3A = arith.constant 0 : i32
    %scan3A_38 = arith.constant 0 : i32
    %scan3A_39 = arith.constant 39 : i32
    %scan3A_40 = arith.addi %scan3A_38, %scan3A_39 : i32
    %scan3A_41 = arith.constant 1 : i32
    scf.for %scan3A_112 = %scan3A_38 to %scan3A_40 step %scan3A_41  : i32 {
      %mul3A_113 = arith.constant 2 : i32
      %mul3A_114 = arith.muli %mul3A_113, %scan3A_112 : i32
      %dma_wait3A_115 = arith.constant 0 : i32
      %dma_wait3A_116 = arith.constant 0 : i32
      %dma_wait3A_117 = tpu.memref_slice %arg4[%dma_wait3A_115, %dma_wait3A_116] : memref<20000x128xf32, #tpu.memory_space<hbm>> -> memref<20000x128xf32, #tpu.memory_space<hbm>>
      tpu.wait_indirect_dma semaphore(%arg16 : memref<!tpu.dma_semaphore, #tpu.memory_space<semaphore_mem>>) src(%dma_wait3A_117 : memref<20000x128xf32, #tpu.memory_space<hbm>>) dst(%arg13 : memref<128x128xf32, #tpu.memory_space<vmem>>)
      "tpu.region"() ({
        %run_scoped3A = tpu.sem_alloc : memref<!tpu.dma_semaphore, #tpu.memory_space<semaphore_mem>>
        %dma_start3A_130 = arith.constant 0 : i32
        %dma_start3A_131 = arith.constant 0 : i32
        %dma_start3A_132 = tpu.memref_slice %arg15[%dma_start3A_130, %dma_start3A_131] : memref<10000x128xf32, #tpu.memory_space<vmem_shared>> -> memref<10000x128xf32, #tpu.memory_space<vmem_shared>>
        tpu.enqueue_indirect_dma source(%arg13 : memref<128x128xf32, #tpu.memory_space<vmem>>) target(%dma_start3A_132 : memref<10000x128xf32, #tpu.memory_space<vmem_shared>>) offsets(%arg8 : memref<128xi32, #tpu.memory_space<vmem>>) semaphore(%run_scoped3A : memref<!tpu.dma_semaphore, #tpu.memory_space<semaphore_mem>>) {add = true}
        %dma_wait3A_133 = arith.constant 0 : i32
        %dma_wait3A_134 = arith.constant 0 : i32
        %dma_wait3A_135 = tpu.memref_slice %arg15[%dma_wait3A_133, %dma_wait3A_134] : memref<10000x128xf32, #tpu.memory_space<vmem_shared>> -> memref<10000x128xf32, #tpu.memory_space<vmem_shared>>
        tpu.wait_indirect_dma semaphore(%run_scoped3A : memref<!tpu.dma_semaphore, #tpu.memory_space<semaphore_mem>>) src(%arg13 : memref<128x128xf32, #tpu.memory_space<vmem>>) dst(%dma_wait3A_135 : memref<10000x128xf32, #tpu.memory_space<vmem_shared>>)
        tpu.yield
      }) : () -> ()
      %lt3A = arith.constant 38 : i32
      %lt3A_118 = arith.cmpi slt, %scan3A_112, %lt3A : i32
      %convert_element_type3A_119 = arith.extui %lt3A_118 : i1 to i32
      %cond3A_120 = arith.constant 0 : i32
      %cond3A_121 = arith.cmpi ne, %convert_element_type3A_119, %cond3A_120 : i32
      scf.if %cond3A_121 {
        %add3A_130 = arith.constant 2 : i32
        %add3A_131 = arith.addi %mul3A_114, %add3A_130 : i32
        %mul3A_132 = arith.constant 128 : i32
        %mul3A_133 = arith.muli %add3A_131, %mul3A_132 : i32
        %add3A_134 = arith.addi %add3A_24, %mul3A_133 : i32
        "tpu.region"() ({
          %run_scoped3A = tpu.sem_alloc : memref<!tpu.dma_semaphore, #tpu.memory_space<semaphore_mem>>
          %dma_start3A_141 = tpu.memref_slice %arg2[%add3A_134] : memref<320000xi32, #tpu.memory_space<hbm>> -> memref<128xi32, #tpu.memory_space<hbm>>
          %dma_start3A_142 = tpu.memref_slice %arg2[%add3A_134] : memref<320000xi32, #tpu.memory_space<hbm>> -> memref<128xi32, #tpu.memory_space<hbm>>
          tpu.enqueue_dma source(%dma_start3A_142 : memref<128xi32, #tpu.memory_space<hbm>>) target(%arg7 : memref<128xi32, #tpu.memory_space<vmem>>) target_semaphore(%run_scoped3A : memref<!tpu.dma_semaphore, #tpu.memory_space<semaphore_mem>>)
          %dma_wait3A_143 = tpu.memref_slice %arg2[%add3A_134] : memref<320000xi32, #tpu.memory_space<hbm>> -> memref<128xi32, #tpu.memory_space<hbm>>
          %dma_wait3A_144 = tpu.memref_slice %arg2[%add3A_134] : memref<320000xi32, #tpu.memory_space<hbm>> -> memref<128xi32, #tpu.memory_space<hbm>>
          tpu.wait_dma2 semaphore(%run_scoped3A : memref<!tpu.dma_semaphore, #tpu.memory_space<semaphore_mem>>) src(%dma_wait3A_144 : memref<128xi32, #tpu.memory_space<hbm>>) dst(%arg7 : memref<128xi32, #tpu.memory_space<vmem>>)
          tpu.yield
        }) : () -> ()
        %mul3A_135 = arith.constant 128 : i32
        %mul3A_136 = arith.muli %add3A_131, %mul3A_135 : i32
        %add3A_137 = arith.addi %mul3A_21, %mul3A_136 : i32
        "tpu.region"() ({
          %run_scoped3A = tpu.sem_alloc : memref<!tpu.dma_semaphore, #tpu.memory_space<semaphore_mem>>
          %dma_start3A_141 = tpu.memref_slice %arg3[%add3A_137] : memref<160000xi32, #tpu.memory_space<hbm>> -> memref<128xi32, #tpu.memory_space<hbm>>
          %dma_start3A_142 = tpu.memref_slice %arg3[%add3A_137] : memref<160000xi32, #tpu.memory_space<hbm>> -> memref<128xi32, #tpu.memory_space<hbm>>
          tpu.enqueue_dma source(%dma_start3A_142 : memref<128xi32, #tpu.memory_space<hbm>>) target(%arg8 : memref<128xi32, #tpu.memory_space<vmem>>) target_semaphore(%run_scoped3A : memref<!tpu.dma_semaphore, #tpu.memory_space<semaphore_mem>>)
          %dma_wait3A_143 = tpu.memref_slice %arg3[%add3A_137] : memref<160000xi32, #tpu.memory_space<hbm>> -> memref<128xi32, #tpu.memory_space<hbm>>
          %dma_wait3A_144 = tpu.memref_slice %arg3[%add3A_137] : memref<160000xi32, #tpu.memory_space<hbm>> -> memref<128xi32, #tpu.memory_space<hbm>>
          tpu.wait_dma2 semaphore(%run_scoped3A : memref<!tpu.dma_semaphore, #tpu.memory_space<semaphore_mem>>) src(%dma_wait3A_144 : memref<128xi32, #tpu.memory_space<hbm>>) dst(%arg8 : memref<128xi32, #tpu.memory_space<vmem>>)
          tpu.yield
        }) : () -> ()
        %dma_start3A_138 = arith.constant 0 : i32
        %dma_start3A_139 = arith.constant 0 : i32
        %dma_start3A_140 = tpu.memref_slice %arg4[%dma_start3A_138, %dma_start3A_139] : memref<20000x128xf32, #tpu.memory_space<hbm>> -> memref<20000x128xf32, #tpu.memory_space<hbm>>
        tpu.enqueue_indirect_dma source(%dma_start3A_140 : memref<20000x128xf32, #tpu.memory_space<hbm>>) target(%arg13 : memref<128x128xf32, #tpu.memory_space<vmem>>) offsets(%arg7 : memref<128xi32, #tpu.memory_space<vmem>>) semaphore(%arg16 : memref<!tpu.dma_semaphore, #tpu.memory_space<semaphore_mem>>)
      } else {
      }
      %dma_wait3A_122 = arith.constant 0 : i32
      %dma_wait3A_123 = arith.constant 0 : i32
      %dma_wait3A_124 = tpu.memref_slice %arg4[%dma_wait3A_122, %dma_wait3A_123] : memref<20000x128xf32, #tpu.memory_space<hbm>> -> memref<20000x128xf32, #tpu.memory_space<hbm>>
      tpu.wait_indirect_dma semaphore(%arg17 : memref<!tpu.dma_semaphore, #tpu.memory_space<semaphore_mem>>) src(%dma_wait3A_124 : memref<20000x128xf32, #tpu.memory_space<hbm>>) dst(%arg14 : memref<128x128xf32, #tpu.memory_space<vmem>>)
      "tpu.region"() ({
        %run_scoped3A = tpu.sem_alloc : memref<!tpu.dma_semaphore, #tpu.memory_space<semaphore_mem>>
        %dma_start3A_130 = arith.constant 0 : i32
        %dma_start3A_131 = arith.constant 0 : i32
        %dma_start3A_132 = tpu.memref_slice %arg15[%dma_start3A_130, %dma_start3A_131] : memref<10000x128xf32, #tpu.memory_space<vmem_shared>> -> memref<10000x128xf32, #tpu.memory_space<vmem_shared>>
        tpu.enqueue_indirect_dma source(%arg14 : memref<128x128xf32, #tpu.memory_space<vmem>>) target(%dma_start3A_132 : memref<10000x128xf32, #tpu.memory_space<vmem_shared>>) offsets(%arg10 : memref<128xi32, #tpu.memory_space<vmem>>) semaphore(%run_scoped3A : memref<!tpu.dma_semaphore, #tpu.memory_space<semaphore_mem>>) {add = true}
        %dma_wait3A_133 = arith.constant 0 : i32
        %dma_wait3A_134 = arith.constant 0 : i32
        %dma_wait3A_135 = tpu.memref_slice %arg15[%dma_wait3A_133, %dma_wait3A_134] : memref<10000x128xf32, #tpu.memory_space<vmem_shared>> -> memref<10000x128xf32, #tpu.memory_space<vmem_shared>>
        tpu.wait_indirect_dma semaphore(%run_scoped3A : memref<!tpu.dma_semaphore, #tpu.memory_space<semaphore_mem>>) src(%arg14 : memref<128x128xf32, #tpu.memory_space<vmem>>) dst(%dma_wait3A_135 : memref<10000x128xf32, #tpu.memory_space<vmem_shared>>)
        tpu.yield
      }) : () -> ()
      %lt3A_125 = arith.constant 38 : i32
      %lt3A_126 = arith.cmpi slt, %scan3A_112, %lt3A_125 : i32
      %convert_element_type3A_127 = arith.extui %lt3A_126 : i1 to i32
      %cond3A_128 = arith.constant 0 : i32
      %cond3A_129 = arith.cmpi ne, %convert_element_type3A_127, %cond3A_128 : i32
      scf.if %cond3A_129 {
        %add3A_130 = arith.constant 3 : i32
        %add3A_131 = arith.addi %mul3A_114, %add3A_130 : i32
        %mul3A_132 = arith.constant 128 : i32
        %mul3A_133 = arith.muli %add3A_131, %mul3A_132 : i32
        %add3A_134 = arith.addi %add3A_24, %mul3A_133 : i32
        "tpu.region"() ({
          %run_scoped3A = tpu.sem_alloc : memref<!tpu.dma_semaphore, #tpu.memory_space<semaphore_mem>>
          %dma_start3A_141 = tpu.memref_slice %arg2[%add3A_134] : memref<320000xi32, #tpu.memory_space<hbm>> -> memref<128xi32, #tpu.memory_space<hbm>>
          %dma_start3A_142 = tpu.memref_slice %arg2[%add3A_134] : memref<320000xi32, #tpu.memory_space<hbm>> -> memref<128xi32, #tpu.memory_space<hbm>>
          tpu.enqueue_dma source(%dma_start3A_142 : memref<128xi32, #tpu.memory_space<hbm>>) target(%arg9 : memref<128xi32, #tpu.memory_space<vmem>>) target_semaphore(%run_scoped3A : memref<!tpu.dma_semaphore, #tpu.memory_space<semaphore_mem>>)
          %dma_wait3A_143 = tpu.memref_slice %arg2[%add3A_134] : memref<320000xi32, #tpu.memory_space<hbm>> -> memref<128xi32, #tpu.memory_space<hbm>>
          %dma_wait3A_144 = tpu.memref_slice %arg2[%add3A_134] : memref<320000xi32, #tpu.memory_space<hbm>> -> memref<128xi32, #tpu.memory_space<hbm>>
          tpu.wait_dma2 semaphore(%run_scoped3A : memref<!tpu.dma_semaphore, #tpu.memory_space<semaphore_mem>>) src(%dma_wait3A_144 : memref<128xi32, #tpu.memory_space<hbm>>) dst(%arg9 : memref<128xi32, #tpu.memory_space<vmem>>)
          tpu.yield
        }) : () -> ()
        %mul3A_135 = arith.constant 128 : i32
        %mul3A_136 = arith.muli %add3A_131, %mul3A_135 : i32
        %add3A_137 = arith.addi %mul3A_21, %mul3A_136 : i32
        "tpu.region"() ({
          %run_scoped3A = tpu.sem_alloc : memref<!tpu.dma_semaphore, #tpu.memory_space<semaphore_mem>>
          %dma_start3A_141 = tpu.memref_slice %arg3[%add3A_137] : memref<160000xi32, #tpu.memory_space<hbm>> -> memref<128xi32, #tpu.memory_space<hbm>>
          %dma_start3A_142 = tpu.memref_slice %arg3[%add3A_137] : memref<160000xi32, #tpu.memory_space<hbm>> -> memref<128xi32, #tpu.memory_space<hbm>>
          tpu.enqueue_dma source(%dma_start3A_142 : memref<128xi32, #tpu.memory_space<hbm>>) target(%arg10 : memref<128xi32, #tpu.memory_space<vmem>>) target_semaphore(%run_scoped3A : memref<!tpu.dma_semaphore, #tpu.memory_space<semaphore_mem>>)
          %dma_wait3A_143 = tpu.memref_slice %arg3[%add3A_137] : memref<160000xi32, #tpu.memory_space<hbm>> -> memref<128xi32, #tpu.memory_space<hbm>>
          %dma_wait3A_144 = tpu.memref_slice %arg3[%add3A_137] : memref<160000xi32, #tpu.memory_space<hbm>> -> memref<128xi32, #tpu.memory_space<hbm>>
          tpu.wait_dma2 semaphore(%run_scoped3A : memref<!tpu.dma_semaphore, #tpu.memory_space<semaphore_mem>>) src(%dma_wait3A_144 : memref<128xi32, #tpu.memory_space<hbm>>) dst(%arg10 : memref<128xi32, #tpu.memory_space<vmem>>)
          tpu.yield
        }) : () -> ()
        %dma_start3A_138 = arith.constant 0 : i32
        %dma_start3A_139 = arith.constant 0 : i32
        %dma_start3A_140 = tpu.memref_slice %arg4[%dma_start3A_138, %dma_start3A_139] : memref<20000x128xf32, #tpu.memory_space<hbm>> -> memref<20000x128xf32, #tpu.memory_space<hbm>>
        tpu.enqueue_indirect_dma source(%dma_start3A_140 : memref<20000x128xf32, #tpu.memory_space<hbm>>) target(%arg14 : memref<128x128xf32, #tpu.memory_space<vmem>>) offsets(%arg9 : memref<128xi32, #tpu.memory_space<vmem>>) semaphore(%arg17 : memref<!tpu.dma_semaphore, #tpu.memory_space<semaphore_mem>>)
      } else {
      }
    }
    %scan3A_42 = arith.constant 39 : i32
    %add3A_43 = arith.constant 9984 : i32
    %add3A_44 = arith.addi %mul3A_21, %add3A_43 : i32
    %mul3A_45 = arith.constant 160000 : i32
    %mul3A_46 = arith.muli %arg0, %mul3A_45 : i32
    %add3A_47 = arith.addi %mul3A_46, %add3A_44 : i32
    "tpu.region"() ({
      %run_scoped3A = tpu.sem_alloc : memref<!tpu.dma_semaphore, #tpu.memory_space<semaphore_mem>>
      %dma_start3A_112 = tpu.memref_slice %arg2[%add3A_47] : memref<320000xi32, #tpu.memory_space<hbm>> -> memref<16xi32, #tpu.memory_space<hbm>>
      %dma_start3A_113 = tpu.memref_slice %arg2[%add3A_47] : memref<320000xi32, #tpu.memory_space<hbm>> -> memref<16xi32, #tpu.memory_space<hbm>>
      tpu.enqueue_dma source(%dma_start3A_113 : memref<16xi32, #tpu.memory_space<hbm>>) target(%arg11 : memref<16xi32, #tpu.memory_space<vmem>>) target_semaphore(%run_scoped3A : memref<!tpu.dma_semaphore, #tpu.memory_space<semaphore_mem>>)
      %dma_wait3A_114 = tpu.memref_slice %arg2[%add3A_47] : memref<320000xi32, #tpu.memory_space<hbm>> -> memref<16xi32, #tpu.memory_space<hbm>>
      %dma_wait3A_115 = tpu.memref_slice %arg2[%add3A_47] : memref<320000xi32, #tpu.memory_space<hbm>> -> memref<16xi32, #tpu.memory_space<hbm>>
      tpu.wait_dma2 semaphore(%run_scoped3A : memref<!tpu.dma_semaphore, #tpu.memory_space<semaphore_mem>>) src(%dma_wait3A_115 : memref<16xi32, #tpu.memory_space<hbm>>) dst(%arg11 : memref<16xi32, #tpu.memory_space<vmem>>)
      tpu.yield
    }) : () -> ()
    "tpu.region"() ({
      %run_scoped3A = tpu.sem_alloc : memref<!tpu.dma_semaphore, #tpu.memory_space<semaphore_mem>>
      %dma_start3A_112 = tpu.memref_slice %arg3[%add3A_44] : memref<160000xi32, #tpu.memory_space<hbm>> -> memref<16xi32, #tpu.memory_space<hbm>>
      %dma_start3A_113 = tpu.memref_slice %arg3[%add3A_44] : memref<160000xi32, #tpu.memory_space<hbm>> -> memref<16xi32, #tpu.memory_space<hbm>>
      tpu.enqueue_dma source(%dma_start3A_113 : memref<16xi32, #tpu.memory_space<hbm>>) target(%arg12 : memref<16xi32, #tpu.memory_space<vmem>>) target_semaphore(%run_scoped3A : memref<!tpu.dma_semaphore, #tpu.memory_space<semaphore_mem>>)
      %dma_wait3A_114 = tpu.memref_slice %arg3[%add3A_44] : memref<160000xi32, #tpu.memory_space<hbm>> -> memref<16xi32, #tpu.memory_space<hbm>>
      %dma_wait3A_115 = tpu.memref_slice %arg3[%add3A_44] : memref<160000xi32, #tpu.memory_space<hbm>> -> memref<16xi32, #tpu.memory_space<hbm>>
      tpu.wait_dma2 semaphore(%run_scoped3A : memref<!tpu.dma_semaphore, #tpu.memory_space<semaphore_mem>>) src(%dma_wait3A_115 : memref<16xi32, #tpu.memory_space<hbm>>) dst(%arg12 : memref<16xi32, #tpu.memory_space<vmem>>)
      tpu.yield
    }) : () -> ()
    %dma_start3A_48 = arith.constant 0 : i32
    %dma_start3A_49 = arith.constant 0 : i32
    %dma_start3A_50 = tpu.memref_slice %arg13[%dma_start3A_48, %dma_start3A_49] : memref<128x128xf32, #tpu.memory_space<vmem>> -> memref<16x128xf32, #tpu.memory_space<vmem>>
    %dma_start3A_51 = arith.constant 0 : i32
    %dma_start3A_52 = arith.constant 0 : i32
    %dma_start3A_53 = tpu.memref_slice %arg4[%dma_start3A_51, %dma_start3A_52] : memref<20000x128xf32, #tpu.memory_space<hbm>> -> memref<20000x128xf32, #tpu.memory_space<hbm>>
    tpu.enqueue_indirect_dma source(%dma_start3A_53 : memref<20000x128xf32, #tpu.memory_space<hbm>>) target(%dma_start3A_50 : memref<16x128xf32, #tpu.memory_space<vmem>>) offsets(%arg11 : memref<16xi32, #tpu.memory_space<vmem>>) semaphore(%arg16 : memref<!tpu.dma_semaphore, #tpu.memory_space<semaphore_mem>>)
    %dma_wait3A = arith.constant 0 : i32
    %dma_wait3A_54 = arith.constant 0 : i32
    %dma_wait3A_55 = tpu.memref_slice %arg13[%dma_wait3A, %dma_wait3A_54] : memref<128x128xf32, #tpu.memory_space<vmem>> -> memref<16x128xf32, #tpu.memory_space<vmem>>
    %dma_wait3A_56 = arith.constant 0 : i32
    %dma_wait3A_57 = arith.constant 0 : i32
    %dma_wait3A_58 = tpu.memref_slice %arg4[%dma_wait3A_56, %dma_wait3A_57] : memref<20000x128xf32, #tpu.memory_space<hbm>> -> memref<20000x128xf32, #tpu.memory_space<hbm>>
    tpu.wait_indirect_dma semaphore(%arg16 : memref<!tpu.dma_semaphore, #tpu.memory_space<semaphore_mem>>) src(%dma_wait3A_58 : memref<20000x128xf32, #tpu.memory_space<hbm>>) dst(%dma_wait3A_55 : memref<16x128xf32, #tpu.memory_space<vmem>>)
    "tpu.region"() ({
      %run_scoped3A = tpu.sem_alloc : memref<!tpu.dma_semaphore, #tpu.memory_space<semaphore_mem>>
      %dma_start3A_112 = arith.constant 0 : i32
      %dma_start3A_113 = arith.constant 0 : i32
      %dma_start3A_114 = tpu.memref_slice %arg13[%dma_start3A_112, %dma_start3A_113] : memref<128x128xf32, #tpu.memory_space<vmem>> -> memref<16x128xf32, #tpu.memory_space<vmem>>
      %dma_start3A_115 = arith.constant 0 : i32
      %dma_start3A_116 = arith.constant 0 : i32
      %dma_start3A_117 = tpu.memref_slice %arg15[%dma_start3A_115, %dma_start3A_116] : memref<10000x128xf32, #tpu.memory_space<vmem_shared>> -> memref<10000x128xf32, #tpu.memory_space<vmem_shared>>
      tpu.enqueue_indirect_dma source(%dma_start3A_114 : memref<16x128xf32, #tpu.memory_space<vmem>>) target(%dma_start3A_117 : memref<10000x128xf32, #tpu.memory_space<vmem_shared>>) offsets(%arg12 : memref<16xi32, #tpu.memory_space<vmem>>) semaphore(%run_scoped3A : memref<!tpu.dma_semaphore, #tpu.memory_space<semaphore_mem>>) {add = true}
      %dma_wait3A_118 = arith.constant 0 : i32
      %dma_wait3A_119 = arith.constant 0 : i32
      %dma_wait3A_120 = tpu.memref_slice %arg13[%dma_wait3A_118, %dma_wait3A_119] : memref<128x128xf32, #tpu.memory_space<vmem>> -> memref<16x128xf32, #tpu.memory_space<vmem>>
      %dma_wait3A_121 = arith.constant 0 : i32
      %dma_wait3A_122 = arith.constant 0 : i32
      %dma_wait3A_123 = tpu.memref_slice %arg15[%dma_wait3A_121, %dma_wait3A_122] : memref<10000x128xf32, #tpu.memory_space<vmem_shared>> -> memref<10000x128xf32, #tpu.memory_space<vmem_shared>>
      tpu.wait_indirect_dma semaphore(%run_scoped3A : memref<!tpu.dma_semaphore, #tpu.memory_space<semaphore_mem>>) src(%dma_wait3A_120 : memref<16x128xf32, #tpu.memory_space<vmem>>) dst(%dma_wait3A_123 : memref<10000x128xf32, #tpu.memory_space<vmem_shared>>)
      tpu.yield
    }) : () -> ()
    %barrier3A_59 = arith.constant 0 : index
    tpu.barrier barrier_id(%barrier3A_59)
    %mul3A_60 = arith.constant 10000 : i32
    %mul3A_61 = arith.muli %arg0, %mul3A_60 : i32
    %mul3A_62 = arith.constant 624 : i32
    %mul3A_63 = arith.muli %arg1, %mul3A_62 : i32
    %add3A_64 = arith.constant 0 : i32
    %add3A_65 = arith.addi %mul3A_63, %add3A_64 : i32
    "tpu.region"() ({
      %run_scoped3A = tpu.sem_alloc : memref<!tpu.dma_semaphore, #tpu.memory_space<semaphore_mem>>
      %dma_start3A_112 = arith.constant 0 : i32
      %dma_start3A_113 = arith.constant 0 : i32
      %dma_start3A_114 = tpu.memref_slice %arg13[%dma_start3A_112, %dma_start3A_113] : memref<128x128xf32, #tpu.memory_space<vmem>> -> memref<128x128xf32, #tpu.memory_space<vmem>>
      %dma_start3A_115 = arith.constant 0 : i32
      %dma_start3A_116 = tpu.memref_slice %arg15[%add3A_65, %dma_start3A_115] : memref<10000x128xf32, #tpu.memory_space<vmem_shared>> -> memref<128x128xf32, #tpu.memory_space<vmem_shared>>
      %dma_start3A_117 = arith.constant 0 : i32
      %dma_start3A_118 = arith.constant 0 : i32
      %dma_start3A_119 = tpu.memref_slice %arg13[%dma_start3A_117, %dma_start3A_118] : memref<128x128xf32, #tpu.memory_space<vmem>> -> memref<128x128xf32, #tpu.memory_space<vmem>>
      %dma_start3A_120 = arith.constant 0 : i32
      %dma_start3A_121 = tpu.memref_slice %arg15[%add3A_65, %dma_start3A_120] : memref<10000x128xf32, #tpu.memory_space<vmem_shared>> -> memref<128x128xf32, #tpu.memory_space<vmem_shared>>
      tpu.enqueue_dma source(%dma_start3A_121 : memref<128x128xf32, #tpu.memory_space<vmem_shared>>) target(%dma_start3A_119 : memref<128x128xf32, #tpu.memory_space<vmem>>) target_semaphore(%run_scoped3A : memref<!tpu.dma_semaphore, #tpu.memory_space<semaphore_mem>>)
      %dma_wait3A_122 = arith.constant 0 : i32
      %dma_wait3A_123 = arith.constant 0 : i32
      %dma_wait3A_124 = tpu.memref_slice %arg13[%dma_wait3A_122, %dma_wait3A_123] : memref<128x128xf32, #tpu.memory_space<vmem>> -> memref<128x128xf32, #tpu.memory_space<vmem>>
      %dma_wait3A_125 = arith.constant 0 : i32
      %dma_wait3A_126 = tpu.memref_slice %arg15[%add3A_65, %dma_wait3A_125] : memref<10000x128xf32, #tpu.memory_space<vmem_shared>> -> memref<128x128xf32, #tpu.memory_space<vmem_shared>>
      %dma_wait3A_127 = arith.constant 0 : i32
      %dma_wait3A_128 = arith.constant 0 : i32
      %dma_wait3A_129 = tpu.memref_slice %arg13[%dma_wait3A_127, %dma_wait3A_128] : memref<128x128xf32, #tpu.memory_space<vmem>> -> memref<128x128xf32, #tpu.memory_space<vmem>>
      %dma_wait3A_130 = arith.constant 0 : i32
      %dma_wait3A_131 = tpu.memref_slice %arg15[%add3A_65, %dma_wait3A_130] : memref<10000x128xf32, #tpu.memory_space<vmem_shared>> -> memref<128x128xf32, #tpu.memory_space<vmem_shared>>
      tpu.wait_dma2 semaphore(%run_scoped3A : memref<!tpu.dma_semaphore, #tpu.memory_space<semaphore_mem>>) src(%dma_wait3A_131 : memref<128x128xf32, #tpu.memory_space<vmem_shared>>) dst(%dma_wait3A_129 : memref<128x128xf32, #tpu.memory_space<vmem>>)
      tpu.yield
    }) : () -> ()
    %mul3A_66 = arith.constant 624 : i32
    %mul3A_67 = arith.muli %arg1, %mul3A_66 : i32
    %add3A_68 = arith.addi %mul3A_61, %mul3A_67 : i32
    %add3A_69 = arith.constant 0 : i32
    %add3A_70 = arith.addi %add3A_68, %add3A_69 : i32
    "tpu.region"() ({
      %run_scoped3A = tpu.sem_alloc : memref<!tpu.dma_semaphore, #tpu.memory_space<semaphore_mem>>
      %dma_start3A_112 = arith.constant 0 : i32
      %dma_start3A_113 = arith.constant 0 : i32
      %dma_start3A_114 = tpu.memref_slice %arg13[%dma_start3A_112, %dma_start3A_113] : memref<128x128xf32, #tpu.memory_space<vmem>> -> memref<128x128xf32, #tpu.memory_space<vmem>>
      %dma_start3A_115 = arith.constant 0 : i32
      %dma_start3A_116 = tpu.memref_slice %arg6[%add3A_70, %dma_start3A_115] : memref<20000x128xf32, #tpu.memory_space<hbm>> -> memref<128x128xf32, #tpu.memory_space<hbm>>
      %dma_start3A_117 = arith.constant 0 : i32
      %dma_start3A_118 = tpu.memref_slice %arg6[%add3A_70, %dma_start3A_117] : memref<20000x128xf32, #tpu.memory_space<hbm>> -> memref<128x128xf32, #tpu.memory_space<hbm>>
      %dma_start3A_119 = arith.constant 0 : i32
      %dma_start3A_120 = arith.constant 0 : i32
      %dma_start3A_121 = tpu.memref_slice %arg13[%dma_start3A_119, %dma_start3A_120] : memref<128x128xf32, #tpu.memory_space<vmem>> -> memref<128x128xf32, #tpu.memory_space<vmem>>
      tpu.enqueue_dma source(%dma_start3A_121 : memref<128x128xf32, #tpu.memory_space<vmem>>) target(%dma_start3A_118 : memref<128x128xf32, #tpu.memory_space<hbm>>) target_semaphore(%run_scoped3A : memref<!tpu.dma_semaphore, #tpu.memory_space<semaphore_mem>>)
      %dma_wait3A_122 = arith.constant 0 : i32
      %dma_wait3A_123 = arith.constant 0 : i32
      %dma_wait3A_124 = tpu.memref_slice %arg13[%dma_wait3A_122, %dma_wait3A_123] : memref<128x128xf32, #tpu.memory_space<vmem>> -> memref<128x128xf32, #tpu.memory_space<vmem>>
      %dma_wait3A_125 = arith.constant 0 : i32
      %dma_wait3A_126 = tpu.memref_slice %arg6[%add3A_70, %dma_wait3A_125] : memref<20000x128xf32, #tpu.memory_space<hbm>> -> memref<128x128xf32, #tpu.memory_space<hbm>>
      %dma_wait3A_127 = arith.constant 0 : i32
      %dma_wait3A_128 = tpu.memref_slice %arg6[%add3A_70, %dma_wait3A_127] : memref<20000x128xf32, #tpu.memory_space<hbm>> -> memref<128x128xf32, #tpu.memory_space<hbm>>
      %dma_wait3A_129 = arith.constant 0 : i32
      %dma_wait3A_130 = arith.constant 0 : i32
      %dma_wait3A_131 = tpu.memref_slice %arg13[%dma_wait3A_129, %dma_wait3A_130] : memref<128x128xf32, #tpu.memory_space<vmem>> -> memref<128x128xf32, #tpu.memory_space<vmem>>
      tpu.wait_dma2 semaphore(%run_scoped3A : memref<!tpu.dma_semaphore, #tpu.memory_space<semaphore_mem>>) src(%dma_wait3A_131 : memref<128x128xf32, #tpu.memory_space<vmem>>) dst(%dma_wait3A_128 : memref<128x128xf32, #tpu.memory_space<hbm>>)
      tpu.yield
    }) : () -> ()
    %mul3A_71 = arith.constant 624 : i32
    %mul3A_72 = arith.muli %arg1, %mul3A_71 : i32
    %add3A_73 = arith.constant 128 : i32
    %add3A_74 = arith.addi %mul3A_72, %add3A_73 : i32
    "tpu.region"() ({
      %run_scoped3A = tpu.sem_alloc : memref<!tpu.dma_semaphore, #tpu.memory_space<semaphore_mem>>
      %dma_start3A_112 = arith.constant 0 : i32
      %dma_start3A_113 = arith.constant 0 : i32
      %dma_start3A_114 = tpu.memref_slice %arg13[%dma_start3A_112, %dma_start3A_113] : memref<128x128xf32, #tpu.memory_space<vmem>> -> memref<128x128xf32, #tpu.memory_space<vmem>>
      %dma_start3A_115 = arith.constant 0 : i32
      %dma_start3A_116 = tpu.memref_slice %arg15[%add3A_74, %dma_start3A_115] : memref<10000x128xf32, #tpu.memory_space<vmem_shared>> -> memref<128x128xf32, #tpu.memory_space<vmem_shared>>
      %dma_start3A_117 = arith.constant 0 : i32
      %dma_start3A_118 = arith.constant 0 : i32
      %dma_start3A_119 = tpu.memref_slice %arg13[%dma_start3A_117, %dma_start3A_118] : memref<128x128xf32, #tpu.memory_space<vmem>> -> memref<128x128xf32, #tpu.memory_space<vmem>>
      %dma_start3A_120 = arith.constant 0 : i32
      %dma_start3A_121 = tpu.memref_slice %arg15[%add3A_74, %dma_start3A_120] : memref<10000x128xf32, #tpu.memory_space<vmem_shared>> -> memref<128x128xf32, #tpu.memory_space<vmem_shared>>
      tpu.enqueue_dma source(%dma_start3A_121 : memref<128x128xf32, #tpu.memory_space<vmem_shared>>) target(%dma_start3A_119 : memref<128x128xf32, #tpu.memory_space<vmem>>) target_semaphore(%run_scoped3A : memref<!tpu.dma_semaphore, #tpu.memory_space<semaphore_mem>>)
      %dma_wait3A_122 = arith.constant 0 : i32
      %dma_wait3A_123 = arith.constant 0 : i32
      %dma_wait3A_124 = tpu.memref_slice %arg13[%dma_wait3A_122, %dma_wait3A_123] : memref<128x128xf32, #tpu.memory_space<vmem>> -> memref<128x128xf32, #tpu.memory_space<vmem>>
      %dma_wait3A_125 = arith.constant 0 : i32
      %dma_wait3A_126 = tpu.memref_slice %arg15[%add3A_74, %dma_wait3A_125] : memref<10000x128xf32, #tpu.memory_space<vmem_shared>> -> memref<128x128xf32, #tpu.memory_space<vmem_shared>>
      %dma_wait3A_127 = arith.constant 0 : i32
      %dma_wait3A_128 = arith.constant 0 : i32
      %dma_wait3A_129 = tpu.memref_slice %arg13[%dma_wait3A_127, %dma_wait3A_128] : memref<128x128xf32, #tpu.memory_space<vmem>> -> memref<128x128xf32, #tpu.memory_space<vmem>>
      %dma_wait3A_130 = arith.constant 0 : i32
      %dma_wait3A_131 = tpu.memref_slice %arg15[%add3A_74, %dma_wait3A_130] : memref<10000x128xf32, #tpu.memory_space<vmem_shared>> -> memref<128x128xf32, #tpu.memory_space<vmem_shared>>
      tpu.wait_dma2 semaphore(%run_scoped3A : memref<!tpu.dma_semaphore, #tpu.memory_space<semaphore_mem>>) src(%dma_wait3A_131 : memref<128x128xf32, #tpu.memory_space<vmem_shared>>) dst(%dma_wait3A_129 : memref<128x128xf32, #tpu.memory_space<vmem>>)
      tpu.yield
    }) : () -> ()
    %mul3A_75 = arith.constant 624 : i32
    %mul3A_76 = arith.muli %arg1, %mul3A_75 : i32
    %add3A_77 = arith.addi %mul3A_61, %mul3A_76 : i32
    %add3A_78 = arith.constant 128 : i32
    %add3A_79 = arith.addi %add3A_77, %add3A_78 : i32
    "tpu.region"() ({
      %run_scoped3A = tpu.sem_alloc : memref<!tpu.dma_semaphore, #tpu.memory_space<semaphore_mem>>
      %dma_start3A_112 = arith.constant 0 : i32
      %dma_start3A_113 = arith.constant 0 : i32
      %dma_start3A_114 = tpu.memref_slice %arg13[%dma_start3A_112, %dma_start3A_113] : memref<128x128xf32, #tpu.memory_space<vmem>> -> memref<128x128xf32, #tpu.memory_space<vmem>>
      %dma_start3A_115 = arith.constant 0 : i32
      %dma_start3A_116 = tpu.memref_slice %arg6[%add3A_79, %dma_start3A_115] : memref<20000x128xf32, #tpu.memory_space<hbm>> -> memref<128x128xf32, #tpu.memory_space<hbm>>
      %dma_start3A_117 = arith.constant 0 : i32
      %dma_start3A_118 = tpu.memref_slice %arg6[%add3A_79, %dma_start3A_117] : memref<20000x128xf32, #tpu.memory_space<hbm>> -> memref<128x128xf32, #tpu.memory_space<hbm>>
      %dma_start3A_119 = arith.constant 0 : i32
      %dma_start3A_120 = arith.constant 0 : i32
      %dma_start3A_121 = tpu.memref_slice %arg13[%dma_start3A_119, %dma_start3A_120] : memref<128x128xf32, #tpu.memory_space<vmem>> -> memref<128x128xf32, #tpu.memory_space<vmem>>
      tpu.enqueue_dma source(%dma_start3A_121 : memref<128x128xf32, #tpu.memory_space<vmem>>) target(%dma_start3A_118 : memref<128x128xf32, #tpu.memory_space<hbm>>) target_semaphore(%run_scoped3A : memref<!tpu.dma_semaphore, #tpu.memory_space<semaphore_mem>>)
      %dma_wait3A_122 = arith.constant 0 : i32
      %dma_wait3A_123 = arith.constant 0 : i32
      %dma_wait3A_124 = tpu.memref_slice %arg13[%dma_wait3A_122, %dma_wait3A_123] : memref<128x128xf32, #tpu.memory_space<vmem>> -> memref<128x128xf32, #tpu.memory_space<vmem>>
      %dma_wait3A_125 = arith.constant 0 : i32
      %dma_wait3A_126 = tpu.memref_slice %arg6[%add3A_79, %dma_wait3A_125] : memref<20000x128xf32, #tpu.memory_space<hbm>> -> memref<128x128xf32, #tpu.memory_space<hbm>>
      %dma_wait3A_127 = arith.constant 0 : i32
      %dma_wait3A_128 = tpu.memref_slice %arg6[%add3A_79, %dma_wait3A_127] : memref<20000x128xf32, #tpu.memory_space<hbm>> -> memref<128x128xf32, #tpu.memory_space<hbm>>
      %dma_wait3A_129 = arith.constant 0 : i32
      %dma_wait3A_130 = arith.constant 0 : i32
      %dma_wait3A_131 = tpu.memref_slice %arg13[%dma_wait3A_129, %dma_wait3A_130] : memref<128x128xf32, #tpu.memory_space<vmem>> -> memref<128x128xf32, #tpu.memory_space<vmem>>
      tpu.wait_dma2 semaphore(%run_scoped3A : memref<!tpu.dma_semaphore, #tpu.memory_space<semaphore_mem>>) src(%dma_wait3A_131 : memref<128x128xf32, #tpu.memory_space<vmem>>) dst(%dma_wait3A_128 : memref<128x128xf32, #tpu.memory_space<hbm>>)
      tpu.yield
    }) : () -> ()
    %mul3A_80 = arith.constant 624 : i32
    %mul3A_81 = arith.muli %arg1, %mul3A_80 : i32
    %add3A_82 = arith.constant 256 : i32
    %add3A_83 = arith.addi %mul3A_81, %add3A_82 : i32
    "tpu.region"() ({
      %run_scoped3A = tpu.sem_alloc : memref<!tpu.dma_semaphore, #tpu.memory_space<semaphore_mem>>
      %dma_start3A_112 = arith.constant 0 : i32
      %dma_start3A_113 = arith.constant 0 : i32
      %dma_start3A_114 = tpu.memref_slice %arg13[%dma_start3A_112, %dma_start3A_113] : memref<128x128xf32, #tpu.memory_space<vmem>> -> memref<128x128xf32, #tpu.memory_space<vmem>>
      %dma_start3A_115 = arith.constant 0 : i32
      %dma_start3A_116 = tpu.memref_slice %arg15[%add3A_83, %dma_start3A_115] : memref<10000x128xf32, #tpu.memory_space<vmem_shared>> -> memref<128x128xf32, #tpu.memory_space<vmem_shared>>
      %dma_start3A_117 = arith.constant 0 : i32
      %dma_start3A_118 = arith.constant 0 : i32
      %dma_start3A_119 = tpu.memref_slice %arg13[%dma_start3A_117, %dma_start3A_118] : memref<128x128xf32, #tpu.memory_space<vmem>> -> memref<128x128xf32, #tpu.memory_space<vmem>>
      %dma_start3A_120 = arith.constant 0 : i32
      %dma_start3A_121 = tpu.memref_slice %arg15[%add3A_83, %dma_start3A_120] : memref<10000x128xf32, #tpu.memory_space<vmem_shared>> -> memref<128x128xf32, #tpu.memory_space<vmem_shared>>
      tpu.enqueue_dma source(%dma_start3A_121 : memref<128x128xf32, #tpu.memory_space<vmem_shared>>) target(%dma_start3A_119 : memref<128x128xf32, #tpu.memory_space<vmem>>) target_semaphore(%run_scoped3A : memref<!tpu.dma_semaphore, #tpu.memory_space<semaphore_mem>>)
      %dma_wait3A_122 = arith.constant 0 : i32
      %dma_wait3A_123 = arith.constant 0 : i32
      %dma_wait3A_124 = tpu.memref_slice %arg13[%dma_wait3A_122, %dma_wait3A_123] : memref<128x128xf32, #tpu.memory_space<vmem>> -> memref<128x128xf32, #tpu.memory_space<vmem>>
      %dma_wait3A_125 = arith.constant 0 : i32
      %dma_wait3A_126 = tpu.memref_slice %arg15[%add3A_83, %dma_wait3A_125] : memref<10000x128xf32, #tpu.memory_space<vmem_shared>> -> memref<128x128xf32, #tpu.memory_space<vmem_shared>>
      %dma_wait3A_127 = arith.constant 0 : i32
      %dma_wait3A_128 = arith.constant 0 : i32
      %dma_wait3A_129 = tpu.memref_slice %arg13[%dma_wait3A_127, %dma_wait3A_128] : memref<128x128xf32, #tpu.memory_space<vmem>> -> memref<128x128xf32, #tpu.memory_space<vmem>>
      %dma_wait3A_130 = arith.constant 0 : i32
      %dma_wait3A_131 = tpu.memref_slice %arg15[%add3A_83, %dma_wait3A_130] : memref<10000x128xf32, #tpu.memory_space<vmem_shared>> -> memref<128x128xf32, #tpu.memory_space<vmem_shared>>
      tpu.wait_dma2 semaphore(%run_scoped3A : memref<!tpu.dma_semaphore, #tpu.memory_space<semaphore_mem>>) src(%dma_wait3A_131 : memref<128x128xf32, #tpu.memory_space<vmem_shared>>) dst(%dma_wait3A_129 : memref<128x128xf32, #tpu.memory_space<vmem>>)
      tpu.yield
    }) : () -> ()
    %mul3A_84 = arith.constant 624 : i32
    %mul3A_85 = arith.muli %arg1, %mul3A_84 : i32
    %add3A_86 = arith.addi %mul3A_61, %mul3A_85 : i32
    %add3A_87 = arith.constant 256 : i32
    %add3A_88 = arith.addi %add3A_86, %add3A_87 : i32
    "tpu.region"() ({
      %run_scoped3A = tpu.sem_alloc : memref<!tpu.dma_semaphore, #tpu.memory_space<semaphore_mem>>
      %dma_start3A_112 = arith.constant 0 : i32
      %dma_start3A_113 = arith.constant 0 : i32
      %dma_start3A_114 = tpu.memref_slice %arg13[%dma_start3A_112, %dma_start3A_113] : memref<128x128xf32, #tpu.memory_space<vmem>> -> memref<128x128xf32, #tpu.memory_space<vmem>>
      %dma_start3A_115 = arith.constant 0 : i32
      %dma_start3A_116 = tpu.memref_slice %arg6[%add3A_88, %dma_start3A_115] : memref<20000x128xf32, #tpu.memory_space<hbm>> -> memref<128x128xf32, #tpu.memory_space<hbm>>
      %dma_start3A_117 = arith.constant 0 : i32
      %dma_start3A_118 = tpu.memref_slice %arg6[%add3A_88, %dma_start3A_117] : memref<20000x128xf32, #tpu.memory_space<hbm>> -> memref<128x128xf32, #tpu.memory_space<hbm>>
      %dma_start3A_119 = arith.constant 0 : i32
      %dma_start3A_120 = arith.constant 0 : i32
      %dma_start3A_121 = tpu.memref_slice %arg13[%dma_start3A_119, %dma_start3A_120] : memref<128x128xf32, #tpu.memory_space<vmem>> -> memref<128x128xf32, #tpu.memory_space<vmem>>
      tpu.enqueue_dma source(%dma_start3A_121 : memref<128x128xf32, #tpu.memory_space<vmem>>) target(%dma_start3A_118 : memref<128x128xf32, #tpu.memory_space<hbm>>) target_semaphore(%run_scoped3A : memref<!tpu.dma_semaphore, #tpu.memory_space<semaphore_mem>>)
      %dma_wait3A_122 = arith.constant 0 : i32
      %dma_wait3A_123 = arith.constant 0 : i32
      %dma_wait3A_124 = tpu.memref_slice %arg13[%dma_wait3A_122, %dma_wait3A_123] : memref<128x128xf32, #tpu.memory_space<vmem>> -> memref<128x128xf32, #tpu.memory_space<vmem>>
      %dma_wait3A_125 = arith.constant 0 : i32
      %dma_wait3A_126 = tpu.memref_slice %arg6[%add3A_88, %dma_wait3A_125] : memref<20000x128xf32, #tpu.memory_space<hbm>> -> memref<128x128xf32, #tpu.memory_space<hbm>>
      %dma_wait3A_127 = arith.constant 0 : i32
      %dma_wait3A_128 = tpu.memref_slice %arg6[%add3A_88, %dma_wait3A_127] : memref<20000x128xf32, #tpu.memory_space<hbm>> -> memref<128x128xf32, #tpu.memory_space<hbm>>
      %dma_wait3A_129 = arith.constant 0 : i32
      %dma_wait3A_130 = arith.constant 0 : i32
      %dma_wait3A_131 = tpu.memref_slice %arg13[%dma_wait3A_129, %dma_wait3A_130] : memref<128x128xf32, #tpu.memory_space<vmem>> -> memref<128x128xf32, #tpu.memory_space<vmem>>
      tpu.wait_dma2 semaphore(%run_scoped3A : memref<!tpu.dma_semaphore, #tpu.memory_space<semaphore_mem>>) src(%dma_wait3A_131 : memref<128x128xf32, #tpu.memory_space<vmem>>) dst(%dma_wait3A_128 : memref<128x128xf32, #tpu.memory_space<hbm>>)
      tpu.yield
    }) : () -> ()
    %mul3A_89 = arith.constant 624 : i32
    %mul3A_90 = arith.muli %arg1, %mul3A_89 : i32
    %add3A_91 = arith.constant 384 : i32
    %add3A_92 = arith.addi %mul3A_90, %add3A_91 : i32
    "tpu.region"() ({
      %run_scoped3A = tpu.sem_alloc : memref<!tpu.dma_semaphore, #tpu.memory_space<semaphore_mem>>
      %dma_start3A_112 = arith.constant 0 : i32
      %dma_start3A_113 = arith.constant 0 : i32
      %dma_start3A_114 = tpu.memref_slice %arg13[%dma_start3A_112, %dma_start3A_113] : memref<128x128xf32, #tpu.memory_space<vmem>> -> memref<128x128xf32, #tpu.memory_space<vmem>>
      %dma_start3A_115 = arith.constant 0 : i32
      %dma_start3A_116 = tpu.memref_slice %arg15[%add3A_92, %dma_start3A_115] : memref<10000x128xf32, #tpu.memory_space<vmem_shared>> -> memref<128x128xf32, #tpu.memory_space<vmem_shared>>
      %dma_start3A_117 = arith.constant 0 : i32
      %dma_start3A_118 = arith.constant 0 : i32
      %dma_start3A_119 = tpu.memref_slice %arg13[%dma_start3A_117, %dma_start3A_118] : memref<128x128xf32, #tpu.memory_space<vmem>> -> memref<128x128xf32, #tpu.memory_space<vmem>>
      %dma_start3A_120 = arith.constant 0 : i32
      %dma_start3A_121 = tpu.memref_slice %arg15[%add3A_92, %dma_start3A_120] : memref<10000x128xf32, #tpu.memory_space<vmem_shared>> -> memref<128x128xf32, #tpu.memory_space<vmem_shared>>
      tpu.enqueue_dma source(%dma_start3A_121 : memref<128x128xf32, #tpu.memory_space<vmem_shared>>) target(%dma_start3A_119 : memref<128x128xf32, #tpu.memory_space<vmem>>) target_semaphore(%run_scoped3A : memref<!tpu.dma_semaphore, #tpu.memory_space<semaphore_mem>>)
      %dma_wait3A_122 = arith.constant 0 : i32
      %dma_wait3A_123 = arith.constant 0 : i32
      %dma_wait3A_124 = tpu.memref_slice %arg13[%dma_wait3A_122, %dma_wait3A_123] : memref<128x128xf32, #tpu.memory_space<vmem>> -> memref<128x128xf32, #tpu.memory_space<vmem>>
      %dma_wait3A_125 = arith.constant 0 : i32
      %dma_wait3A_126 = tpu.memref_slice %arg15[%add3A_92, %dma_wait3A_125] : memref<10000x128xf32, #tpu.memory_space<vmem_shared>> -> memref<128x128xf32, #tpu.memory_space<vmem_shared>>
      %dma_wait3A_127 = arith.constant 0 : i32
      %dma_wait3A_128 = arith.constant 0 : i32
      %dma_wait3A_129 = tpu.memref_slice %arg13[%dma_wait3A_127, %dma_wait3A_128] : memref<128x128xf32, #tpu.memory_space<vmem>> -> memref<128x128xf32, #tpu.memory_space<vmem>>
      %dma_wait3A_130 = arith.constant 0 : i32
      %dma_wait3A_131 = tpu.memref_slice %arg15[%add3A_92, %dma_wait3A_130] : memref<10000x128xf32, #tpu.memory_space<vmem_shared>> -> memref<128x128xf32, #tpu.memory_space<vmem_shared>>
      tpu.wait_dma2 semaphore(%run_scoped3A : memref<!tpu.dma_semaphore, #tpu.memory_space<semaphore_mem>>) src(%dma_wait3A_131 : memref<128x128xf32, #tpu.memory_space<vmem_shared>>) dst(%dma_wait3A_129 : memref<128x128xf32, #tpu.memory_space<vmem>>)
      tpu.yield
    }) : () -> ()
    %mul3A_93 = arith.constant 624 : i32
    %mul3A_94 = arith.muli %arg1, %mul3A_93 : i32
    %add3A_95 = arith.addi %mul3A_61, %mul3A_94 : i32
    %add3A_96 = arith.constant 384 : i32
    %add3A_97 = arith.addi %add3A_95, %add3A_96 : i32
    "tpu.region"() ({
      %run_scoped3A = tpu.sem_alloc : memref<!tpu.dma_semaphore, #tpu.memory_space<semaphore_mem>>
      %dma_start3A_112 = arith.constant 0 : i32
      %dma_start3A_113 = arith.constant 0 : i32
      %dma_start3A_114 = tpu.memref_slice %arg13[%dma_start3A_112, %dma_start3A_113] : memref<128x128xf32, #tpu.memory_space<vmem>> -> memref<128x128xf32, #tpu.memory_space<vmem>>
      %dma_start3A_115 = arith.constant 0 : i32
      %dma_start3A_116 = tpu.memref_slice %arg6[%add3A_97, %dma_start3A_115] : memref<20000x128xf32, #tpu.memory_space<hbm>> -> memref<128x128xf32, #tpu.memory_space<hbm>>
      %dma_start3A_117 = arith.constant 0 : i32
      %dma_start3A_118 = tpu.memref_slice %arg6[%add3A_97, %dma_start3A_117] : memref<20000x128xf32, #tpu.memory_space<hbm>> -> memref<128x128xf32, #tpu.memory_space<hbm>>
      %dma_start3A_119 = arith.constant 0 : i32
      %dma_start3A_120 = arith.constant 0 : i32
      %dma_start3A_121 = tpu.memref_slice %arg13[%dma_start3A_119, %dma_start3A_120] : memref<128x128xf32, #tpu.memory_space<vmem>> -> memref<128x128xf32, #tpu.memory_space<vmem>>
      tpu.enqueue_dma source(%dma_start3A_121 : memref<128x128xf32, #tpu.memory_space<vmem>>) target(%dma_start3A_118 : memref<128x128xf32, #tpu.memory_space<hbm>>) target_semaphore(%run_scoped3A : memref<!tpu.dma_semaphore, #tpu.memory_space<semaphore_mem>>)
      %dma_wait3A_122 = arith.constant 0 : i32
      %dma_wait3A_123 = arith.constant 0 : i32
      %dma_wait3A_124 = tpu.memref_slice %arg13[%dma_wait3A_122, %dma_wait3A_123] : memref<128x128xf32, #tpu.memory_space<vmem>> -> memref<128x128xf32, #tpu.memory_space<vmem>>
      %dma_wait3A_125 = arith.constant 0 : i32
      %dma_wait3A_126 = tpu.memref_slice %arg6[%add3A_97, %dma_wait3A_125] : memref<20000x128xf32, #tpu.memory_space<hbm>> -> memref<128x128xf32, #tpu.memory_space<hbm>>
      %dma_wait3A_127 = arith.constant 0 : i32
      %dma_wait3A_128 = tpu.memref_slice %arg6[%add3A_97, %dma_wait3A_127] : memref<20000x128xf32, #tpu.memory_space<hbm>> -> memref<128x128xf32, #tpu.memory_space<hbm>>
      %dma_wait3A_129 = arith.constant 0 : i32
      %dma_wait3A_130 = arith.constant 0 : i32
      %dma_wait3A_131 = tpu.memref_slice %arg13[%dma_wait3A_129, %dma_wait3A_130] : memref<128x128xf32, #tpu.memory_space<vmem>> -> memref<128x128xf32, #tpu.memory_space<vmem>>
      tpu.wait_dma2 semaphore(%run_scoped3A : memref<!tpu.dma_semaphore, #tpu.memory_space<semaphore_mem>>) src(%dma_wait3A_131 : memref<128x128xf32, #tpu.memory_space<vmem>>) dst(%dma_wait3A_128 : memref<128x128xf32, #tpu.memory_space<hbm>>)
      tpu.yield
    }) : () -> ()
    %mul3A_98 = arith.constant 624 : i32
    %mul3A_99 = arith.muli %arg1, %mul3A_98 : i32
    %add3A_100 = arith.constant 512 : i32
    %add3A_101 = arith.addi %mul3A_99, %add3A_100 : i32
    "tpu.region"() ({
      %run_scoped3A = tpu.sem_alloc : memref<!tpu.dma_semaphore, #tpu.memory_space<semaphore_mem>>
      %dma_start3A_112 = arith.constant 0 : i32
      %dma_start3A_113 = arith.constant 0 : i32
      %dma_start3A_114 = tpu.memref_slice %arg13[%dma_start3A_112, %dma_start3A_113] : memref<128x128xf32, #tpu.memory_space<vmem>> -> memref<112x128xf32, #tpu.memory_space<vmem>>
      %dma_start3A_115 = arith.constant 0 : i32
      %dma_start3A_116 = tpu.memref_slice %arg15[%add3A_101, %dma_start3A_115] : memref<10000x128xf32, #tpu.memory_space<vmem_shared>> -> memref<112x128xf32, #tpu.memory_space<vmem_shared>>
      %dma_start3A_117 = arith.constant 0 : i32
      %dma_start3A_118 = arith.constant 0 : i32
      %dma_start3A_119 = tpu.memref_slice %arg13[%dma_start3A_117, %dma_start3A_118] : memref<128x128xf32, #tpu.memory_space<vmem>> -> memref<112x128xf32, #tpu.memory_space<vmem>>
      %dma_start3A_120 = arith.constant 0 : i32
      %dma_start3A_121 = tpu.memref_slice %arg15[%add3A_101, %dma_start3A_120] : memref<10000x128xf32, #tpu.memory_space<vmem_shared>> -> memref<112x128xf32, #tpu.memory_space<vmem_shared>>
      tpu.enqueue_dma source(%dma_start3A_121 : memref<112x128xf32, #tpu.memory_space<vmem_shared>>) target(%dma_start3A_119 : memref<112x128xf32, #tpu.memory_space<vmem>>) target_semaphore(%run_scoped3A : memref<!tpu.dma_semaphore, #tpu.memory_space<semaphore_mem>>)
      %dma_wait3A_122 = arith.constant 0 : i32
      %dma_wait3A_123 = arith.constant 0 : i32
      %dma_wait3A_124 = tpu.memref_slice %arg13[%dma_wait3A_122, %dma_wait3A_123] : memref<128x128xf32, #tpu.memory_space<vmem>> -> memref<112x128xf32, #tpu.memory_space<vmem>>
      %dma_wait3A_125 = arith.constant 0 : i32
      %dma_wait3A_126 = tpu.memref_slice %arg15[%add3A_101, %dma_wait3A_125] : memref<10000x128xf32, #tpu.memory_space<vmem_shared>> -> memref<112x128xf32, #tpu.memory_space<vmem_shared>>
      %dma_wait3A_127 = arith.constant 0 : i32
      %dma_wait3A_128 = arith.constant 0 : i32
      %dma_wait3A_129 = tpu.memref_slice %arg13[%dma_wait3A_127, %dma_wait3A_128] : memref<128x128xf32, #tpu.memory_space<vmem>> -> memref<112x128xf32, #tpu.memory_space<vmem>>
      %dma_wait3A_130 = arith.constant 0 : i32
      %dma_wait3A_131 = tpu.memref_slice %arg15[%add3A_101, %dma_wait3A_130] : memref<10000x128xf32, #tpu.memory_space<vmem_shared>> -> memref<112x128xf32, #tpu.memory_space<vmem_shared>>
      tpu.wait_dma2 semaphore(%run_scoped3A : memref<!tpu.dma_semaphore, #tpu.memory_space<semaphore_mem>>) src(%dma_wait3A_131 : memref<112x128xf32, #tpu.memory_space<vmem_shared>>) dst(%dma_wait3A_129 : memref<112x128xf32, #tpu.memory_space<vmem>>)
      tpu.yield
    }) : () -> ()
    %mul3A_102 = arith.constant 624 : i32
    %mul3A_103 = arith.muli %arg1, %mul3A_102 : i32
    %add3A_104 = arith.addi %mul3A_61, %mul3A_103 : i32
    %add3A_105 = arith.constant 512 : i32
    %add3A_106 = arith.addi %add3A_104, %add3A_105 : i32
    "tpu.region"() ({
      %run_scoped3A = tpu.sem_alloc : memref<!tpu.dma_semaphore, #tpu.memory_space<semaphore_mem>>
      %dma_start3A_112 = arith.constant 0 : i32
      %dma_start3A_113 = arith.constant 0 : i32
      %dma_start3A_114 = tpu.memref_slice %arg13[%dma_start3A_112, %dma_start3A_113] : memref<128x128xf32, #tpu.memory_space<vmem>> -> memref<112x128xf32, #tpu.memory_space<vmem>>
      %dma_start3A_115 = arith.constant 0 : i32
      %dma_start3A_116 = tpu.memref_slice %arg6[%add3A_106, %dma_start3A_115] : memref<20000x128xf32, #tpu.memory_space<hbm>> -> memref<112x128xf32, #tpu.memory_space<hbm>>
      %dma_start3A_117 = arith.constant 0 : i32
      %dma_start3A_118 = tpu.memref_slice %arg6[%add3A_106, %dma_start3A_117] : memref<20000x128xf32, #tpu.memory_space<hbm>> -> memref<112x128xf32, #tpu.memory_space<hbm>>
      %dma_start3A_119 = arith.constant 0 : i32
      %dma_start3A_120 = arith.constant 0 : i32
      %dma_start3A_121 = tpu.memref_slice %arg13[%dma_start3A_119, %dma_start3A_120] : memref<128x128xf32, #tpu.memory_space<vmem>> -> memref<112x128xf32, #tpu.memory_space<vmem>>
      tpu.enqueue_dma source(%dma_start3A_121 : memref<112x128xf32, #tpu.memory_space<vmem>>) target(%dma_start3A_118 : memref<112x128xf32, #tpu.memory_space<hbm>>) target_semaphore(%run_scoped3A : memref<!tpu.dma_semaphore, #tpu.memory_space<semaphore_mem>>)
      %dma_wait3A_122 = arith.constant 0 : i32
      %dma_wait3A_123 = arith.constant 0 : i32
      %dma_wait3A_124 = tpu.memref_slice %arg13[%dma_wait3A_122, %dma_wait3A_123] : memref<128x128xf32, #tpu.memory_space<vmem>> -> memref<112x128xf32, #tpu.memory_space<vmem>>
      %dma_wait3A_125 = arith.constant 0 : i32
      %dma_wait3A_126 = tpu.memref_slice %arg6[%add3A_106, %dma_wait3A_125] : memref<20000x128xf32, #tpu.memory_space<hbm>> -> memref<112x128xf32, #tpu.memory_space<hbm>>
      %dma_wait3A_127 = arith.constant 0 : i32
      %dma_wait3A_128 = tpu.memref_slice %arg6[%add3A_106, %dma_wait3A_127] : memref<20000x128xf32, #tpu.memory_space<hbm>> -> memref<112x128xf32, #tpu.memory_space<hbm>>
      %dma_wait3A_129 = arith.constant 0 : i32
      %dma_wait3A_130 = arith.constant 0 : i32
      %dma_wait3A_131 = tpu.memref_slice %arg13[%dma_wait3A_129, %dma_wait3A_130] : memref<128x128xf32, #tpu.memory_space<vmem>> -> memref<112x128xf32, #tpu.memory_space<vmem>>
      tpu.wait_dma2 semaphore(%run_scoped3A : memref<!tpu.dma_semaphore, #tpu.memory_space<semaphore_mem>>) src(%dma_wait3A_131 : memref<112x128xf32, #tpu.memory_space<vmem>>) dst(%dma_wait3A_128 : memref<112x128xf32, #tpu.memory_space<hbm>>)
      tpu.yield
    }) : () -> ()
    %eq3A_107 = arith.constant 0 : i32
    %eq3A_108 = arith.cmpi eq, %arg1, %eq3A_107 : i32
    %convert_element_type3A_109 = arith.extui %eq3A_108 : i1 to i32
    %cond3A_110 = arith.constant 0 : i32
    %cond3A_111 = arith.cmpi ne, %convert_element_type3A_109, %cond3A_110 : i32
    scf.if %cond3A_111 {
      "tpu.region"() ({
        %run_scoped3A = tpu.sem_alloc : memref<!tpu.dma_semaphore, #tpu.memory_space<semaphore_mem>>
        %dma_start3A_114 = arith.constant 0 : i32
        %dma_start3A_115 = arith.constant 0 : i32
        %dma_start3A_116 = tpu.memref_slice %arg13[%dma_start3A_114, %dma_start3A_115] : memref<128x128xf32, #tpu.memory_space<vmem>> -> memref<16x128xf32, #tpu.memory_space<vmem>>
        %dma_start3A_117 = arith.constant 9984 : i32
        %dma_start3A_118 = arith.constant 0 : i32
        %dma_start3A_119 = tpu.memref_slice %arg15[%dma_start3A_117, %dma_start3A_118] : memref<10000x128xf32, #tpu.memory_space<vmem_shared>> -> memref<16x128xf32, #tpu.memory_space<vmem_shared>>
        %dma_start3A_120 = arith.constant 0 : i32
        %dma_start3A_121 = arith.constant 0 : i32
        %dma_start3A_122 = tpu.memref_slice %arg13[%dma_start3A_120, %dma_start3A_121] : memref<128x128xf32, #tpu.memory_space<vmem>> -> memref<16x128xf32, #tpu.memory_space<vmem>>
        %dma_start3A_123 = arith.constant 9984 : i32
        %dma_start3A_124 = arith.constant 0 : i32
        %dma_start3A_125 = tpu.memref_slice %arg15[%dma_start3A_123, %dma_start3A_124] : memref<10000x128xf32, #tpu.memory_space<vmem_shared>> -> memref<16x128xf32, #tpu.memory_space<vmem_shared>>
        tpu.enqueue_dma source(%dma_start3A_125 : memref<16x128xf32, #tpu.memory_space<vmem_shared>>) target(%dma_start3A_122 : memref<16x128xf32, #tpu.memory_space<vmem>>) target_semaphore(%run_scoped3A : memref<!tpu.dma_semaphore, #tpu.memory_space<semaphore_mem>>)
        %dma_wait3A_126 = arith.constant 0 : i32
        %dma_wait3A_127 = arith.constant 0 : i32
        %dma_wait3A_128 = tpu.memref_slice %arg13[%dma_wait3A_126, %dma_wait3A_127] : memref<128x128xf32, #tpu.memory_space<vmem>> -> memref<16x128xf32, #tpu.memory_space<vmem>>
        %dma_wait3A_129 = arith.constant 9984 : i32
        %dma_wait3A_130 = arith.constant 0 : i32
        %dma_wait3A_131 = tpu.memref_slice %arg15[%dma_wait3A_129, %dma_wait3A_130] : memref<10000x128xf32, #tpu.memory_space<vmem_shared>> -> memref<16x128xf32, #tpu.memory_space<vmem_shared>>
        %dma_wait3A_132 = arith.constant 0 : i32
        %dma_wait3A_133 = arith.constant 0 : i32
        %dma_wait3A_134 = tpu.memref_slice %arg13[%dma_wait3A_132, %dma_wait3A_133] : memref<128x128xf32, #tpu.memory_space<vmem>> -> memref<16x128xf32, #tpu.memory_space<vmem>>
        %dma_wait3A_135 = arith.constant 9984 : i32
        %dma_wait3A_136 = arith.constant 0 : i32
        %dma_wait3A_137 = tpu.memref_slice %arg15[%dma_wait3A_135, %dma_wait3A_136] : memref<10000x128xf32, #tpu.memory_space<vmem_shared>> -> memref<16x128xf32, #tpu.memory_space<vmem_shared>>
        tpu.wait_dma2 semaphore(%run_scoped3A : memref<!tpu.dma_semaphore, #tpu.memory_space<semaphore_mem>>) src(%dma_wait3A_137 : memref<16x128xf32, #tpu.memory_space<vmem_shared>>) dst(%dma_wait3A_134 : memref<16x128xf32, #tpu.memory_space<vmem>>)
        tpu.yield
      }) : () -> ()
      %add3A_112 = arith.constant 9984 : i32
      %add3A_113 = arith.addi %mul3A_61, %add3A_112 : i32
      "tpu.region"() ({
        %run_scoped3A = tpu.sem_alloc : memref<!tpu.dma_semaphore, #tpu.memory_space<semaphore_mem>>
        %dma_start3A_114 = arith.constant 0 : i32
        %dma_start3A_115 = arith.constant 0 : i32
        %dma_start3A_116 = tpu.memref_slice %arg13[%dma_start3A_114, %dma_start3A_115] : memref<128x128xf32, #tpu.memory_space<vmem>> -> memref<16x128xf32, #tpu.memory_space<vmem>>
        %dma_start3A_117 = arith.constant 0 : i32
        %dma_start3A_118 = tpu.memref_slice %arg6[%add3A_113, %dma_start3A_117] : memref<20000x128xf32, #tpu.memory_space<hbm>> -> memref<16x128xf32, #tpu.memory_space<hbm>>
        %dma_start3A_119 = arith.constant 0 : i32
        %dma_start3A_120 = tpu.memref_slice %arg6[%add3A_113, %dma_start3A_119] : memref<20000x128xf32, #tpu.memory_space<hbm>> -> memref<16x128xf32, #tpu.memory_space<hbm>>
        %dma_start3A_121 = arith.constant 0 : i32
        %dma_start3A_122 = arith.constant 0 : i32
        %dma_start3A_123 = tpu.memref_slice %arg13[%dma_start3A_121, %dma_start3A_122] : memref<128x128xf32, #tpu.memory_space<vmem>> -> memref<16x128xf32, #tpu.memory_space<vmem>>
        tpu.enqueue_dma source(%dma_start3A_123 : memref<16x128xf32, #tpu.memory_space<vmem>>) target(%dma_start3A_120 : memref<16x128xf32, #tpu.memory_space<hbm>>) target_semaphore(%run_scoped3A : memref<!tpu.dma_semaphore, #tpu.memory_space<semaphore_mem>>)
        %dma_wait3A_124 = arith.constant 0 : i32
        %dma_wait3A_125 = arith.constant 0 : i32
        %dma_wait3A_126 = tpu.memref_slice %arg13[%dma_wait3A_124, %dma_wait3A_125] : memref<128x128xf32, #tpu.memory_space<vmem>> -> memref<16x128xf32, #tpu.memory_space<vmem>>
        %dma_wait3A_127 = arith.constant 0 : i32
        %dma_wait3A_128 = tpu.memref_slice %arg6[%add3A_113, %dma_wait3A_127] : memref<20000x128xf32, #tpu.memory_space<hbm>> -> memref<16x128xf32, #tpu.memory_space<hbm>>
        %dma_wait3A_129 = arith.constant 0 : i32
        %dma_wait3A_130 = tpu.memref_slice %arg6[%add3A_113, %dma_wait3A_129] : memref<20000x128xf32, #tpu.memory_space<hbm>> -> memref<16x128xf32, #tpu.memory_space<hbm>>
        %dma_wait3A_131 = arith.constant 0 : i32
        %dma_wait3A_132 = arith.constant 0 : i32
        %dma_wait3A_133 = tpu.memref_slice %arg13[%dma_wait3A_131, %dma_wait3A_132] : memref<128x128xf32, #tpu.memory_space<vmem>> -> memref<16x128xf32, #tpu.memory_space<vmem>>
        tpu.wait_dma2 semaphore(%run_scoped3A : memref<!tpu.dma_semaphore, #tpu.memory_space<semaphore_mem>>) src(%dma_wait3A_133 : memref<16x128xf32, #tpu.memory_space<vmem>>) dst(%dma_wait3A_130 : memref<16x128xf32, #tpu.memory_space<hbm>>)
        tpu.yield
      }) : () -> ()
    } else {
    }
    return
  }
}

#map = affine_map<(d0, d1) -> (0)>
#map1 = affine_map<(d0, d1) -> (0, 0)>
module attributes {stable_mosaic.version = 14 : i64} {
  func.func @_gath(%arg0: i32, %arg1: i32, %arg2: memref<28672xi32, #tpu.memory_space<hbm>>, %arg3: memref<10000x256xf32, #tpu.memory_space<hbm>>, %arg4: memref<200x256xf32, #tpu.memory_space<hbm>>, %arg5: memref<10000x128xf32, #tpu.memory_space<hbm>>, %arg6: memref<28672x256xf32, #tpu.memory_space<hbm>>, %arg7: memref<16384x128xf32, #tpu.memory_space<hbm>>, %arg8: memref<128xi32, #tpu.memory_space<vmem>>, %arg9: memref<128xi32, #tpu.memory_space<vmem>>, %arg10: memref<128x256xf32, #tpu.memory_space<vmem>>, %arg11: memref<128x256xf32, #tpu.memory_space<vmem>>, %arg12: memref<128x128xf32, #tpu.memory_space<vmem>>, %arg13: memref<128x128xf32, #tpu.memory_space<vmem>>, %arg14: memref<!tpu.dma_semaphore, #tpu.memory_space<semaphore_mem>>, %arg15: memref<!tpu.dma_semaphore, #tpu.memory_space<semaphore_mem>>) attributes {dimension_semantics = [#tpu.dimension_semantics<core_parallel>, #tpu.dimension_semantics<subcore_parallel>], iteration_bounds = array<i64: 2, 16>, scalar_prefetch = 0 : i64, scratch_operands = 8 : i64, tpu.core_type = #tpu.core_type<sc_vector_subcore>, window_params = [{transform_indices = #map}, {transform_indices = #map1}, {transform_indices = #map1}, {transform_indices = #map1}, {transform_indices = #map1}, {transform_indices = #map1}]} {
    %mul3A = arith.constant 2 : i32
    %mul3A_0 = arith.muli %arg1, %mul3A : i32
    %add3A = arith.addi %mul3A_0, %arg0 : i32
    %mul3A_1 = arith.constant 128 : i32
    %mul3A_2 = arith.muli %add3A, %mul3A_1 : i32
    %add3A_3 = arith.constant 0 : i32
    %add3A_4 = arith.addi %add3A_3, %mul3A_2 : i32
    "tpu.region"() ({
      %run_scoped3A = tpu.sem_alloc : memref<!tpu.dma_semaphore, #tpu.memory_space<semaphore_mem>>
      %dma_start3A_153 = tpu.memref_slice %arg2[%add3A_4] : memref<28672xi32, #tpu.memory_space<hbm>> -> memref<128xi32, #tpu.memory_space<hbm>>
      %dma_start3A_154 = tpu.memref_slice %arg2[%add3A_4] : memref<28672xi32, #tpu.memory_space<hbm>> -> memref<128xi32, #tpu.memory_space<hbm>>
      tpu.enqueue_dma source(%dma_start3A_154 : memref<128xi32, #tpu.memory_space<hbm>>) target(%arg8 : memref<128xi32, #tpu.memory_space<vmem>>) target_semaphore(%run_scoped3A : memref<!tpu.dma_semaphore, #tpu.memory_space<semaphore_mem>>)
      %dma_wait3A_155 = tpu.memref_slice %arg2[%add3A_4] : memref<28672xi32, #tpu.memory_space<hbm>> -> memref<128xi32, #tpu.memory_space<hbm>>
      %dma_wait3A_156 = tpu.memref_slice %arg2[%add3A_4] : memref<28672xi32, #tpu.memory_space<hbm>> -> memref<128xi32, #tpu.memory_space<hbm>>
      tpu.wait_dma2 semaphore(%run_scoped3A : memref<!tpu.dma_semaphore, #tpu.memory_space<semaphore_mem>>) src(%dma_wait3A_156 : memref<128xi32, #tpu.memory_space<hbm>>) dst(%arg8 : memref<128xi32, #tpu.memory_space<vmem>>)
      tpu.yield
    }) : () -> ()
    %dma_start3A = arith.constant 0 : i32
    %dma_start3A_5 = arith.constant 0 : i32
    %dma_start3A_6 = tpu.memref_slice %arg3[%dma_start3A, %dma_start3A_5] : memref<10000x256xf32, #tpu.memory_space<hbm>> -> memref<10000x256xf32, #tpu.memory_space<hbm>>
    tpu.enqueue_indirect_dma source(%dma_start3A_6 : memref<10000x256xf32, #tpu.memory_space<hbm>>) target(%arg10 : memref<128x256xf32, #tpu.memory_space<vmem>>) offsets(%arg8 : memref<128xi32, #tpu.memory_space<vmem>>) semaphore(%arg14 : memref<!tpu.dma_semaphore, #tpu.memory_space<semaphore_mem>>)
    %mul3A_7 = arith.constant 128 : i32
    %mul3A_8 = arith.muli %add3A, %mul3A_7 : i32
    %add3A_9 = arith.constant 4096 : i32
    %add3A_10 = arith.addi %add3A_9, %mul3A_8 : i32
    "tpu.region"() ({
      %run_scoped3A = tpu.sem_alloc : memref<!tpu.dma_semaphore, #tpu.memory_space<semaphore_mem>>
      %dma_start3A_153 = tpu.memref_slice %arg2[%add3A_10] : memref<28672xi32, #tpu.memory_space<hbm>> -> memref<128xi32, #tpu.memory_space<hbm>>
      %dma_start3A_154 = tpu.memref_slice %arg2[%add3A_10] : memref<28672xi32, #tpu.memory_space<hbm>> -> memref<128xi32, #tpu.memory_space<hbm>>
      tpu.enqueue_dma source(%dma_start3A_154 : memref<128xi32, #tpu.memory_space<hbm>>) target(%arg9 : memref<128xi32, #tpu.memory_space<vmem>>) target_semaphore(%run_scoped3A : memref<!tpu.dma_semaphore, #tpu.memory_space<semaphore_mem>>)
      %dma_wait3A_155 = tpu.memref_slice %arg2[%add3A_10] : memref<28672xi32, #tpu.memory_space<hbm>> -> memref<128xi32, #tpu.memory_space<hbm>>
      %dma_wait3A_156 = tpu.memref_slice %arg2[%add3A_10] : memref<28672xi32, #tpu.memory_space<hbm>> -> memref<128xi32, #tpu.memory_space<hbm>>
      tpu.wait_dma2 semaphore(%run_scoped3A : memref<!tpu.dma_semaphore, #tpu.memory_space<semaphore_mem>>) src(%dma_wait3A_156 : memref<128xi32, #tpu.memory_space<hbm>>) dst(%arg9 : memref<128xi32, #tpu.memory_space<vmem>>)
      tpu.yield
    }) : () -> ()
    %dma_start3A_11 = arith.constant 0 : i32
    %dma_start3A_12 = arith.constant 0 : i32
    %dma_start3A_13 = tpu.memref_slice %arg3[%dma_start3A_11, %dma_start3A_12] : memref<10000x256xf32, #tpu.memory_space<hbm>> -> memref<10000x256xf32, #tpu.memory_space<hbm>>
    tpu.enqueue_indirect_dma source(%dma_start3A_13 : memref<10000x256xf32, #tpu.memory_space<hbm>>) target(%arg11 : memref<128x256xf32, #tpu.memory_space<vmem>>) offsets(%arg9 : memref<128xi32, #tpu.memory_space<vmem>>) semaphore(%arg15 : memref<!tpu.dma_semaphore, #tpu.memory_space<semaphore_mem>>)
    %dma_wait3A = arith.constant 0 : i32
    %dma_wait3A_14 = arith.constant 0 : i32
    %dma_wait3A_15 = tpu.memref_slice %arg3[%dma_wait3A, %dma_wait3A_14] : memref<10000x256xf32, #tpu.memory_space<hbm>> -> memref<10000x256xf32, #tpu.memory_space<hbm>>
    tpu.wait_indirect_dma semaphore(%arg14 : memref<!tpu.dma_semaphore, #tpu.memory_space<semaphore_mem>>) src(%dma_wait3A_15 : memref<10000x256xf32, #tpu.memory_space<hbm>>) dst(%arg10 : memref<128x256xf32, #tpu.memory_space<vmem>>)
    %mul3A_16 = arith.constant 128 : i32
    %mul3A_17 = arith.muli %add3A, %mul3A_16 : i32
    %add3A_18 = arith.constant 0 : i32
    %add3A_19 = arith.addi %add3A_18, %mul3A_17 : i32
    "tpu.region"() ({
      %run_scoped3A = tpu.sem_alloc : memref<!tpu.dma_semaphore, #tpu.memory_space<semaphore_mem>>
      %dma_start3A_153 = arith.constant 0 : i32
      %dma_start3A_154 = tpu.memref_slice %arg6[%add3A_19, %dma_start3A_153] : memref<28672x256xf32, #tpu.memory_space<hbm>> -> memref<128x256xf32, #tpu.memory_space<hbm>>
      %dma_start3A_155 = arith.constant 0 : i32
      %dma_start3A_156 = tpu.memref_slice %arg6[%add3A_19, %dma_start3A_155] : memref<28672x256xf32, #tpu.memory_space<hbm>> -> memref<128x256xf32, #tpu.memory_space<hbm>>
      tpu.enqueue_dma source(%arg10 : memref<128x256xf32, #tpu.memory_space<vmem>>) target(%dma_start3A_156 : memref<128x256xf32, #tpu.memory_space<hbm>>) target_semaphore(%run_scoped3A : memref<!tpu.dma_semaphore, #tpu.memory_space<semaphore_mem>>)
      %dma_wait3A_157 = arith.constant 0 : i32
      %dma_wait3A_158 = tpu.memref_slice %arg6[%add3A_19, %dma_wait3A_157] : memref<28672x256xf32, #tpu.memory_space<hbm>> -> memref<128x256xf32, #tpu.memory_space<hbm>>
      %dma_wait3A_159 = arith.constant 0 : i32
      %dma_wait3A_160 = tpu.memref_slice %arg6[%add3A_19, %dma_wait3A_159] : memref<28672x256xf32, #tpu.memory_space<hbm>> -> memref<128x256xf32, #tpu.memory_space<hbm>>
      tpu.wait_dma2 semaphore(%run_scoped3A : memref<!tpu.dma_semaphore, #tpu.memory_space<semaphore_mem>>) src(%arg10 : memref<128x256xf32, #tpu.memory_space<vmem>>) dst(%dma_wait3A_160 : memref<128x256xf32, #tpu.memory_space<hbm>>)
      tpu.yield
    }) : () -> ()
    %mul3A_20 = arith.constant 128 : i32
    %mul3A_21 = arith.muli %add3A, %mul3A_20 : i32
    %add3A_22 = arith.constant 8192 : i32
    %add3A_23 = arith.addi %add3A_22, %mul3A_21 : i32
    "tpu.region"() ({
      %run_scoped3A = tpu.sem_alloc : memref<!tpu.dma_semaphore, #tpu.memory_space<semaphore_mem>>
      %dma_start3A_153 = tpu.memref_slice %arg2[%add3A_23] : memref<28672xi32, #tpu.memory_space<hbm>> -> memref<128xi32, #tpu.memory_space<hbm>>
      %dma_start3A_154 = tpu.memref_slice %arg2[%add3A_23] : memref<28672xi32, #tpu.memory_space<hbm>> -> memref<128xi32, #tpu.memory_space<hbm>>
      tpu.enqueue_dma source(%dma_start3A_154 : memref<128xi32, #tpu.memory_space<hbm>>) target(%arg8 : memref<128xi32, #tpu.memory_space<vmem>>) target_semaphore(%run_scoped3A : memref<!tpu.dma_semaphore, #tpu.memory_space<semaphore_mem>>)
      %dma_wait3A_155 = tpu.memref_slice %arg2[%add3A_23] : memref<28672xi32, #tpu.memory_space<hbm>> -> memref<128xi32, #tpu.memory_space<hbm>>
      %dma_wait3A_156 = tpu.memref_slice %arg2[%add3A_23] : memref<28672xi32, #tpu.memory_space<hbm>> -> memref<128xi32, #tpu.memory_space<hbm>>
      tpu.wait_dma2 semaphore(%run_scoped3A : memref<!tpu.dma_semaphore, #tpu.memory_space<semaphore_mem>>) src(%dma_wait3A_156 : memref<128xi32, #tpu.memory_space<hbm>>) dst(%arg8 : memref<128xi32, #tpu.memory_space<vmem>>)
      tpu.yield
    }) : () -> ()
    %dma_start3A_24 = arith.constant 0 : i32
    %dma_start3A_25 = arith.constant 0 : i32
    %dma_start3A_26 = tpu.memref_slice %arg3[%dma_start3A_24, %dma_start3A_25] : memref<10000x256xf32, #tpu.memory_space<hbm>> -> memref<10000x256xf32, #tpu.memory_space<hbm>>
    tpu.enqueue_indirect_dma source(%dma_start3A_26 : memref<10000x256xf32, #tpu.memory_space<hbm>>) target(%arg10 : memref<128x256xf32, #tpu.memory_space<vmem>>) offsets(%arg8 : memref<128xi32, #tpu.memory_space<vmem>>) semaphore(%arg14 : memref<!tpu.dma_semaphore, #tpu.memory_space<semaphore_mem>>)
    %dma_wait3A_27 = arith.constant 0 : i32
    %dma_wait3A_28 = arith.constant 0 : i32
    %dma_wait3A_29 = tpu.memref_slice %arg3[%dma_wait3A_27, %dma_wait3A_28] : memref<10000x256xf32, #tpu.memory_space<hbm>> -> memref<10000x256xf32, #tpu.memory_space<hbm>>
    tpu.wait_indirect_dma semaphore(%arg15 : memref<!tpu.dma_semaphore, #tpu.memory_space<semaphore_mem>>) src(%dma_wait3A_29 : memref<10000x256xf32, #tpu.memory_space<hbm>>) dst(%arg11 : memref<128x256xf32, #tpu.memory_space<vmem>>)
    %mul3A_30 = arith.constant 128 : i32
    %mul3A_31 = arith.muli %add3A, %mul3A_30 : i32
    %add3A_32 = arith.constant 4096 : i32
    %add3A_33 = arith.addi %add3A_32, %mul3A_31 : i32
    "tpu.region"() ({
      %run_scoped3A = tpu.sem_alloc : memref<!tpu.dma_semaphore, #tpu.memory_space<semaphore_mem>>
      %dma_start3A_153 = arith.constant 0 : i32
      %dma_start3A_154 = tpu.memref_slice %arg6[%add3A_33, %dma_start3A_153] : memref<28672x256xf32, #tpu.memory_space<hbm>> -> memref<128x256xf32, #tpu.memory_space<hbm>>
      %dma_start3A_155 = arith.constant 0 : i32
      %dma_start3A_156 = tpu.memref_slice %arg6[%add3A_33, %dma_start3A_155] : memref<28672x256xf32, #tpu.memory_space<hbm>> -> memref<128x256xf32, #tpu.memory_space<hbm>>
      tpu.enqueue_dma source(%arg11 : memref<128x256xf32, #tpu.memory_space<vmem>>) target(%dma_start3A_156 : memref<128x256xf32, #tpu.memory_space<hbm>>) target_semaphore(%run_scoped3A : memref<!tpu.dma_semaphore, #tpu.memory_space<semaphore_mem>>)
      %dma_wait3A_157 = arith.constant 0 : i32
      %dma_wait3A_158 = tpu.memref_slice %arg6[%add3A_33, %dma_wait3A_157] : memref<28672x256xf32, #tpu.memory_space<hbm>> -> memref<128x256xf32, #tpu.memory_space<hbm>>
      %dma_wait3A_159 = arith.constant 0 : i32
      %dma_wait3A_160 = tpu.memref_slice %arg6[%add3A_33, %dma_wait3A_159] : memref<28672x256xf32, #tpu.memory_space<hbm>> -> memref<128x256xf32, #tpu.memory_space<hbm>>
      tpu.wait_dma2 semaphore(%run_scoped3A : memref<!tpu.dma_semaphore, #tpu.memory_space<semaphore_mem>>) src(%arg11 : memref<128x256xf32, #tpu.memory_space<vmem>>) dst(%dma_wait3A_160 : memref<128x256xf32, #tpu.memory_space<hbm>>)
      tpu.yield
    }) : () -> ()
    %mul3A_34 = arith.constant 128 : i32
    %mul3A_35 = arith.muli %add3A, %mul3A_34 : i32
    %add3A_36 = arith.constant 12288 : i32
    %add3A_37 = arith.addi %add3A_36, %mul3A_35 : i32
    "tpu.region"() ({
      %run_scoped3A = tpu.sem_alloc : memref<!tpu.dma_semaphore, #tpu.memory_space<semaphore_mem>>
      %dma_start3A_153 = tpu.memref_slice %arg2[%add3A_37] : memref<28672xi32, #tpu.memory_space<hbm>> -> memref<128xi32, #tpu.memory_space<hbm>>
      %dma_start3A_154 = tpu.memref_slice %arg2[%add3A_37] : memref<28672xi32, #tpu.memory_space<hbm>> -> memref<128xi32, #tpu.memory_space<hbm>>
      tpu.enqueue_dma source(%dma_start3A_154 : memref<128xi32, #tpu.memory_space<hbm>>) target(%arg9 : memref<128xi32, #tpu.memory_space<vmem>>) target_semaphore(%run_scoped3A : memref<!tpu.dma_semaphore, #tpu.memory_space<semaphore_mem>>)
      %dma_wait3A_155 = tpu.memref_slice %arg2[%add3A_37] : memref<28672xi32, #tpu.memory_space<hbm>> -> memref<128xi32, #tpu.memory_space<hbm>>
      %dma_wait3A_156 = tpu.memref_slice %arg2[%add3A_37] : memref<28672xi32, #tpu.memory_space<hbm>> -> memref<128xi32, #tpu.memory_space<hbm>>
      tpu.wait_dma2 semaphore(%run_scoped3A : memref<!tpu.dma_semaphore, #tpu.memory_space<semaphore_mem>>) src(%dma_wait3A_156 : memref<128xi32, #tpu.memory_space<hbm>>) dst(%arg9 : memref<128xi32, #tpu.memory_space<vmem>>)
      tpu.yield
    }) : () -> ()
    %dma_start3A_38 = arith.constant 0 : i32
    %dma_start3A_39 = arith.constant 0 : i32
    %dma_start3A_40 = tpu.memref_slice %arg3[%dma_start3A_38, %dma_start3A_39] : memref<10000x256xf32, #tpu.memory_space<hbm>> -> memref<10000x256xf32, #tpu.memory_space<hbm>>
    tpu.enqueue_indirect_dma source(%dma_start3A_40 : memref<10000x256xf32, #tpu.memory_space<hbm>>) target(%arg11 : memref<128x256xf32, #tpu.memory_space<vmem>>) offsets(%arg9 : memref<128xi32, #tpu.memory_space<vmem>>) semaphore(%arg15 : memref<!tpu.dma_semaphore, #tpu.memory_space<semaphore_mem>>)
    %dma_wait3A_41 = arith.constant 0 : i32
    %dma_wait3A_42 = arith.constant 0 : i32
    %dma_wait3A_43 = tpu.memref_slice %arg3[%dma_wait3A_41, %dma_wait3A_42] : memref<10000x256xf32, #tpu.memory_space<hbm>> -> memref<10000x256xf32, #tpu.memory_space<hbm>>
    tpu.wait_indirect_dma semaphore(%arg14 : memref<!tpu.dma_semaphore, #tpu.memory_space<semaphore_mem>>) src(%dma_wait3A_43 : memref<10000x256xf32, #tpu.memory_space<hbm>>) dst(%arg10 : memref<128x256xf32, #tpu.memory_space<vmem>>)
    %mul3A_44 = arith.constant 128 : i32
    %mul3A_45 = arith.muli %add3A, %mul3A_44 : i32
    %add3A_46 = arith.constant 8192 : i32
    %add3A_47 = arith.addi %add3A_46, %mul3A_45 : i32
    "tpu.region"() ({
      %run_scoped3A = tpu.sem_alloc : memref<!tpu.dma_semaphore, #tpu.memory_space<semaphore_mem>>
      %dma_start3A_153 = arith.constant 0 : i32
      %dma_start3A_154 = tpu.memref_slice %arg6[%add3A_47, %dma_start3A_153] : memref<28672x256xf32, #tpu.memory_space<hbm>> -> memref<128x256xf32, #tpu.memory_space<hbm>>
      %dma_start3A_155 = arith.constant 0 : i32
      %dma_start3A_156 = tpu.memref_slice %arg6[%add3A_47, %dma_start3A_155] : memref<28672x256xf32, #tpu.memory_space<hbm>> -> memref<128x256xf32, #tpu.memory_space<hbm>>
      tpu.enqueue_dma source(%arg10 : memref<128x256xf32, #tpu.memory_space<vmem>>) target(%dma_start3A_156 : memref<128x256xf32, #tpu.memory_space<hbm>>) target_semaphore(%run_scoped3A : memref<!tpu.dma_semaphore, #tpu.memory_space<semaphore_mem>>)
      %dma_wait3A_157 = arith.constant 0 : i32
      %dma_wait3A_158 = tpu.memref_slice %arg6[%add3A_47, %dma_wait3A_157] : memref<28672x256xf32, #tpu.memory_space<hbm>> -> memref<128x256xf32, #tpu.memory_space<hbm>>
      %dma_wait3A_159 = arith.constant 0 : i32
      %dma_wait3A_160 = tpu.memref_slice %arg6[%add3A_47, %dma_wait3A_159] : memref<28672x256xf32, #tpu.memory_space<hbm>> -> memref<128x256xf32, #tpu.memory_space<hbm>>
      tpu.wait_dma2 semaphore(%run_scoped3A : memref<!tpu.dma_semaphore, #tpu.memory_space<semaphore_mem>>) src(%arg10 : memref<128x256xf32, #tpu.memory_space<vmem>>) dst(%dma_wait3A_160 : memref<128x256xf32, #tpu.memory_space<hbm>>)
      tpu.yield
    }) : () -> ()
    %mul3A_48 = arith.constant 128 : i32
    %mul3A_49 = arith.muli %add3A, %mul3A_48 : i32
    %add3A_50 = arith.constant 16384 : i32
    %add3A_51 = arith.addi %add3A_50, %mul3A_49 : i32
    "tpu.region"() ({
      %run_scoped3A = tpu.sem_alloc : memref<!tpu.dma_semaphore, #tpu.memory_space<semaphore_mem>>
      %dma_start3A_153 = tpu.memref_slice %arg2[%add3A_51] : memref<28672xi32, #tpu.memory_space<hbm>> -> memref<128xi32, #tpu.memory_space<hbm>>
      %dma_start3A_154 = tpu.memref_slice %arg2[%add3A_51] : memref<28672xi32, #tpu.memory_space<hbm>> -> memref<128xi32, #tpu.memory_space<hbm>>
      tpu.enqueue_dma source(%dma_start3A_154 : memref<128xi32, #tpu.memory_space<hbm>>) target(%arg8 : memref<128xi32, #tpu.memory_space<vmem>>) target_semaphore(%run_scoped3A : memref<!tpu.dma_semaphore, #tpu.memory_space<semaphore_mem>>)
      %dma_wait3A_155 = tpu.memref_slice %arg2[%add3A_51] : memref<28672xi32, #tpu.memory_space<hbm>> -> memref<128xi32, #tpu.memory_space<hbm>>
      %dma_wait3A_156 = tpu.memref_slice %arg2[%add3A_51] : memref<28672xi32, #tpu.memory_space<hbm>> -> memref<128xi32, #tpu.memory_space<hbm>>
      tpu.wait_dma2 semaphore(%run_scoped3A : memref<!tpu.dma_semaphore, #tpu.memory_space<semaphore_mem>>) src(%dma_wait3A_156 : memref<128xi32, #tpu.memory_space<hbm>>) dst(%arg8 : memref<128xi32, #tpu.memory_space<vmem>>)
      tpu.yield
    }) : () -> ()
    %dma_start3A_52 = arith.constant 0 : i32
    %dma_start3A_53 = arith.constant 0 : i32
    %dma_start3A_54 = tpu.memref_slice %arg3[%dma_start3A_52, %dma_start3A_53] : memref<10000x256xf32, #tpu.memory_space<hbm>> -> memref<10000x256xf32, #tpu.memory_space<hbm>>
    tpu.enqueue_indirect_dma source(%dma_start3A_54 : memref<10000x256xf32, #tpu.memory_space<hbm>>) target(%arg10 : memref<128x256xf32, #tpu.memory_space<vmem>>) offsets(%arg8 : memref<128xi32, #tpu.memory_space<vmem>>) semaphore(%arg14 : memref<!tpu.dma_semaphore, #tpu.memory_space<semaphore_mem>>)
    %dma_wait3A_55 = arith.constant 0 : i32
    %dma_wait3A_56 = arith.constant 0 : i32
    %dma_wait3A_57 = tpu.memref_slice %arg3[%dma_wait3A_55, %dma_wait3A_56] : memref<10000x256xf32, #tpu.memory_space<hbm>> -> memref<10000x256xf32, #tpu.memory_space<hbm>>
    tpu.wait_indirect_dma semaphore(%arg15 : memref<!tpu.dma_semaphore, #tpu.memory_space<semaphore_mem>>) src(%dma_wait3A_57 : memref<10000x256xf32, #tpu.memory_space<hbm>>) dst(%arg11 : memref<128x256xf32, #tpu.memory_space<vmem>>)
    %mul3A_58 = arith.constant 128 : i32
    %mul3A_59 = arith.muli %add3A, %mul3A_58 : i32
    %add3A_60 = arith.constant 12288 : i32
    %add3A_61 = arith.addi %add3A_60, %mul3A_59 : i32
    "tpu.region"() ({
      %run_scoped3A = tpu.sem_alloc : memref<!tpu.dma_semaphore, #tpu.memory_space<semaphore_mem>>
      %dma_start3A_153 = arith.constant 0 : i32
      %dma_start3A_154 = tpu.memref_slice %arg6[%add3A_61, %dma_start3A_153] : memref<28672x256xf32, #tpu.memory_space<hbm>> -> memref<128x256xf32, #tpu.memory_space<hbm>>
      %dma_start3A_155 = arith.constant 0 : i32
      %dma_start3A_156 = tpu.memref_slice %arg6[%add3A_61, %dma_start3A_155] : memref<28672x256xf32, #tpu.memory_space<hbm>> -> memref<128x256xf32, #tpu.memory_space<hbm>>
      tpu.enqueue_dma source(%arg11 : memref<128x256xf32, #tpu.memory_space<vmem>>) target(%dma_start3A_156 : memref<128x256xf32, #tpu.memory_space<hbm>>) target_semaphore(%run_scoped3A : memref<!tpu.dma_semaphore, #tpu.memory_space<semaphore_mem>>)
      %dma_wait3A_157 = arith.constant 0 : i32
      %dma_wait3A_158 = tpu.memref_slice %arg6[%add3A_61, %dma_wait3A_157] : memref<28672x256xf32, #tpu.memory_space<hbm>> -> memref<128x256xf32, #tpu.memory_space<hbm>>
      %dma_wait3A_159 = arith.constant 0 : i32
      %dma_wait3A_160 = tpu.memref_slice %arg6[%add3A_61, %dma_wait3A_159] : memref<28672x256xf32, #tpu.memory_space<hbm>> -> memref<128x256xf32, #tpu.memory_space<hbm>>
      tpu.wait_dma2 semaphore(%run_scoped3A : memref<!tpu.dma_semaphore, #tpu.memory_space<semaphore_mem>>) src(%arg11 : memref<128x256xf32, #tpu.memory_space<vmem>>) dst(%dma_wait3A_160 : memref<128x256xf32, #tpu.memory_space<hbm>>)
      tpu.yield
    }) : () -> ()
    %mul3A_62 = arith.constant 128 : i32
    %mul3A_63 = arith.muli %add3A, %mul3A_62 : i32
    %add3A_64 = arith.constant 20480 : i32
    %add3A_65 = arith.addi %add3A_64, %mul3A_63 : i32
    "tpu.region"() ({
      %run_scoped3A = tpu.sem_alloc : memref<!tpu.dma_semaphore, #tpu.memory_space<semaphore_mem>>
      %dma_start3A_153 = tpu.memref_slice %arg2[%add3A_65] : memref<28672xi32, #tpu.memory_space<hbm>> -> memref<128xi32, #tpu.memory_space<hbm>>
      %dma_start3A_154 = tpu.memref_slice %arg2[%add3A_65] : memref<28672xi32, #tpu.memory_space<hbm>> -> memref<128xi32, #tpu.memory_space<hbm>>
      tpu.enqueue_dma source(%dma_start3A_154 : memref<128xi32, #tpu.memory_space<hbm>>) target(%arg9 : memref<128xi32, #tpu.memory_space<vmem>>) target_semaphore(%run_scoped3A : memref<!tpu.dma_semaphore, #tpu.memory_space<semaphore_mem>>)
      %dma_wait3A_155 = tpu.memref_slice %arg2[%add3A_65] : memref<28672xi32, #tpu.memory_space<hbm>> -> memref<128xi32, #tpu.memory_space<hbm>>
      %dma_wait3A_156 = tpu.memref_slice %arg2[%add3A_65] : memref<28672xi32, #tpu.memory_space<hbm>> -> memref<128xi32, #tpu.memory_space<hbm>>
      tpu.wait_dma2 semaphore(%run_scoped3A : memref<!tpu.dma_semaphore, #tpu.memory_space<semaphore_mem>>) src(%dma_wait3A_156 : memref<128xi32, #tpu.memory_space<hbm>>) dst(%arg9 : memref<128xi32, #tpu.memory_space<vmem>>)
      tpu.yield
    }) : () -> ()
    %dma_start3A_66 = arith.constant 0 : i32
    %dma_start3A_67 = arith.constant 0 : i32
    %dma_start3A_68 = tpu.memref_slice %arg3[%dma_start3A_66, %dma_start3A_67] : memref<10000x256xf32, #tpu.memory_space<hbm>> -> memref<10000x256xf32, #tpu.memory_space<hbm>>
    tpu.enqueue_indirect_dma source(%dma_start3A_68 : memref<10000x256xf32, #tpu.memory_space<hbm>>) target(%arg11 : memref<128x256xf32, #tpu.memory_space<vmem>>) offsets(%arg9 : memref<128xi32, #tpu.memory_space<vmem>>) semaphore(%arg15 : memref<!tpu.dma_semaphore, #tpu.memory_space<semaphore_mem>>)
    %dma_wait3A_69 = arith.constant 0 : i32
    %dma_wait3A_70 = arith.constant 0 : i32
    %dma_wait3A_71 = tpu.memref_slice %arg3[%dma_wait3A_69, %dma_wait3A_70] : memref<10000x256xf32, #tpu.memory_space<hbm>> -> memref<10000x256xf32, #tpu.memory_space<hbm>>
    tpu.wait_indirect_dma semaphore(%arg14 : memref<!tpu.dma_semaphore, #tpu.memory_space<semaphore_mem>>) src(%dma_wait3A_71 : memref<10000x256xf32, #tpu.memory_space<hbm>>) dst(%arg10 : memref<128x256xf32, #tpu.memory_space<vmem>>)
    %mul3A_72 = arith.constant 128 : i32
    %mul3A_73 = arith.muli %add3A, %mul3A_72 : i32
    %add3A_74 = arith.constant 16384 : i32
    %add3A_75 = arith.addi %add3A_74, %mul3A_73 : i32
    "tpu.region"() ({
      %run_scoped3A = tpu.sem_alloc : memref<!tpu.dma_semaphore, #tpu.memory_space<semaphore_mem>>
      %dma_start3A_153 = arith.constant 0 : i32
      %dma_start3A_154 = tpu.memref_slice %arg6[%add3A_75, %dma_start3A_153] : memref<28672x256xf32, #tpu.memory_space<hbm>> -> memref<128x256xf32, #tpu.memory_space<hbm>>
      %dma_start3A_155 = arith.constant 0 : i32
      %dma_start3A_156 = tpu.memref_slice %arg6[%add3A_75, %dma_start3A_155] : memref<28672x256xf32, #tpu.memory_space<hbm>> -> memref<128x256xf32, #tpu.memory_space<hbm>>
      tpu.enqueue_dma source(%arg10 : memref<128x256xf32, #tpu.memory_space<vmem>>) target(%dma_start3A_156 : memref<128x256xf32, #tpu.memory_space<hbm>>) target_semaphore(%run_scoped3A : memref<!tpu.dma_semaphore, #tpu.memory_space<semaphore_mem>>)
      %dma_wait3A_157 = arith.constant 0 : i32
      %dma_wait3A_158 = tpu.memref_slice %arg6[%add3A_75, %dma_wait3A_157] : memref<28672x256xf32, #tpu.memory_space<hbm>> -> memref<128x256xf32, #tpu.memory_space<hbm>>
      %dma_wait3A_159 = arith.constant 0 : i32
      %dma_wait3A_160 = tpu.memref_slice %arg6[%add3A_75, %dma_wait3A_159] : memref<28672x256xf32, #tpu.memory_space<hbm>> -> memref<128x256xf32, #tpu.memory_space<hbm>>
      tpu.wait_dma2 semaphore(%run_scoped3A : memref<!tpu.dma_semaphore, #tpu.memory_space<semaphore_mem>>) src(%arg10 : memref<128x256xf32, #tpu.memory_space<vmem>>) dst(%dma_wait3A_160 : memref<128x256xf32, #tpu.memory_space<hbm>>)
      tpu.yield
    }) : () -> ()
    %mul3A_76 = arith.constant 128 : i32
    %mul3A_77 = arith.muli %add3A, %mul3A_76 : i32
    %add3A_78 = arith.constant 24576 : i32
    %add3A_79 = arith.addi %add3A_78, %mul3A_77 : i32
    "tpu.region"() ({
      %run_scoped3A = tpu.sem_alloc : memref<!tpu.dma_semaphore, #tpu.memory_space<semaphore_mem>>
      %dma_start3A_153 = tpu.memref_slice %arg2[%add3A_79] : memref<28672xi32, #tpu.memory_space<hbm>> -> memref<128xi32, #tpu.memory_space<hbm>>
      %dma_start3A_154 = tpu.memref_slice %arg2[%add3A_79] : memref<28672xi32, #tpu.memory_space<hbm>> -> memref<128xi32, #tpu.memory_space<hbm>>
      tpu.enqueue_dma source(%dma_start3A_154 : memref<128xi32, #tpu.memory_space<hbm>>) target(%arg8 : memref<128xi32, #tpu.memory_space<vmem>>) target_semaphore(%run_scoped3A : memref<!tpu.dma_semaphore, #tpu.memory_space<semaphore_mem>>)
      %dma_wait3A_155 = tpu.memref_slice %arg2[%add3A_79] : memref<28672xi32, #tpu.memory_space<hbm>> -> memref<128xi32, #tpu.memory_space<hbm>>
      %dma_wait3A_156 = tpu.memref_slice %arg2[%add3A_79] : memref<28672xi32, #tpu.memory_space<hbm>> -> memref<128xi32, #tpu.memory_space<hbm>>
      tpu.wait_dma2 semaphore(%run_scoped3A : memref<!tpu.dma_semaphore, #tpu.memory_space<semaphore_mem>>) src(%dma_wait3A_156 : memref<128xi32, #tpu.memory_space<hbm>>) dst(%arg8 : memref<128xi32, #tpu.memory_space<vmem>>)
      tpu.yield
    }) : () -> ()
    %dma_start3A_80 = arith.constant 0 : i32
    %dma_start3A_81 = arith.constant 0 : i32
    %dma_start3A_82 = tpu.memref_slice %arg4[%dma_start3A_80, %dma_start3A_81] : memref<200x256xf32, #tpu.memory_space<hbm>> -> memref<200x256xf32, #tpu.memory_space<hbm>>
    tpu.enqueue_indirect_dma source(%dma_start3A_82 : memref<200x256xf32, #tpu.memory_space<hbm>>) target(%arg10 : memref<128x256xf32, #tpu.memory_space<vmem>>) offsets(%arg8 : memref<128xi32, #tpu.memory_space<vmem>>) semaphore(%arg14 : memref<!tpu.dma_semaphore, #tpu.memory_space<semaphore_mem>>)
    %dma_wait3A_83 = arith.constant 0 : i32
    %dma_wait3A_84 = arith.constant 0 : i32
    %dma_wait3A_85 = tpu.memref_slice %arg3[%dma_wait3A_83, %dma_wait3A_84] : memref<10000x256xf32, #tpu.memory_space<hbm>> -> memref<10000x256xf32, #tpu.memory_space<hbm>>
    tpu.wait_indirect_dma semaphore(%arg15 : memref<!tpu.dma_semaphore, #tpu.memory_space<semaphore_mem>>) src(%dma_wait3A_85 : memref<10000x256xf32, #tpu.memory_space<hbm>>) dst(%arg11 : memref<128x256xf32, #tpu.memory_space<vmem>>)
    %mul3A_86 = arith.constant 128 : i32
    %mul3A_87 = arith.muli %add3A, %mul3A_86 : i32
    %add3A_88 = arith.constant 20480 : i32
    %add3A_89 = arith.addi %add3A_88, %mul3A_87 : i32
    "tpu.region"() ({
      %run_scoped3A = tpu.sem_alloc : memref<!tpu.dma_semaphore, #tpu.memory_space<semaphore_mem>>
      %dma_start3A_153 = arith.constant 0 : i32
      %dma_start3A_154 = tpu.memref_slice %arg6[%add3A_89, %dma_start3A_153] : memref<28672x256xf32, #tpu.memory_space<hbm>> -> memref<128x256xf32, #tpu.memory_space<hbm>>
      %dma_start3A_155 = arith.constant 0 : i32
      %dma_start3A_156 = tpu.memref_slice %arg6[%add3A_89, %dma_start3A_155] : memref<28672x256xf32, #tpu.memory_space<hbm>> -> memref<128x256xf32, #tpu.memory_space<hbm>>
      tpu.enqueue_dma source(%arg11 : memref<128x256xf32, #tpu.memory_space<vmem>>) target(%dma_start3A_156 : memref<128x256xf32, #tpu.memory_space<hbm>>) target_semaphore(%run_scoped3A : memref<!tpu.dma_semaphore, #tpu.memory_space<semaphore_mem>>)
      %dma_wait3A_157 = arith.constant 0 : i32
      %dma_wait3A_158 = tpu.memref_slice %arg6[%add3A_89, %dma_wait3A_157] : memref<28672x256xf32, #tpu.memory_space<hbm>> -> memref<128x256xf32, #tpu.memory_space<hbm>>
      %dma_wait3A_159 = arith.constant 0 : i32
      %dma_wait3A_160 = tpu.memref_slice %arg6[%add3A_89, %dma_wait3A_159] : memref<28672x256xf32, #tpu.memory_space<hbm>> -> memref<128x256xf32, #tpu.memory_space<hbm>>
      tpu.wait_dma2 semaphore(%run_scoped3A : memref<!tpu.dma_semaphore, #tpu.memory_space<semaphore_mem>>) src(%arg11 : memref<128x256xf32, #tpu.memory_space<vmem>>) dst(%dma_wait3A_160 : memref<128x256xf32, #tpu.memory_space<hbm>>)
      tpu.yield
    }) : () -> ()
    %mul3A_90 = arith.constant 128 : i32
    %mul3A_91 = arith.muli %add3A, %mul3A_90 : i32
    %add3A_92 = arith.constant 0 : i32
    %add3A_93 = arith.addi %add3A_92, %mul3A_91 : i32
    "tpu.region"() ({
      %run_scoped3A = tpu.sem_alloc : memref<!tpu.dma_semaphore, #tpu.memory_space<semaphore_mem>>
      %dma_start3A_153 = tpu.memref_slice %arg2[%add3A_93] : memref<28672xi32, #tpu.memory_space<hbm>> -> memref<128xi32, #tpu.memory_space<hbm>>
      %dma_start3A_154 = tpu.memref_slice %arg2[%add3A_93] : memref<28672xi32, #tpu.memory_space<hbm>> -> memref<128xi32, #tpu.memory_space<hbm>>
      tpu.enqueue_dma source(%dma_start3A_154 : memref<128xi32, #tpu.memory_space<hbm>>) target(%arg9 : memref<128xi32, #tpu.memory_space<vmem>>) target_semaphore(%run_scoped3A : memref<!tpu.dma_semaphore, #tpu.memory_space<semaphore_mem>>)
      %dma_wait3A_155 = tpu.memref_slice %arg2[%add3A_93] : memref<28672xi32, #tpu.memory_space<hbm>> -> memref<128xi32, #tpu.memory_space<hbm>>
      %dma_wait3A_156 = tpu.memref_slice %arg2[%add3A_93] : memref<28672xi32, #tpu.memory_space<hbm>> -> memref<128xi32, #tpu.memory_space<hbm>>
      tpu.wait_dma2 semaphore(%run_scoped3A : memref<!tpu.dma_semaphore, #tpu.memory_space<semaphore_mem>>) src(%dma_wait3A_156 : memref<128xi32, #tpu.memory_space<hbm>>) dst(%arg9 : memref<128xi32, #tpu.memory_space<vmem>>)
      tpu.yield
    }) : () -> ()
    %dma_start3A_94 = arith.constant 0 : i32
    %dma_start3A_95 = arith.constant 0 : i32
    %dma_start3A_96 = tpu.memref_slice %arg5[%dma_start3A_94, %dma_start3A_95] : memref<10000x128xf32, #tpu.memory_space<hbm>> -> memref<10000x128xf32, #tpu.memory_space<hbm>>
    tpu.enqueue_indirect_dma source(%dma_start3A_96 : memref<10000x128xf32, #tpu.memory_space<hbm>>) target(%arg13 : memref<128x128xf32, #tpu.memory_space<vmem>>) offsets(%arg9 : memref<128xi32, #tpu.memory_space<vmem>>) semaphore(%arg15 : memref<!tpu.dma_semaphore, #tpu.memory_space<semaphore_mem>>)
    %dma_wait3A_97 = arith.constant 0 : i32
    %dma_wait3A_98 = arith.constant 0 : i32
    %dma_wait3A_99 = tpu.memref_slice %arg4[%dma_wait3A_97, %dma_wait3A_98] : memref<200x256xf32, #tpu.memory_space<hbm>> -> memref<200x256xf32, #tpu.memory_space<hbm>>
    tpu.wait_indirect_dma semaphore(%arg14 : memref<!tpu.dma_semaphore, #tpu.memory_space<semaphore_mem>>) src(%dma_wait3A_99 : memref<200x256xf32, #tpu.memory_space<hbm>>) dst(%arg10 : memref<128x256xf32, #tpu.memory_space<vmem>>)
    %mul3A_100 = arith.constant 128 : i32
    %mul3A_101 = arith.muli %add3A, %mul3A_100 : i32
    %add3A_102 = arith.constant 24576 : i32
    %add3A_103 = arith.addi %add3A_102, %mul3A_101 : i32
    "tpu.region"() ({
      %run_scoped3A = tpu.sem_alloc : memref<!tpu.dma_semaphore, #tpu.memory_space<semaphore_mem>>
      %dma_start3A_153 = arith.constant 0 : i32
      %dma_start3A_154 = tpu.memref_slice %arg6[%add3A_103, %dma_start3A_153] : memref<28672x256xf32, #tpu.memory_space<hbm>> -> memref<128x256xf32, #tpu.memory_space<hbm>>
      %dma_start3A_155 = arith.constant 0 : i32
      %dma_start3A_156 = tpu.memref_slice %arg6[%add3A_103, %dma_start3A_155] : memref<28672x256xf32, #tpu.memory_space<hbm>> -> memref<128x256xf32, #tpu.memory_space<hbm>>
      tpu.enqueue_dma source(%arg10 : memref<128x256xf32, #tpu.memory_space<vmem>>) target(%dma_start3A_156 : memref<128x256xf32, #tpu.memory_space<hbm>>) target_semaphore(%run_scoped3A : memref<!tpu.dma_semaphore, #tpu.memory_space<semaphore_mem>>)
      %dma_wait3A_157 = arith.constant 0 : i32
      %dma_wait3A_158 = tpu.memref_slice %arg6[%add3A_103, %dma_wait3A_157] : memref<28672x256xf32, #tpu.memory_space<hbm>> -> memref<128x256xf32, #tpu.memory_space<hbm>>
      %dma_wait3A_159 = arith.constant 0 : i32
      %dma_wait3A_160 = tpu.memref_slice %arg6[%add3A_103, %dma_wait3A_159] : memref<28672x256xf32, #tpu.memory_space<hbm>> -> memref<128x256xf32, #tpu.memory_space<hbm>>
      tpu.wait_dma2 semaphore(%run_scoped3A : memref<!tpu.dma_semaphore, #tpu.memory_space<semaphore_mem>>) src(%arg10 : memref<128x256xf32, #tpu.memory_space<vmem>>) dst(%dma_wait3A_160 : memref<128x256xf32, #tpu.memory_space<hbm>>)
      tpu.yield
    }) : () -> ()
    %mul3A_104 = arith.constant 128 : i32
    %mul3A_105 = arith.muli %add3A, %mul3A_104 : i32
    %add3A_106 = arith.constant 4096 : i32
    %add3A_107 = arith.addi %add3A_106, %mul3A_105 : i32
    "tpu.region"() ({
      %run_scoped3A = tpu.sem_alloc : memref<!tpu.dma_semaphore, #tpu.memory_space<semaphore_mem>>
      %dma_start3A_153 = tpu.memref_slice %arg2[%add3A_107] : memref<28672xi32, #tpu.memory_space<hbm>> -> memref<128xi32, #tpu.memory_space<hbm>>
      %dma_start3A_154 = tpu.memref_slice %arg2[%add3A_107] : memref<28672xi32, #tpu.memory_space<hbm>> -> memref<128xi32, #tpu.memory_space<hbm>>
      tpu.enqueue_dma source(%dma_start3A_154 : memref<128xi32, #tpu.memory_space<hbm>>) target(%arg8 : memref<128xi32, #tpu.memory_space<vmem>>) target_semaphore(%run_scoped3A : memref<!tpu.dma_semaphore, #tpu.memory_space<semaphore_mem>>)
      %dma_wait3A_155 = tpu.memref_slice %arg2[%add3A_107] : memref<28672xi32, #tpu.memory_space<hbm>> -> memref<128xi32, #tpu.memory_space<hbm>>
      %dma_wait3A_156 = tpu.memref_slice %arg2[%add3A_107] : memref<28672xi32, #tpu.memory_space<hbm>> -> memref<128xi32, #tpu.memory_space<hbm>>
      tpu.wait_dma2 semaphore(%run_scoped3A : memref<!tpu.dma_semaphore, #tpu.memory_space<semaphore_mem>>) src(%dma_wait3A_156 : memref<128xi32, #tpu.memory_space<hbm>>) dst(%arg8 : memref<128xi32, #tpu.memory_space<vmem>>)
      tpu.yield
    }) : () -> ()
    %dma_start3A_108 = arith.constant 0 : i32
    %dma_start3A_109 = arith.constant 0 : i32
    %dma_start3A_110 = tpu.memref_slice %arg5[%dma_start3A_108, %dma_start3A_109] : memref<10000x128xf32, #tpu.memory_space<hbm>> -> memref<10000x128xf32, #tpu.memory_space<hbm>>
    tpu.enqueue_indirect_dma source(%dma_start3A_110 : memref<10000x128xf32, #tpu.memory_space<hbm>>) target(%arg12 : memref<128x128xf32, #tpu.memory_space<vmem>>) offsets(%arg8 : memref<128xi32, #tpu.memory_space<vmem>>) semaphore(%arg14 : memref<!tpu.dma_semaphore, #tpu.memory_space<semaphore_mem>>)
    %dma_wait3A_111 = arith.constant 0 : i32
    %dma_wait3A_112 = arith.constant 0 : i32
    %dma_wait3A_113 = tpu.memref_slice %arg5[%dma_wait3A_111, %dma_wait3A_112] : memref<10000x128xf32, #tpu.memory_space<hbm>> -> memref<10000x128xf32, #tpu.memory_space<hbm>>
    tpu.wait_indirect_dma semaphore(%arg15 : memref<!tpu.dma_semaphore, #tpu.memory_space<semaphore_mem>>) src(%dma_wait3A_113 : memref<10000x128xf32, #tpu.memory_space<hbm>>) dst(%arg13 : memref<128x128xf32, #tpu.memory_space<vmem>>)
    %mul3A_114 = arith.constant 128 : i32
    %mul3A_115 = arith.muli %add3A, %mul3A_114 : i32
    %add3A_116 = arith.constant 0 : i32
    %add3A_117 = arith.addi %add3A_116, %mul3A_115 : i32
    "tpu.region"() ({
      %run_scoped3A = tpu.sem_alloc : memref<!tpu.dma_semaphore, #tpu.memory_space<semaphore_mem>>
      %dma_start3A_153 = arith.constant 0 : i32
      %dma_start3A_154 = tpu.memref_slice %arg7[%add3A_117, %dma_start3A_153] : memref<16384x128xf32, #tpu.memory_space<hbm>> -> memref<128x128xf32, #tpu.memory_space<hbm>>
      %dma_start3A_155 = arith.constant 0 : i32
      %dma_start3A_156 = tpu.memref_slice %arg7[%add3A_117, %dma_start3A_155] : memref<16384x128xf32, #tpu.memory_space<hbm>> -> memref<128x128xf32, #tpu.memory_space<hbm>>
      tpu.enqueue_dma source(%arg13 : memref<128x128xf32, #tpu.memory_space<vmem>>) target(%dma_start3A_156 : memref<128x128xf32, #tpu.memory_space<hbm>>) target_semaphore(%run_scoped3A : memref<!tpu.dma_semaphore, #tpu.memory_space<semaphore_mem>>)
      %dma_wait3A_157 = arith.constant 0 : i32
      %dma_wait3A_158 = tpu.memref_slice %arg7[%add3A_117, %dma_wait3A_157] : memref<16384x128xf32, #tpu.memory_space<hbm>> -> memref<128x128xf32, #tpu.memory_space<hbm>>
      %dma_wait3A_159 = arith.constant 0 : i32
      %dma_wait3A_160 = tpu.memref_slice %arg7[%add3A_117, %dma_wait3A_159] : memref<16384x128xf32, #tpu.memory_space<hbm>> -> memref<128x128xf32, #tpu.memory_space<hbm>>
      tpu.wait_dma2 semaphore(%run_scoped3A : memref<!tpu.dma_semaphore, #tpu.memory_space<semaphore_mem>>) src(%arg13 : memref<128x128xf32, #tpu.memory_space<vmem>>) dst(%dma_wait3A_160 : memref<128x128xf32, #tpu.memory_space<hbm>>)
      tpu.yield
    }) : () -> ()
    %mul3A_118 = arith.constant 128 : i32
    %mul3A_119 = arith.muli %add3A, %mul3A_118 : i32
    %add3A_120 = arith.constant 8192 : i32
    %add3A_121 = arith.addi %add3A_120, %mul3A_119 : i32
    "tpu.region"() ({
      %run_scoped3A = tpu.sem_alloc : memref<!tpu.dma_semaphore, #tpu.memory_space<semaphore_mem>>
      %dma_start3A_153 = tpu.memref_slice %arg2[%add3A_121] : memref<28672xi32, #tpu.memory_space<hbm>> -> memref<128xi32, #tpu.memory_space<hbm>>
      %dma_start3A_154 = tpu.memref_slice %arg2[%add3A_121] : memref<28672xi32, #tpu.memory_space<hbm>> -> memref<128xi32, #tpu.memory_space<hbm>>
      tpu.enqueue_dma source(%dma_start3A_154 : memref<128xi32, #tpu.memory_space<hbm>>) target(%arg9 : memref<128xi32, #tpu.memory_space<vmem>>) target_semaphore(%run_scoped3A : memref<!tpu.dma_semaphore, #tpu.memory_space<semaphore_mem>>)
      %dma_wait3A_155 = tpu.memref_slice %arg2[%add3A_121] : memref<28672xi32, #tpu.memory_space<hbm>> -> memref<128xi32, #tpu.memory_space<hbm>>
      %dma_wait3A_156 = tpu.memref_slice %arg2[%add3A_121] : memref<28672xi32, #tpu.memory_space<hbm>> -> memref<128xi32, #tpu.memory_space<hbm>>
      tpu.wait_dma2 semaphore(%run_scoped3A : memref<!tpu.dma_semaphore, #tpu.memory_space<semaphore_mem>>) src(%dma_wait3A_156 : memref<128xi32, #tpu.memory_space<hbm>>) dst(%arg9 : memref<128xi32, #tpu.memory_space<vmem>>)
      tpu.yield
    }) : () -> ()
    %dma_start3A_122 = arith.constant 0 : i32
    %dma_start3A_123 = arith.constant 0 : i32
    %dma_start3A_124 = tpu.memref_slice %arg5[%dma_start3A_122, %dma_start3A_123] : memref<10000x128xf32, #tpu.memory_space<hbm>> -> memref<10000x128xf32, #tpu.memory_space<hbm>>
    tpu.enqueue_indirect_dma source(%dma_start3A_124 : memref<10000x128xf32, #tpu.memory_space<hbm>>) target(%arg13 : memref<128x128xf32, #tpu.memory_space<vmem>>) offsets(%arg9 : memref<128xi32, #tpu.memory_space<vmem>>) semaphore(%arg15 : memref<!tpu.dma_semaphore, #tpu.memory_space<semaphore_mem>>)
    %dma_wait3A_125 = arith.constant 0 : i32
    %dma_wait3A_126 = arith.constant 0 : i32
    %dma_wait3A_127 = tpu.memref_slice %arg5[%dma_wait3A_125, %dma_wait3A_126] : memref<10000x128xf32, #tpu.memory_space<hbm>> -> memref<10000x128xf32, #tpu.memory_space<hbm>>
    tpu.wait_indirect_dma semaphore(%arg14 : memref<!tpu.dma_semaphore, #tpu.memory_space<semaphore_mem>>) src(%dma_wait3A_127 : memref<10000x128xf32, #tpu.memory_space<hbm>>) dst(%arg12 : memref<128x128xf32, #tpu.memory_space<vmem>>)
    %mul3A_128 = arith.constant 128 : i32
    %mul3A_129 = arith.muli %add3A, %mul3A_128 : i32
    %add3A_130 = arith.constant 4096 : i32
    %add3A_131 = arith.addi %add3A_130, %mul3A_129 : i32
    "tpu.region"() ({
      %run_scoped3A = tpu.sem_alloc : memref<!tpu.dma_semaphore, #tpu.memory_space<semaphore_mem>>
      %dma_start3A_153 = arith.constant 0 : i32
      %dma_start3A_154 = tpu.memref_slice %arg7[%add3A_131, %dma_start3A_153] : memref<16384x128xf32, #tpu.memory_space<hbm>> -> memref<128x128xf32, #tpu.memory_space<hbm>>
      %dma_start3A_155 = arith.constant 0 : i32
      %dma_start3A_156 = tpu.memref_slice %arg7[%add3A_131, %dma_start3A_155] : memref<16384x128xf32, #tpu.memory_space<hbm>> -> memref<128x128xf32, #tpu.memory_space<hbm>>
      tpu.enqueue_dma source(%arg12 : memref<128x128xf32, #tpu.memory_space<vmem>>) target(%dma_start3A_156 : memref<128x128xf32, #tpu.memory_space<hbm>>) target_semaphore(%run_scoped3A : memref<!tpu.dma_semaphore, #tpu.memory_space<semaphore_mem>>)
      %dma_wait3A_157 = arith.constant 0 : i32
      %dma_wait3A_158 = tpu.memref_slice %arg7[%add3A_131, %dma_wait3A_157] : memref<16384x128xf32, #tpu.memory_space<hbm>> -> memref<128x128xf32, #tpu.memory_space<hbm>>
      %dma_wait3A_159 = arith.constant 0 : i32
      %dma_wait3A_160 = tpu.memref_slice %arg7[%add3A_131, %dma_wait3A_159] : memref<16384x128xf32, #tpu.memory_space<hbm>> -> memref<128x128xf32, #tpu.memory_space<hbm>>
      tpu.wait_dma2 semaphore(%run_scoped3A : memref<!tpu.dma_semaphore, #tpu.memory_space<semaphore_mem>>) src(%arg12 : memref<128x128xf32, #tpu.memory_space<vmem>>) dst(%dma_wait3A_160 : memref<128x128xf32, #tpu.memory_space<hbm>>)
      tpu.yield
    }) : () -> ()
    %mul3A_132 = arith.constant 128 : i32
    %mul3A_133 = arith.muli %add3A, %mul3A_132 : i32
    %add3A_134 = arith.constant 12288 : i32
    %add3A_135 = arith.addi %add3A_134, %mul3A_133 : i32
    "tpu.region"() ({
      %run_scoped3A = tpu.sem_alloc : memref<!tpu.dma_semaphore, #tpu.memory_space<semaphore_mem>>
      %dma_start3A_153 = tpu.memref_slice %arg2[%add3A_135] : memref<28672xi32, #tpu.memory_space<hbm>> -> memref<128xi32, #tpu.memory_space<hbm>>
      %dma_start3A_154 = tpu.memref_slice %arg2[%add3A_135] : memref<28672xi32, #tpu.memory_space<hbm>> -> memref<128xi32, #tpu.memory_space<hbm>>
      tpu.enqueue_dma source(%dma_start3A_154 : memref<128xi32, #tpu.memory_space<hbm>>) target(%arg8 : memref<128xi32, #tpu.memory_space<vmem>>) target_semaphore(%run_scoped3A : memref<!tpu.dma_semaphore, #tpu.memory_space<semaphore_mem>>)
      %dma_wait3A_155 = tpu.memref_slice %arg2[%add3A_135] : memref<28672xi32, #tpu.memory_space<hbm>> -> memref<128xi32, #tpu.memory_space<hbm>>
      %dma_wait3A_156 = tpu.memref_slice %arg2[%add3A_135] : memref<28672xi32, #tpu.memory_space<hbm>> -> memref<128xi32, #tpu.memory_space<hbm>>
      tpu.wait_dma2 semaphore(%run_scoped3A : memref<!tpu.dma_semaphore, #tpu.memory_space<semaphore_mem>>) src(%dma_wait3A_156 : memref<128xi32, #tpu.memory_space<hbm>>) dst(%arg8 : memref<128xi32, #tpu.memory_space<vmem>>)
      tpu.yield
    }) : () -> ()
    %dma_start3A_136 = arith.constant 0 : i32
    %dma_start3A_137 = arith.constant 0 : i32
    %dma_start3A_138 = tpu.memref_slice %arg5[%dma_start3A_136, %dma_start3A_137] : memref<10000x128xf32, #tpu.memory_space<hbm>> -> memref<10000x128xf32, #tpu.memory_space<hbm>>
    tpu.enqueue_indirect_dma source(%dma_start3A_138 : memref<10000x128xf32, #tpu.memory_space<hbm>>) target(%arg12 : memref<128x128xf32, #tpu.memory_space<vmem>>) offsets(%arg8 : memref<128xi32, #tpu.memory_space<vmem>>) semaphore(%arg14 : memref<!tpu.dma_semaphore, #tpu.memory_space<semaphore_mem>>)
    %dma_wait3A_139 = arith.constant 0 : i32
    %dma_wait3A_140 = arith.constant 0 : i32
    %dma_wait3A_141 = tpu.memref_slice %arg5[%dma_wait3A_139, %dma_wait3A_140] : memref<10000x128xf32, #tpu.memory_space<hbm>> -> memref<10000x128xf32, #tpu.memory_space<hbm>>
    tpu.wait_indirect_dma semaphore(%arg15 : memref<!tpu.dma_semaphore, #tpu.memory_space<semaphore_mem>>) src(%dma_wait3A_141 : memref<10000x128xf32, #tpu.memory_space<hbm>>) dst(%arg13 : memref<128x128xf32, #tpu.memory_space<vmem>>)
    %mul3A_142 = arith.constant 128 : i32
    %mul3A_143 = arith.muli %add3A, %mul3A_142 : i32
    %add3A_144 = arith.constant 8192 : i32
    %add3A_145 = arith.addi %add3A_144, %mul3A_143 : i32
    "tpu.region"() ({
      %run_scoped3A = tpu.sem_alloc : memref<!tpu.dma_semaphore, #tpu.memory_space<semaphore_mem>>
      %dma_start3A_153 = arith.constant 0 : i32
      %dma_start3A_154 = tpu.memref_slice %arg7[%add3A_145, %dma_start3A_153] : memref<16384x128xf32, #tpu.memory_space<hbm>> -> memref<128x128xf32, #tpu.memory_space<hbm>>
      %dma_start3A_155 = arith.constant 0 : i32
      %dma_start3A_156 = tpu.memref_slice %arg7[%add3A_145, %dma_start3A_155] : memref<16384x128xf32, #tpu.memory_space<hbm>> -> memref<128x128xf32, #tpu.memory_space<hbm>>
      tpu.enqueue_dma source(%arg13 : memref<128x128xf32, #tpu.memory_space<vmem>>) target(%dma_start3A_156 : memref<128x128xf32, #tpu.memory_space<hbm>>) target_semaphore(%run_scoped3A : memref<!tpu.dma_semaphore, #tpu.memory_space<semaphore_mem>>)
      %dma_wait3A_157 = arith.constant 0 : i32
      %dma_wait3A_158 = tpu.memref_slice %arg7[%add3A_145, %dma_wait3A_157] : memref<16384x128xf32, #tpu.memory_space<hbm>> -> memref<128x128xf32, #tpu.memory_space<hbm>>
      %dma_wait3A_159 = arith.constant 0 : i32
      %dma_wait3A_160 = tpu.memref_slice %arg7[%add3A_145, %dma_wait3A_159] : memref<16384x128xf32, #tpu.memory_space<hbm>> -> memref<128x128xf32, #tpu.memory_space<hbm>>
      tpu.wait_dma2 semaphore(%run_scoped3A : memref<!tpu.dma_semaphore, #tpu.memory_space<semaphore_mem>>) src(%arg13 : memref<128x128xf32, #tpu.memory_space<vmem>>) dst(%dma_wait3A_160 : memref<128x128xf32, #tpu.memory_space<hbm>>)
      tpu.yield
    }) : () -> ()
    %dma_wait3A_146 = arith.constant 0 : i32
    %dma_wait3A_147 = arith.constant 0 : i32
    %dma_wait3A_148 = tpu.memref_slice %arg5[%dma_wait3A_146, %dma_wait3A_147] : memref<10000x128xf32, #tpu.memory_space<hbm>> -> memref<10000x128xf32, #tpu.memory_space<hbm>>
    tpu.wait_indirect_dma semaphore(%arg14 : memref<!tpu.dma_semaphore, #tpu.memory_space<semaphore_mem>>) src(%dma_wait3A_148 : memref<10000x128xf32, #tpu.memory_space<hbm>>) dst(%arg12 : memref<128x128xf32, #tpu.memory_space<vmem>>)
    %mul3A_149 = arith.constant 128 : i32
    %mul3A_150 = arith.muli %add3A, %mul3A_149 : i32
    %add3A_151 = arith.constant 12288 : i32
    %add3A_152 = arith.addi %add3A_151, %mul3A_150 : i32
    "tpu.region"() ({
      %run_scoped3A = tpu.sem_alloc : memref<!tpu.dma_semaphore, #tpu.memory_space<semaphore_mem>>
      %dma_start3A_153 = arith.constant 0 : i32
      %dma_start3A_154 = tpu.memref_slice %arg7[%add3A_152, %dma_start3A_153] : memref<16384x128xf32, #tpu.memory_space<hbm>> -> memref<128x128xf32, #tpu.memory_space<hbm>>
      %dma_start3A_155 = arith.constant 0 : i32
      %dma_start3A_156 = tpu.memref_slice %arg7[%add3A_152, %dma_start3A_155] : memref<16384x128xf32, #tpu.memory_space<hbm>> -> memref<128x128xf32, #tpu.memory_space<hbm>>
      tpu.enqueue_dma source(%arg12 : memref<128x128xf32, #tpu.memory_space<vmem>>) target(%dma_start3A_156 : memref<128x128xf32, #tpu.memory_space<hbm>>) target_semaphore(%run_scoped3A : memref<!tpu.dma_semaphore, #tpu.memory_space<semaphore_mem>>)
      %dma_wait3A_157 = arith.constant 0 : i32
      %dma_wait3A_158 = tpu.memref_slice %arg7[%add3A_152, %dma_wait3A_157] : memref<16384x128xf32, #tpu.memory_space<hbm>> -> memref<128x128xf32, #tpu.memory_space<hbm>>
      %dma_wait3A_159 = arith.constant 0 : i32
      %dma_wait3A_160 = tpu.memref_slice %arg7[%add3A_152, %dma_wait3A_159] : memref<16384x128xf32, #tpu.memory_space<hbm>> -> memref<128x128xf32, #tpu.memory_space<hbm>>
      tpu.wait_dma2 semaphore(%run_scoped3A : memref<!tpu.dma_semaphore, #tpu.memory_space<semaphore_mem>>) src(%arg12 : memref<128x128xf32, #tpu.memory_space<vmem>>) dst(%dma_wait3A_160 : memref<128x128xf32, #tpu.memory_space<hbm>>)
      tpu.yield
    }) : () -> ()
    return
  }
}

#map = affine_map<(d0, d1) -> (0)>
#map1 = affine_map<(d0, d1) -> (0, 0)>
module attributes {stable_mosaic.version = 14 : i64} {
  func.func @_prop(%arg0: i32, %arg1: i32, %arg2: memref<320000xi32, #tpu.memory_space<hbm>>, %arg3: memref<160000xi32, #tpu.memory_space<hbm>>, %arg4: memref<20000x128xf32, #tpu.memory_space<hbm>>, %arg5: memref<128x128xf32, #tpu.memory_space<hbm>>, %arg6: memref<20000x128xf32, #tpu.memory_space<hbm>>, %arg7: memref<128xi32, #tpu.memory_space<vmem>>, %arg8: memref<128xi32, #tpu.memory_space<vmem>>, %arg9: memref<128xi32, #tpu.memory_space<vmem>>, %arg10: memref<128xi32, #tpu.memory_space<vmem>>, %arg11: memref<16xi32, #tpu.memory_space<vmem>>, %arg12: memref<16xi32, #tpu.memory_space<vmem>>, %arg13: memref<128x128xf32, #tpu.memory_space<vmem>>, %arg14: memref<128x128xf32, #tpu.memory_space<vmem>>, %arg15: memref<10000x128xf32, #tpu.memory_space<vmem_shared>>, %arg16: memref<!tpu.dma_semaphore, #tpu.memory_space<semaphore_mem>>, %arg17: memref<!tpu.dma_semaphore, #tpu.memory_space<semaphore_mem>>) attributes {dimension_semantics = [#tpu.dimension_semantics<core_parallel>, #tpu.dimension_semantics<subcore_parallel>], iteration_bounds = array<i64: 2, 16>, scalar_prefetch = 0 : i64, scratch_operands = 11 : i64, tpu.core_type = #tpu.core_type<sc_vector_subcore>, window_params = [{transform_indices = #map}, {transform_indices = #map}, {transform_indices = #map1}, {transform_indices = #map1}, {transform_indices = #map1}]} {
    "tpu.region"() ({
      %run_scoped3A = tpu.sem_alloc : memref<!tpu.dma_semaphore, #tpu.memory_space<semaphore_mem>>
      tpu.enqueue_dma source(%arg5 : memref<128x128xf32, #tpu.memory_space<hbm>>) target(%arg13 : memref<128x128xf32, #tpu.memory_space<vmem>>) target_semaphore(%run_scoped3A : memref<!tpu.dma_semaphore, #tpu.memory_space<semaphore_mem>>)
      tpu.wait_dma2 semaphore(%run_scoped3A : memref<!tpu.dma_semaphore, #tpu.memory_space<semaphore_mem>>) src(%arg5 : memref<128x128xf32, #tpu.memory_space<hbm>>) dst(%arg13 : memref<128x128xf32, #tpu.memory_space<vmem>>)
      tpu.yield
    }) : () -> ()
    %mul3A = arith.constant 624 : i32
    %mul3A_0 = arith.muli %arg1, %mul3A : i32
    %add3A = arith.constant 0 : i32
    %add3A_1 = arith.addi %mul3A_0, %add3A : i32
    "tpu.region"() ({
      %run_scoped3A = tpu.sem_alloc : memref<!tpu.dma_semaphore, #tpu.memory_space<semaphore_mem>>
      %dma_start3A_112 = arith.constant 0 : i32
      %dma_start3A_113 = arith.constant 0 : i32
      %dma_start3A_114 = tpu.memref_slice %arg13[%dma_start3A_112, %dma_start3A_113] : memref<128x128xf32, #tpu.memory_space<vmem>> -> memref<128x128xf32, #tpu.memory_space<vmem>>
      %dma_start3A_115 = arith.constant 0 : i32
      %dma_start3A_116 = tpu.memref_slice %arg15[%add3A_1, %dma_start3A_115] : memref<10000x128xf32, #tpu.memory_space<vmem_shared>> -> memref<128x128xf32, #tpu.memory_space<vmem_shared>>
      %dma_start3A_117 = arith.constant 0 : i32
      %dma_start3A_118 = tpu.memref_slice %arg15[%add3A_1, %dma_start3A_117] : memref<10000x128xf32, #tpu.memory_space<vmem_shared>> -> memref<128x128xf32, #tpu.memory_space<vmem_shared>>
      %dma_start3A_119 = arith.constant 0 : i32
      %dma_start3A_120 = arith.constant 0 : i32
      %dma_start3A_121 = tpu.memref_slice %arg13[%dma_start3A_119, %dma_start3A_120] : memref<128x128xf32, #tpu.memory_space<vmem>> -> memref<128x128xf32, #tpu.memory_space<vmem>>
      tpu.enqueue_dma source(%dma_start3A_121 : memref<128x128xf32, #tpu.memory_space<vmem>>) target(%dma_start3A_118 : memref<128x128xf32, #tpu.memory_space<vmem_shared>>) target_semaphore(%run_scoped3A : memref<!tpu.dma_semaphore, #tpu.memory_space<semaphore_mem>>)
      %dma_wait3A_122 = arith.constant 0 : i32
      %dma_wait3A_123 = arith.constant 0 : i32
      %dma_wait3A_124 = tpu.memref_slice %arg13[%dma_wait3A_122, %dma_wait3A_123] : memref<128x128xf32, #tpu.memory_space<vmem>> -> memref<128x128xf32, #tpu.memory_space<vmem>>
      %dma_wait3A_125 = arith.constant 0 : i32
      %dma_wait3A_126 = tpu.memref_slice %arg15[%add3A_1, %dma_wait3A_125] : memref<10000x128xf32, #tpu.memory_space<vmem_shared>> -> memref<128x128xf32, #tpu.memory_space<vmem_shared>>
      %dma_wait3A_127 = arith.constant 0 : i32
      %dma_wait3A_128 = tpu.memref_slice %arg15[%add3A_1, %dma_wait3A_127] : memref<10000x128xf32, #tpu.memory_space<vmem_shared>> -> memref<128x128xf32, #tpu.memory_space<vmem_shared>>
      %dma_wait3A_129 = arith.constant 0 : i32
      %dma_wait3A_130 = arith.constant 0 : i32
      %dma_wait3A_131 = tpu.memref_slice %arg13[%dma_wait3A_129, %dma_wait3A_130] : memref<128x128xf32, #tpu.memory_space<vmem>> -> memref<128x128xf32, #tpu.memory_space<vmem>>
      tpu.wait_dma2 semaphore(%run_scoped3A : memref<!tpu.dma_semaphore, #tpu.memory_space<semaphore_mem>>) src(%dma_wait3A_131 : memref<128x128xf32, #tpu.memory_space<vmem>>) dst(%dma_wait3A_128 : memref<128x128xf32, #tpu.memory_space<vmem_shared>>)
      tpu.yield
    }) : () -> ()
    %mul3A_2 = arith.constant 624 : i32
    %mul3A_3 = arith.muli %arg1, %mul3A_2 : i32
    %add3A_4 = arith.constant 128 : i32
    %add3A_5 = arith.addi %mul3A_3, %add3A_4 : i32
    "tpu.region"() ({
      %run_scoped3A = tpu.sem_alloc : memref<!tpu.dma_semaphore, #tpu.memory_space<semaphore_mem>>
      %dma_start3A_112 = arith.constant 0 : i32
      %dma_start3A_113 = arith.constant 0 : i32
      %dma_start3A_114 = tpu.memref_slice %arg13[%dma_start3A_112, %dma_start3A_113] : memref<128x128xf32, #tpu.memory_space<vmem>> -> memref<128x128xf32, #tpu.memory_space<vmem>>
      %dma_start3A_115 = arith.constant 0 : i32
      %dma_start3A_116 = tpu.memref_slice %arg15[%add3A_5, %dma_start3A_115] : memref<10000x128xf32, #tpu.memory_space<vmem_shared>> -> memref<128x128xf32, #tpu.memory_space<vmem_shared>>
      %dma_start3A_117 = arith.constant 0 : i32
      %dma_start3A_118 = tpu.memref_slice %arg15[%add3A_5, %dma_start3A_117] : memref<10000x128xf32, #tpu.memory_space<vmem_shared>> -> memref<128x128xf32, #tpu.memory_space<vmem_shared>>
      %dma_start3A_119 = arith.constant 0 : i32
      %dma_start3A_120 = arith.constant 0 : i32
      %dma_start3A_121 = tpu.memref_slice %arg13[%dma_start3A_119, %dma_start3A_120] : memref<128x128xf32, #tpu.memory_space<vmem>> -> memref<128x128xf32, #tpu.memory_space<vmem>>
      tpu.enqueue_dma source(%dma_start3A_121 : memref<128x128xf32, #tpu.memory_space<vmem>>) target(%dma_start3A_118 : memref<128x128xf32, #tpu.memory_space<vmem_shared>>) target_semaphore(%run_scoped3A : memref<!tpu.dma_semaphore, #tpu.memory_space<semaphore_mem>>)
      %dma_wait3A_122 = arith.constant 0 : i32
      %dma_wait3A_123 = arith.constant 0 : i32
      %dma_wait3A_124 = tpu.memref_slice %arg13[%dma_wait3A_122, %dma_wait3A_123] : memref<128x128xf32, #tpu.memory_space<vmem>> -> memref<128x128xf32, #tpu.memory_space<vmem>>
      %dma_wait3A_125 = arith.constant 0 : i32
      %dma_wait3A_126 = tpu.memref_slice %arg15[%add3A_5, %dma_wait3A_125] : memref<10000x128xf32, #tpu.memory_space<vmem_shared>> -> memref<128x128xf32, #tpu.memory_space<vmem_shared>>
      %dma_wait3A_127 = arith.constant 0 : i32
      %dma_wait3A_128 = tpu.memref_slice %arg15[%add3A_5, %dma_wait3A_127] : memref<10000x128xf32, #tpu.memory_space<vmem_shared>> -> memref<128x128xf32, #tpu.memory_space<vmem_shared>>
      %dma_wait3A_129 = arith.constant 0 : i32
      %dma_wait3A_130 = arith.constant 0 : i32
      %dma_wait3A_131 = tpu.memref_slice %arg13[%dma_wait3A_129, %dma_wait3A_130] : memref<128x128xf32, #tpu.memory_space<vmem>> -> memref<128x128xf32, #tpu.memory_space<vmem>>
      tpu.wait_dma2 semaphore(%run_scoped3A : memref<!tpu.dma_semaphore, #tpu.memory_space<semaphore_mem>>) src(%dma_wait3A_131 : memref<128x128xf32, #tpu.memory_space<vmem>>) dst(%dma_wait3A_128 : memref<128x128xf32, #tpu.memory_space<vmem_shared>>)
      tpu.yield
    }) : () -> ()
    %mul3A_6 = arith.constant 624 : i32
    %mul3A_7 = arith.muli %arg1, %mul3A_6 : i32
    %add3A_8 = arith.constant 256 : i32
    %add3A_9 = arith.addi %mul3A_7, %add3A_8 : i32
    "tpu.region"() ({
      %run_scoped3A = tpu.sem_alloc : memref<!tpu.dma_semaphore, #tpu.memory_space<semaphore_mem>>
      %dma_start3A_112 = arith.constant 0 : i32
      %dma_start3A_113 = arith.constant 0 : i32
      %dma_start3A_114 = tpu.memref_slice %arg13[%dma_start3A_112, %dma_start3A_113] : memref<128x128xf32, #tpu.memory_space<vmem>> -> memref<128x128xf32, #tpu.memory_space<vmem>>
      %dma_start3A_115 = arith.constant 0 : i32
      %dma_start3A_116 = tpu.memref_slice %arg15[%add3A_9, %dma_start3A_115] : memref<10000x128xf32, #tpu.memory_space<vmem_shared>> -> memref<128x128xf32, #tpu.memory_space<vmem_shared>>
      %dma_start3A_117 = arith.constant 0 : i32
      %dma_start3A_118 = tpu.memref_slice %arg15[%add3A_9, %dma_start3A_117] : memref<10000x128xf32, #tpu.memory_space<vmem_shared>> -> memref<128x128xf32, #tpu.memory_space<vmem_shared>>
      %dma_start3A_119 = arith.constant 0 : i32
      %dma_start3A_120 = arith.constant 0 : i32
      %dma_start3A_121 = tpu.memref_slice %arg13[%dma_start3A_119, %dma_start3A_120] : memref<128x128xf32, #tpu.memory_space<vmem>> -> memref<128x128xf32, #tpu.memory_space<vmem>>
      tpu.enqueue_dma source(%dma_start3A_121 : memref<128x128xf32, #tpu.memory_space<vmem>>) target(%dma_start3A_118 : memref<128x128xf32, #tpu.memory_space<vmem_shared>>) target_semaphore(%run_scoped3A : memref<!tpu.dma_semaphore, #tpu.memory_space<semaphore_mem>>)
      %dma_wait3A_122 = arith.constant 0 : i32
      %dma_wait3A_123 = arith.constant 0 : i32
      %dma_wait3A_124 = tpu.memref_slice %arg13[%dma_wait3A_122, %dma_wait3A_123] : memref<128x128xf32, #tpu.memory_space<vmem>> -> memref<128x128xf32, #tpu.memory_space<vmem>>
      %dma_wait3A_125 = arith.constant 0 : i32
      %dma_wait3A_126 = tpu.memref_slice %arg15[%add3A_9, %dma_wait3A_125] : memref<10000x128xf32, #tpu.memory_space<vmem_shared>> -> memref<128x128xf32, #tpu.memory_space<vmem_shared>>
      %dma_wait3A_127 = arith.constant 0 : i32
      %dma_wait3A_128 = tpu.memref_slice %arg15[%add3A_9, %dma_wait3A_127] : memref<10000x128xf32, #tpu.memory_space<vmem_shared>> -> memref<128x128xf32, #tpu.memory_space<vmem_shared>>
      %dma_wait3A_129 = arith.constant 0 : i32
      %dma_wait3A_130 = arith.constant 0 : i32
      %dma_wait3A_131 = tpu.memref_slice %arg13[%dma_wait3A_129, %dma_wait3A_130] : memref<128x128xf32, #tpu.memory_space<vmem>> -> memref<128x128xf32, #tpu.memory_space<vmem>>
      tpu.wait_dma2 semaphore(%run_scoped3A : memref<!tpu.dma_semaphore, #tpu.memory_space<semaphore_mem>>) src(%dma_wait3A_131 : memref<128x128xf32, #tpu.memory_space<vmem>>) dst(%dma_wait3A_128 : memref<128x128xf32, #tpu.memory_space<vmem_shared>>)
      tpu.yield
    }) : () -> ()
    %mul3A_10 = arith.constant 624 : i32
    %mul3A_11 = arith.muli %arg1, %mul3A_10 : i32
    %add3A_12 = arith.constant 384 : i32
    %add3A_13 = arith.addi %mul3A_11, %add3A_12 : i32
    "tpu.region"() ({
      %run_scoped3A = tpu.sem_alloc : memref<!tpu.dma_semaphore, #tpu.memory_space<semaphore_mem>>
      %dma_start3A_112 = arith.constant 0 : i32
      %dma_start3A_113 = arith.constant 0 : i32
      %dma_start3A_114 = tpu.memref_slice %arg13[%dma_start3A_112, %dma_start3A_113] : memref<128x128xf32, #tpu.memory_space<vmem>> -> memref<128x128xf32, #tpu.memory_space<vmem>>
      %dma_start3A_115 = arith.constant 0 : i32
      %dma_start3A_116 = tpu.memref_slice %arg15[%add3A_13, %dma_start3A_115] : memref<10000x128xf32, #tpu.memory_space<vmem_shared>> -> memref<128x128xf32, #tpu.memory_space<vmem_shared>>
      %dma_start3A_117 = arith.constant 0 : i32
      %dma_start3A_118 = tpu.memref_slice %arg15[%add3A_13, %dma_start3A_117] : memref<10000x128xf32, #tpu.memory_space<vmem_shared>> -> memref<128x128xf32, #tpu.memory_space<vmem_shared>>
      %dma_start3A_119 = arith.constant 0 : i32
      %dma_start3A_120 = arith.constant 0 : i32
      %dma_start3A_121 = tpu.memref_slice %arg13[%dma_start3A_119, %dma_start3A_120] : memref<128x128xf32, #tpu.memory_space<vmem>> -> memref<128x128xf32, #tpu.memory_space<vmem>>
      tpu.enqueue_dma source(%dma_start3A_121 : memref<128x128xf32, #tpu.memory_space<vmem>>) target(%dma_start3A_118 : memref<128x128xf32, #tpu.memory_space<vmem_shared>>) target_semaphore(%run_scoped3A : memref<!tpu.dma_semaphore, #tpu.memory_space<semaphore_mem>>)
      %dma_wait3A_122 = arith.constant 0 : i32
      %dma_wait3A_123 = arith.constant 0 : i32
      %dma_wait3A_124 = tpu.memref_slice %arg13[%dma_wait3A_122, %dma_wait3A_123] : memref<128x128xf32, #tpu.memory_space<vmem>> -> memref<128x128xf32, #tpu.memory_space<vmem>>
      %dma_wait3A_125 = arith.constant 0 : i32
      %dma_wait3A_126 = tpu.memref_slice %arg15[%add3A_13, %dma_wait3A_125] : memref<10000x128xf32, #tpu.memory_space<vmem_shared>> -> memref<128x128xf32, #tpu.memory_space<vmem_shared>>
      %dma_wait3A_127 = arith.constant 0 : i32
      %dma_wait3A_128 = tpu.memref_slice %arg15[%add3A_13, %dma_wait3A_127] : memref<10000x128xf32, #tpu.memory_space<vmem_shared>> -> memref<128x128xf32, #tpu.memory_space<vmem_shared>>
      %dma_wait3A_129 = arith.constant 0 : i32
      %dma_wait3A_130 = arith.constant 0 : i32
      %dma_wait3A_131 = tpu.memref_slice %arg13[%dma_wait3A_129, %dma_wait3A_130] : memref<128x128xf32, #tpu.memory_space<vmem>> -> memref<128x128xf32, #tpu.memory_space<vmem>>
      tpu.wait_dma2 semaphore(%run_scoped3A : memref<!tpu.dma_semaphore, #tpu.memory_space<semaphore_mem>>) src(%dma_wait3A_131 : memref<128x128xf32, #tpu.memory_space<vmem>>) dst(%dma_wait3A_128 : memref<128x128xf32, #tpu.memory_space<vmem_shared>>)
      tpu.yield
    }) : () -> ()
    %mul3A_14 = arith.constant 624 : i32
    %mul3A_15 = arith.muli %arg1, %mul3A_14 : i32
    %add3A_16 = arith.constant 512 : i32
    %add3A_17 = arith.addi %mul3A_15, %add3A_16 : i32
    "tpu.region"() ({
      %run_scoped3A = tpu.sem_alloc : memref<!tpu.dma_semaphore, #tpu.memory_space<semaphore_mem>>
      %dma_start3A_112 = arith.constant 0 : i32
      %dma_start3A_113 = arith.constant 0 : i32
      %dma_start3A_114 = tpu.memref_slice %arg13[%dma_start3A_112, %dma_start3A_113] : memref<128x128xf32, #tpu.memory_space<vmem>> -> memref<112x128xf32, #tpu.memory_space<vmem>>
      %dma_start3A_115 = arith.constant 0 : i32
      %dma_start3A_116 = tpu.memref_slice %arg15[%add3A_17, %dma_start3A_115] : memref<10000x128xf32, #tpu.memory_space<vmem_shared>> -> memref<112x128xf32, #tpu.memory_space<vmem_shared>>
      %dma_start3A_117 = arith.constant 0 : i32
      %dma_start3A_118 = tpu.memref_slice %arg15[%add3A_17, %dma_start3A_117] : memref<10000x128xf32, #tpu.memory_space<vmem_shared>> -> memref<112x128xf32, #tpu.memory_space<vmem_shared>>
      %dma_start3A_119 = arith.constant 0 : i32
      %dma_start3A_120 = arith.constant 0 : i32
      %dma_start3A_121 = tpu.memref_slice %arg13[%dma_start3A_119, %dma_start3A_120] : memref<128x128xf32, #tpu.memory_space<vmem>> -> memref<112x128xf32, #tpu.memory_space<vmem>>
      tpu.enqueue_dma source(%dma_start3A_121 : memref<112x128xf32, #tpu.memory_space<vmem>>) target(%dma_start3A_118 : memref<112x128xf32, #tpu.memory_space<vmem_shared>>) target_semaphore(%run_scoped3A : memref<!tpu.dma_semaphore, #tpu.memory_space<semaphore_mem>>)
      %dma_wait3A_122 = arith.constant 0 : i32
      %dma_wait3A_123 = arith.constant 0 : i32
      %dma_wait3A_124 = tpu.memref_slice %arg13[%dma_wait3A_122, %dma_wait3A_123] : memref<128x128xf32, #tpu.memory_space<vmem>> -> memref<112x128xf32, #tpu.memory_space<vmem>>
      %dma_wait3A_125 = arith.constant 0 : i32
      %dma_wait3A_126 = tpu.memref_slice %arg15[%add3A_17, %dma_wait3A_125] : memref<10000x128xf32, #tpu.memory_space<vmem_shared>> -> memref<112x128xf32, #tpu.memory_space<vmem_shared>>
      %dma_wait3A_127 = arith.constant 0 : i32
      %dma_wait3A_128 = tpu.memref_slice %arg15[%add3A_17, %dma_wait3A_127] : memref<10000x128xf32, #tpu.memory_space<vmem_shared>> -> memref<112x128xf32, #tpu.memory_space<vmem_shared>>
      %dma_wait3A_129 = arith.constant 0 : i32
      %dma_wait3A_130 = arith.constant 0 : i32
      %dma_wait3A_131 = tpu.memref_slice %arg13[%dma_wait3A_129, %dma_wait3A_130] : memref<128x128xf32, #tpu.memory_space<vmem>> -> memref<112x128xf32, #tpu.memory_space<vmem>>
      tpu.wait_dma2 semaphore(%run_scoped3A : memref<!tpu.dma_semaphore, #tpu.memory_space<semaphore_mem>>) src(%dma_wait3A_131 : memref<112x128xf32, #tpu.memory_space<vmem>>) dst(%dma_wait3A_128 : memref<112x128xf32, #tpu.memory_space<vmem_shared>>)
      tpu.yield
    }) : () -> ()
    %eq3A = arith.constant 0 : i32
    %eq3A_18 = arith.cmpi eq, %arg1, %eq3A : i32
    %convert_element_type3A = arith.extui %eq3A_18 : i1 to i32
    %cond3A = arith.constant 0 : i32
    %cond3A_19 = arith.cmpi ne, %convert_element_type3A, %cond3A : i32
    scf.if %cond3A_19 {
      "tpu.region"() ({
        %run_scoped3A = tpu.sem_alloc : memref<!tpu.dma_semaphore, #tpu.memory_space<semaphore_mem>>
        %dma_start3A_112 = arith.constant 0 : i32
        %dma_start3A_113 = arith.constant 0 : i32
        %dma_start3A_114 = tpu.memref_slice %arg13[%dma_start3A_112, %dma_start3A_113] : memref<128x128xf32, #tpu.memory_space<vmem>> -> memref<16x128xf32, #tpu.memory_space<vmem>>
        %dma_start3A_115 = arith.constant 9984 : i32
        %dma_start3A_116 = arith.constant 0 : i32
        %dma_start3A_117 = tpu.memref_slice %arg15[%dma_start3A_115, %dma_start3A_116] : memref<10000x128xf32, #tpu.memory_space<vmem_shared>> -> memref<16x128xf32, #tpu.memory_space<vmem_shared>>
        %dma_start3A_118 = arith.constant 9984 : i32
        %dma_start3A_119 = arith.constant 0 : i32
        %dma_start3A_120 = tpu.memref_slice %arg15[%dma_start3A_118, %dma_start3A_119] : memref<10000x128xf32, #tpu.memory_space<vmem_shared>> -> memref<16x128xf32, #tpu.memory_space<vmem_shared>>
        %dma_start3A_121 = arith.constant 0 : i32
        %dma_start3A_122 = arith.constant 0 : i32
        %dma_start3A_123 = tpu.memref_slice %arg13[%dma_start3A_121, %dma_start3A_122] : memref<128x128xf32, #tpu.memory_space<vmem>> -> memref<16x128xf32, #tpu.memory_space<vmem>>
        tpu.enqueue_dma source(%dma_start3A_123 : memref<16x128xf32, #tpu.memory_space<vmem>>) target(%dma_start3A_120 : memref<16x128xf32, #tpu.memory_space<vmem_shared>>) target_semaphore(%run_scoped3A : memref<!tpu.dma_semaphore, #tpu.memory_space<semaphore_mem>>)
        %dma_wait3A_124 = arith.constant 0 : i32
        %dma_wait3A_125 = arith.constant 0 : i32
        %dma_wait3A_126 = tpu.memref_slice %arg13[%dma_wait3A_124, %dma_wait3A_125] : memref<128x128xf32, #tpu.memory_space<vmem>> -> memref<16x128xf32, #tpu.memory_space<vmem>>
        %dma_wait3A_127 = arith.constant 9984 : i32
        %dma_wait3A_128 = arith.constant 0 : i32
        %dma_wait3A_129 = tpu.memref_slice %arg15[%dma_wait3A_127, %dma_wait3A_128] : memref<10000x128xf32, #tpu.memory_space<vmem_shared>> -> memref<16x128xf32, #tpu.memory_space<vmem_shared>>
        %dma_wait3A_130 = arith.constant 9984 : i32
        %dma_wait3A_131 = arith.constant 0 : i32
        %dma_wait3A_132 = tpu.memref_slice %arg15[%dma_wait3A_130, %dma_wait3A_131] : memref<10000x128xf32, #tpu.memory_space<vmem_shared>> -> memref<16x128xf32, #tpu.memory_space<vmem_shared>>
        %dma_wait3A_133 = arith.constant 0 : i32
        %dma_wait3A_134 = arith.constant 0 : i32
        %dma_wait3A_135 = tpu.memref_slice %arg13[%dma_wait3A_133, %dma_wait3A_134] : memref<128x128xf32, #tpu.memory_space<vmem>> -> memref<16x128xf32, #tpu.memory_space<vmem>>
        tpu.wait_dma2 semaphore(%run_scoped3A : memref<!tpu.dma_semaphore, #tpu.memory_space<semaphore_mem>>) src(%dma_wait3A_135 : memref<16x128xf32, #tpu.memory_space<vmem>>) dst(%dma_wait3A_132 : memref<16x128xf32, #tpu.memory_space<vmem_shared>>)
        tpu.yield
      }) : () -> ()
    } else {
    }
    %barrier3A = arith.constant 0 : index
    tpu.barrier barrier_id(%barrier3A)
    %mul3A_20 = arith.constant 10000 : i32
    %mul3A_21 = arith.muli %arg1, %mul3A_20 : i32
    %mul3A_22 = arith.constant 160000 : i32
    %mul3A_23 = arith.muli %arg0, %mul3A_22 : i32
    %add3A_24 = arith.addi %mul3A_23, %mul3A_21 : i32
    %add3A_25 = arith.constant 0 : i32
    %add3A_26 = arith.addi %add3A_24, %add3A_25 : i32
    "tpu.region"() ({
      %run_scoped3A = tpu.sem_alloc : memref<!tpu.dma_semaphore, #tpu.memory_space<semaphore_mem>>
      %dma_start3A_112 = tpu.memref_slice %arg2[%add3A_26] : memref<320000xi32, #tpu.memory_space<hbm>> -> memref<128xi32, #tpu.memory_space<hbm>>
      %dma_start3A_113 = tpu.memref_slice %arg2[%add3A_26] : memref<320000xi32, #tpu.memory_space<hbm>> -> memref<128xi32, #tpu.memory_space<hbm>>
      tpu.enqueue_dma source(%dma_start3A_113 : memref<128xi32, #tpu.memory_space<hbm>>) target(%arg7 : memref<128xi32, #tpu.memory_space<vmem>>) target_semaphore(%run_scoped3A : memref<!tpu.dma_semaphore, #tpu.memory_space<semaphore_mem>>)
      %dma_wait3A_114 = tpu.memref_slice %arg2[%add3A_26] : memref<320000xi32, #tpu.memory_space<hbm>> -> memref<128xi32, #tpu.memory_space<hbm>>
      %dma_wait3A_115 = tpu.memref_slice %arg2[%add3A_26] : memref<320000xi32, #tpu.memory_space<hbm>> -> memref<128xi32, #tpu.memory_space<hbm>>
      tpu.wait_dma2 semaphore(%run_scoped3A : memref<!tpu.dma_semaphore, #tpu.memory_space<semaphore_mem>>) src(%dma_wait3A_115 : memref<128xi32, #tpu.memory_space<hbm>>) dst(%arg7 : memref<128xi32, #tpu.memory_space<vmem>>)
      tpu.yield
    }) : () -> ()
    %add3A_27 = arith.constant 0 : i32
    %add3A_28 = arith.addi %mul3A_21, %add3A_27 : i32
    "tpu.region"() ({
      %run_scoped3A = tpu.sem_alloc : memref<!tpu.dma_semaphore, #tpu.memory_space<semaphore_mem>>
      %dma_start3A_112 = tpu.memref_slice %arg3[%add3A_28] : memref<160000xi32, #tpu.memory_space<hbm>> -> memref<128xi32, #tpu.memory_space<hbm>>
      %dma_start3A_113 = tpu.memref_slice %arg3[%add3A_28] : memref<160000xi32, #tpu.memory_space<hbm>> -> memref<128xi32, #tpu.memory_space<hbm>>
      tpu.enqueue_dma source(%dma_start3A_113 : memref<128xi32, #tpu.memory_space<hbm>>) target(%arg8 : memref<128xi32, #tpu.memory_space<vmem>>) target_semaphore(%run_scoped3A : memref<!tpu.dma_semaphore, #tpu.memory_space<semaphore_mem>>)
      %dma_wait3A_114 = tpu.memref_slice %arg3[%add3A_28] : memref<160000xi32, #tpu.memory_space<hbm>> -> memref<128xi32, #tpu.memory_space<hbm>>
      %dma_wait3A_115 = tpu.memref_slice %arg3[%add3A_28] : memref<160000xi32, #tpu.memory_space<hbm>> -> memref<128xi32, #tpu.memory_space<hbm>>
      tpu.wait_dma2 semaphore(%run_scoped3A : memref<!tpu.dma_semaphore, #tpu.memory_space<semaphore_mem>>) src(%dma_wait3A_115 : memref<128xi32, #tpu.memory_space<hbm>>) dst(%arg8 : memref<128xi32, #tpu.memory_space<vmem>>)
      tpu.yield
    }) : () -> ()
    %dma_start3A = arith.constant 0 : i32
    %dma_start3A_29 = arith.constant 0 : i32
    %dma_start3A_30 = tpu.memref_slice %arg4[%dma_start3A, %dma_start3A_29] : memref<20000x128xf32, #tpu.memory_space<hbm>> -> memref<20000x128xf32, #tpu.memory_space<hbm>>
    tpu.enqueue_indirect_dma source(%dma_start3A_30 : memref<20000x128xf32, #tpu.memory_space<hbm>>) target(%arg13 : memref<128x128xf32, #tpu.memory_space<vmem>>) offsets(%arg7 : memref<128xi32, #tpu.memory_space<vmem>>) semaphore(%arg16 : memref<!tpu.dma_semaphore, #tpu.memory_space<semaphore_mem>>)
    %add3A_31 = arith.constant 128 : i32
    %add3A_32 = arith.addi %add3A_24, %add3A_31 : i32
    "tpu.region"() ({
      %run_scoped3A = tpu.sem_alloc : memref<!tpu.dma_semaphore, #tpu.memory_space<semaphore_mem>>
      %dma_start3A_112 = tpu.memref_slice %arg2[%add3A_32] : memref<320000xi32, #tpu.memory_space<hbm>> -> memref<128xi32, #tpu.memory_space<hbm>>
      %dma_start3A_113 = tpu.memref_slice %arg2[%add3A_32] : memref<320000xi32, #tpu.memory_space<hbm>> -> memref<128xi32, #tpu.memory_space<hbm>>
      tpu.enqueue_dma source(%dma_start3A_113 : memref<128xi32, #tpu.memory_space<hbm>>) target(%arg9 : memref<128xi32, #tpu.memory_space<vmem>>) target_semaphore(%run_scoped3A : memref<!tpu.dma_semaphore, #tpu.memory_space<semaphore_mem>>)
      %dma_wait3A_114 = tpu.memref_slice %arg2[%add3A_32] : memref<320000xi32, #tpu.memory_space<hbm>> -> memref<128xi32, #tpu.memory_space<hbm>>
      %dma_wait3A_115 = tpu.memref_slice %arg2[%add3A_32] : memref<320000xi32, #tpu.memory_space<hbm>> -> memref<128xi32, #tpu.memory_space<hbm>>
      tpu.wait_dma2 semaphore(%run_scoped3A : memref<!tpu.dma_semaphore, #tpu.memory_space<semaphore_mem>>) src(%dma_wait3A_115 : memref<128xi32, #tpu.memory_space<hbm>>) dst(%arg9 : memref<128xi32, #tpu.memory_space<vmem>>)
      tpu.yield
    }) : () -> ()
    %add3A_33 = arith.constant 128 : i32
    %add3A_34 = arith.addi %mul3A_21, %add3A_33 : i32
    "tpu.region"() ({
      %run_scoped3A = tpu.sem_alloc : memref<!tpu.dma_semaphore, #tpu.memory_space<semaphore_mem>>
      %dma_start3A_112 = tpu.memref_slice %arg3[%add3A_34] : memref<160000xi32, #tpu.memory_space<hbm>> -> memref<128xi32, #tpu.memory_space<hbm>>
      %dma_start3A_113 = tpu.memref_slice %arg3[%add3A_34] : memref<160000xi32, #tpu.memory_space<hbm>> -> memref<128xi32, #tpu.memory_space<hbm>>
      tpu.enqueue_dma source(%dma_start3A_113 : memref<128xi32, #tpu.memory_space<hbm>>) target(%arg10 : memref<128xi32, #tpu.memory_space<vmem>>) target_semaphore(%run_scoped3A : memref<!tpu.dma_semaphore, #tpu.memory_space<semaphore_mem>>)
      %dma_wait3A_114 = tpu.memref_slice %arg3[%add3A_34] : memref<160000xi32, #tpu.memory_space<hbm>> -> memref<128xi32, #tpu.memory_space<hbm>>
      %dma_wait3A_115 = tpu.memref_slice %arg3[%add3A_34] : memref<160000xi32, #tpu.memory_space<hbm>> -> memref<128xi32, #tpu.memory_space<hbm>>
      tpu.wait_dma2 semaphore(%run_scoped3A : memref<!tpu.dma_semaphore, #tpu.memory_space<semaphore_mem>>) src(%dma_wait3A_115 : memref<128xi32, #tpu.memory_space<hbm>>) dst(%arg10 : memref<128xi32, #tpu.memory_space<vmem>>)
      tpu.yield
    }) : () -> ()
    %dma_start3A_35 = arith.constant 0 : i32
    %dma_start3A_36 = arith.constant 0 : i32
    %dma_start3A_37 = tpu.memref_slice %arg4[%dma_start3A_35, %dma_start3A_36] : memref<20000x128xf32, #tpu.memory_space<hbm>> -> memref<20000x128xf32, #tpu.memory_space<hbm>>
    tpu.enqueue_indirect_dma source(%dma_start3A_37 : memref<20000x128xf32, #tpu.memory_space<hbm>>) target(%arg14 : memref<128x128xf32, #tpu.memory_space<vmem>>) offsets(%arg9 : memref<128xi32, #tpu.memory_space<vmem>>) semaphore(%arg17 : memref<!tpu.dma_semaphore, #tpu.memory_space<semaphore_mem>>)
    %scan3A = arith.constant 0 : i32
    %scan3A_38 = arith.constant 0 : i32
    %scan3A_39 = arith.constant 39 : i32
    %scan3A_40 = arith.addi %scan3A_38, %scan3A_39 : i32
    %scan3A_41 = arith.constant 1 : i32
    scf.for %scan3A_112 = %scan3A_38 to %scan3A_40 step %scan3A_41  : i32 {
      %mul3A_113 = arith.constant 2 : i32
      %mul3A_114 = arith.muli %mul3A_113, %scan3A_112 : i32
      %dma_wait3A_115 = arith.constant 0 : i32
      %dma_wait3A_116 = arith.constant 0 : i32
      %dma_wait3A_117 = tpu.memref_slice %arg4[%dma_wait3A_115, %dma_wait3A_116] : memref<20000x128xf32, #tpu.memory_space<hbm>> -> memref<20000x128xf32, #tpu.memory_space<hbm>>
      tpu.wait_indirect_dma semaphore(%arg16 : memref<!tpu.dma_semaphore, #tpu.memory_space<semaphore_mem>>) src(%dma_wait3A_117 : memref<20000x128xf32, #tpu.memory_space<hbm>>) dst(%arg13 : memref<128x128xf32, #tpu.memory_space<vmem>>)
      "tpu.region"() ({
        %run_scoped3A = tpu.sem_alloc : memref<!tpu.dma_semaphore, #tpu.memory_space<semaphore_mem>>
        %dma_start3A_130 = arith.constant 0 : i32
        %dma_start3A_131 = arith.constant 0 : i32
        %dma_start3A_132 = tpu.memref_slice %arg15[%dma_start3A_130, %dma_start3A_131] : memref<10000x128xf32, #tpu.memory_space<vmem_shared>> -> memref<10000x128xf32, #tpu.memory_space<vmem_shared>>
        tpu.enqueue_indirect_dma source(%arg13 : memref<128x128xf32, #tpu.memory_space<vmem>>) target(%dma_start3A_132 : memref<10000x128xf32, #tpu.memory_space<vmem_shared>>) offsets(%arg8 : memref<128xi32, #tpu.memory_space<vmem>>) semaphore(%run_scoped3A : memref<!tpu.dma_semaphore, #tpu.memory_space<semaphore_mem>>) {add = true}
        %dma_wait3A_133 = arith.constant 0 : i32
        %dma_wait3A_134 = arith.constant 0 : i32
        %dma_wait3A_135 = tpu.memref_slice %arg15[%dma_wait3A_133, %dma_wait3A_134] : memref<10000x128xf32, #tpu.memory_space<vmem_shared>> -> memref<10000x128xf32, #tpu.memory_space<vmem_shared>>
        tpu.wait_indirect_dma semaphore(%run_scoped3A : memref<!tpu.dma_semaphore, #tpu.memory_space<semaphore_mem>>) src(%arg13 : memref<128x128xf32, #tpu.memory_space<vmem>>) dst(%dma_wait3A_135 : memref<10000x128xf32, #tpu.memory_space<vmem_shared>>)
        tpu.yield
      }) : () -> ()
      %lt3A = arith.constant 38 : i32
      %lt3A_118 = arith.cmpi slt, %scan3A_112, %lt3A : i32
      %convert_element_type3A_119 = arith.extui %lt3A_118 : i1 to i32
      %cond3A_120 = arith.constant 0 : i32
      %cond3A_121 = arith.cmpi ne, %convert_element_type3A_119, %cond3A_120 : i32
      scf.if %cond3A_121 {
        %add3A_130 = arith.constant 2 : i32
        %add3A_131 = arith.addi %mul3A_114, %add3A_130 : i32
        %mul3A_132 = arith.constant 128 : i32
        %mul3A_133 = arith.muli %add3A_131, %mul3A_132 : i32
        %add3A_134 = arith.addi %add3A_24, %mul3A_133 : i32
        "tpu.region"() ({
          %run_scoped3A = tpu.sem_alloc : memref<!tpu.dma_semaphore, #tpu.memory_space<semaphore_mem>>
          %dma_start3A_141 = tpu.memref_slice %arg2[%add3A_134] : memref<320000xi32, #tpu.memory_space<hbm>> -> memref<128xi32, #tpu.memory_space<hbm>>
          %dma_start3A_142 = tpu.memref_slice %arg2[%add3A_134] : memref<320000xi32, #tpu.memory_space<hbm>> -> memref<128xi32, #tpu.memory_space<hbm>>
          tpu.enqueue_dma source(%dma_start3A_142 : memref<128xi32, #tpu.memory_space<hbm>>) target(%arg7 : memref<128xi32, #tpu.memory_space<vmem>>) target_semaphore(%run_scoped3A : memref<!tpu.dma_semaphore, #tpu.memory_space<semaphore_mem>>)
          %dma_wait3A_143 = tpu.memref_slice %arg2[%add3A_134] : memref<320000xi32, #tpu.memory_space<hbm>> -> memref<128xi32, #tpu.memory_space<hbm>>
          %dma_wait3A_144 = tpu.memref_slice %arg2[%add3A_134] : memref<320000xi32, #tpu.memory_space<hbm>> -> memref<128xi32, #tpu.memory_space<hbm>>
          tpu.wait_dma2 semaphore(%run_scoped3A : memref<!tpu.dma_semaphore, #tpu.memory_space<semaphore_mem>>) src(%dma_wait3A_144 : memref<128xi32, #tpu.memory_space<hbm>>) dst(%arg7 : memref<128xi32, #tpu.memory_space<vmem>>)
          tpu.yield
        }) : () -> ()
        %mul3A_135 = arith.constant 128 : i32
        %mul3A_136 = arith.muli %add3A_131, %mul3A_135 : i32
        %add3A_137 = arith.addi %mul3A_21, %mul3A_136 : i32
        "tpu.region"() ({
          %run_scoped3A = tpu.sem_alloc : memref<!tpu.dma_semaphore, #tpu.memory_space<semaphore_mem>>
          %dma_start3A_141 = tpu.memref_slice %arg3[%add3A_137] : memref<160000xi32, #tpu.memory_space<hbm>> -> memref<128xi32, #tpu.memory_space<hbm>>
          %dma_start3A_142 = tpu.memref_slice %arg3[%add3A_137] : memref<160000xi32, #tpu.memory_space<hbm>> -> memref<128xi32, #tpu.memory_space<hbm>>
          tpu.enqueue_dma source(%dma_start3A_142 : memref<128xi32, #tpu.memory_space<hbm>>) target(%arg8 : memref<128xi32, #tpu.memory_space<vmem>>) target_semaphore(%run_scoped3A : memref<!tpu.dma_semaphore, #tpu.memory_space<semaphore_mem>>)
          %dma_wait3A_143 = tpu.memref_slice %arg3[%add3A_137] : memref<160000xi32, #tpu.memory_space<hbm>> -> memref<128xi32, #tpu.memory_space<hbm>>
          %dma_wait3A_144 = tpu.memref_slice %arg3[%add3A_137] : memref<160000xi32, #tpu.memory_space<hbm>> -> memref<128xi32, #tpu.memory_space<hbm>>
          tpu.wait_dma2 semaphore(%run_scoped3A : memref<!tpu.dma_semaphore, #tpu.memory_space<semaphore_mem>>) src(%dma_wait3A_144 : memref<128xi32, #tpu.memory_space<hbm>>) dst(%arg8 : memref<128xi32, #tpu.memory_space<vmem>>)
          tpu.yield
        }) : () -> ()
        %dma_start3A_138 = arith.constant 0 : i32
        %dma_start3A_139 = arith.constant 0 : i32
        %dma_start3A_140 = tpu.memref_slice %arg4[%dma_start3A_138, %dma_start3A_139] : memref<20000x128xf32, #tpu.memory_space<hbm>> -> memref<20000x128xf32, #tpu.memory_space<hbm>>
        tpu.enqueue_indirect_dma source(%dma_start3A_140 : memref<20000x128xf32, #tpu.memory_space<hbm>>) target(%arg13 : memref<128x128xf32, #tpu.memory_space<vmem>>) offsets(%arg7 : memref<128xi32, #tpu.memory_space<vmem>>) semaphore(%arg16 : memref<!tpu.dma_semaphore, #tpu.memory_space<semaphore_mem>>)
      } else {
      }
      %dma_wait3A_122 = arith.constant 0 : i32
      %dma_wait3A_123 = arith.constant 0 : i32
      %dma_wait3A_124 = tpu.memref_slice %arg4[%dma_wait3A_122, %dma_wait3A_123] : memref<20000x128xf32, #tpu.memory_space<hbm>> -> memref<20000x128xf32, #tpu.memory_space<hbm>>
      tpu.wait_indirect_dma semaphore(%arg17 : memref<!tpu.dma_semaphore, #tpu.memory_space<semaphore_mem>>) src(%dma_wait3A_124 : memref<20000x128xf32, #tpu.memory_space<hbm>>) dst(%arg14 : memref<128x128xf32, #tpu.memory_space<vmem>>)
      "tpu.region"() ({
        %run_scoped3A = tpu.sem_alloc : memref<!tpu.dma_semaphore, #tpu.memory_space<semaphore_mem>>
        %dma_start3A_130 = arith.constant 0 : i32
        %dma_start3A_131 = arith.constant 0 : i32
        %dma_start3A_132 = tpu.memref_slice %arg15[%dma_start3A_130, %dma_start3A_131] : memref<10000x128xf32, #tpu.memory_space<vmem_shared>> -> memref<10000x128xf32, #tpu.memory_space<vmem_shared>>
        tpu.enqueue_indirect_dma source(%arg14 : memref<128x128xf32, #tpu.memory_space<vmem>>) target(%dma_start3A_132 : memref<10000x128xf32, #tpu.memory_space<vmem_shared>>) offsets(%arg10 : memref<128xi32, #tpu.memory_space<vmem>>) semaphore(%run_scoped3A : memref<!tpu.dma_semaphore, #tpu.memory_space<semaphore_mem>>) {add = true}
        %dma_wait3A_133 = arith.constant 0 : i32
        %dma_wait3A_134 = arith.constant 0 : i32
        %dma_wait3A_135 = tpu.memref_slice %arg15[%dma_wait3A_133, %dma_wait3A_134] : memref<10000x128xf32, #tpu.memory_space<vmem_shared>> -> memref<10000x128xf32, #tpu.memory_space<vmem_shared>>
        tpu.wait_indirect_dma semaphore(%run_scoped3A : memref<!tpu.dma_semaphore, #tpu.memory_space<semaphore_mem>>) src(%arg14 : memref<128x128xf32, #tpu.memory_space<vmem>>) dst(%dma_wait3A_135 : memref<10000x128xf32, #tpu.memory_space<vmem_shared>>)
        tpu.yield
      }) : () -> ()
      %lt3A_125 = arith.constant 38 : i32
      %lt3A_126 = arith.cmpi slt, %scan3A_112, %lt3A_125 : i32
      %convert_element_type3A_127 = arith.extui %lt3A_126 : i1 to i32
      %cond3A_128 = arith.constant 0 : i32
      %cond3A_129 = arith.cmpi ne, %convert_element_type3A_127, %cond3A_128 : i32
      scf.if %cond3A_129 {
        %add3A_130 = arith.constant 3 : i32
        %add3A_131 = arith.addi %mul3A_114, %add3A_130 : i32
        %mul3A_132 = arith.constant 128 : i32
        %mul3A_133 = arith.muli %add3A_131, %mul3A_132 : i32
        %add3A_134 = arith.addi %add3A_24, %mul3A_133 : i32
        "tpu.region"() ({
          %run_scoped3A = tpu.sem_alloc : memref<!tpu.dma_semaphore, #tpu.memory_space<semaphore_mem>>
          %dma_start3A_141 = tpu.memref_slice %arg2[%add3A_134] : memref<320000xi32, #tpu.memory_space<hbm>> -> memref<128xi32, #tpu.memory_space<hbm>>
          %dma_start3A_142 = tpu.memref_slice %arg2[%add3A_134] : memref<320000xi32, #tpu.memory_space<hbm>> -> memref<128xi32, #tpu.memory_space<hbm>>
          tpu.enqueue_dma source(%dma_start3A_142 : memref<128xi32, #tpu.memory_space<hbm>>) target(%arg9 : memref<128xi32, #tpu.memory_space<vmem>>) target_semaphore(%run_scoped3A : memref<!tpu.dma_semaphore, #tpu.memory_space<semaphore_mem>>)
          %dma_wait3A_143 = tpu.memref_slice %arg2[%add3A_134] : memref<320000xi32, #tpu.memory_space<hbm>> -> memref<128xi32, #tpu.memory_space<hbm>>
          %dma_wait3A_144 = tpu.memref_slice %arg2[%add3A_134] : memref<320000xi32, #tpu.memory_space<hbm>> -> memref<128xi32, #tpu.memory_space<hbm>>
          tpu.wait_dma2 semaphore(%run_scoped3A : memref<!tpu.dma_semaphore, #tpu.memory_space<semaphore_mem>>) src(%dma_wait3A_144 : memref<128xi32, #tpu.memory_space<hbm>>) dst(%arg9 : memref<128xi32, #tpu.memory_space<vmem>>)
          tpu.yield
        }) : () -> ()
        %mul3A_135 = arith.constant 128 : i32
        %mul3A_136 = arith.muli %add3A_131, %mul3A_135 : i32
        %add3A_137 = arith.addi %mul3A_21, %mul3A_136 : i32
        "tpu.region"() ({
          %run_scoped3A = tpu.sem_alloc : memref<!tpu.dma_semaphore, #tpu.memory_space<semaphore_mem>>
          %dma_start3A_141 = tpu.memref_slice %arg3[%add3A_137] : memref<160000xi32, #tpu.memory_space<hbm>> -> memref<128xi32, #tpu.memory_space<hbm>>
          %dma_start3A_142 = tpu.memref_slice %arg3[%add3A_137] : memref<160000xi32, #tpu.memory_space<hbm>> -> memref<128xi32, #tpu.memory_space<hbm>>
          tpu.enqueue_dma source(%dma_start3A_142 : memref<128xi32, #tpu.memory_space<hbm>>) target(%arg10 : memref<128xi32, #tpu.memory_space<vmem>>) target_semaphore(%run_scoped3A : memref<!tpu.dma_semaphore, #tpu.memory_space<semaphore_mem>>)
          %dma_wait3A_143 = tpu.memref_slice %arg3[%add3A_137] : memref<160000xi32, #tpu.memory_space<hbm>> -> memref<128xi32, #tpu.memory_space<hbm>>
          %dma_wait3A_144 = tpu.memref_slice %arg3[%add3A_137] : memref<160000xi32, #tpu.memory_space<hbm>> -> memref<128xi32, #tpu.memory_space<hbm>>
          tpu.wait_dma2 semaphore(%run_scoped3A : memref<!tpu.dma_semaphore, #tpu.memory_space<semaphore_mem>>) src(%dma_wait3A_144 : memref<128xi32, #tpu.memory_space<hbm>>) dst(%arg10 : memref<128xi32, #tpu.memory_space<vmem>>)
          tpu.yield
        }) : () -> ()
        %dma_start3A_138 = arith.constant 0 : i32
        %dma_start3A_139 = arith.constant 0 : i32
        %dma_start3A_140 = tpu.memref_slice %arg4[%dma_start3A_138, %dma_start3A_139] : memref<20000x128xf32, #tpu.memory_space<hbm>> -> memref<20000x128xf32, #tpu.memory_space<hbm>>
        tpu.enqueue_indirect_dma source(%dma_start3A_140 : memref<20000x128xf32, #tpu.memory_space<hbm>>) target(%arg14 : memref<128x128xf32, #tpu.memory_space<vmem>>) offsets(%arg9 : memref<128xi32, #tpu.memory_space<vmem>>) semaphore(%arg17 : memref<!tpu.dma_semaphore, #tpu.memory_space<semaphore_mem>>)
      } else {
      }
    }
    %scan3A_42 = arith.constant 39 : i32
    %add3A_43 = arith.constant 9984 : i32
    %add3A_44 = arith.addi %mul3A_21, %add3A_43 : i32
    %mul3A_45 = arith.constant 160000 : i32
    %mul3A_46 = arith.muli %arg0, %mul3A_45 : i32
    %add3A_47 = arith.addi %mul3A_46, %add3A_44 : i32
    "tpu.region"() ({
      %run_scoped3A = tpu.sem_alloc : memref<!tpu.dma_semaphore, #tpu.memory_space<semaphore_mem>>
      %dma_start3A_112 = tpu.memref_slice %arg2[%add3A_47] : memref<320000xi32, #tpu.memory_space<hbm>> -> memref<16xi32, #tpu.memory_space<hbm>>
      %dma_start3A_113 = tpu.memref_slice %arg2[%add3A_47] : memref<320000xi32, #tpu.memory_space<hbm>> -> memref<16xi32, #tpu.memory_space<hbm>>
      tpu.enqueue_dma source(%dma_start3A_113 : memref<16xi32, #tpu.memory_space<hbm>>) target(%arg11 : memref<16xi32, #tpu.memory_space<vmem>>) target_semaphore(%run_scoped3A : memref<!tpu.dma_semaphore, #tpu.memory_space<semaphore_mem>>)
      %dma_wait3A_114 = tpu.memref_slice %arg2[%add3A_47] : memref<320000xi32, #tpu.memory_space<hbm>> -> memref<16xi32, #tpu.memory_space<hbm>>
      %dma_wait3A_115 = tpu.memref_slice %arg2[%add3A_47] : memref<320000xi32, #tpu.memory_space<hbm>> -> memref<16xi32, #tpu.memory_space<hbm>>
      tpu.wait_dma2 semaphore(%run_scoped3A : memref<!tpu.dma_semaphore, #tpu.memory_space<semaphore_mem>>) src(%dma_wait3A_115 : memref<16xi32, #tpu.memory_space<hbm>>) dst(%arg11 : memref<16xi32, #tpu.memory_space<vmem>>)
      tpu.yield
    }) : () -> ()
    "tpu.region"() ({
      %run_scoped3A = tpu.sem_alloc : memref<!tpu.dma_semaphore, #tpu.memory_space<semaphore_mem>>
      %dma_start3A_112 = tpu.memref_slice %arg3[%add3A_44] : memref<160000xi32, #tpu.memory_space<hbm>> -> memref<16xi32, #tpu.memory_space<hbm>>
      %dma_start3A_113 = tpu.memref_slice %arg3[%add3A_44] : memref<160000xi32, #tpu.memory_space<hbm>> -> memref<16xi32, #tpu.memory_space<hbm>>
      tpu.enqueue_dma source(%dma_start3A_113 : memref<16xi32, #tpu.memory_space<hbm>>) target(%arg12 : memref<16xi32, #tpu.memory_space<vmem>>) target_semaphore(%run_scoped3A : memref<!tpu.dma_semaphore, #tpu.memory_space<semaphore_mem>>)
      %dma_wait3A_114 = tpu.memref_slice %arg3[%add3A_44] : memref<160000xi32, #tpu.memory_space<hbm>> -> memref<16xi32, #tpu.memory_space<hbm>>
      %dma_wait3A_115 = tpu.memref_slice %arg3[%add3A_44] : memref<160000xi32, #tpu.memory_space<hbm>> -> memref<16xi32, #tpu.memory_space<hbm>>
      tpu.wait_dma2 semaphore(%run_scoped3A : memref<!tpu.dma_semaphore, #tpu.memory_space<semaphore_mem>>) src(%dma_wait3A_115 : memref<16xi32, #tpu.memory_space<hbm>>) dst(%arg12 : memref<16xi32, #tpu.memory_space<vmem>>)
      tpu.yield
    }) : () -> ()
    %dma_start3A_48 = arith.constant 0 : i32
    %dma_start3A_49 = arith.constant 0 : i32
    %dma_start3A_50 = tpu.memref_slice %arg13[%dma_start3A_48, %dma_start3A_49] : memref<128x128xf32, #tpu.memory_space<vmem>> -> memref<16x128xf32, #tpu.memory_space<vmem>>
    %dma_start3A_51 = arith.constant 0 : i32
    %dma_start3A_52 = arith.constant 0 : i32
    %dma_start3A_53 = tpu.memref_slice %arg4[%dma_start3A_51, %dma_start3A_52] : memref<20000x128xf32, #tpu.memory_space<hbm>> -> memref<20000x128xf32, #tpu.memory_space<hbm>>
    tpu.enqueue_indirect_dma source(%dma_start3A_53 : memref<20000x128xf32, #tpu.memory_space<hbm>>) target(%dma_start3A_50 : memref<16x128xf32, #tpu.memory_space<vmem>>) offsets(%arg11 : memref<16xi32, #tpu.memory_space<vmem>>) semaphore(%arg16 : memref<!tpu.dma_semaphore, #tpu.memory_space<semaphore_mem>>)
    %dma_wait3A = arith.constant 0 : i32
    %dma_wait3A_54 = arith.constant 0 : i32
    %dma_wait3A_55 = tpu.memref_slice %arg13[%dma_wait3A, %dma_wait3A_54] : memref<128x128xf32, #tpu.memory_space<vmem>> -> memref<16x128xf32, #tpu.memory_space<vmem>>
    %dma_wait3A_56 = arith.constant 0 : i32
    %dma_wait3A_57 = arith.constant 0 : i32
    %dma_wait3A_58 = tpu.memref_slice %arg4[%dma_wait3A_56, %dma_wait3A_57] : memref<20000x128xf32, #tpu.memory_space<hbm>> -> memref<20000x128xf32, #tpu.memory_space<hbm>>
    tpu.wait_indirect_dma semaphore(%arg16 : memref<!tpu.dma_semaphore, #tpu.memory_space<semaphore_mem>>) src(%dma_wait3A_58 : memref<20000x128xf32, #tpu.memory_space<hbm>>) dst(%dma_wait3A_55 : memref<16x128xf32, #tpu.memory_space<vmem>>)
    "tpu.region"() ({
      %run_scoped3A = tpu.sem_alloc : memref<!tpu.dma_semaphore, #tpu.memory_space<semaphore_mem>>
      %dma_start3A_112 = arith.constant 0 : i32
      %dma_start3A_113 = arith.constant 0 : i32
      %dma_start3A_114 = tpu.memref_slice %arg13[%dma_start3A_112, %dma_start3A_113] : memref<128x128xf32, #tpu.memory_space<vmem>> -> memref<16x128xf32, #tpu.memory_space<vmem>>
      %dma_start3A_115 = arith.constant 0 : i32
      %dma_start3A_116 = arith.constant 0 : i32
      %dma_start3A_117 = tpu.memref_slice %arg15[%dma_start3A_115, %dma_start3A_116] : memref<10000x128xf32, #tpu.memory_space<vmem_shared>> -> memref<10000x128xf32, #tpu.memory_space<vmem_shared>>
      tpu.enqueue_indirect_dma source(%dma_start3A_114 : memref<16x128xf32, #tpu.memory_space<vmem>>) target(%dma_start3A_117 : memref<10000x128xf32, #tpu.memory_space<vmem_shared>>) offsets(%arg12 : memref<16xi32, #tpu.memory_space<vmem>>) semaphore(%run_scoped3A : memref<!tpu.dma_semaphore, #tpu.memory_space<semaphore_mem>>) {add = true}
      %dma_wait3A_118 = arith.constant 0 : i32
      %dma_wait3A_119 = arith.constant 0 : i32
      %dma_wait3A_120 = tpu.memref_slice %arg13[%dma_wait3A_118, %dma_wait3A_119] : memref<128x128xf32, #tpu.memory_space<vmem>> -> memref<16x128xf32, #tpu.memory_space<vmem>>
      %dma_wait3A_121 = arith.constant 0 : i32
      %dma_wait3A_122 = arith.constant 0 : i32
      %dma_wait3A_123 = tpu.memref_slice %arg15[%dma_wait3A_121, %dma_wait3A_122] : memref<10000x128xf32, #tpu.memory_space<vmem_shared>> -> memref<10000x128xf32, #tpu.memory_space<vmem_shared>>
      tpu.wait_indirect_dma semaphore(%run_scoped3A : memref<!tpu.dma_semaphore, #tpu.memory_space<semaphore_mem>>) src(%dma_wait3A_120 : memref<16x128xf32, #tpu.memory_space<vmem>>) dst(%dma_wait3A_123 : memref<10000x128xf32, #tpu.memory_space<vmem_shared>>)
      tpu.yield
    }) : () -> ()
    %barrier3A_59 = arith.constant 0 : index
    tpu.barrier barrier_id(%barrier3A_59)
    %mul3A_60 = arith.constant 10000 : i32
    %mul3A_61 = arith.muli %arg0, %mul3A_60 : i32
    %mul3A_62 = arith.constant 624 : i32
    %mul3A_63 = arith.muli %arg1, %mul3A_62 : i32
    %add3A_64 = arith.constant 0 : i32
    %add3A_65 = arith.addi %mul3A_63, %add3A_64 : i32
    "tpu.region"() ({
      %run_scoped3A = tpu.sem_alloc : memref<!tpu.dma_semaphore, #tpu.memory_space<semaphore_mem>>
      %dma_start3A_112 = arith.constant 0 : i32
      %dma_start3A_113 = arith.constant 0 : i32
      %dma_start3A_114 = tpu.memref_slice %arg13[%dma_start3A_112, %dma_start3A_113] : memref<128x128xf32, #tpu.memory_space<vmem>> -> memref<128x128xf32, #tpu.memory_space<vmem>>
      %dma_start3A_115 = arith.constant 0 : i32
      %dma_start3A_116 = tpu.memref_slice %arg15[%add3A_65, %dma_start3A_115] : memref<10000x128xf32, #tpu.memory_space<vmem_shared>> -> memref<128x128xf32, #tpu.memory_space<vmem_shared>>
      %dma_start3A_117 = arith.constant 0 : i32
      %dma_start3A_118 = arith.constant 0 : i32
      %dma_start3A_119 = tpu.memref_slice %arg13[%dma_start3A_117, %dma_start3A_118] : memref<128x128xf32, #tpu.memory_space<vmem>> -> memref<128x128xf32, #tpu.memory_space<vmem>>
      %dma_start3A_120 = arith.constant 0 : i32
      %dma_start3A_121 = tpu.memref_slice %arg15[%add3A_65, %dma_start3A_120] : memref<10000x128xf32, #tpu.memory_space<vmem_shared>> -> memref<128x128xf32, #tpu.memory_space<vmem_shared>>
      tpu.enqueue_dma source(%dma_start3A_121 : memref<128x128xf32, #tpu.memory_space<vmem_shared>>) target(%dma_start3A_119 : memref<128x128xf32, #tpu.memory_space<vmem>>) target_semaphore(%run_scoped3A : memref<!tpu.dma_semaphore, #tpu.memory_space<semaphore_mem>>)
      %dma_wait3A_122 = arith.constant 0 : i32
      %dma_wait3A_123 = arith.constant 0 : i32
      %dma_wait3A_124 = tpu.memref_slice %arg13[%dma_wait3A_122, %dma_wait3A_123] : memref<128x128xf32, #tpu.memory_space<vmem>> -> memref<128x128xf32, #tpu.memory_space<vmem>>
      %dma_wait3A_125 = arith.constant 0 : i32
      %dma_wait3A_126 = tpu.memref_slice %arg15[%add3A_65, %dma_wait3A_125] : memref<10000x128xf32, #tpu.memory_space<vmem_shared>> -> memref<128x128xf32, #tpu.memory_space<vmem_shared>>
      %dma_wait3A_127 = arith.constant 0 : i32
      %dma_wait3A_128 = arith.constant 0 : i32
      %dma_wait3A_129 = tpu.memref_slice %arg13[%dma_wait3A_127, %dma_wait3A_128] : memref<128x128xf32, #tpu.memory_space<vmem>> -> memref<128x128xf32, #tpu.memory_space<vmem>>
      %dma_wait3A_130 = arith.constant 0 : i32
      %dma_wait3A_131 = tpu.memref_slice %arg15[%add3A_65, %dma_wait3A_130] : memref<10000x128xf32, #tpu.memory_space<vmem_shared>> -> memref<128x128xf32, #tpu.memory_space<vmem_shared>>
      tpu.wait_dma2 semaphore(%run_scoped3A : memref<!tpu.dma_semaphore, #tpu.memory_space<semaphore_mem>>) src(%dma_wait3A_131 : memref<128x128xf32, #tpu.memory_space<vmem_shared>>) dst(%dma_wait3A_129 : memref<128x128xf32, #tpu.memory_space<vmem>>)
      tpu.yield
    }) : () -> ()
    %mul3A_66 = arith.constant 624 : i32
    %mul3A_67 = arith.muli %arg1, %mul3A_66 : i32
    %add3A_68 = arith.addi %mul3A_61, %mul3A_67 : i32
    %add3A_69 = arith.constant 0 : i32
    %add3A_70 = arith.addi %add3A_68, %add3A_69 : i32
    "tpu.region"() ({
      %run_scoped3A = tpu.sem_alloc : memref<!tpu.dma_semaphore, #tpu.memory_space<semaphore_mem>>
      %dma_start3A_112 = arith.constant 0 : i32
      %dma_start3A_113 = arith.constant 0 : i32
      %dma_start3A_114 = tpu.memref_slice %arg13[%dma_start3A_112, %dma_start3A_113] : memref<128x128xf32, #tpu.memory_space<vmem>> -> memref<128x128xf32, #tpu.memory_space<vmem>>
      %dma_start3A_115 = arith.constant 0 : i32
      %dma_start3A_116 = tpu.memref_slice %arg6[%add3A_70, %dma_start3A_115] : memref<20000x128xf32, #tpu.memory_space<hbm>> -> memref<128x128xf32, #tpu.memory_space<hbm>>
      %dma_start3A_117 = arith.constant 0 : i32
      %dma_start3A_118 = tpu.memref_slice %arg6[%add3A_70, %dma_start3A_117] : memref<20000x128xf32, #tpu.memory_space<hbm>> -> memref<128x128xf32, #tpu.memory_space<hbm>>
      %dma_start3A_119 = arith.constant 0 : i32
      %dma_start3A_120 = arith.constant 0 : i32
      %dma_start3A_121 = tpu.memref_slice %arg13[%dma_start3A_119, %dma_start3A_120] : memref<128x128xf32, #tpu.memory_space<vmem>> -> memref<128x128xf32, #tpu.memory_space<vmem>>
      tpu.enqueue_dma source(%dma_start3A_121 : memref<128x128xf32, #tpu.memory_space<vmem>>) target(%dma_start3A_118 : memref<128x128xf32, #tpu.memory_space<hbm>>) target_semaphore(%run_scoped3A : memref<!tpu.dma_semaphore, #tpu.memory_space<semaphore_mem>>)
      %dma_wait3A_122 = arith.constant 0 : i32
      %dma_wait3A_123 = arith.constant 0 : i32
      %dma_wait3A_124 = tpu.memref_slice %arg13[%dma_wait3A_122, %dma_wait3A_123] : memref<128x128xf32, #tpu.memory_space<vmem>> -> memref<128x128xf32, #tpu.memory_space<vmem>>
      %dma_wait3A_125 = arith.constant 0 : i32
      %dma_wait3A_126 = tpu.memref_slice %arg6[%add3A_70, %dma_wait3A_125] : memref<20000x128xf32, #tpu.memory_space<hbm>> -> memref<128x128xf32, #tpu.memory_space<hbm>>
      %dma_wait3A_127 = arith.constant 0 : i32
      %dma_wait3A_128 = tpu.memref_slice %arg6[%add3A_70, %dma_wait3A_127] : memref<20000x128xf32, #tpu.memory_space<hbm>> -> memref<128x128xf32, #tpu.memory_space<hbm>>
      %dma_wait3A_129 = arith.constant 0 : i32
      %dma_wait3A_130 = arith.constant 0 : i32
      %dma_wait3A_131 = tpu.memref_slice %arg13[%dma_wait3A_129, %dma_wait3A_130] : memref<128x128xf32, #tpu.memory_space<vmem>> -> memref<128x128xf32, #tpu.memory_space<vmem>>
      tpu.wait_dma2 semaphore(%run_scoped3A : memref<!tpu.dma_semaphore, #tpu.memory_space<semaphore_mem>>) src(%dma_wait3A_131 : memref<128x128xf32, #tpu.memory_space<vmem>>) dst(%dma_wait3A_128 : memref<128x128xf32, #tpu.memory_space<hbm>>)
      tpu.yield
    }) : () -> ()
    %mul3A_71 = arith.constant 624 : i32
    %mul3A_72 = arith.muli %arg1, %mul3A_71 : i32
    %add3A_73 = arith.constant 128 : i32
    %add3A_74 = arith.addi %mul3A_72, %add3A_73 : i32
    "tpu.region"() ({
      %run_scoped3A = tpu.sem_alloc : memref<!tpu.dma_semaphore, #tpu.memory_space<semaphore_mem>>
      %dma_start3A_112 = arith.constant 0 : i32
      %dma_start3A_113 = arith.constant 0 : i32
      %dma_start3A_114 = tpu.memref_slice %arg13[%dma_start3A_112, %dma_start3A_113] : memref<128x128xf32, #tpu.memory_space<vmem>> -> memref<128x128xf32, #tpu.memory_space<vmem>>
      %dma_start3A_115 = arith.constant 0 : i32
      %dma_start3A_116 = tpu.memref_slice %arg15[%add3A_74, %dma_start3A_115] : memref<10000x128xf32, #tpu.memory_space<vmem_shared>> -> memref<128x128xf32, #tpu.memory_space<vmem_shared>>
      %dma_start3A_117 = arith.constant 0 : i32
      %dma_start3A_118 = arith.constant 0 : i32
      %dma_start3A_119 = tpu.memref_slice %arg13[%dma_start3A_117, %dma_start3A_118] : memref<128x128xf32, #tpu.memory_space<vmem>> -> memref<128x128xf32, #tpu.memory_space<vmem>>
      %dma_start3A_120 = arith.constant 0 : i32
      %dma_start3A_121 = tpu.memref_slice %arg15[%add3A_74, %dma_start3A_120] : memref<10000x128xf32, #tpu.memory_space<vmem_shared>> -> memref<128x128xf32, #tpu.memory_space<vmem_shared>>
      tpu.enqueue_dma source(%dma_start3A_121 : memref<128x128xf32, #tpu.memory_space<vmem_shared>>) target(%dma_start3A_119 : memref<128x128xf32, #tpu.memory_space<vmem>>) target_semaphore(%run_scoped3A : memref<!tpu.dma_semaphore, #tpu.memory_space<semaphore_mem>>)
      %dma_wait3A_122 = arith.constant 0 : i32
      %dma_wait3A_123 = arith.constant 0 : i32
      %dma_wait3A_124 = tpu.memref_slice %arg13[%dma_wait3A_122, %dma_wait3A_123] : memref<128x128xf32, #tpu.memory_space<vmem>> -> memref<128x128xf32, #tpu.memory_space<vmem>>
      %dma_wait3A_125 = arith.constant 0 : i32
      %dma_wait3A_126 = tpu.memref_slice %arg15[%add3A_74, %dma_wait3A_125] : memref<10000x128xf32, #tpu.memory_space<vmem_shared>> -> memref<128x128xf32, #tpu.memory_space<vmem_shared>>
      %dma_wait3A_127 = arith.constant 0 : i32
      %dma_wait3A_128 = arith.constant 0 : i32
      %dma_wait3A_129 = tpu.memref_slice %arg13[%dma_wait3A_127, %dma_wait3A_128] : memref<128x128xf32, #tpu.memory_space<vmem>> -> memref<128x128xf32, #tpu.memory_space<vmem>>
      %dma_wait3A_130 = arith.constant 0 : i32
      %dma_wait3A_131 = tpu.memref_slice %arg15[%add3A_74, %dma_wait3A_130] : memref<10000x128xf32, #tpu.memory_space<vmem_shared>> -> memref<128x128xf32, #tpu.memory_space<vmem_shared>>
      tpu.wait_dma2 semaphore(%run_scoped3A : memref<!tpu.dma_semaphore, #tpu.memory_space<semaphore_mem>>) src(%dma_wait3A_131 : memref<128x128xf32, #tpu.memory_space<vmem_shared>>) dst(%dma_wait3A_129 : memref<128x128xf32, #tpu.memory_space<vmem>>)
      tpu.yield
    }) : () -> ()
    %mul3A_75 = arith.constant 624 : i32
    %mul3A_76 = arith.muli %arg1, %mul3A_75 : i32
    %add3A_77 = arith.addi %mul3A_61, %mul3A_76 : i32
    %add3A_78 = arith.constant 128 : i32
    %add3A_79 = arith.addi %add3A_77, %add3A_78 : i32
    "tpu.region"() ({
      %run_scoped3A = tpu.sem_alloc : memref<!tpu.dma_semaphore, #tpu.memory_space<semaphore_mem>>
      %dma_start3A_112 = arith.constant 0 : i32
      %dma_start3A_113 = arith.constant 0 : i32
      %dma_start3A_114 = tpu.memref_slice %arg13[%dma_start3A_112, %dma_start3A_113] : memref<128x128xf32, #tpu.memory_space<vmem>> -> memref<128x128xf32, #tpu.memory_space<vmem>>
      %dma_start3A_115 = arith.constant 0 : i32
      %dma_start3A_116 = tpu.memref_slice %arg6[%add3A_79, %dma_start3A_115] : memref<20000x128xf32, #tpu.memory_space<hbm>> -> memref<128x128xf32, #tpu.memory_space<hbm>>
      %dma_start3A_117 = arith.constant 0 : i32
      %dma_start3A_118 = tpu.memref_slice %arg6[%add3A_79, %dma_start3A_117] : memref<20000x128xf32, #tpu.memory_space<hbm>> -> memref<128x128xf32, #tpu.memory_space<hbm>>
      %dma_start3A_119 = arith.constant 0 : i32
      %dma_start3A_120 = arith.constant 0 : i32
      %dma_start3A_121 = tpu.memref_slice %arg13[%dma_start3A_119, %dma_start3A_120] : memref<128x128xf32, #tpu.memory_space<vmem>> -> memref<128x128xf32, #tpu.memory_space<vmem>>
      tpu.enqueue_dma source(%dma_start3A_121 : memref<128x128xf32, #tpu.memory_space<vmem>>) target(%dma_start3A_118 : memref<128x128xf32, #tpu.memory_space<hbm>>) target_semaphore(%run_scoped3A : memref<!tpu.dma_semaphore, #tpu.memory_space<semaphore_mem>>)
      %dma_wait3A_122 = arith.constant 0 : i32
      %dma_wait3A_123 = arith.constant 0 : i32
      %dma_wait3A_124 = tpu.memref_slice %arg13[%dma_wait3A_122, %dma_wait3A_123] : memref<128x128xf32, #tpu.memory_space<vmem>> -> memref<128x128xf32, #tpu.memory_space<vmem>>
      %dma_wait3A_125 = arith.constant 0 : i32
      %dma_wait3A_126 = tpu.memref_slice %arg6[%add3A_79, %dma_wait3A_125] : memref<20000x128xf32, #tpu.memory_space<hbm>> -> memref<128x128xf32, #tpu.memory_space<hbm>>
      %dma_wait3A_127 = arith.constant 0 : i32
      %dma_wait3A_128 = tpu.memref_slice %arg6[%add3A_79, %dma_wait3A_127] : memref<20000x128xf32, #tpu.memory_space<hbm>> -> memref<128x128xf32, #tpu.memory_space<hbm>>
      %dma_wait3A_129 = arith.constant 0 : i32
      %dma_wait3A_130 = arith.constant 0 : i32
      %dma_wait3A_131 = tpu.memref_slice %arg13[%dma_wait3A_129, %dma_wait3A_130] : memref<128x128xf32, #tpu.memory_space<vmem>> -> memref<128x128xf32, #tpu.memory_space<vmem>>
      tpu.wait_dma2 semaphore(%run_scoped3A : memref<!tpu.dma_semaphore, #tpu.memory_space<semaphore_mem>>) src(%dma_wait3A_131 : memref<128x128xf32, #tpu.memory_space<vmem>>) dst(%dma_wait3A_128 : memref<128x128xf32, #tpu.memory_space<hbm>>)
      tpu.yield
    }) : () -> ()
    %mul3A_80 = arith.constant 624 : i32
    %mul3A_81 = arith.muli %arg1, %mul3A_80 : i32
    %add3A_82 = arith.constant 256 : i32
    %add3A_83 = arith.addi %mul3A_81, %add3A_82 : i32
    "tpu.region"() ({
      %run_scoped3A = tpu.sem_alloc : memref<!tpu.dma_semaphore, #tpu.memory_space<semaphore_mem>>
      %dma_start3A_112 = arith.constant 0 : i32
      %dma_start3A_113 = arith.constant 0 : i32
      %dma_start3A_114 = tpu.memref_slice %arg13[%dma_start3A_112, %dma_start3A_113] : memref<128x128xf32, #tpu.memory_space<vmem>> -> memref<128x128xf32, #tpu.memory_space<vmem>>
      %dma_start3A_115 = arith.constant 0 : i32
      %dma_start3A_116 = tpu.memref_slice %arg15[%add3A_83, %dma_start3A_115] : memref<10000x128xf32, #tpu.memory_space<vmem_shared>> -> memref<128x128xf32, #tpu.memory_space<vmem_shared>>
      %dma_start3A_117 = arith.constant 0 : i32
      %dma_start3A_118 = arith.constant 0 : i32
      %dma_start3A_119 = tpu.memref_slice %arg13[%dma_start3A_117, %dma_start3A_118] : memref<128x128xf32, #tpu.memory_space<vmem>> -> memref<128x128xf32, #tpu.memory_space<vmem>>
      %dma_start3A_120 = arith.constant 0 : i32
      %dma_start3A_121 = tpu.memref_slice %arg15[%add3A_83, %dma_start3A_120] : memref<10000x128xf32, #tpu.memory_space<vmem_shared>> -> memref<128x128xf32, #tpu.memory_space<vmem_shared>>
      tpu.enqueue_dma source(%dma_start3A_121 : memref<128x128xf32, #tpu.memory_space<vmem_shared>>) target(%dma_start3A_119 : memref<128x128xf32, #tpu.memory_space<vmem>>) target_semaphore(%run_scoped3A : memref<!tpu.dma_semaphore, #tpu.memory_space<semaphore_mem>>)
      %dma_wait3A_122 = arith.constant 0 : i32
      %dma_wait3A_123 = arith.constant 0 : i32
      %dma_wait3A_124 = tpu.memref_slice %arg13[%dma_wait3A_122, %dma_wait3A_123] : memref<128x128xf32, #tpu.memory_space<vmem>> -> memref<128x128xf32, #tpu.memory_space<vmem>>
      %dma_wait3A_125 = arith.constant 0 : i32
      %dma_wait3A_126 = tpu.memref_slice %arg15[%add3A_83, %dma_wait3A_125] : memref<10000x128xf32, #tpu.memory_space<vmem_shared>> -> memref<128x128xf32, #tpu.memory_space<vmem_shared>>
      %dma_wait3A_127 = arith.constant 0 : i32
      %dma_wait3A_128 = arith.constant 0 : i32
      %dma_wait3A_129 = tpu.memref_slice %arg13[%dma_wait3A_127, %dma_wait3A_128] : memref<128x128xf32, #tpu.memory_space<vmem>> -> memref<128x128xf32, #tpu.memory_space<vmem>>
      %dma_wait3A_130 = arith.constant 0 : i32
      %dma_wait3A_131 = tpu.memref_slice %arg15[%add3A_83, %dma_wait3A_130] : memref<10000x128xf32, #tpu.memory_space<vmem_shared>> -> memref<128x128xf32, #tpu.memory_space<vmem_shared>>
      tpu.wait_dma2 semaphore(%run_scoped3A : memref<!tpu.dma_semaphore, #tpu.memory_space<semaphore_mem>>) src(%dma_wait3A_131 : memref<128x128xf32, #tpu.memory_space<vmem_shared>>) dst(%dma_wait3A_129 : memref<128x128xf32, #tpu.memory_space<vmem>>)
      tpu.yield
    }) : () -> ()
    %mul3A_84 = arith.constant 624 : i32
    %mul3A_85 = arith.muli %arg1, %mul3A_84 : i32
    %add3A_86 = arith.addi %mul3A_61, %mul3A_85 : i32
    %add3A_87 = arith.constant 256 : i32
    %add3A_88 = arith.addi %add3A_86, %add3A_87 : i32
    "tpu.region"() ({
      %run_scoped3A = tpu.sem_alloc : memref<!tpu.dma_semaphore, #tpu.memory_space<semaphore_mem>>
      %dma_start3A_112 = arith.constant 0 : i32
      %dma_start3A_113 = arith.constant 0 : i32
      %dma_start3A_114 = tpu.memref_slice %arg13[%dma_start3A_112, %dma_start3A_113] : memref<128x128xf32, #tpu.memory_space<vmem>> -> memref<128x128xf32, #tpu.memory_space<vmem>>
      %dma_start3A_115 = arith.constant 0 : i32
      %dma_start3A_116 = tpu.memref_slice %arg6[%add3A_88, %dma_start3A_115] : memref<20000x128xf32, #tpu.memory_space<hbm>> -> memref<128x128xf32, #tpu.memory_space<hbm>>
      %dma_start3A_117 = arith.constant 0 : i32
      %dma_start3A_118 = tpu.memref_slice %arg6[%add3A_88, %dma_start3A_117] : memref<20000x128xf32, #tpu.memory_space<hbm>> -> memref<128x128xf32, #tpu.memory_space<hbm>>
      %dma_start3A_119 = arith.constant 0 : i32
      %dma_start3A_120 = arith.constant 0 : i32
      %dma_start3A_121 = tpu.memref_slice %arg13[%dma_start3A_119, %dma_start3A_120] : memref<128x128xf32, #tpu.memory_space<vmem>> -> memref<128x128xf32, #tpu.memory_space<vmem>>
      tpu.enqueue_dma source(%dma_start3A_121 : memref<128x128xf32, #tpu.memory_space<vmem>>) target(%dma_start3A_118 : memref<128x128xf32, #tpu.memory_space<hbm>>) target_semaphore(%run_scoped3A : memref<!tpu.dma_semaphore, #tpu.memory_space<semaphore_mem>>)
      %dma_wait3A_122 = arith.constant 0 : i32
      %dma_wait3A_123 = arith.constant 0 : i32
      %dma_wait3A_124 = tpu.memref_slice %arg13[%dma_wait3A_122, %dma_wait3A_123] : memref<128x128xf32, #tpu.memory_space<vmem>> -> memref<128x128xf32, #tpu.memory_space<vmem>>
      %dma_wait3A_125 = arith.constant 0 : i32
      %dma_wait3A_126 = tpu.memref_slice %arg6[%add3A_88, %dma_wait3A_125] : memref<20000x128xf32, #tpu.memory_space<hbm>> -> memref<128x128xf32, #tpu.memory_space<hbm>>
      %dma_wait3A_127 = arith.constant 0 : i32
      %dma_wait3A_128 = tpu.memref_slice %arg6[%add3A_88, %dma_wait3A_127] : memref<20000x128xf32, #tpu.memory_space<hbm>> -> memref<128x128xf32, #tpu.memory_space<hbm>>
      %dma_wait3A_129 = arith.constant 0 : i32
      %dma_wait3A_130 = arith.constant 0 : i32
      %dma_wait3A_131 = tpu.memref_slice %arg13[%dma_wait3A_129, %dma_wait3A_130] : memref<128x128xf32, #tpu.memory_space<vmem>> -> memref<128x128xf32, #tpu.memory_space<vmem>>
      tpu.wait_dma2 semaphore(%run_scoped3A : memref<!tpu.dma_semaphore, #tpu.memory_space<semaphore_mem>>) src(%dma_wait3A_131 : memref<128x128xf32, #tpu.memory_space<vmem>>) dst(%dma_wait3A_128 : memref<128x128xf32, #tpu.memory_space<hbm>>)
      tpu.yield
    }) : () -> ()
    %mul3A_89 = arith.constant 624 : i32
    %mul3A_90 = arith.muli %arg1, %mul3A_89 : i32
    %add3A_91 = arith.constant 384 : i32
    %add3A_92 = arith.addi %mul3A_90, %add3A_91 : i32
    "tpu.region"() ({
      %run_scoped3A = tpu.sem_alloc : memref<!tpu.dma_semaphore, #tpu.memory_space<semaphore_mem>>
      %dma_start3A_112 = arith.constant 0 : i32
      %dma_start3A_113 = arith.constant 0 : i32
      %dma_start3A_114 = tpu.memref_slice %arg13[%dma_start3A_112, %dma_start3A_113] : memref<128x128xf32, #tpu.memory_space<vmem>> -> memref<128x128xf32, #tpu.memory_space<vmem>>
      %dma_start3A_115 = arith.constant 0 : i32
      %dma_start3A_116 = tpu.memref_slice %arg15[%add3A_92, %dma_start3A_115] : memref<10000x128xf32, #tpu.memory_space<vmem_shared>> -> memref<128x128xf32, #tpu.memory_space<vmem_shared>>
      %dma_start3A_117 = arith.constant 0 : i32
      %dma_start3A_118 = arith.constant 0 : i32
      %dma_start3A_119 = tpu.memref_slice %arg13[%dma_start3A_117, %dma_start3A_118] : memref<128x128xf32, #tpu.memory_space<vmem>> -> memref<128x128xf32, #tpu.memory_space<vmem>>
      %dma_start3A_120 = arith.constant 0 : i32
      %dma_start3A_121 = tpu.memref_slice %arg15[%add3A_92, %dma_start3A_120] : memref<10000x128xf32, #tpu.memory_space<vmem_shared>> -> memref<128x128xf32, #tpu.memory_space<vmem_shared>>
      tpu.enqueue_dma source(%dma_start3A_121 : memref<128x128xf32, #tpu.memory_space<vmem_shared>>) target(%dma_start3A_119 : memref<128x128xf32, #tpu.memory_space<vmem>>) target_semaphore(%run_scoped3A : memref<!tpu.dma_semaphore, #tpu.memory_space<semaphore_mem>>)
      %dma_wait3A_122 = arith.constant 0 : i32
      %dma_wait3A_123 = arith.constant 0 : i32
      %dma_wait3A_124 = tpu.memref_slice %arg13[%dma_wait3A_122, %dma_wait3A_123] : memref<128x128xf32, #tpu.memory_space<vmem>> -> memref<128x128xf32, #tpu.memory_space<vmem>>
      %dma_wait3A_125 = arith.constant 0 : i32
      %dma_wait3A_126 = tpu.memref_slice %arg15[%add3A_92, %dma_wait3A_125] : memref<10000x128xf32, #tpu.memory_space<vmem_shared>> -> memref<128x128xf32, #tpu.memory_space<vmem_shared>>
      %dma_wait3A_127 = arith.constant 0 : i32
      %dma_wait3A_128 = arith.constant 0 : i32
      %dma_wait3A_129 = tpu.memref_slice %arg13[%dma_wait3A_127, %dma_wait3A_128] : memref<128x128xf32, #tpu.memory_space<vmem>> -> memref<128x128xf32, #tpu.memory_space<vmem>>
      %dma_wait3A_130 = arith.constant 0 : i32
      %dma_wait3A_131 = tpu.memref_slice %arg15[%add3A_92, %dma_wait3A_130] : memref<10000x128xf32, #tpu.memory_space<vmem_shared>> -> memref<128x128xf32, #tpu.memory_space<vmem_shared>>
      tpu.wait_dma2 semaphore(%run_scoped3A : memref<!tpu.dma_semaphore, #tpu.memory_space<semaphore_mem>>) src(%dma_wait3A_131 : memref<128x128xf32, #tpu.memory_space<vmem_shared>>) dst(%dma_wait3A_129 : memref<128x128xf32, #tpu.memory_space<vmem>>)
      tpu.yield
    }) : () -> ()
    %mul3A_93 = arith.constant 624 : i32
    %mul3A_94 = arith.muli %arg1, %mul3A_93 : i32
    %add3A_95 = arith.addi %mul3A_61, %mul3A_94 : i32
    %add3A_96 = arith.constant 384 : i32
    %add3A_97 = arith.addi %add3A_95, %add3A_96 : i32
    "tpu.region"() ({
      %run_scoped3A = tpu.sem_alloc : memref<!tpu.dma_semaphore, #tpu.memory_space<semaphore_mem>>
      %dma_start3A_112 = arith.constant 0 : i32
      %dma_start3A_113 = arith.constant 0 : i32
      %dma_start3A_114 = tpu.memref_slice %arg13[%dma_start3A_112, %dma_start3A_113] : memref<128x128xf32, #tpu.memory_space<vmem>> -> memref<128x128xf32, #tpu.memory_space<vmem>>
      %dma_start3A_115 = arith.constant 0 : i32
      %dma_start3A_116 = tpu.memref_slice %arg6[%add3A_97, %dma_start3A_115] : memref<20000x128xf32, #tpu.memory_space<hbm>> -> memref<128x128xf32, #tpu.memory_space<hbm>>
      %dma_start3A_117 = arith.constant 0 : i32
      %dma_start3A_118 = tpu.memref_slice %arg6[%add3A_97, %dma_start3A_117] : memref<20000x128xf32, #tpu.memory_space<hbm>> -> memref<128x128xf32, #tpu.memory_space<hbm>>
      %dma_start3A_119 = arith.constant 0 : i32
      %dma_start3A_120 = arith.constant 0 : i32
      %dma_start3A_121 = tpu.memref_slice %arg13[%dma_start3A_119, %dma_start3A_120] : memref<128x128xf32, #tpu.memory_space<vmem>> -> memref<128x128xf32, #tpu.memory_space<vmem>>
      tpu.enqueue_dma source(%dma_start3A_121 : memref<128x128xf32, #tpu.memory_space<vmem>>) target(%dma_start3A_118 : memref<128x128xf32, #tpu.memory_space<hbm>>) target_semaphore(%run_scoped3A : memref<!tpu.dma_semaphore, #tpu.memory_space<semaphore_mem>>)
      %dma_wait3A_122 = arith.constant 0 : i32
      %dma_wait3A_123 = arith.constant 0 : i32
      %dma_wait3A_124 = tpu.memref_slice %arg13[%dma_wait3A_122, %dma_wait3A_123] : memref<128x128xf32, #tpu.memory_space<vmem>> -> memref<128x128xf32, #tpu.memory_space<vmem>>
      %dma_wait3A_125 = arith.constant 0 : i32
      %dma_wait3A_126 = tpu.memref_slice %arg6[%add3A_97, %dma_wait3A_125] : memref<20000x128xf32, #tpu.memory_space<hbm>> -> memref<128x128xf32, #tpu.memory_space<hbm>>
      %dma_wait3A_127 = arith.constant 0 : i32
      %dma_wait3A_128 = tpu.memref_slice %arg6[%add3A_97, %dma_wait3A_127] : memref<20000x128xf32, #tpu.memory_space<hbm>> -> memref<128x128xf32, #tpu.memory_space<hbm>>
      %dma_wait3A_129 = arith.constant 0 : i32
      %dma_wait3A_130 = arith.constant 0 : i32
      %dma_wait3A_131 = tpu.memref_slice %arg13[%dma_wait3A_129, %dma_wait3A_130] : memref<128x128xf32, #tpu.memory_space<vmem>> -> memref<128x128xf32, #tpu.memory_space<vmem>>
      tpu.wait_dma2 semaphore(%run_scoped3A : memref<!tpu.dma_semaphore, #tpu.memory_space<semaphore_mem>>) src(%dma_wait3A_131 : memref<128x128xf32, #tpu.memory_space<vmem>>) dst(%dma_wait3A_128 : memref<128x128xf32, #tpu.memory_space<hbm>>)
      tpu.yield
    }) : () -> ()
    %mul3A_98 = arith.constant 624 : i32
    %mul3A_99 = arith.muli %arg1, %mul3A_98 : i32
    %add3A_100 = arith.constant 512 : i32
    %add3A_101 = arith.addi %mul3A_99, %add3A_100 : i32
    "tpu.region"() ({
      %run_scoped3A = tpu.sem_alloc : memref<!tpu.dma_semaphore, #tpu.memory_space<semaphore_mem>>
      %dma_start3A_112 = arith.constant 0 : i32
      %dma_start3A_113 = arith.constant 0 : i32
      %dma_start3A_114 = tpu.memref_slice %arg13[%dma_start3A_112, %dma_start3A_113] : memref<128x128xf32, #tpu.memory_space<vmem>> -> memref<112x128xf32, #tpu.memory_space<vmem>>
      %dma_start3A_115 = arith.constant 0 : i32
      %dma_start3A_116 = tpu.memref_slice %arg15[%add3A_101, %dma_start3A_115] : memref<10000x128xf32, #tpu.memory_space<vmem_shared>> -> memref<112x128xf32, #tpu.memory_space<vmem_shared>>
      %dma_start3A_117 = arith.constant 0 : i32
      %dma_start3A_118 = arith.constant 0 : i32
      %dma_start3A_119 = tpu.memref_slice %arg13[%dma_start3A_117, %dma_start3A_118] : memref<128x128xf32, #tpu.memory_space<vmem>> -> memref<112x128xf32, #tpu.memory_space<vmem>>
      %dma_start3A_120 = arith.constant 0 : i32
      %dma_start3A_121 = tpu.memref_slice %arg15[%add3A_101, %dma_start3A_120] : memref<10000x128xf32, #tpu.memory_space<vmem_shared>> -> memref<112x128xf32, #tpu.memory_space<vmem_shared>>
      tpu.enqueue_dma source(%dma_start3A_121 : memref<112x128xf32, #tpu.memory_space<vmem_shared>>) target(%dma_start3A_119 : memref<112x128xf32, #tpu.memory_space<vmem>>) target_semaphore(%run_scoped3A : memref<!tpu.dma_semaphore, #tpu.memory_space<semaphore_mem>>)
      %dma_wait3A_122 = arith.constant 0 : i32
      %dma_wait3A_123 = arith.constant 0 : i32
      %dma_wait3A_124 = tpu.memref_slice %arg13[%dma_wait3A_122, %dma_wait3A_123] : memref<128x128xf32, #tpu.memory_space<vmem>> -> memref<112x128xf32, #tpu.memory_space<vmem>>
      %dma_wait3A_125 = arith.constant 0 : i32
      %dma_wait3A_126 = tpu.memref_slice %arg15[%add3A_101, %dma_wait3A_125] : memref<10000x128xf32, #tpu.memory_space<vmem_shared>> -> memref<112x128xf32, #tpu.memory_space<vmem_shared>>
      %dma_wait3A_127 = arith.constant 0 : i32
      %dma_wait3A_128 = arith.constant 0 : i32
      %dma_wait3A_129 = tpu.memref_slice %arg13[%dma_wait3A_127, %dma_wait3A_128] : memref<128x128xf32, #tpu.memory_space<vmem>> -> memref<112x128xf32, #tpu.memory_space<vmem>>
      %dma_wait3A_130 = arith.constant 0 : i32
      %dma_wait3A_131 = tpu.memref_slice %arg15[%add3A_101, %dma_wait3A_130] : memref<10000x128xf32, #tpu.memory_space<vmem_shared>> -> memref<112x128xf32, #tpu.memory_space<vmem_shared>>
      tpu.wait_dma2 semaphore(%run_scoped3A : memref<!tpu.dma_semaphore, #tpu.memory_space<semaphore_mem>>) src(%dma_wait3A_131 : memref<112x128xf32, #tpu.memory_space<vmem_shared>>) dst(%dma_wait3A_129 : memref<112x128xf32, #tpu.memory_space<vmem>>)
      tpu.yield
    }) : () -> ()
    %mul3A_102 = arith.constant 624 : i32
    %mul3A_103 = arith.muli %arg1, %mul3A_102 : i32
    %add3A_104 = arith.addi %mul3A_61, %mul3A_103 : i32
    %add3A_105 = arith.constant 512 : i32
    %add3A_106 = arith.addi %add3A_104, %add3A_105 : i32
    "tpu.region"() ({
      %run_scoped3A = tpu.sem_alloc : memref<!tpu.dma_semaphore, #tpu.memory_space<semaphore_mem>>
      %dma_start3A_112 = arith.constant 0 : i32
      %dma_start3A_113 = arith.constant 0 : i32
      %dma_start3A_114 = tpu.memref_slice %arg13[%dma_start3A_112, %dma_start3A_113] : memref<128x128xf32, #tpu.memory_space<vmem>> -> memref<112x128xf32, #tpu.memory_space<vmem>>
      %dma_start3A_115 = arith.constant 0 : i32
      %dma_start3A_116 = tpu.memref_slice %arg6[%add3A_106, %dma_start3A_115] : memref<20000x128xf32, #tpu.memory_space<hbm>> -> memref<112x128xf32, #tpu.memory_space<hbm>>
      %dma_start3A_117 = arith.constant 0 : i32
      %dma_start3A_118 = tpu.memref_slice %arg6[%add3A_106, %dma_start3A_117] : memref<20000x128xf32, #tpu.memory_space<hbm>> -> memref<112x128xf32, #tpu.memory_space<hbm>>
      %dma_start3A_119 = arith.constant 0 : i32
      %dma_start3A_120 = arith.constant 0 : i32
      %dma_start3A_121 = tpu.memref_slice %arg13[%dma_start3A_119, %dma_start3A_120] : memref<128x128xf32, #tpu.memory_space<vmem>> -> memref<112x128xf32, #tpu.memory_space<vmem>>
      tpu.enqueue_dma source(%dma_start3A_121 : memref<112x128xf32, #tpu.memory_space<vmem>>) target(%dma_start3A_118 : memref<112x128xf32, #tpu.memory_space<hbm>>) target_semaphore(%run_scoped3A : memref<!tpu.dma_semaphore, #tpu.memory_space<semaphore_mem>>)
      %dma_wait3A_122 = arith.constant 0 : i32
      %dma_wait3A_123 = arith.constant 0 : i32
      %dma_wait3A_124 = tpu.memref_slice %arg13[%dma_wait3A_122, %dma_wait3A_123] : memref<128x128xf32, #tpu.memory_space<vmem>> -> memref<112x128xf32, #tpu.memory_space<vmem>>
      %dma_wait3A_125 = arith.constant 0 : i32
      %dma_wait3A_126 = tpu.memref_slice %arg6[%add3A_106, %dma_wait3A_125] : memref<20000x128xf32, #tpu.memory_space<hbm>> -> memref<112x128xf32, #tpu.memory_space<hbm>>
      %dma_wait3A_127 = arith.constant 0 : i32
      %dma_wait3A_128 = tpu.memref_slice %arg6[%add3A_106, %dma_wait3A_127] : memref<20000x128xf32, #tpu.memory_space<hbm>> -> memref<112x128xf32, #tpu.memory_space<hbm>>
      %dma_wait3A_129 = arith.constant 0 : i32
      %dma_wait3A_130 = arith.constant 0 : i32
      %dma_wait3A_131 = tpu.memref_slice %arg13[%dma_wait3A_129, %dma_wait3A_130] : memref<128x128xf32, #tpu.memory_space<vmem>> -> memref<112x128xf32, #tpu.memory_space<vmem>>
      tpu.wait_dma2 semaphore(%run_scoped3A : memref<!tpu.dma_semaphore, #tpu.memory_space<semaphore_mem>>) src(%dma_wait3A_131 : memref<112x128xf32, #tpu.memory_space<vmem>>) dst(%dma_wait3A_128 : memref<112x128xf32, #tpu.memory_space<hbm>>)
      tpu.yield
    }) : () -> ()
    %eq3A_107 = arith.constant 0 : i32
    %eq3A_108 = arith.cmpi eq, %arg1, %eq3A_107 : i32
    %convert_element_type3A_109 = arith.extui %eq3A_108 : i1 to i32
    %cond3A_110 = arith.constant 0 : i32
    %cond3A_111 = arith.cmpi ne, %convert_element_type3A_109, %cond3A_110 : i32
    scf.if %cond3A_111 {
      "tpu.region"() ({
        %run_scoped3A = tpu.sem_alloc : memref<!tpu.dma_semaphore, #tpu.memory_space<semaphore_mem>>
        %dma_start3A_114 = arith.constant 0 : i32
        %dma_start3A_115 = arith.constant 0 : i32
        %dma_start3A_116 = tpu.memref_slice %arg13[%dma_start3A_114, %dma_start3A_115] : memref<128x128xf32, #tpu.memory_space<vmem>> -> memref<16x128xf32, #tpu.memory_space<vmem>>
        %dma_start3A_117 = arith.constant 9984 : i32
        %dma_start3A_118 = arith.constant 0 : i32
        %dma_start3A_119 = tpu.memref_slice %arg15[%dma_start3A_117, %dma_start3A_118] : memref<10000x128xf32, #tpu.memory_space<vmem_shared>> -> memref<16x128xf32, #tpu.memory_space<vmem_shared>>
        %dma_start3A_120 = arith.constant 0 : i32
        %dma_start3A_121 = arith.constant 0 : i32
        %dma_start3A_122 = tpu.memref_slice %arg13[%dma_start3A_120, %dma_start3A_121] : memref<128x128xf32, #tpu.memory_space<vmem>> -> memref<16x128xf32, #tpu.memory_space<vmem>>
        %dma_start3A_123 = arith.constant 9984 : i32
        %dma_start3A_124 = arith.constant 0 : i32
        %dma_start3A_125 = tpu.memref_slice %arg15[%dma_start3A_123, %dma_start3A_124] : memref<10000x128xf32, #tpu.memory_space<vmem_shared>> -> memref<16x128xf32, #tpu.memory_space<vmem_shared>>
        tpu.enqueue_dma source(%dma_start3A_125 : memref<16x128xf32, #tpu.memory_space<vmem_shared>>) target(%dma_start3A_122 : memref<16x128xf32, #tpu.memory_space<vmem>>) target_semaphore(%run_scoped3A : memref<!tpu.dma_semaphore, #tpu.memory_space<semaphore_mem>>)
        %dma_wait3A_126 = arith.constant 0 : i32
        %dma_wait3A_127 = arith.constant 0 : i32
        %dma_wait3A_128 = tpu.memref_slice %arg13[%dma_wait3A_126, %dma_wait3A_127] : memref<128x128xf32, #tpu.memory_space<vmem>> -> memref<16x128xf32, #tpu.memory_space<vmem>>
        %dma_wait3A_129 = arith.constant 9984 : i32
        %dma_wait3A_130 = arith.constant 0 : i32
        %dma_wait3A_131 = tpu.memref_slice %arg15[%dma_wait3A_129, %dma_wait3A_130] : memref<10000x128xf32, #tpu.memory_space<vmem_shared>> -> memref<16x128xf32, #tpu.memory_space<vmem_shared>>
        %dma_wait3A_132 = arith.constant 0 : i32
        %dma_wait3A_133 = arith.constant 0 : i32
        %dma_wait3A_134 = tpu.memref_slice %arg13[%dma_wait3A_132, %dma_wait3A_133] : memref<128x128xf32, #tpu.memory_space<vmem>> -> memref<16x128xf32, #tpu.memory_space<vmem>>
        %dma_wait3A_135 = arith.constant 9984 : i32
        %dma_wait3A_136 = arith.constant 0 : i32
        %dma_wait3A_137 = tpu.memref_slice %arg15[%dma_wait3A_135, %dma_wait3A_136] : memref<10000x128xf32, #tpu.memory_space<vmem_shared>> -> memref<16x128xf32, #tpu.memory_space<vmem_shared>>
        tpu.wait_dma2 semaphore(%run_scoped3A : memref<!tpu.dma_semaphore, #tpu.memory_space<semaphore_mem>>) src(%dma_wait3A_137 : memref<16x128xf32, #tpu.memory_space<vmem_shared>>) dst(%dma_wait3A_134 : memref<16x128xf32, #tpu.memory_space<vmem>>)
        tpu.yield
      }) : () -> ()
      %add3A_112 = arith.constant 9984 : i32
      %add3A_113 = arith.addi %mul3A_61, %add3A_112 : i32
      "tpu.region"() ({
        %run_scoped3A = tpu.sem_alloc : memref<!tpu.dma_semaphore, #tpu.memory_space<semaphore_mem>>
        %dma_start3A_114 = arith.constant 0 : i32
        %dma_start3A_115 = arith.constant 0 : i32
        %dma_start3A_116 = tpu.memref_slice %arg13[%dma_start3A_114, %dma_start3A_115] : memref<128x128xf32, #tpu.memory_space<vmem>> -> memref<16x128xf32, #tpu.memory_space<vmem>>
        %dma_start3A_117 = arith.constant 0 : i32
        %dma_start3A_118 = tpu.memref_slice %arg6[%add3A_113, %dma_start3A_117] : memref<20000x128xf32, #tpu.memory_space<hbm>> -> memref<16x128xf32, #tpu.memory_space<hbm>>
        %dma_start3A_119 = arith.constant 0 : i32
        %dma_start3A_120 = tpu.memref_slice %arg6[%add3A_113, %dma_start3A_119] : memref<20000x128xf32, #tpu.memory_space<hbm>> -> memref<16x128xf32, #tpu.memory_space<hbm>>
        %dma_start3A_121 = arith.constant 0 : i32
        %dma_start3A_122 = arith.constant 0 : i32
        %dma_start3A_123 = tpu.memref_slice %arg13[%dma_start3A_121, %dma_start3A_122] : memref<128x128xf32, #tpu.memory_space<vmem>> -> memref<16x128xf32, #tpu.memory_space<vmem>>
        tpu.enqueue_dma source(%dma_start3A_123 : memref<16x128xf32, #tpu.memory_space<vmem>>) target(%dma_start3A_120 : memref<16x128xf32, #tpu.memory_space<hbm>>) target_semaphore(%run_scoped3A : memref<!tpu.dma_semaphore, #tpu.memory_space<semaphore_mem>>)
        %dma_wait3A_124 = arith.constant 0 : i32
        %dma_wait3A_125 = arith.constant 0 : i32
        %dma_wait3A_126 = tpu.memref_slice %arg13[%dma_wait3A_124, %dma_wait3A_125] : memref<128x128xf32, #tpu.memory_space<vmem>> -> memref<16x128xf32, #tpu.memory_space<vmem>>
        %dma_wait3A_127 = arith.constant 0 : i32
        %dma_wait3A_128 = tpu.memref_slice %arg6[%add3A_113, %dma_wait3A_127] : memref<20000x128xf32, #tpu.memory_space<hbm>> -> memref<16x128xf32, #tpu.memory_space<hbm>>
        %dma_wait3A_129 = arith.constant 0 : i32
        %dma_wait3A_130 = tpu.memref_slice %arg6[%add3A_113, %dma_wait3A_129] : memref<20000x128xf32, #tpu.memory_space<hbm>> -> memref<16x128xf32, #tpu.memory_space<hbm>>
        %dma_wait3A_131 = arith.constant 0 : i32
        %dma_wait3A_132 = arith.constant 0 : i32
        %dma_wait3A_133 = tpu.memref_slice %arg13[%dma_wait3A_131, %dma_wait3A_132] : memref<128x128xf32, #tpu.memory_space<vmem>> -> memref<16x128xf32, #tpu.memory_space<vmem>>
        tpu.wait_dma2 semaphore(%run_scoped3A : memref<!tpu.dma_semaphore, #tpu.memory_space<semaphore_mem>>) src(%dma_wait3A_133 : memref<16x128xf32, #tpu.memory_space<vmem>>) dst(%dma_wait3A_130 : memref<16x128xf32, #tpu.memory_space<hbm>>)
        tpu.yield
      }) : () -> ()
    } else {
    }
    return
  }
}

module attributes {stable_mosaic.version = 14 : i64} {
  func.func @_prep_body(%arg0: i32, %arg1: memref<1000x256xf32, #tpu.memory_space<vmem>>, %arg2: memref<1000x128xf32, #tpu.memory_space<vmem>>, %arg3: memref<1000x128xf32, #tpu.memory_space<vmem>>, %arg4: memref<1000x128xf32, #tpu.memory_space<vmem>>, %arg5: memref<1000x128xf32, #tpu.memory_space<vmem>>, %arg6: memref<1000x16xf32, #tpu.memory_space<vmem>>, %arg7: memref<1000x16xf32, #tpu.memory_space<vmem>>, %arg8: memref<1000x128xf32, #tpu.memory_space<vmem>>) attributes {dimension_semantics = [#tpu.dimension_semantics<arbitrary>], iteration_bounds = array<i64: 10>, scalar_prefetch = 0 : i64, scratch_operands = 0 : i64, tpu.core_type = #tpu.core_type<tc>, window_params = [{transform_indices = @transform_0, window_bounds = array<i64: 1000, 256>}, {transform_indices = @transform_1, window_bounds = array<i64: 1000, 128>}, {transform_indices = @transform_2, window_bounds = array<i64: 1000, 128>}, {transform_indices = @transform_3, window_bounds = array<i64: 1000, 128>}, {transform_indices = @transform_4, window_bounds = array<i64: 1000, 128>}, {transform_indices = @transform_5, window_bounds = array<i64: 1000, 16>}, {transform_indices = @transform_6, window_bounds = array<i64: 1000, 16>}, {transform_indices = @transform_7, window_bounds = array<i64: 1000, 128>}]} {
    %get3A = arith.constant 0 : index
    %get3A_0 = arith.constant 0 : index
    %get3A_1 = vector.load %arg1[%get3A, %get3A_0] : memref<1000x256xf32, #tpu.memory_space<vmem>>, vector<1000x256xf32>
    %get3A_2 = arith.constant 0 : index
    %get3A_3 = arith.constant 0 : index
    %get3A_4 = vector.load %arg2[%get3A_2, %get3A_3] : memref<1000x128xf32, #tpu.memory_space<vmem>>, vector<1000x128xf32>
    %slice3A = vector.extract_strided_slice %get3A_4 {offsets = [0, 0], sizes = [1000, 1], strides = [1, 1]} : vector<1000x128xf32> to vector<1000x1xf32>
    %max3A = arith.constant 1.000000e+00 : f32
    %max3A_5 = vector.broadcast %max3A : f32 to vector<1000x1xf32>
    %max3A_6 = arith.maximumf %slice3A, %max3A_5 : vector<1000x1xf32>
    %rsqrt3A = math.rsqrt %max3A_6 : vector<1000x1xf32>
    %get3A_7 = arith.constant 0 : index
    %get3A_8 = arith.constant 0 : index
    %get3A_9 = vector.load %arg3[%get3A_7, %get3A_8] : memref<1000x128xf32, #tpu.memory_space<vmem>>, vector<1000x128xf32>
    %slice3A_10 = vector.extract_strided_slice %get3A_9 {offsets = [0, 0], sizes = [1000, 1], strides = [1, 1]} : vector<1000x128xf32> to vector<1000x1xf32>
    %max3A_11 = arith.constant 1.000000e+00 : f32
    %max3A_12 = vector.broadcast %max3A_11 : f32 to vector<1000x1xf32>
    %max3A_13 = arith.maximumf %slice3A_10, %max3A_12 : vector<1000x1xf32>
    %rsqrt3A_14 = math.rsqrt %max3A_13 : vector<1000x1xf32>
    %mul3A = vector.broadcast %rsqrt3A : vector<1000x1xf32> to vector<1000x256xf32>
    %mul3A_15 = arith.mulf %get3A_1, %mul3A : vector<1000x256xf32>
    %slice3A_16 = vector.extract_strided_slice %mul3A_15 {offsets = [0, 0], sizes = [1000, 128], strides = [1, 1]} : vector<1000x256xf32> to vector<1000x128xf32>
    %swap3A = arith.constant 0 : index
    %swap3A_17 = arith.constant 0 : index
    %swap3A_18 = vector.load %arg4[%swap3A, %swap3A_17] : memref<1000x128xf32, #tpu.memory_space<vmem>>, vector<1000x128xf32>
    tpu.vector_store %arg4[%swap3A, %swap3A_17], %slice3A_16 {strides = array<i32>} : memref<1000x128xf32, #tpu.memory_space<vmem>>, vector<1000x128xf32>,
    %slice3A_19 = vector.extract_strided_slice %mul3A_15 {offsets = [0, 128], sizes = [1000, 128], strides = [1, 1]} : vector<1000x256xf32> to vector<1000x128xf32>
    %swap3A_20 = arith.constant 0 : index
    %swap3A_21 = arith.constant 0 : index
    %swap3A_22 = vector.load %arg5[%swap3A_20, %swap3A_21] : memref<1000x128xf32, #tpu.memory_space<vmem>>, vector<1000x128xf32>
    tpu.vector_store %arg5[%swap3A_20, %swap3A_21], %slice3A_19 {strides = array<i32>} : memref<1000x128xf32, #tpu.memory_space<vmem>>, vector<1000x128xf32>,
    %mul3A_23 = arith.mulf %rsqrt3A, %rsqrt3A_14 : vector<1000x1xf32>
    %broadcast_in_dim3A = vector.shape_cast %mul3A_23 : vector<1000x1xf32> to vector<1000x1xf32>
    %broadcast_in_dim3A_24 = vector.broadcast %broadcast_in_dim3A : vector<1000x1xf32> to vector<1000x16xf32>
    %swap3A_25 = arith.constant 0 : index
    %swap3A_26 = arith.constant 0 : index
    %swap3A_27 = vector.load %arg6[%swap3A_25, %swap3A_26] : memref<1000x16xf32, #tpu.memory_space<vmem>>, vector<1000x16xf32>
    tpu.vector_store %arg6[%swap3A_25, %swap3A_26], %broadcast_in_dim3A_24 {strides = array<i32>} : memref<1000x16xf32, #tpu.memory_space<vmem>>, vector<1000x16xf32>,
    %broadcast_in_dim3A_28 = vector.shape_cast %rsqrt3A_14 : vector<1000x1xf32> to vector<1000x1xf32>
    %broadcast_in_dim3A_29 = vector.broadcast %broadcast_in_dim3A_28 : vector<1000x1xf32> to vector<1000x16xf32>
    %swap3A_30 = arith.constant 0 : index
    %swap3A_31 = arith.constant 0 : index
    %swap3A_32 = vector.load %arg7[%swap3A_30, %swap3A_31] : memref<1000x16xf32, #tpu.memory_space<vmem>>, vector<1000x16xf32>
    tpu.vector_store %arg7[%swap3A_30, %swap3A_31], %broadcast_in_dim3A_29 {strides = array<i32>} : memref<1000x16xf32, #tpu.memory_space<vmem>>, vector<1000x16xf32>,
    %mul3A_33 = arith.mulf %get3A_1, %get3A_1 : vector<1000x256xf32>
    %reduce_sum3A = arith.constant dense<0.000000e+00> : vector<1000xf32>
    %reduce_sum3A_34 = vector.multi_reduction <add>, %mul3A_33, %reduce_sum3A [1] : vector<1000x256xf32> to vector<1000xf32>
    %broadcast_in_dim3A_35 = vector.shape_cast %reduce_sum3A_34 : vector<1000xf32> to vector<1000x1xf32>
    %broadcast_in_dim3A_36 = vector.shape_cast %broadcast_in_dim3A_35 : vector<1000x1xf32> to vector<1000x1xf32>
    %broadcast_in_dim3A_37 = vector.broadcast %broadcast_in_dim3A_36 : vector<1000x1xf32> to vector<1000x128xf32>
    %swap3A_38 = arith.constant 0 : index
    %swap3A_39 = arith.constant 0 : index
    %swap3A_40 = vector.load %arg8[%swap3A_38, %swap3A_39] : memref<1000x128xf32, #tpu.memory_space<vmem>>, vector<1000x128xf32>
    tpu.vector_store %arg8[%swap3A_38, %swap3A_39], %broadcast_in_dim3A_37 {strides = array<i32>} : memref<1000x128xf32, #tpu.memory_space<vmem>>, vector<1000x128xf32>,
    return
  }
  func.func @transform_0(%arg0: i32) -> (i32, i32) {
    %c0_i32 = arith.constant 0 : i32
    %c0_i32_0 = arith.constant 0 : i32
    return %arg0, %c0_i32 : i32, i32
  }
  func.func @transform_1(%arg0: i32) -> (i32, i32) {
    %c0_i32 = arith.constant 0 : i32
    %c0_i32_0 = arith.constant 0 : i32
    return %arg0, %c0_i32 : i32, i32
  }
  func.func @transform_2(%arg0: i32) -> (i32, i32) {
    %add3A = arith.constant 10 : i32
    %add3A_0 = arith.addi %add3A, %arg0 : i32
    %c0_i32 = arith.constant 0 : i32
    %c0_i32_1 = arith.constant 0 : i32
    return %add3A_0, %c0_i32 : i32, i32
  }
  func.func @transform_3(%arg0: i32) -> (i32, i32) {
    %c0_i32 = arith.constant 0 : i32
    %c0_i32_0 = arith.constant 0 : i32
    return %arg0, %c0_i32 : i32, i32
  }
  func.func @transform_4(%arg0: i32) -> (i32, i32) {
    %c0_i32 = arith.constant 0 : i32
    %c0_i32_0 = arith.constant 0 : i32
    return %arg0, %c0_i32 : i32, i32
  }
  func.func @transform_5(%arg0: i32) -> (i32, i32) {
    %c0_i32 = arith.constant 0 : i32
    %c0_i32_0 = arith.constant 0 : i32
    return %arg0, %c0_i32 : i32, i32
  }
  func.func @transform_6(%arg0: i32) -> (i32, i32) {
    %c0_i32 = arith.constant 0 : i32
    %c0_i32_0 = arith.constant 0 : i32
    return %arg0, %c0_i32 : i32, i32
  }
  func.func @transform_7(%arg0: i32) -> (i32, i32) {
    %c0_i32 = arith.constant 0 : i32
    %c0_i32_0 = arith.constant 0 : i32
    return %arg0, %c0_i32 : i32, i32
  }
}

module attributes {stable_mosaic.version = 14 : i64} {
  func.func @_mid_body(%arg0: i32, %arg1: memref<1000x128xf32, #tpu.memory_space<vmem>>, %arg2: memref<1000x16xf32, #tpu.memory_space<vmem>>, %arg3: memref<1000x128xf32, #tpu.memory_space<vmem>>) attributes {dimension_semantics = [#tpu.dimension_semantics<arbitrary>], iteration_bounds = array<i64: 20>, scalar_prefetch = 0 : i64, scratch_operands = 0 : i64, tpu.core_type = #tpu.core_type<tc>, window_params = [{transform_indices = @transform_0, window_bounds = array<i64: 1000, 128>}, {transform_indices = @transform_1, window_bounds = array<i64: 1000, 16>}, {transform_indices = @transform_2, window_bounds = array<i64: 1000, 128>}]} {
    %get3A = arith.constant 0 : index
    %get3A_0 = arith.constant 0 : index
    %get3A_1 = vector.load %arg1[%get3A, %get3A_0] : memref<1000x128xf32, #tpu.memory_space<vmem>>, vector<1000x128xf32>
    %get3A_2 = arith.constant 0 : index
    %get3A_3 = arith.constant 0 : index
    %get3A_4 = vector.load %arg2[%get3A_2, %get3A_3] : memref<1000x16xf32, #tpu.memory_space<vmem>>, vector<1000x16xf32>
    %slice3A = vector.extract_strided_slice %get3A_4 {offsets = [0, 0], sizes = [1000, 1], strides = [1, 1]} : vector<1000x16xf32> to vector<1000x1xf32>
    %mul3A = vector.broadcast %slice3A : vector<1000x1xf32> to vector<1000x128xf32>
    %mul3A_5 = arith.mulf %get3A_1, %mul3A : vector<1000x128xf32>
    %swap3A = arith.constant 0 : index
    %swap3A_6 = arith.constant 0 : index
    %swap3A_7 = vector.load %arg3[%swap3A, %swap3A_6] : memref<1000x128xf32, #tpu.memory_space<vmem>>, vector<1000x128xf32>
    tpu.vector_store %arg3[%swap3A, %swap3A_6], %mul3A_5 {strides = array<i32>} : memref<1000x128xf32, #tpu.memory_space<vmem>>, vector<1000x128xf32>,
    return
  }
  func.func @transform_0(%arg0: i32) -> (i32, i32) {
    %c0_i32 = arith.constant 0 : i32
    %c0_i32_0 = arith.constant 0 : i32
    return %arg0, %c0_i32 : i32, i32
  }
  func.func @transform_1(%arg0: i32) -> (i32, i32) {
    %jit3A = arith.constant 10 : i32
    %eq3A = arith.constant 0 : i32
    %eq3A_0 = arith.cmpi eq, %jit3A, %eq3A : i32
    %jit3A_1 = arith.constant 1 : i32
    %select_n3A = arith.select %eq3A_0, %jit3A_1, %jit3A : i32
    %rem3A = arith.remsi %arg0, %select_n3A : i32
    %ne3A = arith.constant 0 : i32
    %ne3A_2 = arith.cmpi ne, %rem3A, %ne3A : i32
    %lt3A = arith.constant 0 : i32
    %lt3A_3 = arith.cmpi slt, %rem3A, %lt3A : i32
    %lt3A_4 = arith.constant 0 : i32
    %lt3A_5 = arith.cmpi slt, %select_n3A, %lt3A_4 : i32
    %ne3A_6 = arith.xori %lt3A_3, %lt3A_5 : i1
    %and3A = arith.andi %ne3A_6, %ne3A_2 : i1
    %add3A = arith.addi %rem3A, %select_n3A : i32
    %select_n3A_7 = arith.select %and3A, %add3A, %rem3A : i32
    %c0_i32 = arith.constant 0 : i32
    %c0_i32_8 = arith.constant 0 : i32
    return %select_n3A_7, %c0_i32 : i32, i32
  }
  func.func @transform_2(%arg0: i32) -> (i32, i32) {
    %c0_i32 = arith.constant 0 : i32
    %c0_i32_0 = arith.constant 0 : i32
    return %arg0, %c0_i32 : i32, i32
  }
}

module attributes {stable_mosaic.version = 14 : i64} {
  func.func @_emb_body(%arg0: i32, %arg1: memref<1000x256xf32, #tpu.memory_space<vmem>>, %arg2: memref<1000x128xf32, #tpu.memory_space<vmem>>, %arg3: memref<1000x128xf32, #tpu.memory_space<vmem>>, %arg4: memref<1000x128xf32, #tpu.memory_space<vmem>>, %arg5: memref<1000x128xf32, #tpu.memory_space<vmem>>, %arg6: memref<1000x16xf32, #tpu.memory_space<vmem>>, %arg7: memref<1000x256xf32, #tpu.memory_space<vmem>>) attributes {dimension_semantics = [#tpu.dimension_semantics<arbitrary>], iteration_bounds = array<i64: 10>, scalar_prefetch = 0 : i64, scratch_operands = 0 : i64, tpu.core_type = #tpu.core_type<tc>, window_params = [{transform_indices = @transform_0, window_bounds = array<i64: 1000, 256>}, {transform_indices = @transform_1, window_bounds = array<i64: 1000, 128>}, {transform_indices = @transform_2, window_bounds = array<i64: 1000, 128>}, {transform_indices = @transform_3, window_bounds = array<i64: 1000, 128>}, {transform_indices = @transform_4, window_bounds = array<i64: 1000, 128>}, {transform_indices = @transform_5, window_bounds = array<i64: 1000, 16>}, {transform_indices = @transform_6, window_bounds = array<i64: 1000, 256>}]} {
    %get3A = arith.constant 0 : index
    %get3A_0 = arith.constant 0 : index
    %get3A_1 = vector.load %arg6[%get3A, %get3A_0] : memref<1000x16xf32, #tpu.memory_space<vmem>>, vector<1000x16xf32>
    %slice3A = vector.extract_strided_slice %get3A_1 {offsets = [0, 0], sizes = [1000, 1], strides = [1, 1]} : vector<1000x16xf32> to vector<1000x1xf32>
    %get3A_2 = arith.constant 0 : index
    %get3A_3 = arith.constant 0 : index
    %get3A_4 = vector.load %arg2[%get3A_2, %get3A_3] : memref<1000x128xf32, #tpu.memory_space<vmem>>, vector<1000x128xf32>
    %get3A_5 = arith.constant 0 : index
    %get3A_6 = arith.constant 0 : index
    %get3A_7 = vector.load %arg4[%get3A_5, %get3A_6] : memref<1000x128xf32, #tpu.memory_space<vmem>>, vector<1000x128xf32>
    %add3A = arith.addf %get3A_4, %get3A_7 : vector<1000x128xf32>
    %get3A_8 = arith.constant 0 : index
    %get3A_9 = arith.constant 0 : index
    %get3A_10 = vector.load %arg3[%get3A_8, %get3A_9] : memref<1000x128xf32, #tpu.memory_space<vmem>>, vector<1000x128xf32>
    %get3A_11 = arith.constant 0 : index
    %get3A_12 = arith.constant 0 : index
    %get3A_13 = vector.load %arg5[%get3A_11, %get3A_12] : memref<1000x128xf32, #tpu.memory_space<vmem>>, vector<1000x128xf32>
    %add3A_14 = arith.addf %get3A_10, %get3A_13 : vector<1000x128xf32>
    %concatenate3A = tpu.concatenate %add3A, %add3A_14 in 1 : vector<1000x128xf32>, vector<1000x128xf32> -> vector<1000x256xf32>
    %get3A_15 = arith.constant 0 : index
    %get3A_16 = arith.constant 0 : index
    %get3A_17 = vector.load %arg1[%get3A_15, %get3A_16] : memref<1000x256xf32, #tpu.memory_space<vmem>>, vector<1000x256xf32>
    %mul3A = vector.broadcast %slice3A : vector<1000x1xf32> to vector<1000x256xf32>
    %mul3A_18 = arith.mulf %mul3A, %concatenate3A : vector<1000x256xf32>
    %add3A_19 = arith.addf %get3A_17, %mul3A_18 : vector<1000x256xf32>
    %mul3A_20 = arith.constant 0.333333343 : f32
    %mul3A_21 = vector.broadcast %mul3A_20 : f32 to vector<1000x256xf32>
    %mul3A_22 = arith.mulf %add3A_19, %mul3A_21 : vector<1000x256xf32>
    %swap3A = arith.constant 0 : index
    %swap3A_23 = arith.constant 0 : index
    %swap3A_24 = vector.load %arg7[%swap3A, %swap3A_23] : memref<1000x256xf32, #tpu.memory_space<vmem>>, vector<1000x256xf32>
    tpu.vector_store %arg7[%swap3A, %swap3A_23], %mul3A_22 {strides = array<i32>} : memref<1000x256xf32, #tpu.memory_space<vmem>>, vector<1000x256xf32>,
    return
  }
  func.func @transform_0(%arg0: i32) -> (i32, i32) {
    %c0_i32 = arith.constant 0 : i32
    %c0_i32_0 = arith.constant 0 : i32
    return %arg0, %c0_i32 : i32, i32
  }
  func.func @transform_1(%arg0: i32) -> (i32, i32) {
    %c0_i32 = arith.constant 0 : i32
    %c0_i32_0 = arith.constant 0 : i32
    return %arg0, %c0_i32 : i32, i32
  }
  func.func @transform_2(%arg0: i32) -> (i32, i32) {
    %add3A = arith.constant 10 : i32
    %add3A_0 = arith.addi %add3A, %arg0 : i32
    %c0_i32 = arith.constant 0 : i32
    %c0_i32_1 = arith.constant 0 : i32
    return %add3A_0, %c0_i32 : i32, i32
  }
  func.func @transform_3(%arg0: i32) -> (i32, i32) {
    %c0_i32 = arith.constant 0 : i32
    %c0_i32_0 = arith.constant 0 : i32
    return %arg0, %c0_i32 : i32, i32
  }
  func.func @transform_4(%arg0: i32) -> (i32, i32) {
    %add3A = arith.constant 10 : i32
    %add3A_0 = arith.addi %add3A, %arg0 : i32
    %c0_i32 = arith.constant 0 : i32
    %c0_i32_1 = arith.constant 0 : i32
    return %add3A_0, %c0_i32 : i32, i32
  }
  func.func @transform_5(%arg0: i32) -> (i32, i32) {
    %c0_i32 = arith.constant 0 : i32
    %c0_i32_0 = arith.constant 0 : i32
    return %arg0, %c0_i32 : i32, i32
  }
  func.func @transform_6(%arg0: i32) -> (i32, i32) {
    %c0_i32 = arith.constant 0 : i32
    %c0_i32_0 = arith.constant 0 : i32
    return %arg0, %c0_i32 : i32, i32
  }
}

module attributes {stable_mosaic.version = 14 : i64} {
  func.func @_fin_body(%arg0: i32, %arg1: memref<512x256xf32, #tpu.memory_space<vmem>>, %arg2: memref<512x256xf32, #tpu.memory_space<vmem>>, %arg3: memref<512x256xf32, #tpu.memory_space<vmem>>, %arg4: memref<512x256xf32, #tpu.memory_space<vmem>>, %arg5: memref<512x256xf32, #tpu.memory_space<vmem>>, %arg6: memref<512x256xf32, #tpu.memory_space<vmem>>, %arg7: memref<512x256xf32, #tpu.memory_space<vmem>>, %arg8: memref<512x128xf32, #tpu.memory_space<vmem>>, %arg9: memref<512x128xf32, #tpu.memory_space<vmem>>, %arg10: memref<512x128xf32, #tpu.memory_space<vmem>>, %arg11: memref<512x128xf32, #tpu.memory_space<vmem>>, %arg12: memref<512xf32, #tpu.memory_space<vmem>>, %arg13: memref<1x4xf32, #tpu.memory_space<vmem>>, %arg14: memref<1x1xf32, #tpu.memory_space<vmem>>) attributes {dimension_semantics = [#tpu.dimension_semantics<arbitrary>], iteration_bounds = array<i64: 8>, scalar_prefetch = 0 : i64, scratch_operands = 0 : i64, tpu.core_type = #tpu.core_type<tc>, window_params = [{transform_indices = @transform_0, window_bounds = array<i64: 512, 256>}, {transform_indices = @transform_1, window_bounds = array<i64: 512, 256>}, {transform_indices = @transform_2, window_bounds = array<i64: 512, 256>}, {transform_indices = @transform_3, window_bounds = array<i64: 512, 256>}, {transform_indices = @transform_4, window_bounds = array<i64: 512, 256>}, {transform_indices = @transform_5, window_bounds = array<i64: 512, 256>}, {transform_indices = @transform_6, window_bounds = array<i64: 512, 256>}, {transform_indices = @transform_7, window_bounds = array<i64: 512, 128>}, {transform_indices = @transform_8, window_bounds = array<i64: 512, 128>}, {transform_indices = @transform_9, window_bounds = array<i64: 512, 128>}, {transform_indices = @transform_10, window_bounds = array<i64: 512, 128>}, {transform_indices = @transform_11, window_bounds = array<i64: 512>}, {pipeline_mode = #tpu.pipeline_mode<synchronous>, transform_indices = @transform_12, window_bounds = array<i64: 1, 4>}, {pipeline_mode = #tpu.pipeline_mode<synchronous>, transform_indices = @transform_13, window_bounds = array<i64: 1, 1>}]} {
    %get3A = arith.constant 0 : index
    %get3A_0 = arith.constant 0 : index
    %get3A_1 = vector.load %arg7[%get3A, %get3A_0] : memref<512x256xf32, #tpu.memory_space<vmem>>, vector<512x256xf32>
    %get3A_2 = arith.constant 0 : index
    %get3A_3 = arith.constant 0 : index
    %get3A_4 = vector.load %arg1[%get3A_2, %get3A_3] : memref<512x256xf32, #tpu.memory_space<vmem>>, vector<512x256xf32>
    %mul3A = arith.mulf %get3A_1, %get3A_4 : vector<512x256xf32>
    %get3A_5 = arith.constant 0 : index
    %get3A_6 = arith.constant 0 : index
    %get3A_7 = vector.load %arg2[%get3A_5, %get3A_6] : memref<512x256xf32, #tpu.memory_space<vmem>>, vector<512x256xf32>
    %slice3A = vector.extract_strided_slice %get3A_7 {offsets = [0, 42], sizes = [512, 214], strides = [1, 1]} : vector<512x256xf32> to vector<512x214xf32>
    %slice3A_8 = vector.extract_strided_slice %get3A_7 {offsets = [0, 0], sizes = [512, 42], strides = [1, 1]} : vector<512x256xf32> to vector<512x42xf32>
    %concatenate3A = tpu.concatenate %slice3A, %slice3A_8 in 1 : vector<512x214xf32>, vector<512x42xf32> -> vector<512x256xf32>
    %mul3A_9 = arith.mulf %mul3A, %concatenate3A : vector<512x256xf32>
    %get3A_10 = arith.constant 0 : index
    %get3A_11 = arith.constant 0 : index
    %get3A_12 = vector.load %arg3[%get3A_10, %get3A_11] : memref<512x256xf32, #tpu.memory_space<vmem>>, vector<512x256xf32>
    %slice3A_13 = vector.extract_strided_slice %get3A_12 {offsets = [0, 85], sizes = [512, 171], strides = [1, 1]} : vector<512x256xf32> to vector<512x171xf32>
    %slice3A_14 = vector.extract_strided_slice %get3A_12 {offsets = [0, 0], sizes = [512, 85], strides = [1, 1]} : vector<512x256xf32> to vector<512x85xf32>
    %concatenate3A_15 = tpu.concatenate %slice3A_13, %slice3A_14 in 1 : vector<512x171xf32>, vector<512x85xf32> -> vector<512x256xf32>
    %mul3A_16 = arith.mulf %mul3A_9, %concatenate3A_15 : vector<512x256xf32>
    %get3A_17 = arith.constant 0 : index
    %get3A_18 = arith.constant 0 : index
    %get3A_19 = vector.load %arg4[%get3A_17, %get3A_18] : memref<512x256xf32, #tpu.memory_space<vmem>>, vector<512x256xf32>
    %slice3A_20 = vector.extract_strided_slice %get3A_19 {offsets = [0, 128], sizes = [512, 128], strides = [1, 1]} : vector<512x256xf32> to vector<512x128xf32>
    %slice3A_21 = vector.extract_strided_slice %get3A_19 {offsets = [0, 0], sizes = [512, 128], strides = [1, 1]} : vector<512x256xf32> to vector<512x128xf32>
    %concatenate3A_22 = tpu.concatenate %slice3A_20, %slice3A_21 in 1 : vector<512x128xf32>, vector<512x128xf32> -> vector<512x256xf32>
    %mul3A_23 = arith.mulf %mul3A_16, %concatenate3A_22 : vector<512x256xf32>
    %get3A_24 = arith.constant 0 : index
    %get3A_25 = arith.constant 0 : index
    %get3A_26 = vector.load %arg5[%get3A_24, %get3A_25] : memref<512x256xf32, #tpu.memory_space<vmem>>, vector<512x256xf32>
    %slice3A_27 = vector.extract_strided_slice %get3A_26 {offsets = [0, 170], sizes = [512, 86], strides = [1, 1]} : vector<512x256xf32> to vector<512x86xf32>
    %slice3A_28 = vector.extract_strided_slice %get3A_26 {offsets = [0, 0], sizes = [512, 170], strides = [1, 1]} : vector<512x256xf32> to vector<512x170xf32>
    %concatenate3A_29 = tpu.concatenate %slice3A_27, %slice3A_28 in 1 : vector<512x86xf32>, vector<512x170xf32> -> vector<512x256xf32>
    %mul3A_30 = arith.mulf %mul3A_23, %concatenate3A_29 : vector<512x256xf32>
    %get3A_31 = arith.constant 0 : index
    %get3A_32 = arith.constant 0 : index
    %get3A_33 = vector.load %arg6[%get3A_31, %get3A_32] : memref<512x256xf32, #tpu.memory_space<vmem>>, vector<512x256xf32>
    %slice3A_34 = vector.extract_strided_slice %get3A_33 {offsets = [0, 213], sizes = [512, 43], strides = [1, 1]} : vector<512x256xf32> to vector<512x43xf32>
    %slice3A_35 = vector.extract_strided_slice %get3A_33 {offsets = [0, 0], sizes = [512, 213], strides = [1, 1]} : vector<512x256xf32> to vector<512x213xf32>
    %concatenate3A_36 = tpu.concatenate %slice3A_34, %slice3A_35 in 1 : vector<512x43xf32>, vector<512x213xf32> -> vector<512x256xf32>
    %mul3A_37 = arith.mulf %mul3A_30, %concatenate3A_36 : vector<512x256xf32>
    %reduce_sum3A = arith.constant dense<0.000000e+00> : vector<512xf32>
    %reduce_sum3A_38 = vector.multi_reduction <add>, %mul3A_37, %reduce_sum3A [1] : vector<512x256xf32> to vector<512xf32>
    %swap3A = arith.constant 0 : index
    %swap3A_39 = vector.load %arg12[%swap3A] : memref<512xf32, #tpu.memory_space<vmem>>, vector<512xf32>
    tpu.vector_store %arg12[%swap3A], %reduce_sum3A_38 {strides = array<i32>} : memref<512xf32, #tpu.memory_space<vmem>>, vector<512xf32>,
    %get3A_40 = arith.constant 0 : index
    %get3A_41 = arith.constant 0 : index
    %get3A_42 = vector.load %arg8[%get3A_40, %get3A_41] : memref<512x128xf32, #tpu.memory_space<vmem>>, vector<512x128xf32>
    %slice3A_43 = vector.extract_strided_slice %get3A_42 {offsets = [0, 0], sizes = [512, 1], strides = [1, 1]} : vector<512x128xf32> to vector<512x1xf32>
    %squeeze3A = vector.shape_cast %slice3A_43 : vector<512x1xf32> to vector<512xf32>
    %reduce_sum3A_44 = vector.shape_cast %squeeze3A : vector<512xf32> to vector<1x512xf32>
    %reduce_sum3A_45 = arith.constant dense<0.000000e+00> : vector<1xf32>
    %reduce_sum3A_46 = vector.multi_reduction <add>, %reduce_sum3A_44, %reduce_sum3A_45 [1] : vector<1x512xf32> to vector<1xf32>
    %reduce_sum3A_47 = vector.shape_cast %reduce_sum3A_46 : vector<1xf32> to vector<1x1xf32>
    %reduce_sum3A_48 = vector.extract %reduce_sum3A_47[0, 0] : f32 from vector<1x1xf32>
    %get3A_49 = arith.constant 0 : index
    %get3A_50 = arith.constant 0 : index
    %get3A_51 = vector.load %arg9[%get3A_49, %get3A_50] : memref<512x128xf32, #tpu.memory_space<vmem>>, vector<512x128xf32>
    %slice3A_52 = vector.extract_strided_slice %get3A_51 {offsets = [0, 0], sizes = [512, 1], strides = [1, 1]} : vector<512x128xf32> to vector<512x1xf32>
    %squeeze3A_53 = vector.shape_cast %slice3A_52 : vector<512x1xf32> to vector<512xf32>
    %reduce_sum3A_54 = vector.shape_cast %squeeze3A_53 : vector<512xf32> to vector<1x512xf32>
    %reduce_sum3A_55 = arith.constant dense<0.000000e+00> : vector<1xf32>
    %reduce_sum3A_56 = vector.multi_reduction <add>, %reduce_sum3A_54, %reduce_sum3A_55 [1] : vector<1x512xf32> to vector<1xf32>
    %reduce_sum3A_57 = vector.shape_cast %reduce_sum3A_56 : vector<1xf32> to vector<1x1xf32>
    %reduce_sum3A_58 = vector.extract %reduce_sum3A_57[0, 0] : f32 from vector<1x1xf32>
    %get3A_59 = arith.constant 0 : index
    %get3A_60 = arith.constant 0 : index
    %get3A_61 = vector.load %arg10[%get3A_59, %get3A_60] : memref<512x128xf32, #tpu.memory_space<vmem>>, vector<512x128xf32>
    %slice3A_62 = vector.extract_strided_slice %get3A_61 {offsets = [0, 0], sizes = [512, 1], strides = [1, 1]} : vector<512x128xf32> to vector<512x1xf32>
    %squeeze3A_63 = vector.shape_cast %slice3A_62 : vector<512x1xf32> to vector<512xf32>
    %reduce_sum3A_64 = vector.shape_cast %squeeze3A_63 : vector<512xf32> to vector<1x512xf32>
    %reduce_sum3A_65 = arith.constant dense<0.000000e+00> : vector<1xf32>
    %reduce_sum3A_66 = vector.multi_reduction <add>, %reduce_sum3A_64, %reduce_sum3A_65 [1] : vector<1x512xf32> to vector<1xf32>
    %reduce_sum3A_67 = vector.shape_cast %reduce_sum3A_66 : vector<1xf32> to vector<1x1xf32>
    %reduce_sum3A_68 = vector.extract %reduce_sum3A_67[0, 0] : f32 from vector<1x1xf32>
    %get3A_69 = arith.constant 0 : index
    %get3A_70 = arith.constant 0 : index
    %get3A_71 = vector.load %arg11[%get3A_69, %get3A_70] : memref<512x128xf32, #tpu.memory_space<vmem>>, vector<512x128xf32>
    %slice3A_72 = vector.extract_strided_slice %get3A_71 {offsets = [0, 0], sizes = [512, 1], strides = [1, 1]} : vector<512x128xf32> to vector<512x1xf32>
    %squeeze3A_73 = vector.shape_cast %slice3A_72 : vector<512x1xf32> to vector<512xf32>
    %reduce_sum3A_74 = vector.shape_cast %squeeze3A_73 : vector<512xf32> to vector<1x512xf32>
    %reduce_sum3A_75 = arith.constant dense<0.000000e+00> : vector<1xf32>
    %reduce_sum3A_76 = vector.multi_reduction <add>, %reduce_sum3A_74, %reduce_sum3A_75 [1] : vector<1x512xf32> to vector<1xf32>
    %reduce_sum3A_77 = vector.shape_cast %reduce_sum3A_76 : vector<1xf32> to vector<1x1xf32>
    %reduce_sum3A_78 = vector.extract %reduce_sum3A_77[0, 0] : f32 from vector<1x1xf32>
    %stack3A = vector.broadcast %reduce_sum3A_48 : f32 to vector<1xf32>
    %stack3A_79 = vector.broadcast %reduce_sum3A_58 : f32 to vector<1xf32>
    %stack3A_80 = vector.broadcast %reduce_sum3A_68 : f32 to vector<1xf32>
    %stack3A_81 = vector.broadcast %reduce_sum3A_78 : f32 to vector<1xf32>
    %stack3A_82 = tpu.concatenate %stack3A, %stack3A_79, %stack3A_80, %stack3A_81 in 0 : vector<1xf32>, vector<1xf32>, vector<1xf32>, vector<1xf32> -> vector<4xf32>
    %reshape3A = vector.shape_cast %stack3A_82 : vector<4xf32> to vector<1x4xf32>
    %eq3A = arith.constant 0 : i32
    %eq3A_83 = arith.cmpi eq, %arg0, %eq3A : i32
    %convert_element_type3A = arith.extui %eq3A_83 : i1 to i32
    %cond3A = arith.constant 0 : i32
    %cond3A_84 = arith.cmpi ne, %convert_element_type3A, %cond3A : i32
    scf.if %cond3A_84 {
      %broadcast_in_dim3A = arith.constant 0.000000e+00 : f32
      %broadcast_in_dim3A_96 = vector.broadcast %broadcast_in_dim3A : f32 to vector<1x4xf32>
      %swap3A_97 = arith.constant 0 : index
      %swap3A_98 = arith.constant 0 : index
      %swap3A_99 = vector.load %arg13[%swap3A_97, %swap3A_98] : memref<1x4xf32, #tpu.memory_space<vmem>>, vector<1x4xf32>
      tpu.vector_store %arg13[%swap3A_97, %swap3A_98], %broadcast_in_dim3A_96 {strides = array<i32>} : memref<1x4xf32, #tpu.memory_space<vmem>>, vector<1x4xf32>,
    } else {
    }
    %get3A_85 = arith.constant 0 : index
    %get3A_86 = arith.constant 0 : index
    %get3A_87 = vector.load %arg13[%get3A_85, %get3A_86] : memref<1x4xf32, #tpu.memory_space<vmem>>, vector<1x4xf32>
    %add3A = arith.addf %get3A_87, %reshape3A : vector<1x4xf32>
    %swap3A_88 = arith.constant 0 : index
    %swap3A_89 = arith.constant 0 : index
    %swap3A_90 = vector.load %arg13[%swap3A_88, %swap3A_89] : memref<1x4xf32, #tpu.memory_space<vmem>>, vector<1x4xf32>
    tpu.vector_store %arg13[%swap3A_88, %swap3A_89], %add3A {strides = array<i32>} : memref<1x4xf32, #tpu.memory_space<vmem>>, vector<1x4xf32>,
    %eq3A_91 = arith.constant 7 : i32
    %eq3A_92 = arith.cmpi eq, %arg0, %eq3A_91 : i32
    %convert_element_type3A_93 = arith.extui %eq3A_92 : i1 to i32
    %cond3A_94 = arith.constant 0 : i32
    %cond3A_95 = arith.cmpi ne, %convert_element_type3A_93, %cond3A_94 : i32
    scf.if %cond3A_95 {
      %get3A_96 = arith.constant 0 : index
      %get3A_97 = arith.constant 0 : index
      %get3A_98 = vector.load %arg13[%get3A_96, %get3A_97] : memref<1x4xf32, #tpu.memory_space<vmem>>, vector<1x4xf32>
      %sqrt3A = math.sqrt %get3A_98 : vector<1x4xf32>
      %reduce_sum3A_99 = vector.shape_cast %sqrt3A : vector<1x4xf32> to vector<1x1x4xf32>
      %reduce_sum3A_100 = arith.constant dense<0.000000e+00> : vector<1xf32>
      %reduce_sum3A_101 = vector.multi_reduction <add>, %reduce_sum3A_99, %reduce_sum3A_100 [1, 2] : vector<1x1x4xf32> to vector<1xf32>
      %reduce_sum3A_102 = vector.shape_cast %reduce_sum3A_101 : vector<1xf32> to vector<1x1x1xf32>
      %reduce_sum3A_103 = vector.extract %reduce_sum3A_102[0, 0, 0] : f32 from vector<1x1x1xf32>
      %mul3A_104 = arith.constant 9.99999974E-5 : f32
      %mul3A_105 = arith.mulf %mul3A_104, %reduce_sum3A_103 : f32
      %reshape3A_106 = vector.broadcast %mul3A_105 : f32 to vector<1x1xf32>
      %swap3A_107 = arith.constant 0 : index
      %swap3A_108 = arith.constant 0 : index
      %swap3A_109 = vector.load %arg14[%swap3A_107, %swap3A_108] : memref<1x1xf32, #tpu.memory_space<vmem>>, vector<1x1xf32>
      tpu.vector_store %arg14[%swap3A_107, %swap3A_108], %reshape3A_106 {strides = array<i32>} : memref<1x1xf32, #tpu.memory_space<vmem>>, vector<1x1xf32>,
    } else {
    }
    return
  }
  func.func @transform_0(%arg0: i32) -> (i32, i32) {
    %add3A = arith.constant 0 : i32
    %add3A_0 = arith.addi %add3A, %arg0 : i32
    %c0_i32 = arith.constant 0 : i32
    %c0_i32_1 = arith.constant 0 : i32
    return %add3A_0, %c0_i32 : i32, i32
  }
  func.func @transform_1(%arg0: i32) -> (i32, i32) {
    %add3A = arith.constant 8 : i32
    %add3A_0 = arith.addi %add3A, %arg0 : i32
    %c0_i32 = arith.constant 0 : i32
    %c0_i32_1 = arith.constant 0 : i32
    return %add3A_0, %c0_i32 : i32, i32
  }
  func.func @transform_2(%arg0: i32) -> (i32, i32) {
    %add3A = arith.constant 16 : i32
    %add3A_0 = arith.addi %add3A, %arg0 : i32
    %c0_i32 = arith.constant 0 : i32
    %c0_i32_1 = arith.constant 0 : i32
    return %add3A_0, %c0_i32 : i32, i32
  }
  func.func @transform_3(%arg0: i32) -> (i32, i32) {
    %add3A = arith.constant 24 : i32
    %add3A_0 = arith.addi %add3A, %arg0 : i32
    %c0_i32 = arith.constant 0 : i32
    %c0_i32_1 = arith.constant 0 : i32
    return %add3A_0, %c0_i32 : i32, i32
  }
  func.func @transform_4(%arg0: i32) -> (i32, i32) {
    %add3A = arith.constant 32 : i32
    %add3A_0 = arith.addi %add3A, %arg0 : i32
    %c0_i32 = arith.constant 0 : i32
    %c0_i32_1 = arith.constant 0 : i32
    return %add3A_0, %c0_i32 : i32, i32
  }
  func.func @transform_5(%arg0: i32) -> (i32, i32) {
    %add3A = arith.constant 40 : i32
    %add3A_0 = arith.addi %add3A, %arg0 : i32
    %c0_i32 = arith.constant 0 : i32
    %c0_i32_1 = arith.constant 0 : i32
    return %add3A_0, %c0_i32 : i32, i32
  }
  func.func @transform_6(%arg0: i32) -> (i32, i32) {
    %add3A = arith.constant 48 : i32
    %add3A_0 = arith.addi %add3A, %arg0 : i32
    %c0_i32 = arith.constant 0 : i32
    %c0_i32_1 = arith.constant 0 : i32
    return %add3A_0, %c0_i32 : i32, i32
  }
  func.func @transform_7(%arg0: i32) -> (i32, i32) {
    %add3A = arith.constant 0 : i32
    %add3A_0 = arith.addi %add3A, %arg0 : i32
    %c0_i32 = arith.constant 0 : i32
    %c0_i32_1 = arith.constant 0 : i32
    return %add3A_0, %c0_i32 : i32, i32
  }
  func.func @transform_8(%arg0: i32) -> (i32, i32) {
    %add3A = arith.constant 8 : i32
    %add3A_0 = arith.addi %add3A, %arg0 : i32
    %c0_i32 = arith.constant 0 : i32
    %c0_i32_1 = arith.constant 0 : i32
    return %add3A_0, %c0_i32 : i32, i32
  }
  func.func @transform_9(%arg0: i32) -> (i32, i32) {
    %add3A = arith.constant 16 : i32
    %add3A_0 = arith.addi %add3A, %arg0 : i32
    %c0_i32 = arith.constant 0 : i32
    %c0_i32_1 = arith.constant 0 : i32
    return %add3A_0, %c0_i32 : i32, i32
  }
  func.func @transform_10(%arg0: i32) -> (i32, i32) {
    %add3A = arith.constant 24 : i32
    %add3A_0 = arith.addi %add3A, %arg0 : i32
    %c0_i32 = arith.constant 0 : i32
    %c0_i32_1 = arith.constant 0 : i32
    return %add3A_0, %c0_i32 : i32, i32
  }
  func.func @transform_11(%arg0: i32) -> i32 {
    %c0_i32 = arith.constant 0 : i32
    return %arg0 : i32
  }
  func.func @transform_12(%arg0: i32) -> (i32, i32) {
    %c0_i32 = arith.constant 0 : i32
    %c0_i32_0 = arith.constant 0 : i32
    %c0_i32_1 = arith.constant 0 : i32
    return %c0_i32, %c0_i32_0 : i32, i32
  }
  func.func @transform_13(%arg0: i32) -> (i32, i32) {
    %c0_i32 = arith.constant 0 : i32
    %c0_i32_0 = arith.constant 0 : i32
    %c0_i32_1 = arith.constant 0 : i32
    return %c0_i32, %c0_i32_0 : i32, i32
  }
}

</mosaic_0001>

<sc_bundles>
// kernel: kernel.10.cloned.1.call-start
scs
__scs_entry_jumppad:
0x0: {  	(pc) =	sbr.rel $0x88, $3  }
0x1: {  	(tag) =	ssettag $0x0;
	lr =	simm.s32 $0x1  }
0x2: {  	[smem:$0x3F97] =	sst lr;
	_ =	strace $0xD0000000  }
0x3: {  	_ = 	snop  }
0x4: {  	_ = 	snop  }
0x5: {  	_ = 	snop  }
0x6: {  	_ = 	snop  }
0x7: {  	_ = 	snop  }
__scs_overlays_trampoline_lowered:
0x8: {  	[smem:$0x3FA6] =	sst s0  }
0x9: {  	[smem:$0x3FA7] =	sst s1  }
0xa: {  	[smem:$0x3FA8] =	sst s2  }
0xb: {  	[smem:$0x3FA9] =	sst s3  }
0xc: {  	[smem:$0x3FAA] =	sst s4  }
0xd: {  	[smem:$0x3FAB] =	sst s5  }
0xe: {  	[smem:$0x3FAC] =	sst s6  }
0xf: {  	[smem:$0x3FAD] =	sst s7  }
0x10: {  	[smem:$0x3FAE] =	sst s8  }
0x11: {  	[smem:$0x3FAF] =	sst s9;
	s0 =	simm.s32 @!p0 $0x0  }
0x12: {  	s1 =	sld [smem:$0x3F95];
	s0 =	simm.s32 @p0 $0x1  }
0x13: {  	[smem:$0x3FB0] =	sst s0;
	s0 =	simm.s32 @!p1 $0x0  }
0x14: {  	s2 =	sld [smem:$0x3F94];
	s0 =	simm.s32 @p1 $0x1  }
0x15: {  	[smem:$0x3FB1] =	sst s0;
	s0 =	simm.s32 @!p2 $0x0  }
0x16: {  	s3 =	sld [smem:$0x3FDB];
	s0 =	simm.s32 @p2 $0x1  }
0x17: {  	s4 =	simm.s32 $0x1BF5;
	[smem:$0x3FB3] =	sst s0  }
0x18: {  	s0 =	sld [smem:$0x3F96];
	_ =	swait.ge [sflag:s4], $0x0  }
0x19: {  	s7 =	sld [smem:$0x3F97]  }
0x1a: {  	s8 =	sadd.s32 $0xFFFFE003, lr  }
0x1b: {  	s9 =	sadd.s32 $0xFFFFFEF7, lr;
	s5 =	simm.s32 $0xFFFFFFFF;
	p2 =	slt.u32 s8, $0xFFFFF086  }
0x1c: {  	p1 =	slt.u32 s9, $0xF7A;
	s5 =	simm.s32 @!p2 $0x0  }
0x1d: {  	s5 =	simm.s32 @p1 $0x1;
	p0 =	seq.s32 s7, s2  }
0x1e: {  	s7 =	smul.u32 @!p0 $0xF7A, s2;
	p2 =	seq.s32 @!p0 s5, $0x0  }
0x1f: {  	s9 =	smul.u32 $0xF7A, s1;
	s8 =	simm.s32 @!p0 $0x1BF5;
	p2 =	por !p2, p0  }
0x20: {  	[sflag:s8] =	ssyncset.s32 @!p0 $0xFFFFF086;
	s6 =	sadd.s32 @!p0 s3, s7;
	s7 =	simm.s32 @!p0 $0x108  }
0x21: {  	s3 =	sadd.s32 s3, s9;
	s6 =	sadd.s32 @!p0 $0x88, s6;
	s7 =	simm.s32 @p2 $0x1082  }
0x22: {  	[simem:s7], [sflag:s8] =	dma.local @!p0 [hbm:s6], $0xF7A  }
0x23: {  	s9 =	sor.u32 $0xD0000000, s2;
	s6 =	simm.s32 $0x108;
	_ =	swait.ge @!p0 [sflag:s8], $0x0  }
0x24: {  	s3 =	sadd.s32 $0x88, s3;
	s6 =	simm.s32 @!p1 $0x1082;
	[sflag:s4] =	ssyncset.s32 $0xFFFFF086  }
0x25: {  	[simem:s6], [sflag:s4] =	dma.local [hbm:s3], $0xF7A  }
0x26: {  	[smem:$0x3F97] =	sst s1;
	(tag) =	ssettag s2;
	_ =	strace s9  }
0x27: {  	s1 =	sld [smem:$0x3FA7]  }
0x28: {  	s2 =	sld [smem:$0x3FA8]  }
0x29: {  	s4 =	sld [smem:$0x3FAA]  }
0x2a: {  	p0 =	seq.s32 s5, $0x0;
	s5 =	sld [smem:$0x3FAB]  }
0x2b: {  	s6 =	sld [smem:$0x3FAC]  }
0x2c: {  	s7 =	sld [smem:$0x3FAD]  }
0x2d: {  	s3 =	simm.s32 $0x108;
	s8 =	sld [smem:$0x3FAE]  }
0x2e: {  	s3 =	simm.s32 @!p0 $0x1082;
	s9 =	sld [smem:$0x3FAF]  }
0x2f: {  	lr =	sadd.s32 s0, s3;
	s0 =	sld [smem:$0x3FA6]  }
0x30: {  	s3 =	sld [smem:$0x3FA9]  }
0x31: {  	[smem:$0x3FB2] =	sst s10  }
0x32: {  	s10 =	sld [smem:$0x3FB0];
	_ =	sdelay $0x3  }
0x33: {  	p0 =	seq.s32 s10, $0x1;
	s10 =	sld [smem:$0x3FB2];
	_ =	sdelay $0x3  }
0x34: {  	[smem:$0x3FB2] =	sst s10  }
0x35: {  	s10 =	sld [smem:$0x3FB1];
	_ =	sdelay $0x3  }
0x36: {  	p1 =	seq.s32 s10, $0x1;
	s10 =	sld [smem:$0x3FB2];
	_ =	sdelay $0x3  }
0x37: {  	[smem:$0x3FB2] =	sst s10  }
0x38: {  	s10 =	sld [smem:$0x3FB3]  }
0x39: {  	_ = 	snop;
	(pc) =	sbr.ind lr, $3  }
0x3a: {  	_ = 	snop  }
0x3b: {  	_ = 	snop  }
0x3c: {  	p2 =	seq.s32 s10, $0x1;
	s10 =	sld [smem:$0x3FB2]  }
0x3d: {  	_ =	shalt  }
0x3e: {  	_ =	shalt  }
0x3f: {  	_ =	shalt  }
0x40: {  	_ =	shalt  }
0x41: {  	_ =	shalt  }
0x42: {  	_ =	shalt  }
0x43: {  	_ =	shalt  }
0x44: {  	_ =	shalt  }
0x45: {  	_ =	shalt  }
0x46: {  	_ =	shalt  }
0x47: {  	_ =	shalt  }
0x48: {  	_ =	shalt  }
0x49: {  	_ =	shalt  }
0x4a: {  	_ =	shalt  }
0x4b: {  	_ =	shalt  }
0x4c: {  	_ =	shalt  }
0x4d: {  	_ =	shalt  }
0x4e: {  	_ =	shalt  }
0x4f: {  	_ =	shalt  }
0x50: {  	_ =	shalt  }
0x51: {  	_ =	shalt  }
0x52: {  	_ =	shalt  }
0x53: {  	_ =	shalt  }
0x54: {  	_ =	shalt  }
0x55: {  	_ =	shalt  }
0x56: {  	_ =	shalt  }
0x57: {  	_ =	shalt  }
0x58: {  	_ =	shalt  }
0x59: {  	_ =	shalt  }
0x5a: {  	_ =	shalt  }
0x5b: {  	_ =	shalt  }
0x5c: {  	_ =	shalt  }
0x5d: {  	_ =	shalt  }
0x5e: {  	_ =	shalt  }
0x5f: {  	_ =	shalt  }
0x60: {  	_ =	shalt  }
0x61: {  	_ =	shalt  }
0x62: {  	_ =	shalt  }
0x63: {  	_ =	shalt  }
0x64: {  	_ =	shalt  }
0x65: {  	_ =	shalt  }
0x66: {  	_ =	shalt  }
0x67: {  	_ =	shalt  }
0x68: {  	_ =	shalt  }
0x69: {  	_ =	shalt  }
0x6a: {  	_ =	shalt  }
0x6b: {  	_ =	shalt  }
0x6c: {  	_ =	shalt  }
0x6d: {  	_ =	shalt  }
0x6e: {  	_ =	shalt  }
0x6f: {  	_ =	shalt  }
0x70: {  	_ =	shalt  }
0x71: {  	_ =	shalt  }
0x72: {  	_ =	shalt  }
0x73: {  	_ =	shalt  }
0x74: {  	_ =	shalt  }
0x75: {  	_ =	shalt  }
0x76: {  	_ =	shalt  }
0x77: {  	_ =	shalt  }
0x78: {  	_ =	shalt  }
0x79: {  	_ =	shalt  }
0x7a: {  	_ =	shalt  }
0x7b: {  	_ =	shalt  }
0x7c: {  	_ =	shalt  }
0x7d: {  	_ =	shalt  }
0x7e: {  	_ =	shalt  }
0x7f: {  	_ =	shalt  }
0x80: {  	_ =	shalt  }
0x81: {  	_ =	shalt  }
0x82: {  	_ =	shalt  }
0x83: {  	_ =	shalt  }
0x84: {  	_ =	shalt  }
0x85: {  	_ =	shalt  }
0x86: {  	_ =	shalt  }
0x87: {  	_ =	shalt  }
.Lfunc_end0:
.L_simem_size_0:
called_computation_lowered:
.L_overlay_start_0:
0x88: {  	s2 =	sld [smem:$0x3FD9]  }
0x89: {  	s3 =	sld [smem:$0x3FFE];
	_ =	sdelay $0x1  }
0x8a: {  	s1 =	srdreg.scid  }
0x8b: {  	s0 =	sand.u32 $0x1, s1  }
0x8c: {  	s16 =	sshll.u32 s0, $0xA;
	s2 =	sadd.s32 s3, s2  }
0x8d: {  	s2 =	sadd.s32 s2, s16  }
0x8e: {  	[smem:$0x3FBE] =	sst s2  }
0x8f: {  	_ = 	snop  }
0x90: {  	(tm) =	ssettm $0x1  }
0x91: {  	s17 =	sld [smem:$0x3FFB];
	_ =	sdelay $0x3  }
0x92: {  	_ =	strace s17  }
0x93: {  	s2 =	sld [smem:$0x3FFC];
	_ =	sdelay $0x3  }
0x94: {  	_ =	strace s2  }
0x95: {  	s2 =	sld [smem:$0x3FFD];
	_ =	sdelay $0x3  }
0x96: {  	_ =	strace s2  }
0x97: {  	_ =	strace $0x8FFFFFFF  }
0x98: {  	s18 =	sld [smem:$0x3FDB];
	_ =	sdelay $0x1  }
0x99: {  	s19 =	simm.s32 $_scs_section_size  }
0x9a: {  	s4 =	simm.s32 $_size__tile_overlayer_lowered;
	s5 =	simm.s32 $_tile_overlayer_lowered  }
0x9b: {  	s22 =	simm.s32 $0x1BFF;
	s21 =	sshll.u32 s5, $0x1;
	s2 =	sadd.s32 s19, s18  }
0x9c: {  	s6 =	simm.s32 $0x0;
	s20 =	sshll.u32 s4, $0x1;
	s4 =	sadd.s32 s21, s2  }
0x9d: {  	[timem:s6], [sflag:s22] =	dma.local [hbm:s4], s20  }
0x9e: {  	_ =	swait.ge [sflag:s22], s20  }
0x9f: {  	s3 =	ssub.s32 $0x0, s20;
	[sflag:s22] =	ssyncset.done $0x0  }
0xa0: {  	[sflag:s22] =	ssyncadd.s32 s3;
	_ =	sdelay $0x1  }
0xa1: {  	s23 =	simm.s32 $0x1B8B  }
0xa2: {  	_ =	swait.ge [sflag:s23], $0x1  }
0xa3: {  	[sflag:s23] =	ssyncset.done $0x0  }
0xa4: {  	s25 =	simm.s32 $0x1B8E;
	s24 =	sld [smem:$0x3FFE];
	[sflag:s23] =	ssyncadd.s32 $0xFFFFFFFF  }
0xa5: {  	s26 =	simm.s32 $execute0_lowered;
	[smem:$0x3FD2] =	sst s25  }
0xa6: {  	s4 =	sshll.u32 s26, $0x1;
	_ =	strace $0x80000046;
	[dreg:$0x1] =	wrdreg $0xFFFFFFFF  }
0xa7: {  	s28 =	simm.s32 $_size_execute0_lowered;
	s2 =	sadd.s32 s2, s4;
	[dreg:$0x0] =	wrdreg $0x0  }
0xa8: {  	s4 =	sshll.u32 s28, $0x1;
	[dreg:$0x2] =	wrdreg s2  }
0xa9: {  	[dreg:$0x3] =	wrdreg s4  }
0xaa: {  	[dreg:$0x4] =	wrdreg $0xC0  }
0xab: {  	_ =	task [dreg:s6], $0x5FFFF  }
0xac: {  	[dreg:$0x1] =	wrdreg $0xFFFFFFFF  }
0xad: {  	[dreg:$0x0] =	wrdreg $0x60  }
0xae: {  	[dreg:$0x2] =	wrdreg s24  }
0xaf: {  	[dreg:$0x3] =	wrdreg $0x41000  }
0xb0: {  	[dreg:$0x4] =	wrdreg $0x9  }
0xb1: {  	_ =	task.clear_ibuf [dreg:s6], $0x5FFFF;
	_ =	strace $0x90000046  }
0xb2: {  	s29 =	simm.s32 $0x9;
	_ =	strace $0x80000048  }
0xb3: {  	_ =	swait.ge [sflag:s29], $0x1  }
0xb4: {  	[sflag:s29] =	ssyncadd.s32 $0xFFFFFFFF  }
0xb5: {  	_ =	strace $0x90000048  }
0xb6: {  	_ =	sfence  }
0xb7: {  	s30 =	sld [smem:$0x0];
	_ =	sdelay $0x2  }
0xb8: {  	s31 =	sshll.u32 s1, $0xD;
	s1 =	sshrl.u32 s1, $0x2  }
0xb9: {  	s3 =	sand.u32 $0x4000, s31;
	s1 =	sadd.s32 s1, s30  }
0xba: {  	s0 =	sor.u32 s3, s0;
	s1 =	sshll.u32 s1, $0x11  }
0xbb: {  	s0 =	sor.u32 s1, s0  }
0xbc: {  	s0 =	sadd.s32 $0x8F2B, s0  }
0xbd: {  	[sflag:s0] =	ssyncadd.remote.s32 $0x1  }
0xbe: {  	_ =	sfence.sel $0xFFFF  }
0xbf: {  	[dreg:$0x0] =	wrdreg $0xFFFFFFFF;
	(pc) =	sbr.abs _section_cstart, $3  }
0xc0: {  	[dreg:$0x1] =	wrdreg $0xFFFFFFFF  }
0xc1: {  	_ =	task.clear_ibuf [dreg:s6], $0x2FFFF;
	_ =	strace $0x9FFFFFFF  }
0xc2: {  	(tm) =	ssettm $0x7FFFFFFF  }
0xc3: {  	_ =	shalt  }
tec
execute0_lowered:
.L_overlay_start_1:
0x0: {  	(tag) =	ssettag $0x1  }
0x1: {  	s0 =	srdreg.scid;
	s6 =	rddreg [dreg:$0x0]  }
0x2: {  	s20 =	stileid.u32;
	s1 =	rddreg [dreg:$0x1];
	s2 =	simm.s32 $0x0  }
0x3: {  	s22 =	simm.s32 $0x80;
	s23 =	simm.s32 $0x10;
	s4 =	smul.u32 $0x2710, s20  }
0x4: {  	s10 =	sand.u32 $0x1, s0;
	s0 =	rddreg [dreg:$0x2];
	s5 =	smul.u32 $0x4E000, s20  }
0x5: {  	s24 =	simm.s32 $0x0;
	[smem:$0x7FF] =	sst s2;
	s9 =	smul.u32 $0x270, s20  }
0x6: {  	s17 =	sadd.s32 $0x1C600, s6;
	p0 =	sne.s32 s20, $0x0;
	s3 =	smul.u32 $0x27100, s10  }
0x7: {  	s20 =	simm.s32 $0x100;
	_ =	strace $0x80000047;
	s11 =	smul.u32 $0x2710, s10  }
0x8: {  	s7 =	ssub.s32 $0x2, s10;
	s15 =	smul.u32 $0x138800, s10;
	s10 =	sadd.s32 $0x138000, s1  }
0x9: {  	s5 =	sshrl.u32 s5, $0x2;
	s8 =	sshrl.u32 s7, $0x1;
	s3 =	sadd.s32 s4, s3  }
0xa: {  	s4 =	sadd.s32 $0x1B600, s6;
	s5 =	sadd.s32 s5, s1;
	s18 =	ssub.s32 s7, s8  }
0xb: {  	s11 =	sadd.s32 s9, s11;
	s21 =	sshrl.u32 s15, $0x3;
	s3 =	sshrl.u32 s3, $0x3  }
0xc: {  	s7 =	sadd.s32 $0x8000, s5;
	s8 =	sadd.s32 $0xC000, s5;
	s9 =	sadd.s32 $0x10000, s5  }
0xd: {  	s12 =	sshll.u32 s11, $0x4;
	s18 =	smax.u32 s18, $0x1;
	s19 =	sadd.s32 s3, s6  }
0xe: {  	s3 =	sadd.s32 $0x1BE00, s6;
	s6 =	sadd.s32 $0x4000, s5;
	s12 =	sadd.s32 s17, s12  }
0xf: {  	s17 =	sadd.s32 s17, s21;
	s21 =	simm.s32 $0x1;
	s11 =	sadd.s32 $0x7EE0, s19  }
0x10: {  	s13 =	sadd.s32 $0x800, s12;
	s14 =	sadd.s32 $0x1000, s12;
	s15 =	sadd.s32 $0x1800, s12  }
0x11: {  	s16 =	sadd.s32 $0x2000, s12;
	s17 =	sadd.s32 $0x27000, s17;
	s19 =	sadd.s32 $0x7A00, s19  }
.LBB2_1:
0x12: {  	[tilespmem:s20], [sflag:$0x1] =	stream.linear.gather [hbm4b:s4+s2], $0x4000, $0x38;
	[tilespmem:$0x17980] =	vst v63  }
0x13: {  	_ =	swait.ge [sflag:s21], $0x4000  }
0x14: {  	[sflag:s21] =	ssyncset.done $0x0  }
0x15: {  	[sflag:s21] =	ssyncadd.s32 $0xFFFFC000  }
0x16: {  	[spmem:s5] =	stream.linear.scatter [tilespmem:s20], [sflag:$0x1], $0x4000, $0x38;
	[tilespmem:$0x17980] =	vst v63  }
0x17: {  	_ =	swait.ge [sflag:s21], $0x4000  }
0x18: {  	[sflag:s21] =	ssyncset.done $0x0  }
0x19: {  	[sflag:s21] =	ssyncadd.s32 $0xFFFFC000  }
0x1a: {  	[spmem:s6] =	stream.linear.scatter [tilespmem:s20], [sflag:$0x1], $0x4000, $0x38;
	[tilespmem:$0x17980] =	vst v63  }
0x1b: {  	_ =	swait.ge [sflag:s21], $0x4000  }
0x1c: {  	[sflag:s21] =	ssyncset.done $0x0  }
0x1d: {  	[sflag:s21] =	ssyncadd.s32 $0xFFFFC000  }
0x1e: {  	[spmem:s7] =	stream.linear.scatter [tilespmem:s20], [sflag:$0x1], $0x4000, $0x38;
	[tilespmem:$0x17980] =	vst v63  }
0x1f: {  	_ =	swait.ge [sflag:s21], $0x4000  }
0x20: {  	[sflag:s21] =	ssyncset.done $0x0  }
0x21: {  	[sflag:s21] =	ssyncadd.s32 $0xFFFFC000  }
0x22: {  	[spmem:s8] =	stream.linear.scatter [tilespmem:s20], [sflag:$0x1], $0x4000, $0x38;
	[tilespmem:$0x17980] =	vst v63  }
0x23: {  	_ =	swait.ge [sflag:s21], $0x4000  }
0x24: {  	[sflag:s21] =	ssyncset.done $0x0  }
0x25: {  	[sflag:s21] =	ssyncadd.s32 $0xFFFFC000  }
0x26: {  	[spmem:s9] =	stream.linear.scatter [tilespmem:s20], [sflag:$0x1], $0x3800, $0x38;
	[tilespmem:$0x17980] =	vst v63  }
0x27: {  	_ =	swait.ge [sflag:s21], $0x3800  }
0x28: {  	[sflag:s21] =	ssyncset.done $0x0  }
0x29: {  	s25 =	simm.s32 @!p0 $0x100;
	[sflag:s21] =	ssyncadd.s32 $0xFFFFC800  }
0x2a: {  	[spmem:s10] =	stream.linear.scatter @!p0 [tilespmem:s25], [sflag:$0x1], $0x800, $0x38;
	[tilespmem:$0x17980] =	vst v63  }
0x2b: {  	s25 =	simm.s32 @!p0 $0x1  }
0x2c: {  	_ =	swait.ge @!p0 [sflag:s25], $0x800  }
0x2d: {  	[sflag:s25] =	ssyncset.done @!p0 $0x0  }
0x2e: {  	[sflag:s25] =	ssyncadd.s32 @!p0 $0xFFFFF800  }
0x2f: {  	[tilespmem:s20], [sflag:$0x1] =	stream.linear.gather [hbm4b:s3+s2], $0x4000, $0x38;
	[tilespmem:$0x17980] =	vst v63  }
0x30: {  	_ =	swait.ge [sflag:s21], $0x4000  }
0x31: {  	[sflag:s21] =	ssyncset.done $0x0  }
0x32: {  	[sflag:s21] =	ssyncadd.s32 $0xFFFFC000  }
0x33: {  	s31 =	sadd.s32 $0x0, s19;
	[bflag:$0x0] =	sbarrier.arrive $0xFFFF  }
0x34: {  	[tilespmem:s2], [sflag:$0x1] =	stream.linear.gather [hbm4b:s31+s2], $0x80, $0x38;
	[tilespmem:$0x17980] =	vst v63  }
0x35: {  	_ =	swait.ge [sflag:s21], $0x80  }
0x36: {  	[sflag:s21] =	ssyncset.done $0x0  }
0x37: {  	[sflag:s21] =	ssyncadd.s32 $0xFFFFFF80  }
0x38: {  	[spmem:s1] =	stream.indirect.scatter.add.f32 [tilespmem:s20], [sflag:$0x1], $0x80, s2, s22, $0xb8;
	[tilespmem:$0x17980] =	vst v63  }
0x39: {  	_ =	swait.ge [sflag:s21], $0x4000  }
0x3a: {  	s26 =	simm.s32 $0x20;
	s25 =	simm.s32 $0x10;
	[sflag:s21] =	ssyncset.done $0x0  }
.LBB2_2:
0x3b: {  	s28 =	sadd.s32 s25, s19  }
0x3c: {  	[sflag:s21] =	ssyncadd.s32 $0xFFFFC000;
	s25 =	smov.u32 s26;
	s29 =	sadd.s32 $0x10, s26  }
0x3d: {  	[tilespmem:s2], [sflag:$0x1] =	stream.linear.gather [hbm4b:s28+s2], $0x80, $0x38;
	[tilespmem:$0x17980] =	vst v63  }
0x3e: {  	p1 =	sne.s32 s26, $0x4D0;
	_ =	swait.ge [sflag:s21], $0x80  }
.Ltmp0:
0x3f: {  	[sflag:s21] =	ssyncset.done $0x0;
	(pc) =	sbr.rel @p1 .LBB2_2-.Ltmp0, $4  }
0x40: {  	[sflag:s21] =	ssyncadd.s32 $0xFFFFFF80  }
0x41: {  	[spmem:s1] =	stream.indirect.scatter.add.f32 [tilespmem:s20], [sflag:$0x1], $0x80, s2, s22, $0xb8;
	[tilespmem:$0x17980] =	vst v63  }
0x42: {  	_ =	swait.ge [sflag:s21], $0x4000  }
0x43: {  	s26 =	smov.u32 s29;
	[sflag:s21] =	ssyncset.done $0x0  }
0x44: {  	s25 =	sadd.s32 s25, s19;
	[sflag:s21] =	ssyncadd.s32 $0xFFFFC000  }
0x45: {  	[tilespmem:s2], [sflag:$0x1] =	stream.linear.gather [hbm4b:s25+s2], $0x80, $0x38;
	[tilespmem:$0x17980] =	vst v63  }
0x46: {  	_ =	swait.ge [sflag:s21], $0x80  }
0x47: {  	[sflag:s21] =	ssyncset.done $0x0  }
0x48: {  	[sflag:s21] =	ssyncadd.s32 $0xFFFFFF80  }
0x49: {  	[spmem:s1] =	stream.indirect.scatter.add.f32 [tilespmem:s20], [sflag:$0x1], $0x80, s2, s22, $0xb8;
	[tilespmem:$0x17980] =	vst v63  }
0x4a: {  	_ =	swait.ge [sflag:s21], $0x4000  }
0x4b: {  	[sflag:s21] =	ssyncset.done $0x0  }
0x4c: {  	[sflag:s21] =	ssyncadd.s32 $0xFFFFC000  }
0x4d: {  	[tilespmem:s22], [sflag:$0x1] =	stream.linear.gather [hbm4b:s11+s2], $0x10, $0x38;
	[tilespmem:$0x17980] =	vst v63  }
0x4e: {  	_ =	swait.ge [sflag:s21], $0x10  }
0x4f: {  	[sflag:s21] =	ssyncset.done $0x0  }
0x50: {  	[sflag:s21] =	ssyncadd.s32 $0xFFFFFFF0  }
0x51: {  	[spmem:s1] =	stream.indirect.scatter.add.f32 [tilespmem:s20], [sflag:$0x1], $0x80, s22, s23, $0xb8;
	[tilespmem:$0x17980] =	vst v63  }
0x52: {  	_ =	swait.ge [sflag:s21], $0x800  }
0x53: {  	[sflag:s21] =	ssyncset.done $0x0  }
0x54: {  	[sflag:s21] =	ssyncadd.s32 $0xFFFFF800  }
0x55: {  	[bflag:$0x0] =	sbarrier.arrive $0xFFFF  }
0x56: {  	[tilespmem:s20], [sflag:$0x1] =	stream.linear.gather [spmem:s5], $0x4000, $0x38;
	[tilespmem:$0x17980] =	vst v63  }
0x57: {  	_ =	swait.ge [sflag:s21], $0x4000  }
0x58: {  	[sflag:s21] =	ssyncset.done $0x0  }
0x59: {  	[sflag:s21] =	ssyncadd.s32 $0xFFFFC000  }
0x5a: {  	[hbm4b:s12+s2] =	stream.linear.scatter [tilespmem:s20], [sflag:$0x1], $0x4000, $0x38;
	[tilespmem:$0x17980] =	vst v63  }
0x5b: {  	_ =	swait.ge [sflag:s21], $0x4000  }
0x5c: {  	[sflag:s21] =	ssyncset.done $0x0  }
0x5d: {  	[sflag:s21] =	ssyncadd.s32 $0xFFFFC000  }
0x5e: {  	[tilespmem:s20], [sflag:$0x1] =	stream.linear.gather [spmem:s6], $0x4000, $0x38;
	[tilespmem:$0x17980] =	vst v63  }
0x5f: {  	_ =	swait.ge [sflag:s21], $0x4000  }
0x60: {  	[sflag:s21] =	ssyncset.done $0x0  }
0x61: {  	[sflag:s21] =	ssyncadd.s32 $0xFFFFC000  }
0x62: {  	[hbm4b:s13+s2] =	stream.linear.scatter [tilespmem:s20], [sflag:$0x1], $0x4000, $0x38;
	[tilespmem:$0x17980] =	vst v63  }
0x63: {  	_ =	swait.ge [sflag:s21], $0x4000  }
0x64: {  	[sflag:s21] =	ssyncset.done $0x0  }
0x65: {  	[sflag:s21] =	ssyncadd.s32 $0xFFFFC000  }
0x66: {  	[tilespmem:s20], [sflag:$0x1] =	stream.linear.gather [spmem:s7], $0x4000, $0x38;
	[tilespmem:$0x17980] =	vst v63  }
0x67: {  	_ =	swait.ge [sflag:s21], $0x4000  }
0x68: {  	[sflag:s21] =	ssyncset.done $0x0  }
0x69: {  	[sflag:s21] =	ssyncadd.s32 $0xFFFFC000  }
0x6a: {  	[hbm4b:s14+s2] =	stream.linear.scatter [tilespmem:s20], [sflag:$0x1], $0x4000, $0x38;
	[tilespmem:$0x17980] =	vst v63  }
0x6b: {  	_ =	swait.ge [sflag:s21], $0x4000  }
0x6c: {  	[sflag:s21] =	ssyncset.done $0x0  }
0x6d: {  	[sflag:s21] =	ssyncadd.s32 $0xFFFFC000  }
0x6e: {  	[tilespmem:s20], [sflag:$0x1] =	stream.linear.gather [spmem:s8], $0x4000, $0x38;
	[tilespmem:$0x17980] =	vst v63  }
0x6f: {  	_ =	swait.ge [sflag:s21], $0x4000  }
0x70: {  	[sflag:s21] =	ssyncset.done $0x0  }
0x71: {  	[sflag:s21] =	ssyncadd.s32 $0xFFFFC000  }
0x72: {  	[hbm4b:s15+s2] =	stream.linear.scatter [tilespmem:s20], [sflag:$0x1], $0x4000, $0x38;
	[tilespmem:$0x17980] =	vst v63  }
0x73: {  	_ =	swait.ge [sflag:s21], $0x4000  }
0x74: {  	[sflag:s21] =	ssyncset.done $0x0  }
0x75: {  	[sflag:s21] =	ssyncadd.s32 $0xFFFFC000  }
0x76: {  	[tilespmem:s20], [sflag:$0x1] =	stream.linear.gather [spmem:s9], $0x3800, $0x38;
	[tilespmem:$0x17980] =	vst v63  }
0x77: {  	_ =	swait.ge [sflag:s21], $0x3800  }
0x78: {  	[sflag:s21] =	ssyncset.done $0x0  }
0x79: {  	[sflag:s21] =	ssyncadd.s32 $0xFFFFC800  }
0x7a: {  	[hbm4b:s16+s2] =	stream.linear.scatter [tilespmem:s20], [sflag:$0x1], $0x3800, $0x38;
	[tilespmem:$0x17980] =	vst v63  }
0x7b: {  	_ =	swait.ge [sflag:s21], $0x3800  }
0x7c: {  	[sflag:s21] =	ssyncset.done $0x0  }
0x7d: {  	s26 =	simm.s32 @!p0 $0x1;
	s25 =	simm.s32 @!p0 $0x100;
	[sflag:s21] =	ssyncadd.s32 $0xFFFFC800  }
0x7e: {  	[tilespmem:s25], [sflag:$0x1] =	stream.linear.gather @!p0 [spmem:s10], $0x800, $0x38;
	[tilespmem:$0x17980] =	vst v63  }
0x7f: {  	s24 =	sadd.s32 $0x1, s24;
	_ =	swait.ge @!p0 [sflag:s26], $0x800  }
0x80: {  	p1 =	sne.s32 s24, s18;
	[sflag:s26] =	ssyncset.done @!p0 $0x0  }
.Ltmp1:
0x81: {  	s28 =	simm.s32 @!p0 $0x0;
	[sflag:s26] =	ssyncadd.s32 @!p0 $0xFFFFF800;
	(pc) =	sbr.rel @p1 .LBB2_1-.Ltmp1, $4  }
0x82: {  	[hbm4b:s17+s28] =	stream.linear.scatter @!p0 [tilespmem:s25], [sflag:$0x1], $0x800, $0x38;
	[tilespmem:$0x17980] =	vst v63  }
0x83: {  	_ =	swait.ge @!p0 [sflag:s26], $0x800  }
0x84: {  	[sflag:s26] =	ssyncset.done @!p0 $0x0  }
0x85: {  	[sflag:s26] =	ssyncadd.s32 @!p0 $0xFFFFF800  }
0x86: {  	_ =	sfence.sel $0x180000  }
0x87: {  	[bflag:$0x0] =	sbarrier.arrive $0xFFFF  }
0x88: {  	_ =	strace $0x90000047  }
0x89: {  	s0 =	sadd.s32 @!p0 $0x100000, s0;
	[bflag:$0x2] =	sbarrier.arrive $0xFFFF  }
0x8a: {  	[sflag:s0] =	ssyncadd.tile.s32 @!p0 $0x1;
	_ =	shalt  }
.Lfunc_end2:
_tile_overlayer_lowered:
.L_overlay_start_2:
0x8b: {  	(tag) =	ssettag $0x2  }
0x8c: {  	s0 =	rddreg [dreg:$0x0];
	s2 =	stileid.u32  }
0x8d: {  	s1 =	rddreg [dreg:$0x1];
	p0 =	sne.s32 s2, $0x0  }
0x8e: {  	s3 =	rddreg [dreg:$0x2];
	[bflag:$0x3] =	sbarrier.arrive $0xFFFF;
	s2 =	simm.s32 @!p0 $0x1C01  }
0x8f: {  	[timem:s3], [sflag:s2] =	dma.local @!p0 [hbm:s0], s1  }
0x90: {  	s0 =	simm.s32 @!p0 $0x1  }
0x91: {  	_ =	swait.ge @!p0 [sflag:s0], s1  }
0x92: {  	s1 =	ssub.s32 @!p0 $0x0, s1;
	[sflag:s0] =	ssyncset.done @!p0 $0x0  }
0x93: {  	[sflag:s0] =	ssyncadd.s32 @!p0 s1  }
0x94: {  	[bflag:$0x3] =	sbarrier.arrive $0xFFFF  }
0x95: {  	_ =	shalt  }

// kernel: kernel.13.cloned.1.call-start
scs
__scs_entry_jumppad:
0x0: {  	(pc) =	sbr.rel $0x88, $3  }
0x1: {  	(tag) =	ssettag $0x0;
	lr =	simm.s32 $0x1  }
0x2: {  	[smem:$0x3F97] =	sst lr;
	_ =	strace $0xD0000000  }
0x3: {  	_ = 	snop  }
0x4: {  	_ = 	snop  }
0x5: {  	_ = 	snop  }
0x6: {  	_ = 	snop  }
0x7: {  	_ = 	snop  }
__scs_overlays_trampoline_lowered:
0x8: {  	[smem:$0x3FA6] =	sst s0  }
0x9: {  	[smem:$0x3FA7] =	sst s1  }
0xa: {  	[smem:$0x3FA8] =	sst s2  }
0xb: {  	[smem:$0x3FA9] =	sst s3  }
0xc: {  	[smem:$0x3FAA] =	sst s4  }
0xd: {  	[smem:$0x3FAB] =	sst s5  }
0xe: {  	[smem:$0x3FAC] =	sst s6  }
0xf: {  	[smem:$0x3FAD] =	sst s7  }
0x10: {  	[smem:$0x3FAE] =	sst s8  }
0x11: {  	[smem:$0x3FAF] =	sst s9;
	s0 =	simm.s32 @!p0 $0x0  }
0x12: {  	s1 =	sld [smem:$0x3F95];
	s0 =	simm.s32 @p0 $0x1  }
0x13: {  	[smem:$0x3FB0] =	sst s0;
	s0 =	simm.s32 @!p1 $0x0  }
0x14: {  	s2 =	sld [smem:$0x3F94];
	s0 =	simm.s32 @p1 $0x1  }
0x15: {  	[smem:$0x3FB1] =	sst s0;
	s0 =	simm.s32 @!p2 $0x0  }
0x16: {  	s3 =	sld [smem:$0x3FDB];
	s0 =	simm.s32 @p2 $0x1  }
0x17: {  	s4 =	simm.s32 $0x1BF5;
	[smem:$0x3FB3] =	sst s0  }
0x18: {  	s0 =	sld [smem:$0x3F96];
	_ =	swait.ge [sflag:s4], $0x0  }
0x19: {  	s7 =	sld [smem:$0x3F97]  }
0x1a: {  	s8 =	sadd.s32 $0xFFFFE003, lr  }
0x1b: {  	s9 =	sadd.s32 $0xFFFFFEF7, lr;
	s5 =	simm.s32 $0xFFFFFFFF;
	p2 =	slt.u32 s8, $0xFFFFF086  }
0x1c: {  	p1 =	slt.u32 s9, $0xF7A;
	s5 =	simm.s32 @!p2 $0x0  }
0x1d: {  	s5 =	simm.s32 @p1 $0x1;
	p0 =	seq.s32 s7, s2  }
0x1e: {  	s7 =	smul.u32 @!p0 $0xF7A, s2;
	p2 =	seq.s32 @!p0 s5, $0x0  }
0x1f: {  	s9 =	smul.u32 $0xF7A, s1;
	s8 =	simm.s32 @!p0 $0x1BF5;
	p2 =	por !p2, p0  }
0x20: {  	[sflag:s8] =	ssyncset.s32 @!p0 $0xFFFFF086;
	s6 =	sadd.s32 @!p0 s3, s7;
	s7 =	simm.s32 @!p0 $0x108  }
0x21: {  	s3 =	sadd.s32 s3, s9;
	s6 =	sadd.s32 @!p0 $0x88, s6;
	s7 =	simm.s32 @p2 $0x1082  }
0x22: {  	[simem:s7], [sflag:s8] =	dma.local @!p0 [hbm:s6], $0xF7A  }
0x23: {  	s9 =	sor.u32 $0xD0000000, s2;
	s6 =	simm.s32 $0x108;
	_ =	swait.ge @!p0 [sflag:s8], $0x0  }
0x24: {  	s3 =	sadd.s32 $0x88, s3;
	s6 =	simm.s32 @!p1 $0x1082;
	[sflag:s4] =	ssyncset.s32 $0xFFFFF086  }
0x25: {  	[simem:s6], [sflag:s4] =	dma.local [hbm:s3], $0xF7A  }
0x26: {  	[smem:$0x3F97] =	sst s1;
	(tag) =	ssettag s2;
	_ =	strace s9  }
0x27: {  	s1 =	sld [smem:$0x3FA7]  }
0x28: {  	s2 =	sld [smem:$0x3FA8]  }
0x29: {  	s4 =	sld [smem:$0x3FAA]  }
0x2a: {  	p0 =	seq.s32 s5, $0x0;
	s5 =	sld [smem:$0x3FAB]  }
0x2b: {  	s6 =	sld [smem:$0x3FAC]  }
0x2c: {  	s7 =	sld [smem:$0x3FAD]  }
0x2d: {  	s3 =	simm.s32 $0x108;
	s8 =	sld [smem:$0x3FAE]  }
0x2e: {  	s3 =	simm.s32 @!p0 $0x1082;
	s9 =	sld [smem:$0x3FAF]  }
0x2f: {  	lr =	sadd.s32 s0, s3;
	s0 =	sld [smem:$0x3FA6]  }
0x30: {  	s3 =	sld [smem:$0x3FA9]  }
0x31: {  	[smem:$0x3FB2] =	sst s10  }
0x32: {  	s10 =	sld [smem:$0x3FB0];
	_ =	sdelay $0x3  }
0x33: {  	p0 =	seq.s32 s10, $0x1;
	s10 =	sld [smem:$0x3FB2];
	_ =	sdelay $0x3  }
0x34: {  	[smem:$0x3FB2] =	sst s10  }
0x35: {  	s10 =	sld [smem:$0x3FB1];
	_ =	sdelay $0x3  }
0x36: {  	p1 =	seq.s32 s10, $0x1;
	s10 =	sld [smem:$0x3FB2];
	_ =	sdelay $0x3  }
0x37: {  	[smem:$0x3FB2] =	sst s10  }
0x38: {  	s10 =	sld [smem:$0x3FB3]  }
0x39: {  	_ = 	snop;
	(pc) =	sbr.ind lr, $3  }
0x3a: {  	_ = 	snop  }
0x3b: {  	_ = 	snop  }
0x3c: {  	p2 =	seq.s32 s10, $0x1;
	s10 =	sld [smem:$0x3FB2]  }
0x3d: {  	_ =	shalt  }
0x3e: {  	_ =	shalt  }
0x3f: {  	_ =	shalt  }
0x40: {  	_ =	shalt  }
0x41: {  	_ =	shalt  }
0x42: {  	_ =	shalt  }
0x43: {  	_ =	shalt  }
0x44: {  	_ =	shalt  }
0x45: {  	_ =	shalt  }
0x46: {  	_ =	shalt  }
0x47: {  	_ =	shalt  }
0x48: {  	_ =	shalt  }
0x49: {  	_ =	shalt  }
0x4a: {  	_ =	shalt  }
0x4b: {  	_ =	shalt  }
0x4c: {  	_ =	shalt  }
0x4d: {  	_ =	shalt  }
0x4e: {  	_ =	shalt  }
0x4f: {  	_ =	shalt  }
0x50: {  	_ =	shalt  }
0x51: {  	_ =	shalt  }
0x52: {  	_ =	shalt  }
0x53: {  	_ =	shalt  }
0x54: {  	_ =	shalt  }
0x55: {  	_ =	shalt  }
0x56: {  	_ =	shalt  }
0x57: {  	_ =	shalt  }
0x58: {  	_ =	shalt  }
0x59: {  	_ =	shalt  }
0x5a: {  	_ =	shalt  }
0x5b: {  	_ =	shalt  }
0x5c: {  	_ =	shalt  }
0x5d: {  	_ =	shalt  }
0x5e: {  	_ =	shalt  }
0x5f: {  	_ =	shalt  }
0x60: {  	_ =	shalt  }
0x61: {  	_ =	shalt  }
0x62: {  	_ =	shalt  }
0x63: {  	_ =	shalt  }
0x64: {  	_ =	shalt  }
0x65: {  	_ =	shalt  }
0x66: {  	_ =	shalt  }
0x67: {  	_ =	shalt  }
0x68: {  	_ =	shalt  }
0x69: {  	_ =	shalt  }
0x6a: {  	_ =	shalt  }
0x6b: {  	_ =	shalt  }
0x6c: {  	_ =	shalt  }
0x6d: {  	_ =	shalt  }
0x6e: {  	_ =	shalt  }
0x6f: {  	_ =	shalt  }
0x70: {  	_ =	shalt  }
0x71: {  	_ =	shalt  }
0x72: {  	_ =	shalt  }
0x73: {  	_ =	shalt  }
0x74: {  	_ =	shalt  }
0x75: {  	_ =	shalt  }
0x76: {  	_ =	shalt  }
0x77: {  	_ =	shalt  }
0x78: {  	_ =	shalt  }
0x79: {  	_ =	shalt  }
0x7a: {  	_ =	shalt  }
0x7b: {  	_ =	shalt  }
0x7c: {  	_ =	shalt  }
0x7d: {  	_ =	shalt  }
0x7e: {  	_ =	shalt  }
0x7f: {  	_ =	shalt  }
0x80: {  	_ =	shalt  }
0x81: {  	_ =	shalt  }
0x82: {  	_ =	shalt  }
0x83: {  	_ =	shalt  }
0x84: {  	_ =	shalt  }
0x85: {  	_ =	shalt  }
0x86: {  	_ =	shalt  }
0x87: {  	_ =	shalt  }
.Lfunc_end0:
.L_simem_size_0:
called_computation.1_lowered:
.L_overlay_start_0:
0x88: {  	s2 =	sld [smem:$0x3FD9]  }
0x89: {  	s3 =	sld [smem:$0x3FFE];
	_ =	sdelay $0x1  }
0x8a: {  	s1 =	srdreg.scid  }
0x8b: {  	s0 =	sand.u32 $0x1, s1  }
0x8c: {  	s16 =	sshll.u32 s0, $0xA;
	s2 =	sadd.s32 s3, s2  }
0x8d: {  	s2 =	sadd.s32 s2, s16  }
0x8e: {  	[smem:$0x3FBE] =	sst s2  }
0x8f: {  	_ = 	snop  }
0x90: {  	(tm) =	ssettm $0x1  }
0x91: {  	s17 =	sld [smem:$0x3FFB];
	_ =	sdelay $0x3  }
0x92: {  	_ =	strace s17  }
0x93: {  	s2 =	sld [smem:$0x3FFC];
	_ =	sdelay $0x3  }
0x94: {  	_ =	strace s2  }
0x95: {  	s2 =	sld [smem:$0x3FFD];
	_ =	sdelay $0x3  }
0x96: {  	_ =	strace s2  }
0x97: {  	_ =	strace $0x8FFFFFFF  }
0x98: {  	s18 =	sld [smem:$0x3FDB];
	_ =	sdelay $0x1  }
0x99: {  	s19 =	simm.s32 $_scs_section_size  }
0x9a: {  	s4 =	simm.s32 $_size__tile_overlayer_lowered;
	s5 =	simm.s32 $_tile_overlayer_lowered  }
0x9b: {  	s22 =	simm.s32 $0x1BFF;
	s21 =	sshll.u32 s5, $0x1;
	s2 =	sadd.s32 s19, s18  }
0x9c: {  	s6 =	simm.s32 $0x0;
	s20 =	sshll.u32 s4, $0x1;
	s4 =	sadd.s32 s21, s2  }
0x9d: {  	[timem:s6], [sflag:s22] =	dma.local [hbm:s4], s20  }
0x9e: {  	_ =	swait.ge [sflag:s22], s20  }
0x9f: {  	s3 =	ssub.s32 $0x0, s20;
	[sflag:s22] =	ssyncset.done $0x0  }
0xa0: {  	[sflag:s22] =	ssyncadd.s32 s3;
	_ =	sdelay $0x1  }
0xa1: {  	s23 =	simm.s32 $0x1B8B  }
0xa2: {  	_ =	swait.ge [sflag:s23], $0x1  }
0xa3: {  	[sflag:s23] =	ssyncset.done $0x0  }
0xa4: {  	s25 =	simm.s32 $0x1B8E;
	s24 =	sld [smem:$0x3FFE];
	[sflag:s23] =	ssyncadd.s32 $0xFFFFFFFF  }
0xa5: {  	s26 =	simm.s32 $execute0_lowered;
	[smem:$0x3FD2] =	sst s25  }
0xa6: {  	s4 =	sshll.u32 s26, $0x1;
	_ =	strace $0x80000049;
	[dreg:$0x1] =	wrdreg $0xFFFFFFFF  }
0xa7: {  	s28 =	simm.s32 $_size_execute0_lowered;
	s2 =	sadd.s32 s2, s4;
	[dreg:$0x0] =	wrdreg $0x0  }
0xa8: {  	s4 =	sshll.u32 s28, $0x1;
	[dreg:$0x2] =	wrdreg s2  }
0xa9: {  	[dreg:$0x3] =	wrdreg s4  }
0xaa: {  	[dreg:$0x4] =	wrdreg $0xC0  }
0xab: {  	_ =	task [dreg:s6], $0x5FFFF  }
0xac: {  	[dreg:$0x1] =	wrdreg $0xFFFFFFFF  }
0xad: {  	[dreg:$0x0] =	wrdreg $0x60  }
0xae: {  	[dreg:$0x2] =	wrdreg s24  }
0xaf: {  	[dreg:$0x3] =	wrdreg $0x83000  }
0xb0: {  	[dreg:$0x4] =	wrdreg $0x9  }
0xb1: {  	_ =	task.clear_ibuf [dreg:s6], $0x5FFFF;
	_ =	strace $0x90000049  }
0xb2: {  	s29 =	simm.s32 $0x9;
	_ =	strace $0x8000004B  }
0xb3: {  	_ =	swait.ge [sflag:s29], $0x1  }
0xb4: {  	[sflag:s29] =	ssyncadd.s32 $0xFFFFFFFF  }
0xb5: {  	_ =	strace $0x9000004B  }
0xb6: {  	_ =	sfence  }
0xb7: {  	s30 =	sld [smem:$0x0];
	_ =	sdelay $0x2  }
0xb8: {  	s31 =	sshll.u32 s1, $0xD;
	s1 =	sshrl.u32 s1, $0x2  }
0xb9: {  	s3 =	sand.u32 $0x4000, s31;
	s1 =	sadd.s32 s1, s30  }
0xba: {  	s0 =	sor.u32 s3, s0;
	s1 =	sshll.u32 s1, $0x11  }
0xbb: {  	s0 =	sor.u32 s1, s0  }
0xbc: {  	s0 =	sadd.s32 $0x8F2B, s0  }
0xbd: {  	[sflag:s0] =	ssyncadd.remote.s32 $0x1  }
0xbe: {  	_ =	sfence.sel $0xFFFF  }
0xbf: {  	[dreg:$0x0] =	wrdreg $0xFFFFFFFF;
	(pc) =	sbr.abs _section_cstart, $3  }
0xc0: {  	[dreg:$0x1] =	wrdreg $0xFFFFFFFF  }
0xc1: {  	_ =	task.clear_ibuf [dreg:s6], $0x2FFFF;
	_ =	strace $0x9FFFFFFF  }
0xc2: {  	(tm) =	ssettm $0x7FFFFFFF  }
0xc3: {  	_ =	shalt  }
tec
execute0_lowered:
.L_overlay_start_1:
0x0: {  	(tag) =	ssettag $0x1  }
0x1: {  	s0 =	rddreg [dreg:$0x0]  }
0x2: {  	s1 =	rddreg [dreg:$0x1];
	s2 =	simm.s32 $0x0;
	s6 =	srdreg.scid  }
0x3: {  	s12 =	stileid.u32;
	s29 =	simm.s32 $0x300;
	s30 =	simm.s32 $0x3  }
0x4: {  	s31 =	simm.s32 $0x80;
	[smem:$0x7FF] =	sst s2;
	s3 =	sadd.s32 $0x11800, s0  }
0x5: {  	s5 =	sadd.s32 $0x2A00, s0;
	s4 =	sadd.s32 $0x1BE00, s0;
	s25 =	smul.u32 $0x4E000, s12  }
0x6: {  	s13 =	sand.u32 $0x1, s6;
	s7 =	sadd.s32 $0x1B600, s0;
	s14 =	smul.u32 $0x2710, s12  }
0x7: {  	s0 =	sadd.s32 $0x91A00, s0;
	s17 =	smul.u32 $0x270, s12;
	s11 =	sadd.s32 $0x138000, s1  }
0x8: {  	p0 =	sne.s32 s12, $0x0;
	_ =	strace $0x8000004A;
	s16 =	smul.u32 $0x27100, s13  }
0x9: {  	[dreg:$0x3] =	wrdreg s7;
	s26 =	ssub.s32 $0x2, s13;
	s28 =	smul.u32 $0x2710, s13  }
0xa: {  	s13 =	smul.u32 $0x138800, s13;
	s8 =	sshrl.u32 s26, $0x1;
	s6 =	sshrl.u32 s25, $0x2  }
0xb: {  	s20 =	sshrl.u32 s14, $0x3;
	s15 =	ssub.s32 s26, s8;
	s6 =	sadd.s32 s6, s1  }
0xc: {  	s19 =	sadd.s32 s14, s16;
	s20 =	sadd.s32 s5, s20;
	s14 =	sadd.s32 $0x2700, s14  }
0xd: {  	s13 =	sshrl.u32 s13, $0x3;
	s7 =	sadd.s32 $0x4000, s6;
	s8 =	sadd.s32 $0x8000, s6  }
0xe: {  	s9 =	sadd.s32 $0xC000, s6;
	s10 =	sadd.s32 $0x10000, s6;
	s18 =	sshrl.u32 s19, $0x3  }
0xf: {  	s16 =	sadd.s32 s16, s14;
	[dreg:$0x5] =	wrdreg s20;
	s20 =	sadd.s32 $0x10, s20  }
0x10: {  	s14 =	sshrl.u32 s14, $0x3;
	s23 =	sadd.s32 $0x180, s19;
	s25 =	smax.u32 s15, $0x1  }
0x11: {  	s24 =	sadd.s32 $0x100, s19;
	s15 =	simm.s32 $0x1;
	[dreg:$0x7] =	wrdreg s20  }
0x12: {  	s19 =	simm.s32 $0x0;
	s18 =	sadd.s32 s3, s18;
	[dreg:$0xd] =	wrdreg s25  }
0x13: {  	s16 =	sshrl.u32 s16, $0x3;
	s14 =	sadd.s32 s5, s14;
	[dreg:$0x4] =	wrdreg s18  }
0x14: {  	s20 =	smul.u32 $0x4E2, s12;
	s18 =	sadd.s32 $0x10, s18;
	[dreg:$0x9] =	wrdreg s14  }
0x15: {  	s16 =	sadd.s32 s3, s16;
	[dreg:$0x6] =	wrdreg s18;
	s18 =	sadd.s32 s17, s28  }
0x16: {  	s12 =	simm.s32 $0x200;
	[dreg:$0x8] =	wrdreg s16;
	s16 =	sshll.u32 s18, $0x4  }
0x17: {  	s14 =	simm.s32 $0x4300;
	s20 =	sadd.s32 s20, s5;
	s18 =	sadd.s32 s0, s16  }
0x18: {  	s5 =	simm.s32 $0x180;
	s17 =	simm.s32 $0x10;
	s21 =	sadd.s32 $0x800, s18  }
0x19: {  	s0 =	sadd.s32 s0, s13;
	s22 =	sadd.s32 $0x1000, s18;
	[dreg:$0xa] =	wrdreg s21  }
0x1a: {  	s16 =	simm.s32 $0x2;
	s0 =	sadd.s32 $0x27000, s0;
	[dreg:$0xb] =	wrdreg s22  }
0x1b: {  	s13 =	simm.s32 $0x280;
	s26 =	sadd.s32 $0x1800, s18;
	[dreg:$0xc] =	wrdreg s0  }
0x1c: {  	s28 =	sadd.s32 $0x2000, s18;
	s0 =	sshrl.u32 s23, $0x3;
	[dreg:$0xe] =	wrdreg s26  }
0x1d: {  	[dreg:$0xf] =	wrdreg s28;
	s25 =	sadd.s32 s0, s3;
	s0 =	simm.s32 $0x100  }
.LBB2_1:
0x1e: {  	s21 =	rddreg [dreg:$0x3]  }
0x1f: {  	[tilespmem:s29], [sflag:$0x3] =	stream.linear.gather [hbm4b:s21+s2], $0x4000, $0x38;
	[tilespmem:$0x1BB80] =	vst v63  }
0x20: {  	_ =	swait.ge [sflag:s30], $0x4000  }
0x21: {  	[sflag:s30] =	ssyncset.done $0x0  }
0x22: {  	[sflag:s30] =	ssyncadd.s32 $0xFFFFC000  }
0x23: {  	[spmem:s6] =	stream.linear.scatter [tilespmem:s29], [sflag:$0x3], $0x4000, $0x38;
	[tilespmem:$0x1BB80] =	vst v63  }
0x24: {  	_ =	swait.ge [sflag:s30], $0x4000  }
0x25: {  	[sflag:s30] =	ssyncset.done $0x0  }
0x26: {  	[sflag:s30] =	ssyncadd.s32 $0xFFFFC000  }
0x27: {  	[spmem:s7] =	stream.linear.scatter [tilespmem:s29], [sflag:$0x3], $0x4000, $0x38;
	[tilespmem:$0x1BB80] =	vst v63  }
0x28: {  	_ =	swait.ge [sflag:s30], $0x4000  }
0x29: {  	[sflag:s30] =	ssyncset.done $0x0  }
0x2a: {  	[sflag:s30] =	ssyncadd.s32 $0xFFFFC000  }
0x2b: {  	[spmem:s8] =	stream.linear.scatter [tilespmem:s29], [sflag:$0x3], $0x4000, $0x38;
	[tilespmem:$0x1BB80] =	vst v63  }
0x2c: {  	_ =	swait.ge [sflag:s30], $0x4000  }
0x2d: {  	[sflag:s30] =	ssyncset.done $0x0  }
0x2e: {  	[sflag:s30] =	ssyncadd.s32 $0xFFFFC000  }
0x2f: {  	[spmem:s9] =	stream.linear.scatter [tilespmem:s29], [sflag:$0x3], $0x4000, $0x38;
	[tilespmem:$0x1BB80] =	vst v63  }
0x30: {  	_ =	swait.ge [sflag:s30], $0x4000  }
0x31: {  	[sflag:s30] =	ssyncset.done $0x0  }
0x32: {  	[sflag:s30] =	ssyncadd.s32 $0xFFFFC000  }
0x33: {  	[spmem:s10] =	stream.linear.scatter [tilespmem:s29], [sflag:$0x3], $0x3800, $0x38;
	[tilespmem:$0x1BB80] =	vst v63  }
0x34: {  	_ =	swait.ge [sflag:s30], $0x3800  }
0x35: {  	[sflag:s30] =	ssyncset.done $0x0  }
0x36: {  	s21 =	simm.s32 @!p0 $0x300;
	[sflag:s30] =	ssyncadd.s32 $0xFFFFC800  }
0x37: {  	[spmem:s11] =	stream.linear.scatter @!p0 [tilespmem:s21], [sflag:$0x3], $0x800, $0x38;
	[tilespmem:$0x1BB80] =	vst v63  }
0x38: {  	s21 =	simm.s32 @!p0 $0x3  }
0x39: {  	_ =	swait.ge @!p0 [sflag:s21], $0x800  }
0x3a: {  	[sflag:s21] =	ssyncset.done @!p0 $0x0  }
0x3b: {  	[sflag:s21] =	ssyncadd.s32 @!p0 $0xFFFFF800  }
0x3c: {  	[bflag:$0x0] =	sbarrier.arrive $0xFFFF  }
0x3d: {  	s23 =	rddreg [dreg:$0x4]  }
0x3e: {  	[tilespmem:s2], [sflag:$0x3] =	stream.linear.gather [hbm4b:s23+s2], $0x80, $0x38;
	[tilespmem:$0x1BB80] =	vst v63  }
0x3f: {  	_ =	swait.ge [sflag:s30], $0x80  }
0x40: {  	[sflag:s30] =	ssyncset.done $0x0  }
0x41: {  	s26 =	rddreg [dreg:$0x5];
	[sflag:s30] =	ssyncadd.s32 $0xFFFFFF80  }
0x42: {  	[tilespmem:s31], [sflag:$0x3] =	stream.linear.gather [hbm4b:s26+s2], $0x80, $0x38;
	[tilespmem:$0x1BB80] =	vst v63  }
0x43: {  	_ =	swait.ge [sflag:s30], $0x80  }
0x44: {  	[sflag:s30] =	ssyncset.done $0x0  }
0x45: {  	[sflag:s30] =	ssyncadd.s32 $0xFFFFFF80  }
0x46: {  	[tilespmem:s29], [sflag:$0x1] =	stream.indirect.gather [hbm4b:s4+s31], $0x80, s2, s31, $0xb8;
	[tilespmem:$0x1BB80] =	vst v63  }
0x47: {  	s28 =	rddreg [dreg:$0x6]  }
0x48: {  	[tilespmem:s0], [sflag:$0x3] =	stream.linear.gather [hbm4b:s28+s2], $0x80, $0x38;
	[tilespmem:$0x1BB80] =	vst v63  }
0x49: {  	_ =	swait.ge [sflag:s30], $0x80  }
0x4a: {  	[sflag:s30] =	ssyncset.done $0x0  }
0x4b: {  	s22 =	rddreg [dreg:$0x7];
	[sflag:s30] =	ssyncadd.s32 $0xFFFFFF80  }
0x4c: {  	[tilespmem:s5], [sflag:$0x3] =	stream.linear.gather [hbm4b:s22+s2], $0x80, $0x38;
	[tilespmem:$0x1BB80] =	vst v63  }
0x4d: {  	_ =	swait.ge [sflag:s30], $0x80  }
0x4e: {  	[sflag:s30] =	ssyncset.done $0x0  }
0x4f: {  	[sflag:s30] =	ssyncadd.s32 $0xFFFFFF80  }
0x50: {  	[tilespmem:s14], [sflag:$0x2] =	stream.indirect.gather [hbm4b:s4+s31], $0x80, s0, s31, $0xb8;
	[tilespmem:$0x1BB80] =	vst v63  }
0x51: {  	_ =	swait.ge [sflag:s15], $0x4000  }
0x52: {  	[sflag:s15] =	ssyncset.done $0x0  }
0x53: {  	[sflag:s15] =	ssyncadd.s32 $0xFFFFC000  }
0x54: {  	[spmem:s1] =	stream.indirect.scatter.add.f32 [tilespmem:s29], [sflag:$0x3], $0x80, s31, s31, $0xb8;
	[tilespmem:$0x1BB80] =	vst v63  }
0x55: {  	_ =	swait.ge [sflag:s30], $0x4000  }
0x56: {  	s23 =	sshrl.u32 s24, $0x3;
	[sflag:s30] =	ssyncset.done $0x0  }
0x57: {  	s21 =	sadd.s32 s3, s23;
	[sflag:s30] =	ssyncadd.s32 $0xFFFFC000  }
0x58: {  	[tilespmem:s2], [sflag:$0x3] =	stream.linear.gather [hbm4b:s21+s2], $0x80, $0x38;
	[tilespmem:$0x1BB80] =	vst v63  }
0x59: {  	_ =	swait.ge [sflag:s30], $0x80  }
0x5a: {  	s26 =	sadd.s32 $0x0, s20;
	[sflag:s30] =	ssyncset.done $0x0  }
0x5b: {  	s22 =	sadd.s32 $0x20, s26;
	[sflag:s30] =	ssyncadd.s32 $0xFFFFFF80  }
0x5c: {  	[tilespmem:s31], [sflag:$0x3] =	stream.linear.gather [hbm4b:s22+s2], $0x80, $0x38;
	[tilespmem:$0x1BB80] =	vst v63  }
0x5d: {  	_ =	swait.ge [sflag:s30], $0x80  }
0x5e: {  	[sflag:s30] =	ssyncset.done $0x0  }
0x5f: {  	[sflag:s30] =	ssyncadd.s32 $0xFFFFFF80  }
0x60: {  	[tilespmem:s29], [sflag:$0x1] =	stream.indirect.gather [hbm4b:s4+s31], $0x80, s2, s31, $0xb8;
	[tilespmem:$0x1BB80] =	vst v63  }
0x61: {  	_ =	swait.ge [sflag:s16], $0x4000  }
0x62: {  	[sflag:s16] =	ssyncset.done $0x0  }
0x63: {  	[sflag:s16] =	ssyncadd.s32 $0xFFFFC000  }
0x64: {  	[spmem:s1] =	stream.indirect.scatter.add.f32 [tilespmem:s14], [sflag:$0x3], $0x80, s5, s31, $0xb8;
	[tilespmem:$0x1BB80] =	vst v63  }
0x65: {  	_ =	swait.ge [sflag:s30], $0x4000  }
0x66: {  	[sflag:s30] =	ssyncset.done $0x0  }
0x67: {  	s28 =	sadd.s32 $0x0, s25;
	[sflag:s30] =	ssyncadd.s32 $0xFFFFC000  }
0x68: {  	[tilespmem:s0], [sflag:$0x3] =	stream.linear.gather [hbm4b:s28+s2], $0x80, $0x38;
	[tilespmem:$0x1BB80] =	vst v63  }
0x69: {  	_ =	swait.ge [sflag:s30], $0x80  }
0x6a: {  	[sflag:s30] =	ssyncset.done $0x0  }
0x6b: {  	s21 =	sadd.s32 $0x30, s26;
	[sflag:s30] =	ssyncadd.s32 $0xFFFFFF80  }
0x6c: {  	[tilespmem:s5], [sflag:$0x3] =	stream.linear.gather [hbm4b:s21+s2], $0x80, $0x38;
	[tilespmem:$0x1BB80] =	vst v63  }
0x6d: {  	_ =	swait.ge [sflag:s30], $0x80  }
0x6e: {  	[sflag:s30] =	ssyncset.done $0x0  }
0x6f: {  	s22 =	sadd.s32 $0x100, s24;
	s21 =	simm.s32 $0x20;
	[sflag:s30] =	ssyncadd.s32 $0xFFFFFF80  }
.LBB2_2:
0x70: {  	[tilespmem:s14], [sflag:$0x2] =	stream.indirect.gather [hbm4b:s4+s31], $0x80, s0, s31, $0xb8;
	[tilespmem:$0x1BB80] =	vst v63  }
0x71: {  	s23 =	smov.u32 s21  }
0x72: {  	p1 =	sne.s32 s21, $0x4A0;
	s21 =	sadd.s32 $0x20, s21;
	_ =	swait.ge [sflag:s15], $0x4000  }
0x73: {  	[sflag:s15] =	ssyncset.done $0x0  }
0x74: {  	[sflag:s15] =	ssyncadd.s32 $0xFFFFC000  }
0x75: {  	[spmem:s1] =	stream.indirect.scatter.add.f32 [tilespmem:s29], [sflag:$0x3], $0x80, s31, s31, $0xb8;
	[tilespmem:$0x1BB80] =	vst v63  }
0x76: {  	_ =	swait.ge [sflag:s30], $0x4000  }
0x77: {  	s26 =	sshrl.u32 s22, $0x3;
	[sflag:s30] =	ssyncset.done $0x0  }
0x78: {  	s26 =	sadd.s32 s3, s26;
	[sflag:s30] =	ssyncadd.s32 $0xFFFFC000  }
0x79: {  	[tilespmem:s2], [sflag:$0x3] =	stream.linear.gather [hbm4b:s26+s2], $0x80, $0x38;
	[tilespmem:$0x1BB80] =	vst v63  }
0x7a: {  	_ =	swait.ge [sflag:s30], $0x80  }
0x7b: {  	s26 =	sadd.s32 s23, s20;
	[sflag:s30] =	ssyncset.done $0x0  }
0x7c: {  	s28 =	sadd.s32 $0x20, s26;
	[sflag:s30] =	ssyncadd.s32 $0xFFFFFF80  }
0x7d: {  	[tilespmem:s31], [sflag:$0x3] =	stream.linear.gather [hbm4b:s28+s2], $0x80, $0x38;
	[tilespmem:$0x1BB80] =	vst v63  }
0x7e: {  	_ =	swait.ge [sflag:s30], $0x80  }
0x7f: {  	[sflag:s30] =	ssyncset.done $0x0  }
0x80: {  	[sflag:s30] =	ssyncadd.s32 $0xFFFFFF80  }
0x81: {  	[tilespmem:s29], [sflag:$0x1] =	stream.indirect.gather [hbm4b:s4+s31], $0x80, s2, s31, $0xb8;
	[tilespmem:$0x1BB80] =	vst v63  }
0x82: {  	_ =	swait.ge [sflag:s16], $0x4000  }
0x83: {  	[sflag:s16] =	ssyncset.done $0x0  }
0x84: {  	[sflag:s16] =	ssyncadd.s32 $0xFFFFC000  }
0x85: {  	[spmem:s1] =	stream.indirect.scatter.add.f32 [tilespmem:s14], [sflag:$0x3], $0x80, s5, s31, $0xb8;
	[tilespmem:$0x1BB80] =	vst v63  }
0x86: {  	_ =	swait.ge [sflag:s30], $0x4000  }
0x87: {  	[sflag:s30] =	ssyncset.done $0x0  }
0x88: {  	s23 =	sadd.s32 s23, s25;
	[sflag:s30] =	ssyncadd.s32 $0xFFFFC000  }
0x89: {  	[tilespmem:s0], [sflag:$0x3] =	stream.linear.gather [hbm4b:s23+s2], $0x80, $0x38;
	[tilespmem:$0x1BB80] =	vst v63  }
0x8a: {  	_ =	swait.ge [sflag:s30], $0x80  }
0x8b: {  	[sflag:s30] =	ssyncset.done $0x0  }
.Ltmp0:
0x8c: {  	s23 =	sadd.s32 $0x30, s26;
	[sflag:s30] =	ssyncadd.s32 $0xFFFFFF80;
	(pc) =	sbr.rel @p1 .LBB2_2-.Ltmp0, $4  }
0x8d: {  	[tilespmem:s5], [sflag:$0x3] =	stream.linear.gather [hbm4b:s23+s2], $0x80, $0x38;
	[tilespmem:$0x1BB80] =	vst v63  }
0x8e: {  	_ =	swait.ge [sflag:s30], $0x80  }
0x8f: {  	[sflag:s30] =	ssyncset.done $0x0  }
0x90: {  	s22 =	sadd.s32 $0x100, s22;
	[sflag:s30] =	ssyncadd.s32 $0xFFFFFF80  }
0x91: {  	[tilespmem:s14], [sflag:$0x2] =	stream.indirect.gather [hbm4b:s4+s31], $0x80, s0, s31, $0xb8;
	[tilespmem:$0x1BB80] =	vst v63  }
0x92: {  	_ =	swait.ge [sflag:s15], $0x4000  }
0x93: {  	[sflag:s15] =	ssyncset.done $0x0  }
0x94: {  	[sflag:s15] =	ssyncadd.s32 $0xFFFFC000  }
0x95: {  	[spmem:s1] =	stream.indirect.scatter.add.f32 [tilespmem:s29], [sflag:$0x3], $0x80, s31, s31, $0xb8;
	[tilespmem:$0x1BB80] =	vst v63  }
0x96: {  	_ =	swait.ge [sflag:s30], $0x4000  }
0x97: {  	[sflag:s30] =	ssyncset.done $0x0  }
0x98: {  	[sflag:s30] =	ssyncadd.s32 $0xFFFFC000  }
0x99: {  	_ =	swait.ge [sflag:s16], $0x4000  }
0x9a: {  	[sflag:s16] =	ssyncset.done $0x0  }
0x9b: {  	[sflag:s16] =	ssyncadd.s32 $0xFFFFC000  }
0x9c: {  	[spmem:s1] =	stream.indirect.scatter.add.f32 [tilespmem:s14], [sflag:$0x3], $0x80, s5, s31, $0xb8;
	[tilespmem:$0x1BB80] =	vst v63  }
0x9d: {  	_ =	swait.ge [sflag:s30], $0x4000  }
0x9e: {  	[sflag:s30] =	ssyncset.done $0x0  }
0x9f: {  	s21 =	rddreg [dreg:$0x8];
	[sflag:s30] =	ssyncadd.s32 $0xFFFFC000  }
0xa0: {  	[tilespmem:s12], [sflag:$0x3] =	stream.linear.gather [hbm4b:s21+s2], $0x10, $0x38;
	[tilespmem:$0x1BB80] =	vst v63  }
0xa1: {  	_ =	swait.ge [sflag:s30], $0x10  }
0xa2: {  	[sflag:s30] =	ssyncset.done $0x0  }
0xa3: {  	s26 =	rddreg [dreg:$0x9];
	[sflag:s30] =	ssyncadd.s32 $0xFFFFFFF0  }
0xa4: {  	[tilespmem:s13], [sflag:$0x3] =	stream.linear.gather [hbm4b:s26+s2], $0x10, $0x38;
	[tilespmem:$0x1BB80] =	vst v63  }
0xa5: {  	_ =	swait.ge [sflag:s30], $0x10  }
0xa6: {  	[sflag:s30] =	ssyncset.done $0x0  }
0xa7: {  	[sflag:s30] =	ssyncadd.s32 $0xFFFFFFF0  }
0xa8: {  	[tilespmem:s29], [sflag:$0x1] =	stream.indirect.gather [hbm4b:s4+s17], $0x80, s12, s17, $0xb8;
	[tilespmem:$0x1BB80] =	vst v63  }
0xa9: {  	_ =	swait.ge [sflag:s15], $0x800  }
0xaa: {  	[sflag:s15] =	ssyncset.done $0x0  }
0xab: {  	[sflag:s15] =	ssyncadd.s32 $0xFFFFF800  }
0xac: {  	[spmem:s1] =	stream.indirect.scatter.add.f32 [tilespmem:s29], [sflag:$0x3], $0x80, s13, s17, $0xb8;
	[tilespmem:$0x1BB80] =	vst v63  }
0xad: {  	_ =	swait.ge [sflag:s30], $0x800  }
0xae: {  	[sflag:s30] =	ssyncset.done $0x0  }
0xaf: {  	[sflag:s30] =	ssyncadd.s32 $0xFFFFF800  }
0xb0: {  	[bflag:$0x0] =	sbarrier.arrive $0xFFFF  }
0xb1: {  	[tilespmem:s29], [sflag:$0x3] =	stream.linear.gather [spmem:s6], $0x4000, $0x38;
	[tilespmem:$0x1BB80] =	vst v63  }
0xb2: {  	_ =	swait.ge [sflag:s30], $0x4000  }
0xb3: {  	[sflag:s30] =	ssyncset.done $0x0  }
0xb4: {  	[sflag:s30] =	ssyncadd.s32 $0xFFFFC000  }
0xb5: {  	[hbm4b:s18+s2] =	stream.linear.scatter [tilespmem:s29], [sflag:$0x3], $0x4000, $0x38;
	[tilespmem:$0x1BB80] =	vst v63  }
0xb6: {  	_ =	swait.ge [sflag:s30], $0x4000  }
0xb7: {  	[sflag:s30] =	ssyncset.done $0x0  }
0xb8: {  	[sflag:s30] =	ssyncadd.s32 $0xFFFFC000  }
0xb9: {  	[tilespmem:s29], [sflag:$0x3] =	stream.linear.gather [spmem:s7], $0x4000, $0x38;
	[tilespmem:$0x1BB80] =	vst v63  }
0xba: {  	_ =	swait.ge [sflag:s30], $0x4000  }
0xbb: {  	[sflag:s30] =	ssyncset.done $0x0  }
0xbc: {  	s28 =	rddreg [dreg:$0xa];
	[sflag:s30] =	ssyncadd.s32 $0xFFFFC000  }
0xbd: {  	[hbm4b:s28+s2] =	stream.linear.scatter [tilespmem:s29], [sflag:$0x3], $0x4000, $0x38;
	[tilespmem:$0x1BB80] =	vst v63  }
0xbe: {  	_ =	swait.ge [sflag:s30], $0x4000  }
0xbf: {  	[sflag:s30] =	ssyncset.done $0x0  }
0xc0: {  	[sflag:s30] =	ssyncadd.s32 $0xFFFFC000  }
0xc1: {  	[tilespmem:s29], [sflag:$0x3] =	stream.linear.gather [spmem:s8], $0x4000, $0x38;
	[tilespmem:$0x1BB80] =	vst v63  }
0xc2: {  	_ =	swait.ge [sflag:s30], $0x4000  }
0xc3: {  	[sflag:s30] =	ssyncset.done $0x0  }
0xc4: {  	s22 =	rddreg [dreg:$0xb];
	[sflag:s30] =	ssyncadd.s32 $0xFFFFC000  }
0xc5: {  	[hbm4b:s22+s2] =	stream.linear.scatter [tilespmem:s29], [sflag:$0x3], $0x4000, $0x38;
	[tilespmem:$0x1BB80] =	vst v63  }
0xc6: {  	_ =	swait.ge [sflag:s30], $0x4000  }
0xc7: {  	[sflag:s30] =	ssyncset.done $0x0  }
0xc8: {  	[sflag:s30] =	ssyncadd.s32 $0xFFFFC000  }
0xc9: {  	[tilespmem:s29], [sflag:$0x3] =	stream.linear.gather [spmem:s9], $0x4000, $0x38;
	[tilespmem:$0x1BB80] =	vst v63  }
0xca: {  	_ =	swait.ge [sflag:s30], $0x4000  }
0xcb: {  	[sflag:s30] =	ssyncset.done $0x0  }
0xcc: {  	s23 =	rddreg [dreg:$0xe];
	[sflag:s30] =	ssyncadd.s32 $0xFFFFC000  }
0xcd: {  	[hbm4b:s23+s2] =	stream.linear.scatter [tilespmem:s29], [sflag:$0x3], $0x4000, $0x38;
	[tilespmem:$0x1BB80] =	vst v63  }
0xce: {  	_ =	swait.ge [sflag:s30], $0x4000  }
0xcf: {  	[sflag:s30] =	ssyncset.done $0x0  }
0xd0: {  	[sflag:s30] =	ssyncadd.s32 $0xFFFFC000  }
0xd1: {  	[tilespmem:s29], [sflag:$0x3] =	stream.linear.gather [spmem:s10], $0x3800, $0x38;
	[tilespmem:$0x1BB80] =	vst v63  }
0xd2: {  	_ =	swait.ge [sflag:s30], $0x3800  }
0xd3: {  	[sflag:s30] =	ssyncset.done $0x0  }
0xd4: {  	s26 =	rddreg [dreg:$0xf];
	[sflag:s30] =	ssyncadd.s32 $0xFFFFC800  }
0xd5: {  	[hbm4b:s26+s2] =	stream.linear.scatter [tilespmem:s29], [sflag:$0x3], $0x3800, $0x38;
	[tilespmem:$0x1BB80] =	vst v63  }
0xd6: {  	_ =	swait.ge [sflag:s30], $0x3800  }
0xd7: {  	[sflag:s30] =	ssyncset.done $0x0  }
0xd8: {  	s21 =	simm.s32 @!p0 $0x300;
	s22 =	simm.s32 @!p0 $0x3;
	[sflag:s30] =	ssyncadd.s32 $0xFFFFC800  }
0xd9: {  	[tilespmem:s21], [sflag:$0x3] =	stream.linear.gather @!p0 [spmem:s11], $0x800, $0x38;
	[tilespmem:$0x1BB80] =	vst v63  }
0xda: {  	_ =	swait.ge @!p0 [sflag:s22], $0x800  }
0xdb: {  	[sflag:s22] =	ssyncset.done @!p0 $0x0  }
0xdc: {  	s23 =	simm.s32 @!p0 $0x0;
	s26 =	rddreg [dreg:$0xc];
	[sflag:s22] =	ssyncadd.s32 @!p0 $0xFFFFF800  }
0xdd: {  	[hbm4b:s26+s23] =	stream.linear.scatter @!p0 [tilespmem:s21], [sflag:$0x3], $0x800, $0x38;
	[tilespmem:$0x1BB80] =	vst v63  }
0xde: {  	_ =	swait.ge @!p0 [sflag:s22], $0x800  }
0xdf: {  	s19 =	sadd.s32 $0x1, s19;
	s28 =	rddreg [dreg:$0xd]  }
0xe0: {  	p1 =	sne.s32 s19, s28  }
.Ltmp1:
0xe1: {  	_ = 	snop;
	(pc) =	sbr.rel @p1 .LBB2_1-.Ltmp1, $3  }
0xe2: {  	_ =	sdelay $0x1  }
0xe3: {  	[sflag:s22] =	ssyncset.done @!p0 $0x0  }
0xe4: {  	[sflag:s22] =	ssyncadd.s32 @!p0 $0xFFFFF800  }
0xe5: {  	_ =	sfence.sel $0x180000  }
0xe6: {  	[bflag:$0x0] =	sbarrier.arrive $0xFFFF  }
0xe7: {  	_ =	strace $0x9000004A  }
0xe8: {  	[bflag:$0x2] =	sbarrier.arrive $0xFFFF  }
0xe9: {  	s0 =	rddreg [dreg:$0x2]  }
0xea: {  	s0 =	sadd.s32 @!p0 $0x100000, s0  }
0xeb: {  	[sflag:s0] =	ssyncadd.tile.s32 @!p0 $0x1;
	_ =	shalt  }
.Lfunc_end2:
_tile_overlayer_lowered:
.L_overlay_start_2:
0xec: {  	(tag) =	ssettag $0x2  }
0xed: {  	s0 =	rddreg [dreg:$0x0];
	s2 =	stileid.u32  }
0xee: {  	s1 =	rddreg [dreg:$0x1];
	p0 =	sne.s32 s2, $0x0  }
0xef: {  	s3 =	rddreg [dreg:$0x2];
	[bflag:$0x3] =	sbarrier.arrive $0xFFFF;
	s2 =	simm.s32 @!p0 $0x1C03  }
0xf0: {  	[timem:s3], [sflag:s2] =	dma.local @!p0 [hbm:s0], s1  }
0xf1: {  	s0 =	simm.s32 @!p0 $0x3  }
0xf2: {  	_ =	swait.ge @!p0 [sflag:s0], s1  }
0xf3: {  	s1 =	ssub.s32 @!p0 $0x0, s1;
	[sflag:s0] =	ssyncset.done @!p0 $0x0  }
0xf4: {  	[sflag:s0] =	ssyncadd.s32 @!p0 s1  }
0xf5: {  	[bflag:$0x3] =	sbarrier.arrive $0xFFFF  }
0xf6: {  	_ =	shalt  }

// kernel: kernel.16.cloned.1.call-start
scs
__scs_entry_jumppad:
0x0: {  	(pc) =	sbr.rel $0x88, $3  }
0x1: {  	(tag) =	ssettag $0x0;
	lr =	simm.s32 $0x1  }
0x2: {  	[smem:$0x3F97] =	sst lr;
	_ =	strace $0xD0000000  }
0x3: {  	_ = 	snop  }
0x4: {  	_ = 	snop  }
0x5: {  	_ = 	snop  }
0x6: {  	_ = 	snop  }
0x7: {  	_ = 	snop  }
__scs_overlays_trampoline_lowered:
0x8: {  	[smem:$0x3FA6] =	sst s0  }
0x9: {  	[smem:$0x3FA7] =	sst s1  }
0xa: {  	[smem:$0x3FA8] =	sst s2  }
0xb: {  	[smem:$0x3FA9] =	sst s3  }
0xc: {  	[smem:$0x3FAA] =	sst s4  }
0xd: {  	[smem:$0x3FAB] =	sst s5  }
0xe: {  	[smem:$0x3FAC] =	sst s6  }
0xf: {  	[smem:$0x3FAD] =	sst s7  }
0x10: {  	[smem:$0x3FAE] =	sst s8  }
0x11: {  	[smem:$0x3FAF] =	sst s9;
	s0 =	simm.s32 @!p0 $0x0  }
0x12: {  	s1 =	sld [smem:$0x3F95];
	s0 =	simm.s32 @p0 $0x1  }
0x13: {  	[smem:$0x3FB0] =	sst s0;
	s0 =	simm.s32 @!p1 $0x0  }
0x14: {  	s2 =	sld [smem:$0x3F94];
	s0 =	simm.s32 @p1 $0x1  }
0x15: {  	[smem:$0x3FB1] =	sst s0;
	s0 =	simm.s32 @!p2 $0x0  }
0x16: {  	s3 =	sld [smem:$0x3FDB];
	s0 =	simm.s32 @p2 $0x1  }
0x17: {  	s4 =	simm.s32 $0x1BF5;
	[smem:$0x3FB3] =	sst s0  }
0x18: {  	s0 =	sld [smem:$0x3F96];
	_ =	swait.ge [sflag:s4], $0x0  }
0x19: {  	s7 =	sld [smem:$0x3F97]  }
0x1a: {  	s8 =	sadd.s32 $0xFFFFE003, lr  }
0x1b: {  	s9 =	sadd.s32 $0xFFFFFEF7, lr;
	s5 =	simm.s32 $0xFFFFFFFF;
	p2 =	slt.u32 s8, $0xFFFFF086  }
0x1c: {  	p1 =	slt.u32 s9, $0xF7A;
	s5 =	simm.s32 @!p2 $0x0  }
0x1d: {  	s5 =	simm.s32 @p1 $0x1;
	p0 =	seq.s32 s7, s2  }
0x1e: {  	s7 =	smul.u32 @!p0 $0xF7A, s2;
	p2 =	seq.s32 @!p0 s5, $0x0  }
0x1f: {  	s9 =	smul.u32 $0xF7A, s1;
	s8 =	simm.s32 @!p0 $0x1BF5;
	p2 =	por !p2, p0  }
0x20: {  	[sflag:s8] =	ssyncset.s32 @!p0 $0xFFFFF086;
	s6 =	sadd.s32 @!p0 s3, s7;
	s7 =	simm.s32 @!p0 $0x108  }
0x21: {  	s3 =	sadd.s32 s3, s9;
	s6 =	sadd.s32 @!p0 $0x88, s6;
	s7 =	simm.s32 @p2 $0x1082  }
0x22: {  	[simem:s7], [sflag:s8] =	dma.local @!p0 [hbm:s6], $0xF7A  }
0x23: {  	s9 =	sor.u32 $0xD0000000, s2;
	s6 =	simm.s32 $0x108;
	_ =	swait.ge @!p0 [sflag:s8], $0x0  }
0x24: {  	s3 =	sadd.s32 $0x88, s3;
	s6 =	simm.s32 @!p1 $0x1082;
	[sflag:s4] =	ssyncset.s32 $0xFFFFF086  }
0x25: {  	[simem:s6], [sflag:s4] =	dma.local [hbm:s3], $0xF7A  }
0x26: {  	[smem:$0x3F97] =	sst s1;
	(tag) =	ssettag s2;
	_ =	strace s9  }
0x27: {  	s1 =	sld [smem:$0x3FA7]  }
0x28: {  	s2 =	sld [smem:$0x3FA8]  }
0x29: {  	s4 =	sld [smem:$0x3FAA]  }
0x2a: {  	p0 =	seq.s32 s5, $0x0;
	s5 =	sld [smem:$0x3FAB]  }
0x2b: {  	s6 =	sld [smem:$0x3FAC]  }
0x2c: {  	s7 =	sld [smem:$0x3FAD]  }
0x2d: {  	s3 =	simm.s32 $0x108;
	s8 =	sld [smem:$0x3FAE]  }
0x2e: {  	s3 =	simm.s32 @!p0 $0x1082;
	s9 =	sld [smem:$0x3FAF]  }
0x2f: {  	lr =	sadd.s32 s0, s3;
	s0 =	sld [smem:$0x3FA6]  }
0x30: {  	s3 =	sld [smem:$0x3FA9]  }
0x31: {  	[smem:$0x3FB2] =	sst s10  }
0x32: {  	s10 =	sld [smem:$0x3FB0];
	_ =	sdelay $0x3  }
0x33: {  	p0 =	seq.s32 s10, $0x1;
	s10 =	sld [smem:$0x3FB2];
	_ =	sdelay $0x3  }
0x34: {  	[smem:$0x3FB2] =	sst s10  }
0x35: {  	s10 =	sld [smem:$0x3FB1];
	_ =	sdelay $0x3  }
0x36: {  	p1 =	seq.s32 s10, $0x1;
	s10 =	sld [smem:$0x3FB2];
	_ =	sdelay $0x3  }
0x37: {  	[smem:$0x3FB2] =	sst s10  }
0x38: {  	s10 =	sld [smem:$0x3FB3]  }
0x39: {  	_ = 	snop;
	(pc) =	sbr.ind lr, $3  }
0x3a: {  	_ = 	snop  }
0x3b: {  	_ = 	snop  }
0x3c: {  	p2 =	seq.s32 s10, $0x1;
	s10 =	sld [smem:$0x3FB2]  }
0x3d: {  	_ =	shalt  }
0x3e: {  	_ =	shalt  }
0x3f: {  	_ =	shalt  }
0x40: {  	_ =	shalt  }
0x41: {  	_ =	shalt  }
0x42: {  	_ =	shalt  }
0x43: {  	_ =	shalt  }
0x44: {  	_ =	shalt  }
0x45: {  	_ =	shalt  }
0x46: {  	_ =	shalt  }
0x47: {  	_ =	shalt  }
0x48: {  	_ =	shalt  }
0x49: {  	_ =	shalt  }
0x4a: {  	_ =	shalt  }
0x4b: {  	_ =	shalt  }
0x4c: {  	_ =	shalt  }
0x4d: {  	_ =	shalt  }
0x4e: {  	_ =	shalt  }
0x4f: {  	_ =	shalt  }
0x50: {  	_ =	shalt  }
0x51: {  	_ =	shalt  }
0x52: {  	_ =	shalt  }
0x53: {  	_ =	shalt  }
0x54: {  	_ =	shalt  }
0x55: {  	_ =	shalt  }
0x56: {  	_ =	shalt  }
0x57: {  	_ =	shalt  }
0x58: {  	_ =	shalt  }
0x59: {  	_ =	shalt  }
0x5a: {  	_ =	shalt  }
0x5b: {  	_ =	shalt  }
0x5c: {  	_ =	shalt  }
0x5d: {  	_ =	shalt  }
0x5e: {  	_ =	shalt  }
0x5f: {  	_ =	shalt  }
0x60: {  	_ =	shalt  }
0x61: {  	_ =	shalt  }
0x62: {  	_ =	shalt  }
0x63: {  	_ =	shalt  }
0x64: {  	_ =	shalt  }
0x65: {  	_ =	shalt  }
0x66: {  	_ =	shalt  }
0x67: {  	_ =	shalt  }
0x68: {  	_ =	shalt  }
0x69: {  	_ =	shalt  }
0x6a: {  	_ =	shalt  }
0x6b: {  	_ =	shalt  }
0x6c: {  	_ =	shalt  }
0x6d: {  	_ =	shalt  }
0x6e: {  	_ =	shalt  }
0x6f: {  	_ =	shalt  }
0x70: {  	_ =	shalt  }
0x71: {  	_ =	shalt  }
0x72: {  	_ =	shalt  }
0x73: {  	_ =	shalt  }
0x74: {  	_ =	shalt  }
0x75: {  	_ =	shalt  }
0x76: {  	_ =	shalt  }
0x77: {  	_ =	shalt  }
0x78: {  	_ =	shalt  }
0x79: {  	_ =	shalt  }
0x7a: {  	_ =	shalt  }
0x7b: {  	_ =	shalt  }
0x7c: {  	_ =	shalt  }
0x7d: {  	_ =	shalt  }
0x7e: {  	_ =	shalt  }
0x7f: {  	_ =	shalt  }
0x80: {  	_ =	shalt  }
0x81: {  	_ =	shalt  }
0x82: {  	_ =	shalt  }
0x83: {  	_ =	shalt  }
0x84: {  	_ =	shalt  }
0x85: {  	_ =	shalt  }
0x86: {  	_ =	shalt  }
0x87: {  	_ =	shalt  }
.Lfunc_end0:
.L_simem_size_0:
called_computation.2_lowered:
.L_overlay_start_0:
0x88: {  	s2 =	sld [smem:$0x3FD9]  }
0x89: {  	s3 =	sld [smem:$0x3FFE];
	_ =	sdelay $0x1  }
0x8a: {  	s1 =	srdreg.scid  }
0x8b: {  	s0 =	sand.u32 $0x1, s1  }
0x8c: {  	s16 =	sshll.u32 s0, $0xA;
	s2 =	sadd.s32 s3, s2  }
0x8d: {  	s2 =	sadd.s32 s2, s16  }
0x8e: {  	[smem:$0x3FBE] =	sst s2  }
0x8f: {  	_ = 	snop  }
0x90: {  	(tm) =	ssettm $0x1  }
0x91: {  	s17 =	sld [smem:$0x3FFB];
	_ =	sdelay $0x3  }
0x92: {  	_ =	strace s17  }
0x93: {  	s2 =	sld [smem:$0x3FFC];
	_ =	sdelay $0x3  }
0x94: {  	_ =	strace s2  }
0x95: {  	s2 =	sld [smem:$0x3FFD];
	_ =	sdelay $0x3  }
0x96: {  	_ =	strace s2  }
0x97: {  	_ =	strace $0x8FFFFFFF  }
0x98: {  	s18 =	sld [smem:$0x3FDB];
	_ =	sdelay $0x1  }
0x99: {  	s19 =	simm.s32 $_scs_section_size  }
0x9a: {  	s4 =	simm.s32 $_size__tile_overlayer_lowered;
	s5 =	simm.s32 $_tile_overlayer_lowered  }
0x9b: {  	s22 =	simm.s32 $0x1BFF;
	s21 =	sshll.u32 s5, $0x1;
	s2 =	sadd.s32 s19, s18  }
0x9c: {  	s6 =	simm.s32 $0x0;
	s20 =	sshll.u32 s4, $0x1;
	s4 =	sadd.s32 s21, s2  }
0x9d: {  	[timem:s6], [sflag:s22] =	dma.local [hbm:s4], s20  }
0x9e: {  	_ =	swait.ge [sflag:s22], s20  }
0x9f: {  	s3 =	ssub.s32 $0x0, s20;
	[sflag:s22] =	ssyncset.done $0x0  }
0xa0: {  	[sflag:s22] =	ssyncadd.s32 s3;
	_ =	sdelay $0x1  }
0xa1: {  	s23 =	simm.s32 $0x1B8B  }
0xa2: {  	_ =	swait.ge [sflag:s23], $0x1  }
0xa3: {  	[sflag:s23] =	ssyncset.done $0x0  }
0xa4: {  	s25 =	simm.s32 $0x1B8E;
	s24 =	sld [smem:$0x3FFE];
	[sflag:s23] =	ssyncadd.s32 $0xFFFFFFFF  }
0xa5: {  	s26 =	simm.s32 $execute0_lowered;
	[smem:$0x3FD2] =	sst s25  }
0xa6: {  	s4 =	sshll.u32 s26, $0x1;
	_ =	strace $0x8000004C;
	[dreg:$0x1] =	wrdreg $0xFFFFFFFF  }
0xa7: {  	s28 =	simm.s32 $_size_execute0_lowered;
	s2 =	sadd.s32 s2, s4;
	[dreg:$0x0] =	wrdreg $0x0  }
0xa8: {  	s4 =	sshll.u32 s28, $0x1;
	[dreg:$0x2] =	wrdreg s2  }
0xa9: {  	[dreg:$0x3] =	wrdreg s4  }
0xaa: {  	[dreg:$0x4] =	wrdreg $0xC0  }
0xab: {  	_ =	task [dreg:s6], $0x5FFFF  }
0xac: {  	[dreg:$0x1] =	wrdreg $0xFFFFFFFF  }
0xad: {  	[dreg:$0x0] =	wrdreg $0x60  }
0xae: {  	[dreg:$0x2] =	wrdreg s24  }
0xaf: {  	[dreg:$0x3] =	wrdreg $0x83000  }
0xb0: {  	[dreg:$0x4] =	wrdreg $0x9  }
0xb1: {  	_ =	task.clear_ibuf [dreg:s6], $0x5FFFF;
	_ =	strace $0x9000004C  }
0xb2: {  	s29 =	simm.s32 $0x9;
	_ =	strace $0x8000004E  }
0xb3: {  	_ =	swait.ge [sflag:s29], $0x1  }
0xb4: {  	[sflag:s29] =	ssyncadd.s32 $0xFFFFFFFF  }
0xb5: {  	_ =	strace $0x9000004E  }
0xb6: {  	_ =	sfence  }
0xb7: {  	s30 =	sld [smem:$0x0];
	_ =	sdelay $0x2  }
0xb8: {  	s31 =	sshll.u32 s1, $0xD;
	s1 =	sshrl.u32 s1, $0x2  }
0xb9: {  	s3 =	sand.u32 $0x4000, s31;
	s1 =	sadd.s32 s1, s30  }
0xba: {  	s0 =	sor.u32 s3, s0;
	s1 =	sshll.u32 s1, $0x11  }
0xbb: {  	s0 =	sor.u32 s1, s0  }
0xbc: {  	s0 =	sadd.s32 $0x8F2B, s0  }
0xbd: {  	[sflag:s0] =	ssyncadd.remote.s32 $0x1  }
0xbe: {  	_ =	sfence.sel $0xFFFF  }
0xbf: {  	[dreg:$0x0] =	wrdreg $0xFFFFFFFF;
	(pc) =	sbr.abs _section_cstart, $3  }
0xc0: {  	[dreg:$0x1] =	wrdreg $0xFFFFFFFF  }
0xc1: {  	_ =	task.clear_ibuf [dreg:s6], $0x2FFFF;
	_ =	strace $0x9FFFFFFF  }
0xc2: {  	(tm) =	ssettm $0x7FFFFFFF  }
0xc3: {  	_ =	shalt  }
tec
execute0_lowered:
.L_overlay_start_1:
0x0: {  	(tag) =	ssettag $0x1  }
0x1: {  	s0 =	rddreg [dreg:$0x0]  }
0x2: {  	s1 =	rddreg [dreg:$0x1];
	s2 =	simm.s32 $0x0;
	s6 =	srdreg.scid  }
0x3: {  	s12 =	stileid.u32;
	s29 =	simm.s32 $0x300;
	s30 =	simm.s32 $0x3  }
0x4: {  	s31 =	simm.s32 $0x80;
	[smem:$0x7FF] =	sst s2;
	s3 =	sadd.s32 $0x11800, s0  }
0x5: {  	s5 =	sadd.s32 $0x2A00, s0;
	s4 =	sadd.s32 $0x1BE00, s0;
	s25 =	smul.u32 $0x4E000, s12  }
0x6: {  	s13 =	sand.u32 $0x1, s6;
	s7 =	sadd.s32 $0x1B600, s0;
	s14 =	smul.u32 $0x2710, s12  }
0x7: {  	s0 =	sadd.s32 $0xDFC00, s0;
	s17 =	smul.u32 $0x270, s12;
	s11 =	sadd.s32 $0x138000, s1  }
0x8: {  	p0 =	sne.s32 s12, $0x0;
	_ =	strace $0x8000004D;
	s16 =	smul.u32 $0x27100, s13  }
0x9: {  	[dreg:$0x3] =	wrdreg s7;
	s26 =	ssub.s32 $0x2, s13;
	s28 =	smul.u32 $0x2710, s13  }
0xa: {  	s13 =	smul.u32 $0x138800, s13;
	s8 =	sshrl.u32 s26, $0x1;
	s6 =	sshrl.u32 s25, $0x2  }
0xb: {  	s20 =	sshrl.u32 s14, $0x3;
	s15 =	ssub.s32 s26, s8;
	s6 =	sadd.s32 s6, s1  }
0xc: {  	s19 =	sadd.s32 s14, s16;
	s20 =	sadd.s32 s5, s20;
	s14 =	sadd.s32 $0x2700, s14  }
0xd: {  	s13 =	sshrl.u32 s13, $0x3;
	s7 =	sadd.s32 $0x4000, s6;
	s8 =	sadd.s32 $0x8000, s6  }
0xe: {  	s9 =	sadd.s32 $0xC000, s6;
	s10 =	sadd.s32 $0x10000, s6;
	s18 =	sshrl.u32 s19, $0x3  }
0xf: {  	s16 =	sadd.s32 s16, s14;
	[dreg:$0x5] =	wrdreg s20;
	s20 =	sadd.s32 $0x10, s20  }
0x10: {  	s14 =	sshrl.u32 s14, $0x3;
	s23 =	sadd.s32 $0x180, s19;
	s25 =	smax.u32 s15, $0x1  }
0x11: {  	s24 =	sadd.s32 $0x100, s19;
	s15 =	simm.s32 $0x1;
	[dreg:$0x7] =	wrdreg s20  }
0x12: {  	s19 =	simm.s32 $0x0;
	s18 =	sadd.s32 s3, s18;
	[dreg:$0xd] =	wrdreg s25  }
0x13: {  	s16 =	sshrl.u32 s16, $0x3;
	s14 =	sadd.s32 s5, s14;
	[dreg:$0x4] =	wrdreg s18  }
0x14: {  	s20 =	smul.u32 $0x4E2, s12;
	s18 =	sadd.s32 $0x10, s18;
	[dreg:$0x9] =	wrdreg s14  }
0x15: {  	s16 =	sadd.s32 s3, s16;
	[dreg:$0x6] =	wrdreg s18;
	s18 =	sadd.s32 s17, s28  }
0x16: {  	s12 =	simm.s32 $0x200;
	[dreg:$0x8] =	wrdreg s16;
	s16 =	sshll.u32 s18, $0x4  }
0x17: {  	s14 =	simm.s32 $0x4300;
	s20 =	sadd.s32 s20, s5;
	s18 =	sadd.s32 s0, s16  }
0x18: {  	s5 =	simm.s32 $0x180;
	s17 =	simm.s32 $0x10;
	s21 =	sadd.s32 $0x800, s18  }
0x19: {  	s0 =	sadd.s32 s0, s13;
	s22 =	sadd.s32 $0x1000, s18;
	[dreg:$0xa] =	wrdreg s21  }
0x1a: {  	s16 =	simm.s32 $0x2;
	s0 =	sadd.s32 $0x27000, s0;
	[dreg:$0xb] =	wrdreg s22  }
0x1b: {  	s13 =	simm.s32 $0x280;
	s26 =	sadd.s32 $0x1800, s18;
	[dreg:$0xc] =	wrdreg s0  }
0x1c: {  	s28 =	sadd.s32 $0x2000, s18;
	s0 =	sshrl.u32 s23, $0x3;
	[dreg:$0xe] =	wrdreg s26  }
0x1d: {  	[dreg:$0xf] =	wrdreg s28;
	s25 =	sadd.s32 s0, s3;
	s0 =	simm.s32 $0x100  }
.LBB2_1:
0x1e: {  	s21 =	rddreg [dreg:$0x3]  }
0x1f: {  	[tilespmem:s29], [sflag:$0x3] =	stream.linear.gather [hbm4b:s21+s2], $0x4000, $0x38;
	[tilespmem:$0x1BB80] =	vst v63  }
0x20: {  	_ =	swait.ge [sflag:s30], $0x4000  }
0x21: {  	[sflag:s30] =	ssyncset.done $0x0  }
0x22: {  	[sflag:s30] =	ssyncadd.s32 $0xFFFFC000  }
0x23: {  	[spmem:s6] =	stream.linear.scatter [tilespmem:s29], [sflag:$0x3], $0x4000, $0x38;
	[tilespmem:$0x1BB80] =	vst v63  }
0x24: {  	_ =	swait.ge [sflag:s30], $0x4000  }
0x25: {  	[sflag:s30] =	ssyncset.done $0x0  }
0x26: {  	[sflag:s30] =	ssyncadd.s32 $0xFFFFC000  }
0x27: {  	[spmem:s7] =	stream.linear.scatter [tilespmem:s29], [sflag:$0x3], $0x4000, $0x38;
	[tilespmem:$0x1BB80] =	vst v63  }
0x28: {  	_ =	swait.ge [sflag:s30], $0x4000  }
0x29: {  	[sflag:s30] =	ssyncset.done $0x0  }
0x2a: {  	[sflag:s30] =	ssyncadd.s32 $0xFFFFC000  }
0x2b: {  	[spmem:s8] =	stream.linear.scatter [tilespmem:s29], [sflag:$0x3], $0x4000, $0x38;
	[tilespmem:$0x1BB80] =	vst v63  }
0x2c: {  	_ =	swait.ge [sflag:s30], $0x4000  }
0x2d: {  	[sflag:s30] =	ssyncset.done $0x0  }
0x2e: {  	[sflag:s30] =	ssyncadd.s32 $0xFFFFC000  }
0x2f: {  	[spmem:s9] =	stream.linear.scatter [tilespmem:s29], [sflag:$0x3], $0x4000, $0x38;
	[tilespmem:$0x1BB80] =	vst v63  }
0x30: {  	_ =	swait.ge [sflag:s30], $0x4000  }
0x31: {  	[sflag:s30] =	ssyncset.done $0x0  }
0x32: {  	[sflag:s30] =	ssyncadd.s32 $0xFFFFC000  }
0x33: {  	[spmem:s10] =	stream.linear.scatter [tilespmem:s29], [sflag:$0x3], $0x3800, $0x38;
	[tilespmem:$0x1BB80] =	vst v63  }
0x34: {  	_ =	swait.ge [sflag:s30], $0x3800  }
0x35: {  	[sflag:s30] =	ssyncset.done $0x0  }
0x36: {  	s21 =	simm.s32 @!p0 $0x300;
	[sflag:s30] =	ssyncadd.s32 $0xFFFFC800  }
0x37: {  	[spmem:s11] =	stream.linear.scatter @!p0 [tilespmem:s21], [sflag:$0x3], $0x800, $0x38;
	[tilespmem:$0x1BB80] =	vst v63  }
0x38: {  	s21 =	simm.s32 @!p0 $0x3  }
0x39: {  	_ =	swait.ge @!p0 [sflag:s21], $0x800  }
0x3a: {  	[sflag:s21] =	ssyncset.done @!p0 $0x0  }
0x3b: {  	[sflag:s21] =	ssyncadd.s32 @!p0 $0xFFFFF800  }
0x3c: {  	[bflag:$0x0] =	sbarrier.arrive $0xFFFF  }
0x3d: {  	s23 =	rddreg [dreg:$0x4]  }
0x3e: {  	[tilespmem:s2], [sflag:$0x3] =	stream.linear.gather [hbm4b:s23+s2], $0x80, $0x38;
	[tilespmem:$0x1BB80] =	vst v63  }
0x3f: {  	_ =	swait.ge [sflag:s30], $0x80  }
0x40: {  	[sflag:s30] =	ssyncset.done $0x0  }
0x41: {  	s26 =	rddreg [dreg:$0x5];
	[sflag:s30] =	ssyncadd.s32 $0xFFFFFF80  }
0x42: {  	[tilespmem:s31], [sflag:$0x3] =	stream.linear.gather [hbm4b:s26+s2], $0x80, $0x38;
	[tilespmem:$0x1BB80] =	vst v63  }
0x43: {  	_ =	swait.ge [sflag:s30], $0x80  }
0x44: {  	[sflag:s30] =	ssyncset.done $0x0  }
0x45: {  	[sflag:s30] =	ssyncadd.s32 $0xFFFFFF80  }
0x46: {  	[tilespmem:s29], [sflag:$0x1] =	stream.indirect.gather [hbm4b:s4+s31], $0x80, s2, s31, $0xb8;
	[tilespmem:$0x1BB80] =	vst v63  }
0x47: {  	s28 =	rddreg [dreg:$0x6]  }
0x48: {  	[tilespmem:s0], [sflag:$0x3] =	stream.linear.gather [hbm4b:s28+s2], $0x80, $0x38;
	[tilespmem:$0x1BB80] =	vst v63  }
0x49: {  	_ =	swait.ge [sflag:s30], $0x80  }
0x4a: {  	[sflag:s30] =	ssyncset.done $0x0  }
0x4b: {  	s22 =	rddreg [dreg:$0x7];
	[sflag:s30] =	ssyncadd.s32 $0xFFFFFF80  }
0x4c: {  	[tilespmem:s5], [sflag:$0x3] =	stream.linear.gather [hbm4b:s22+s2], $0x80, $0x38;
	[tilespmem:$0x1BB80] =	vst v63  }
0x4d: {  	_ =	swait.ge [sflag:s30], $0x80  }
0x4e: {  	[sflag:s30] =	ssyncset.done $0x0  }
0x4f: {  	[sflag:s30] =	ssyncadd.s32 $0xFFFFFF80  }
0x50: {  	[tilespmem:s14], [sflag:$0x2] =	stream.indirect.gather [hbm4b:s4+s31], $0x80, s0, s31, $0xb8;
	[tilespmem:$0x1BB80] =	vst v63  }
0x51: {  	_ =	swait.ge [sflag:s15], $0x4000  }
0x52: {  	[sflag:s15] =	ssyncset.done $0x0  }
0x53: {  	[sflag:s15] =	ssyncadd.s32 $0xFFFFC000  }
0x54: {  	[spmem:s1] =	stream.indirect.scatter.add.f32 [tilespmem:s29], [sflag:$0x3], $0x80, s31, s31, $0xb8;
	[tilespmem:$0x1BB80] =	vst v63  }
0x55: {  	_ =	swait.ge [sflag:s30], $0x4000  }
0x56: {  	s23 =	sshrl.u32 s24, $0x3;
	[sflag:s30] =	ssyncset.done $0x0  }
0x57: {  	s21 =	sadd.s32 s3, s23;
	[sflag:s30] =	ssyncadd.s32 $0xFFFFC000  }
0x58: {  	[tilespmem:s2], [sflag:$0x3] =	stream.linear.gather [hbm4b:s21+s2], $0x80, $0x38;
	[tilespmem:$0x1BB80] =	vst v63  }
0x59: {  	_ =	swait.ge [sflag:s30], $0x80  }
0x5a: {  	s26 =	sadd.s32 $0x0, s20;
	[sflag:s30] =	ssyncset.done $0x0  }
0x5b: {  	s22 =	sadd.s32 $0x20, s26;
	[sflag:s30] =	ssyncadd.s32 $0xFFFFFF80  }
0x5c: {  	[tilespmem:s31], [sflag:$0x3] =	stream.linear.gather [hbm4b:s22+s2], $0x80, $0x38;
	[tilespmem:$0x1BB80] =	vst v63  }
0x5d: {  	_ =	swait.ge [sflag:s30], $0x80  }
0x5e: {  	[sflag:s30] =	ssyncset.done $0x0  }
0x5f: {  	[sflag:s30] =	ssyncadd.s32 $0xFFFFFF80  }
0x60: {  	[tilespmem:s29], [sflag:$0x1] =	stream.indirect.gather [hbm4b:s4+s31], $0x80, s2, s31, $0xb8;
	[tilespmem:$0x1BB80] =	vst v63  }
0x61: {  	_ =	swait.ge [sflag:s16], $0x4000  }
0x62: {  	[sflag:s16] =	ssyncset.done $0x0  }
0x63: {  	[sflag:s16] =	ssyncadd.s32 $0xFFFFC000  }
0x64: {  	[spmem:s1] =	stream.indirect.scatter.add.f32 [tilespmem:s14], [sflag:$0x3], $0x80, s5, s31, $0xb8;
	[tilespmem:$0x1BB80] =	vst v63  }
0x65: {  	_ =	swait.ge [sflag:s30], $0x4000  }
0x66: {  	[sflag:s30] =	ssyncset.done $0x0  }
0x67: {  	s28 =	sadd.s32 $0x0, s25;
	[sflag:s30] =	ssyncadd.s32 $0xFFFFC000  }
0x68: {  	[tilespmem:s0], [sflag:$0x3] =	stream.linear.gather [hbm4b:s28+s2], $0x80, $0x38;
	[tilespmem:$0x1BB80] =	vst v63  }
0x69: {  	_ =	swait.ge [sflag:s30], $0x80  }
0x6a: {  	[sflag:s30] =	ssyncset.done $0x0  }
0x6b: {  	s21 =	sadd.s32 $0x30, s26;
	[sflag:s30] =	ssyncadd.s32 $0xFFFFFF80  }
0x6c: {  	[tilespmem:s5], [sflag:$0x3] =	stream.linear.gather [hbm4b:s21+s2], $0x80, $0x38;
	[tilespmem:$0x1BB80] =	vst v63  }
0x6d: {  	_ =	swait.ge [sflag:s30], $0x80  }
0x6e: {  	[sflag:s30] =	ssyncset.done $0x0  }
0x6f: {  	s22 =	sadd.s32 $0x100, s24;
	s21 =	simm.s32 $0x20;
	[sflag:s30] =	ssyncadd.s32 $0xFFFFFF80  }
.LBB2_2:
0x70: {  	[tilespmem:s14], [sflag:$0x2] =	stream.indirect.gather [hbm4b:s4+s31], $0x80, s0, s31, $0xb8;
	[tilespmem:$0x1BB80] =	vst v63  }
0x71: {  	s23 =	smov.u32 s21  }
0x72: {  	p1 =	sne.s32 s21, $0x4A0;
	s21 =	sadd.s32 $0x20, s21;
	_ =	swait.ge [sflag:s15], $0x4000  }
0x73: {  	[sflag:s15] =	ssyncset.done $0x0  }
0x74: {  	[sflag:s15] =	ssyncadd.s32 $0xFFFFC000  }
0x75: {  	[spmem:s1] =	stream.indirect.scatter.add.f32 [tilespmem:s29], [sflag:$0x3], $0x80, s31, s31, $0xb8;
	[tilespmem:$0x1BB80] =	vst v63  }
0x76: {  	_ =	swait.ge [sflag:s30], $0x4000  }
0x77: {  	s26 =	sshrl.u32 s22, $0x3;
	[sflag:s30] =	ssyncset.done $0x0  }
0x78: {  	s26 =	sadd.s32 s3, s26;
	[sflag:s30] =	ssyncadd.s32 $0xFFFFC000  }
0x79: {  	[tilespmem:s2], [sflag:$0x3] =	stream.linear.gather [hbm4b:s26+s2], $0x80, $0x38;
	[tilespmem:$0x1BB80] =	vst v63  }
0x7a: {  	_ =	swait.ge [sflag:s30], $0x80  }
0x7b: {  	s26 =	sadd.s32 s23, s20;
	[sflag:s30] =	ssyncset.done $0x0  }
0x7c: {  	s28 =	sadd.s32 $0x20, s26;
	[sflag:s30] =	ssyncadd.s32 $0xFFFFFF80  }
0x7d: {  	[tilespmem:s31], [sflag:$0x3] =	stream.linear.gather [hbm4b:s28+s2], $0x80, $0x38;
	[tilespmem:$0x1BB80] =	vst v63  }
0x7e: {  	_ =	swait.ge [sflag:s30], $0x80  }
0x7f: {  	[sflag:s30] =	ssyncset.done $0x0  }
0x80: {  	[sflag:s30] =	ssyncadd.s32 $0xFFFFFF80  }
0x81: {  	[tilespmem:s29], [sflag:$0x1] =	stream.indirect.gather [hbm4b:s4+s31], $0x80, s2, s31, $0xb8;
	[tilespmem:$0x1BB80] =	vst v63  }
0x82: {  	_ =	swait.ge [sflag:s16], $0x4000  }
0x83: {  	[sflag:s16] =	ssyncset.done $0x0  }
0x84: {  	[sflag:s16] =	ssyncadd.s32 $0xFFFFC000  }
0x85: {  	[spmem:s1] =	stream.indirect.scatter.add.f32 [tilespmem:s14], [sflag:$0x3], $0x80, s5, s31, $0xb8;
	[tilespmem:$0x1BB80] =	vst v63  }
0x86: {  	_ =	swait.ge [sflag:s30], $0x4000  }
0x87: {  	[sflag:s30] =	ssyncset.done $0x0  }
0x88: {  	s23 =	sadd.s32 s23, s25;
	[sflag:s30] =	ssyncadd.s32 $0xFFFFC000  }
0x89: {  	[tilespmem:s0], [sflag:$0x3] =	stream.linear.gather [hbm4b:s23+s2], $0x80, $0x38;
	[tilespmem:$0x1BB80] =	vst v63  }
0x8a: {  	_ =	swait.ge [sflag:s30], $0x80  }
0x8b: {  	[sflag:s30] =	ssyncset.done $0x0  }
.Ltmp0:
0x8c: {  	s23 =	sadd.s32 $0x30, s26;
	[sflag:s30] =	ssyncadd.s32 $0xFFFFFF80;
	(pc) =	sbr.rel @p1 .LBB2_2-.Ltmp0, $4  }
0x8d: {  	[tilespmem:s5], [sflag:$0x3] =	stream.linear.gather [hbm4b:s23+s2], $0x80, $0x38;
	[tilespmem:$0x1BB80] =	vst v63  }
0x8e: {  	_ =	swait.ge [sflag:s30], $0x80  }
0x8f: {  	[sflag:s30] =	ssyncset.done $0x0  }
0x90: {  	s22 =	sadd.s32 $0x100, s22;
	[sflag:s30] =	ssyncadd.s32 $0xFFFFFF80  }
0x91: {  	[tilespmem:s14], [sflag:$0x2] =	stream.indirect.gather [hbm4b:s4+s31], $0x80, s0, s31, $0xb8;
	[tilespmem:$0x1BB80] =	vst v63  }
0x92: {  	_ =	swait.ge [sflag:s15], $0x4000  }
0x93: {  	[sflag:s15] =	ssyncset.done $0x0  }
0x94: {  	[sflag:s15] =	ssyncadd.s32 $0xFFFFC000  }
0x95: {  	[spmem:s1] =	stream.indirect.scatter.add.f32 [tilespmem:s29], [sflag:$0x3], $0x80, s31, s31, $0xb8;
	[tilespmem:$0x1BB80] =	vst v63  }
0x96: {  	_ =	swait.ge [sflag:s30], $0x4000  }
0x97: {  	[sflag:s30] =	ssyncset.done $0x0  }
0x98: {  	[sflag:s30] =	ssyncadd.s32 $0xFFFFC000  }
0x99: {  	_ =	swait.ge [sflag:s16], $0x4000  }
0x9a: {  	[sflag:s16] =	ssyncset.done $0x0  }
0x9b: {  	[sflag:s16] =	ssyncadd.s32 $0xFFFFC000  }
0x9c: {  	[spmem:s1] =	stream.indirect.scatter.add.f32 [tilespmem:s14], [sflag:$0x3], $0x80, s5, s31, $0xb8;
	[tilespmem:$0x1BB80] =	vst v63  }
0x9d: {  	_ =	swait.ge [sflag:s30], $0x4000  }
0x9e: {  	[sflag:s30] =	ssyncset.done $0x0  }
0x9f: {  	s21 =	rddreg [dreg:$0x8];
	[sflag:s30] =	ssyncadd.s32 $0xFFFFC000  }
0xa0: {  	[tilespmem:s12], [sflag:$0x3] =	stream.linear.gather [hbm4b:s21+s2], $0x10, $0x38;
	[tilespmem:$0x1BB80] =	vst v63  }
0xa1: {  	_ =	swait.ge [sflag:s30], $0x10  }
0xa2: {  	[sflag:s30] =	ssyncset.done $0x0  }
0xa3: {  	s26 =	rddreg [dreg:$0x9];
	[sflag:s30] =	ssyncadd.s32 $0xFFFFFFF0  }
0xa4: {  	[tilespmem:s13], [sflag:$0x3] =	stream.linear.gather [hbm4b:s26+s2], $0x10, $0x38;
	[tilespmem:$0x1BB80] =	vst v63  }
0xa5: {  	_ =	swait.ge [sflag:s30], $0x10  }
0xa6: {  	[sflag:s30] =	ssyncset.done $0x0  }
0xa7: {  	[sflag:s30] =	ssyncadd.s32 $0xFFFFFFF0  }
0xa8: {  	[tilespmem:s29], [sflag:$0x1] =	stream.indirect.gather [hbm4b:s4+s17], $0x80, s12, s17, $0xb8;
	[tilespmem:$0x1BB80] =	vst v63  }
0xa9: {  	_ =	swait.ge [sflag:s15], $0x800  }
0xaa: {  	[sflag:s15] =	ssyncset.done $0x0  }
0xab: {  	[sflag:s15] =	ssyncadd.s32 $0xFFFFF800  }
0xac: {  	[spmem:s1] =	stream.indirect.scatter.add.f32 [tilespmem:s29], [sflag:$0x3], $0x80, s13, s17, $0xb8;
	[tilespmem:$0x1BB80] =	vst v63  }
0xad: {  	_ =	swait.ge [sflag:s30], $0x800  }
0xae: {  	[sflag:s30] =	ssyncset.done $0x0  }
0xaf: {  	[sflag:s30] =	ssyncadd.s32 $0xFFFFF800  }
0xb0: {  	[bflag:$0x0] =	sbarrier.arrive $0xFFFF  }
0xb1: {  	[tilespmem:s29], [sflag:$0x3] =	stream.linear.gather [spmem:s6], $0x4000, $0x38;
	[tilespmem:$0x1BB80] =	vst v63  }
0xb2: {  	_ =	swait.ge [sflag:s30], $0x4000  }
0xb3: {  	[sflag:s30] =	ssyncset.done $0x0  }
0xb4: {  	[sflag:s30] =	ssyncadd.s32 $0xFFFFC000  }
0xb5: {  	[hbm4b:s18+s2] =	stream.linear.scatter [tilespmem:s29], [sflag:$0x3], $0x4000, $0x38;
	[tilespmem:$0x1BB80] =	vst v63  }
0xb6: {  	_ =	swait.ge [sflag:s30], $0x4000  }
0xb7: {  	[sflag:s30] =	ssyncset.done $0x0  }
0xb8: {  	[sflag:s30] =	ssyncadd.s32 $0xFFFFC000  }
0xb9: {  	[tilespmem:s29], [sflag:$0x3] =	stream.linear.gather [spmem:s7], $0x4000, $0x38;
	[tilespmem:$0x1BB80] =	vst v63  }
0xba: {  	_ =	swait.ge [sflag:s30], $0x4000  }
0xbb: {  	[sflag:s30] =	ssyncset.done $0x0  }
0xbc: {  	s28 =	rddreg [dreg:$0xa];
	[sflag:s30] =	ssyncadd.s32 $0xFFFFC000  }
0xbd: {  	[hbm4b:s28+s2] =	stream.linear.scatter [tilespmem:s29], [sflag:$0x3], $0x4000, $0x38;
	[tilespmem:$0x1BB80] =	vst v63  }
0xbe: {  	_ =	swait.ge [sflag:s30], $0x4000  }
0xbf: {  	[sflag:s30] =	ssyncset.done $0x0  }
0xc0: {  	[sflag:s30] =	ssyncadd.s32 $0xFFFFC000  }
0xc1: {  	[tilespmem:s29], [sflag:$0x3] =	stream.linear.gather [spmem:s8], $0x4000, $0x38;
	[tilespmem:$0x1BB80] =	vst v63  }
0xc2: {  	_ =	swait.ge [sflag:s30], $0x4000  }
0xc3: {  	[sflag:s30] =	ssyncset.done $0x0  }
0xc4: {  	s22 =	rddreg [dreg:$0xb];
	[sflag:s30] =	ssyncadd.s32 $0xFFFFC000  }
0xc5: {  	[hbm4b:s22+s2] =	stream.linear.scatter [tilespmem:s29], [sflag:$0x3], $0x4000, $0x38;
	[tilespmem:$0x1BB80] =	vst v63  }
0xc6: {  	_ =	swait.ge [sflag:s30], $0x4000  }
0xc7: {  	[sflag:s30] =	ssyncset.done $0x0  }
0xc8: {  	[sflag:s30] =	ssyncadd.s32 $0xFFFFC000  }
0xc9: {  	[tilespmem:s29], [sflag:$0x3] =	stream.linear.gather [spmem:s9], $0x4000, $0x38;
	[tilespmem:$0x1BB80] =	vst v63  }
0xca: {  	_ =	swait.ge [sflag:s30], $0x4000  }
0xcb: {  	[sflag:s30] =	ssyncset.done $0x0  }
0xcc: {  	s23 =	rddreg [dreg:$0xe];
	[sflag:s30] =	ssyncadd.s32 $0xFFFFC000  }
0xcd: {  	[hbm4b:s23+s2] =	stream.linear.scatter [tilespmem:s29], [sflag:$0x3], $0x4000, $0x38;
	[tilespmem:$0x1BB80] =	vst v63  }
0xce: {  	_ =	swait.ge [sflag:s30], $0x4000  }
0xcf: {  	[sflag:s30] =	ssyncset.done $0x0  }
0xd0: {  	[sflag:s30] =	ssyncadd.s32 $0xFFFFC000  }
0xd1: {  	[tilespmem:s29], [sflag:$0x3] =	stream.linear.gather [spmem:s10], $0x3800, $0x38;
	[tilespmem:$0x1BB80] =	vst v63  }
0xd2: {  	_ =	swait.ge [sflag:s30], $0x3800  }
0xd3: {  	[sflag:s30] =	ssyncset.done $0x0  }
0xd4: {  	s26 =	rddreg [dreg:$0xf];
	[sflag:s30] =	ssyncadd.s32 $0xFFFFC800  }
0xd5: {  	[hbm4b:s26+s2] =	stream.linear.scatter [tilespmem:s29], [sflag:$0x3], $0x3800, $0x38;
	[tilespmem:$0x1BB80] =	vst v63  }
0xd6: {  	_ =	swait.ge [sflag:s30], $0x3800  }
0xd7: {  	[sflag:s30] =	ssyncset.done $0x0  }
0xd8: {  	s21 =	simm.s32 @!p0 $0x300;
	s22 =	simm.s32 @!p0 $0x3;
	[sflag:s30] =	ssyncadd.s32 $0xFFFFC800  }
0xd9: {  	[tilespmem:s21], [sflag:$0x3] =	stream.linear.gather @!p0 [spmem:s11], $0x800, $0x38;
	[tilespmem:$0x1BB80] =	vst v63  }
0xda: {  	_ =	swait.ge @!p0 [sflag:s22], $0x800  }
0xdb: {  	[sflag:s22] =	ssyncset.done @!p0 $0x0  }
0xdc: {  	s23 =	simm.s32 @!p0 $0x0;
	s26 =	rddreg [dreg:$0xc];
	[sflag:s22] =	ssyncadd.s32 @!p0 $0xFFFFF800  }
0xdd: {  	[hbm4b:s26+s23] =	stream.linear.scatter @!p0 [tilespmem:s21], [sflag:$0x3], $0x800, $0x38;
	[tilespmem:$0x1BB80] =	vst v63  }
0xde: {  	_ =	swait.ge @!p0 [sflag:s22], $0x800  }
0xdf: {  	s19 =	sadd.s32 $0x1, s19;
	s28 =	rddreg [dreg:$0xd]  }
0xe0: {  	p1 =	sne.s32 s19, s28  }
.Ltmp1:
0xe1: {  	_ = 	snop;
	(pc) =	sbr.rel @p1 .LBB2_1-.Ltmp1, $3  }
0xe2: {  	_ =	sdelay $0x1  }
0xe3: {  	[sflag:s22] =	ssyncset.done @!p0 $0x0  }
0xe4: {  	[sflag:s22] =	ssyncadd.s32 @!p0 $0xFFFFF800  }
0xe5: {  	_ =	sfence.sel $0x180000  }
0xe6: {  	[bflag:$0x0] =	sbarrier.arrive $0xFFFF  }
0xe7: {  	_ =	strace $0x9000004D  }
0xe8: {  	[bflag:$0x2] =	sbarrier.arrive $0xFFFF  }
0xe9: {  	s0 =	rddreg [dreg:$0x2]  }
0xea: {  	s0 =	sadd.s32 @!p0 $0x100000, s0  }
0xeb: {  	[sflag:s0] =	ssyncadd.tile.s32 @!p0 $0x1;
	_ =	shalt  }
.Lfunc_end2:
_tile_overlayer_lowered:
.L_overlay_start_2:
0xec: {  	(tag) =	ssettag $0x2  }
0xed: {  	s0 =	rddreg [dreg:$0x0];
	s2 =	stileid.u32  }
0xee: {  	s1 =	rddreg [dreg:$0x1];
	p0 =	sne.s32 s2, $0x0  }
0xef: {  	s3 =	rddreg [dreg:$0x2];
	[bflag:$0x3] =	sbarrier.arrive $0xFFFF;
	s2 =	simm.s32 @!p0 $0x1C03  }
0xf0: {  	[timem:s3], [sflag:s2] =	dma.local @!p0 [hbm:s0], s1  }
0xf1: {  	s0 =	simm.s32 @!p0 $0x3  }
0xf2: {  	_ =	swait.ge @!p0 [sflag:s0], s1  }
0xf3: {  	s1 =	ssub.s32 @!p0 $0x0, s1;
	[sflag:s0] =	ssyncset.done @!p0 $0x0  }
0xf4: {  	[sflag:s0] =	ssyncadd.s32 @!p0 s1  }
0xf5: {  	[bflag:$0x3] =	sbarrier.arrive $0xFFFF  }
0xf6: {  	_ =	shalt  }

// kernel: kernel.19.cloned.1.call-start
scs
__scs_entry_jumppad:
0x0: {  	(pc) =	sbr.rel $0x88, $3  }
0x1: {  	(tag) =	ssettag $0x0;
	lr =	simm.s32 $0x1  }
0x2: {  	[smem:$0x3F97] =	sst lr;
	_ =	strace $0xD0000000  }
0x3: {  	_ = 	snop  }
0x4: {  	_ = 	snop  }
0x5: {  	_ = 	snop  }
0x6: {  	_ = 	snop  }
0x7: {  	_ = 	snop  }
__scs_overlays_trampoline_lowered:
0x8: {  	[smem:$0x3FA6] =	sst s0  }
0x9: {  	[smem:$0x3FA7] =	sst s1  }
0xa: {  	[smem:$0x3FA8] =	sst s2  }
0xb: {  	[smem:$0x3FA9] =	sst s3  }
0xc: {  	[smem:$0x3FAA] =	sst s4  }
0xd: {  	[smem:$0x3FAB] =	sst s5  }
0xe: {  	[smem:$0x3FAC] =	sst s6  }
0xf: {  	[smem:$0x3FAD] =	sst s7  }
0x10: {  	[smem:$0x3FAE] =	sst s8  }
0x11: {  	[smem:$0x3FAF] =	sst s9;
	s0 =	simm.s32 @!p0 $0x0  }
0x12: {  	s1 =	sld [smem:$0x3F95];
	s0 =	simm.s32 @p0 $0x1  }
0x13: {  	[smem:$0x3FB0] =	sst s0;
	s0 =	simm.s32 @!p1 $0x0  }
0x14: {  	s2 =	sld [smem:$0x3F94];
	s0 =	simm.s32 @p1 $0x1  }
0x15: {  	[smem:$0x3FB1] =	sst s0;
	s0 =	simm.s32 @!p2 $0x0  }
0x16: {  	s3 =	sld [smem:$0x3FDB];
	s0 =	simm.s32 @p2 $0x1  }
0x17: {  	s4 =	simm.s32 $0x1BF5;
	[smem:$0x3FB3] =	sst s0  }
0x18: {  	s0 =	sld [smem:$0x3F96];
	_ =	swait.ge [sflag:s4], $0x0  }
0x19: {  	s7 =	sld [smem:$0x3F97]  }
0x1a: {  	s8 =	sadd.s32 $0xFFFFE003, lr  }
0x1b: {  	s9 =	sadd.s32 $0xFFFFFEF7, lr;
	s5 =	simm.s32 $0xFFFFFFFF;
	p2 =	slt.u32 s8, $0xFFFFF086  }
0x1c: {  	p1 =	slt.u32 s9, $0xF7A;
	s5 =	simm.s32 @!p2 $0x0  }
0x1d: {  	s5 =	simm.s32 @p1 $0x1;
	p0 =	seq.s32 s7, s2  }
0x1e: {  	s7 =	smul.u32 @!p0 $0xF7A, s2;
	p2 =	seq.s32 @!p0 s5, $0x0  }
0x1f: {  	s9 =	smul.u32 $0xF7A, s1;
	s8 =	simm.s32 @!p0 $0x1BF5;
	p2 =	por !p2, p0  }
0x20: {  	[sflag:s8] =	ssyncset.s32 @!p0 $0xFFFFF086;
	s6 =	sadd.s32 @!p0 s3, s7;
	s7 =	simm.s32 @!p0 $0x108  }
0x21: {  	s3 =	sadd.s32 s3, s9;
	s6 =	sadd.s32 @!p0 $0x88, s6;
	s7 =	simm.s32 @p2 $0x1082  }
0x22: {  	[simem:s7], [sflag:s8] =	dma.local @!p0 [hbm:s6], $0xF7A  }
0x23: {  	s9 =	sor.u32 $0xD0000000, s2;
	s6 =	simm.s32 $0x108;
	_ =	swait.ge @!p0 [sflag:s8], $0x0  }
0x24: {  	s3 =	sadd.s32 $0x88, s3;
	s6 =	simm.s32 @!p1 $0x1082;
	[sflag:s4] =	ssyncset.s32 $0xFFFFF086  }
0x25: {  	[simem:s6], [sflag:s4] =	dma.local [hbm:s3], $0xF7A  }
0x26: {  	[smem:$0x3F97] =	sst s1;
	(tag) =	ssettag s2;
	_ =	strace s9  }
0x27: {  	s1 =	sld [smem:$0x3FA7]  }
0x28: {  	s2 =	sld [smem:$0x3FA8]  }
0x29: {  	s4 =	sld [smem:$0x3FAA]  }
0x2a: {  	p0 =	seq.s32 s5, $0x0;
	s5 =	sld [smem:$0x3FAB]  }
0x2b: {  	s6 =	sld [smem:$0x3FAC]  }
0x2c: {  	s7 =	sld [smem:$0x3FAD]  }
0x2d: {  	s3 =	simm.s32 $0x108;
	s8 =	sld [smem:$0x3FAE]  }
0x2e: {  	s3 =	simm.s32 @!p0 $0x1082;
	s9 =	sld [smem:$0x3FAF]  }
0x2f: {  	lr =	sadd.s32 s0, s3;
	s0 =	sld [smem:$0x3FA6]  }
0x30: {  	s3 =	sld [smem:$0x3FA9]  }
0x31: {  	[smem:$0x3FB2] =	sst s10  }
0x32: {  	s10 =	sld [smem:$0x3FB0];
	_ =	sdelay $0x3  }
0x33: {  	p0 =	seq.s32 s10, $0x1;
	s10 =	sld [smem:$0x3FB2];
	_ =	sdelay $0x3  }
0x34: {  	[smem:$0x3FB2] =	sst s10  }
0x35: {  	s10 =	sld [smem:$0x3FB1];
	_ =	sdelay $0x3  }
0x36: {  	p1 =	seq.s32 s10, $0x1;
	s10 =	sld [smem:$0x3FB2];
	_ =	sdelay $0x3  }
0x37: {  	[smem:$0x3FB2] =	sst s10  }
0x38: {  	s10 =	sld [smem:$0x3FB3]  }
0x39: {  	_ = 	snop;
	(pc) =	sbr.ind lr, $3  }
0x3a: {  	_ = 	snop  }
0x3b: {  	_ = 	snop  }
0x3c: {  	p2 =	seq.s32 s10, $0x1;
	s10 =	sld [smem:$0x3FB2]  }
0x3d: {  	_ =	shalt  }
0x3e: {  	_ =	shalt  }
0x3f: {  	_ =	shalt  }
0x40: {  	_ =	shalt  }
0x41: {  	_ =	shalt  }
0x42: {  	_ =	shalt  }
0x43: {  	_ =	shalt  }
0x44: {  	_ =	shalt  }
0x45: {  	_ =	shalt  }
0x46: {  	_ =	shalt  }
0x47: {  	_ =	shalt  }
0x48: {  	_ =	shalt  }
0x49: {  	_ =	shalt  }
0x4a: {  	_ =	shalt  }
0x4b: {  	_ =	shalt  }
0x4c: {  	_ =	shalt  }
0x4d: {  	_ =	shalt  }
0x4e: {  	_ =	shalt  }
0x4f: {  	_ =	shalt  }
0x50: {  	_ =	shalt  }
0x51: {  	_ =	shalt  }
0x52: {  	_ =	shalt  }
0x53: {  	_ =	shalt  }
0x54: {  	_ =	shalt  }
0x55: {  	_ =	shalt  }
0x56: {  	_ =	shalt  }
0x57: {  	_ =	shalt  }
0x58: {  	_ =	shalt  }
0x59: {  	_ =	shalt  }
0x5a: {  	_ =	shalt  }
0x5b: {  	_ =	shalt  }
0x5c: {  	_ =	shalt  }
0x5d: {  	_ =	shalt  }
0x5e: {  	_ =	shalt  }
0x5f: {  	_ =	shalt  }
0x60: {  	_ =	shalt  }
0x61: {  	_ =	shalt  }
0x62: {  	_ =	shalt  }
0x63: {  	_ =	shalt  }
0x64: {  	_ =	shalt  }
0x65: {  	_ =	shalt  }
0x66: {  	_ =	shalt  }
0x67: {  	_ =	shalt  }
0x68: {  	_ =	shalt  }
0x69: {  	_ =	shalt  }
0x6a: {  	_ =	shalt  }
0x6b: {  	_ =	shalt  }
0x6c: {  	_ =	shalt  }
0x6d: {  	_ =	shalt  }
0x6e: {  	_ =	shalt  }
0x6f: {  	_ =	shalt  }
0x70: {  	_ =	shalt  }
0x71: {  	_ =	shalt  }
0x72: {  	_ =	shalt  }
0x73: {  	_ =	shalt  }
0x74: {  	_ =	shalt  }
0x75: {  	_ =	shalt  }
0x76: {  	_ =	shalt  }
0x77: {  	_ =	shalt  }
0x78: {  	_ =	shalt  }
0x79: {  	_ =	shalt  }
0x7a: {  	_ =	shalt  }
0x7b: {  	_ =	shalt  }
0x7c: {  	_ =	shalt  }
0x7d: {  	_ =	shalt  }
0x7e: {  	_ =	shalt  }
0x7f: {  	_ =	shalt  }
0x80: {  	_ =	shalt  }
0x81: {  	_ =	shalt  }
0x82: {  	_ =	shalt  }
0x83: {  	_ =	shalt  }
0x84: {  	_ =	shalt  }
0x85: {  	_ =	shalt  }
0x86: {  	_ =	shalt  }
0x87: {  	_ =	shalt  }
.Lfunc_end0:
.L_simem_size_0:
called_computation.3_lowered:
.L_overlay_start_0:
0x88: {  	s2 =	sld [smem:$0x3FD9]  }
0x89: {  	s3 =	sld [smem:$0x3FFE];
	_ =	sdelay $0x1  }
0x8a: {  	s1 =	srdreg.scid  }
0x8b: {  	s0 =	sand.u32 $0x1, s1  }
0x8c: {  	s17 =	sshll.u32 s0, $0xA;
	s2 =	sadd.s32 s3, s2  }
0x8d: {  	s2 =	sadd.s32 s2, s17  }
0x8e: {  	[smem:$0x3FBE] =	sst s2  }
0x8f: {  	_ = 	snop  }
0x90: {  	s2 =	sld [smem:$0x3FC0];
	(tm) =	ssettm $0x1  }
0x91: {  	s18 =	sld [smem:$0x3FFB];
	_ =	sdelay $0x3  }
0x92: {  	_ =	strace s18  }
0x93: {  	s3 =	sld [smem:$0x3FFC];
	_ =	sdelay $0x3  }
0x94: {  	_ =	strace s3  }
0x95: {  	s3 =	sld [smem:$0x3FFD];
	_ =	sdelay $0x3  }
0x96: {  	_ =	strace s3  }
0x97: {  	_ =	strace $0x8FFFFFFF  }
0x98: {  	s19 =	sld [smem:$0x3FDB];
	_ =	sdelay $0x1  }
0x99: {  	s4 =	simm.s32 $_scs_section_size  }
0x9a: {  	s5 =	simm.s32 $_size__tile_overlayer_lowered;
	s6 =	simm.s32 $_tile_overlayer_lowered  }
0x9b: {  	s22 =	simm.s32 $0x1BFF;
	s21 =	sshll.u32 s6, $0x1;
	s3 =	sadd.s32 s4, s19  }
0x9c: {  	s7 =	simm.s32 $0x0;
	s20 =	sshll.u32 s5, $0x1;
	s5 =	sadd.s32 s21, s3  }
0x9d: {  	[timem:s7], [sflag:s22] =	dma.local [hbm:s5], s20  }
0x9e: {  	_ =	swait.ge [sflag:s22], s20  }
0x9f: {  	s4 =	ssub.s32 $0x0, s20;
	[sflag:s22] =	ssyncset.done $0x0  }
0xa0: {  	[sflag:s22] =	ssyncadd.s32 s4;
	_ =	sdelay $0x1  }
0xa1: {  	s23 =	simm.s32 $0x1B8B  }
0xa2: {  	_ =	swait.ge [sflag:s23], $0x1  }
0xa3: {  	[sflag:s23] =	ssyncset.done $0x0  }
0xa4: {  	s25 =	simm.s32 $0x1B8E;
	s24 =	sld [smem:$0x3FFE];
	[sflag:s23] =	ssyncadd.s32 $0xFFFFFFFF  }
0xa5: {  	s26 =	simm.s32 $execute0_lowered;
	[smem:$0x3FD2] =	sst s25  }
0xa6: {  	s5 =	sshll.u32 s26, $0x1;
	_ =	strace $0x8000004F;
	[dreg:$0x1] =	wrdreg $0xFFFFFFFF  }
0xa7: {  	s28 =	simm.s32 $_size_execute0_lowered;
	s3 =	sadd.s32 s3, s5;
	[dreg:$0x0] =	wrdreg $0x0  }
0xa8: {  	s5 =	sshll.u32 s28, $0x1;
	[dreg:$0x2] =	wrdreg s3  }
0xa9: {  	[dreg:$0x3] =	wrdreg s5  }
0xaa: {  	[dreg:$0x4] =	wrdreg $0xC0  }
0xab: {  	_ =	task [dreg:s7], $0x5FFFF  }
0xac: {  	[dreg:$0x1] =	wrdreg $0xFFFFFFFF  }
0xad: {  	[dreg:$0x0] =	wrdreg $0x60  }
0xae: {  	[dreg:$0x2] =	wrdreg s24  }
0xaf: {  	[dreg:$0x3] =	wrdreg s2  }
0xb0: {  	[dreg:$0x4] =	wrdreg $0x9  }
0xb1: {  	_ =	task.clear_ibuf [dreg:s7], $0x5FFFF;
	_ =	strace $0x9000004F  }
0xb2: {  	s29 =	simm.s32 $0x9;
	_ =	strace $0x80000051  }
0xb3: {  	_ =	swait.ge [sflag:s29], $0x1  }
0xb4: {  	[sflag:s29] =	ssyncadd.s32 $0xFFFFFFFF  }
0xb5: {  	_ =	strace $0x90000051  }
0xb6: {  	_ =	sfence  }
0xb7: {  	s30 =	sld [smem:$0x0];
	_ =	sdelay $0x2  }
0xb8: {  	s31 =	sshll.u32 s1, $0xD;
	s1 =	sshrl.u32 s1, $0x2  }
0xb9: {  	s3 =	sand.u32 $0x4000, s31;
	s1 =	sadd.s32 s1, s30  }
0xba: {  	s0 =	sor.u32 s3, s0;
	s1 =	sshll.u32 s1, $0x11  }
0xbb: {  	s0 =	sor.u32 s1, s0  }
0xbc: {  	s0 =	sadd.s32 $0x8F2B, s0  }
0xbd: {  	[sflag:s0] =	ssyncadd.remote.s32 $0x1  }
0xbe: {  	_ =	sfence.sel $0xFFFF  }
0xbf: {  	[dreg:$0x0] =	wrdreg $0xFFFFFFFF;
	(pc) =	sbr.abs _section_cstart, $3  }
0xc0: {  	[dreg:$0x1] =	wrdreg $0xFFFFFFFF  }
0xc1: {  	_ =	task.clear_ibuf [dreg:s7], $0x2FFFF;
	_ =	strace $0x9FFFFFFF  }
0xc2: {  	(tm) =	ssettm $0x7FFFFFFF  }
0xc3: {  	_ =	shalt  }
tec
execute0_lowered:
.L_overlay_start_1:
0x0: {  	(tag) =	ssettag $0x1  }
0x1: {  	s3 =	rddreg [dreg:$0x0]  }
0x2: {  	s1 =	rddreg [dreg:$0x1];
	s2 =	simm.s32 $0x0  }
0x3: {  	s6 =	srdreg.scid;
	s18 =	stileid.u32;
	s29 =	simm.s32 $0x80  }
0x4: {  	s31 =	simm.s32 $0x1;
	s30 =	simm.s32 $0x8900;
	[smem:$0x7FF] =	sst s2  }
0x5: {  	s0 =	sadd.s32 $0x7A00, s3;
	s4 =	sadd.s32 $0x8800, s3;
	s5 =	sadd.s32 $0x6A800, s3  }
0x6: {  	s6 =	sand.u32 $0x1, s6;
	_ =	strace $0x80000050;
	[dreg:$0x15] =	wrdreg s5  }
0x7: {  	s7 =	ssub.s32 $0x2, s6;
	s5 =	sshll.u32 s18, $0x8;
	s6 =	sshll.u32 s6, $0x7  }
0x8: {  	s8 =	sadd.s32 $0xD1A00, s3;
	s10 =	sshrl.u32 s7, $0x1;
	s6 =	sor.u32 s6, s5  }
0x9: {  	s3 =	sadd.s32 $0x91A00, s3;
	s10 =	ssub.s32 s7, s10;
	s19 =	sshrl.u32 s6, $0x3  }
0xa: {  	s5 =	sor.u32 $0x1000, s6;
	s11 =	sshll.u32 s6, $0x5;
	s13 =	sor.u32 $0x4000, s6  }
0xb: {  	s14 =	sor.u32 $0x3000, s6;
	s25 =	sor.u32 $0x5000, s6;
	s17 =	sor.u32 $0x6000, s6  }
0xc: {  	s7 =	sadd.s32 s0, s19;
	s20 =	sshrl.u32 s5, $0x3;
	s11 =	sadd.s32 s8, s11  }
0xd: {  	s12 =	sshll.u32 s5, $0x5;
	s15 =	sshrl.u32 s13, $0x3;
	s23 =	sshll.u32 s14, $0x5  }
0xe: {  	s26 =	sshrl.u32 s25, $0x3;
	s13 =	sshll.u32 s13, $0x5;
	[dreg:$0x11] =	wrdreg s7  }
0xf: {  	s9 =	sshrl.u32 s17, $0x3;
	s7 =	sadd.s32 s0, s20;
	[dreg:$0x3] =	wrdreg s11  }
0x10: {  	s18 =	sshll.u32 s25, $0x5;
	s12 =	sadd.s32 s8, s12;
	[dreg:$0x12] =	wrdreg s7  }
0x11: {  	s25 =	sshll.u32 s14, $0x4;
	s22 =	sadd.s32 s0, s15;
	[dreg:$0x4] =	wrdreg s12  }
0x12: {  	s10 =	smax.u32 s10, $0x1;
	s24 =	sadd.s32 s8, s23;
	[dreg:$0x6] =	wrdreg s22  }
0x13: {  	s11 =	sor.u32 $0x2000, s6;
	s28 =	sadd.s32 s8, s13;
	[dreg:$0x7] =	wrdreg s24  }
0x14: {  	s16 =	sadd.s32 s0, s9;
	s19 =	sadd.s32 s8, s18;
	[dreg:$0x9] =	wrdreg s28  }
0x15: {  	s20 =	sshll.u32 s17, $0x5;
	s6 =	sshll.u32 s6, $0x4;
	[dreg:$0xa] =	wrdreg s16  }
0x16: {  	s21 =	sshll.u32 s11, $0x5;
	s7 =	sshrl.u32 s11, $0x3;
	[dreg:$0xb] =	wrdreg s19  }
0x17: {  	s6 =	sadd.s32 s3, s6;
	s23 =	sshll.u32 s11, $0x4;
	s11 =	simm.s32 $0x3  }
0x18: {  	s19 =	simm.s32 $0x6900;
	s12 =	sadd.s32 s8, s21;
	[dreg:$0xd] =	wrdreg s6  }
0x19: {  	s8 =	sadd.s32 s8, s20;
	s21 =	sshll.u32 s5, $0x4;
	[dreg:$0x5] =	wrdreg s12  }
0x1a: {  	s24 =	sadd.s32 s3, s23;
	s28 =	sadd.s32 s0, s7;
	[dreg:$0xc] =	wrdreg s8  }
0x1b: {  	s20 =	simm.s32 $0x100;
	s23 =	simm.s32 $0xE900;
	[dreg:$0xf] =	wrdreg s24  }
0x1c: {  	s12 =	sadd.s32 s0, s26;
	s22 =	sadd.s32 s3, s21;
	[dreg:$0x13] =	wrdreg s28  }
0x1d: {  	s26 =	sshrl.u32 s14, $0x3;
	s3 =	sadd.s32 s3, s25;
	[dreg:$0x8] =	wrdreg s12  }
0x1e: {  	v2 =	vlaneseq.u32;
	s21 =	simm.s32 $0xD900;
	s24 =	simm.s32 $0xF100;
	[dreg:$0xe] =	wrdreg s22  }
0x1f: {  	vm0 =	vmmov $0xffff;
	v1 =	vshrl.u32 v2, $0x3;
	s25 =	simm.s32 $0xF900;
	s0 =	sadd.s32 s0, s26;
	[dreg:$0x10] =	wrdreg s3  }
0x20: {  	v0 =	vand.u32 $0x7, v2;
	v2 =	vor.u32 $0x8, v2;
	v1 =	vmul.u32 $0x8, v1;
	s22 =	simm.s32 $0xE100;
	[dreg:$0x14] =	wrdreg s0;
	s0 =	simm.s32 $0x2  }
.LBB2_1:
0x21: {  	s3 =	rddreg [dreg:$0x11]  }
0x22: {  	[tilespmem:s2], [sflag:$0x3] =	stream.linear.gather [hbm4b:s3+s2], $0x80, $0x38;
	[tilespmem:$0x18100] =	vst v63  }
0x23: {  	_ =	swait.ge [sflag:s11], $0x80  }
0x24: {  	[sflag:s11] =	ssyncset.done $0x0  }
0x25: {  	[sflag:s11] =	ssyncadd.s32 $0xFFFFFF80  }
0x26: {  	v3 =	vld [tilespmem:$0x0];
	_ =	sdelay $0x4  }
0x27: {  	v4 =	vshll.u32 v3, $0x1  }
0x28: {  	v3 =	vand.u32 $0x7, v3;
	v4 =	vand.u32 $0xFFFFFFF0, v4  }
0x29: {  	v3 =	vor.u32 v3, v4  }
0x2a: {  	v4 =	vperm.xlane v3, v0;
	_ =	sdelay $0x1  }
0x2b: {  	v3 =	vperm.xlane v3, v2;
	v4 =	vadd.s32 v1, v4;
	_ =	sdelay $0x1  }
0x2c: {  	v3 =	vadd.s32 v1, v3;
	_ =	sdelay $0x2  }
0x2d: {  	[tilespmem:s20], [sflag:$0x1] =	stream.indirect_vreg.gather [hbm4b:s4+s2], $0x80, v4, vm0, $0xb8;
	[tilespmem:$0x18100] =	vst v63  }
0x2e: {  	s14 =	simm.s32 $0x900  }
0x2f: {  	[tilespmem:s14], [sflag:$0x1] =	stream.indirect_vreg.gather [hbm4b:s4+s2], $0x80, v3, vm0, $0xb8;
	[tilespmem:$0x18100] =	vst v63  }
0x30: {  	v3 =	vld [tilespmem:$0x10];
	_ =	sdelay $0x4  }
0x31: {  	v9 =	vshll.u32 v3, $0x1  }
0x32: {  	v3 =	vand.u32 $0x7, v3;
	v4 =	vand.u32 $0xFFFFFFF0, v9  }
0x33: {  	v3 =	vor.u32 v3, v4  }
0x34: {  	v4 =	vperm.xlane v3, v0;
	_ =	sdelay $0x1  }
0x35: {  	v3 =	vperm.xlane v3, v2;
	v4 =	vadd.s32 v1, v4;
	_ =	sdelay $0x1  }
0x36: {  	v3 =	vadd.s32 v1, v3;
	_ =	sdelay $0x1  }
0x37: {  	s15 =	simm.s32 $0x1100  }
0x38: {  	[tilespmem:s15], [sflag:$0x1] =	stream.indirect_vreg.gather [hbm4b:s4+s2], $0x80, v4, vm0, $0xb8;
	[tilespmem:$0x18100] =	vst v63  }
0x39: {  	s16 =	simm.s32 $0x1900  }
0x3a: {  	[tilespmem:s16], [sflag:$0x1] =	stream.indirect_vreg.gather [hbm4b:s4+s2], $0x80, v3, vm0, $0xb8;
	[tilespmem:$0x18100] =	vst v63  }
0x3b: {  	v3 =	vld [tilespmem:$0x20];
	_ =	sdelay $0x4  }
0x3c: {  	v10 =	vshll.u32 v3, $0x1  }
0x3d: {  	v3 =	vand.u32 $0x7, v3;
	v4 =	vand.u32 $0xFFFFFFF0, v10  }
0x3e: {  	v3 =	vor.u32 v3, v4  }
0x3f: {  	v4 =	vperm.xlane v3, v0;
	_ =	sdelay $0x1  }
0x40: {  	v3 =	vperm.xlane v3, v2;
	v4 =	vadd.s32 v1, v4;
	_ =	sdelay $0x1  }
0x41: {  	v3 =	vadd.s32 v1, v3;
	_ =	sdelay $0x1  }
0x42: {  	s17 =	simm.s32 $0x2100  }
0x43: {  	[tilespmem:s17], [sflag:$0x1] =	stream.indirect_vreg.gather [hbm4b:s4+s2], $0x80, v4, vm0, $0xb8;
	[tilespmem:$0x18100] =	vst v63  }
0x44: {  	s18 =	simm.s32 $0x2900  }
0x45: {  	[tilespmem:s18], [sflag:$0x1] =	stream.indirect_vreg.gather [hbm4b:s4+s2], $0x80, v3, vm0, $0xb8;
	[tilespmem:$0x18100] =	vst v63  }
0x46: {  	v3 =	vld [tilespmem:$0x30];
	_ =	sdelay $0x4  }
0x47: {  	v11 =	vshll.u32 v3, $0x1  }
0x48: {  	v3 =	vand.u32 $0x7, v3;
	v4 =	vand.u32 $0xFFFFFFF0, v11  }
0x49: {  	v3 =	vor.u32 v3, v4  }
0x4a: {  	v4 =	vperm.xlane v3, v0;
	_ =	sdelay $0x1  }
0x4b: {  	v3 =	vperm.xlane v3, v2;
	v4 =	vadd.s32 v1, v4;
	_ =	sdelay $0x1  }
0x4c: {  	v3 =	vadd.s32 v1, v3;
	_ =	sdelay $0x1  }
0x4d: {  	s26 =	simm.s32 $0x3100  }
0x4e: {  	[tilespmem:s26], [sflag:$0x1] =	stream.indirect_vreg.gather [hbm4b:s4+s2], $0x80, v4, vm0, $0xb8;
	[tilespmem:$0x18100] =	vst v63  }
0x4f: {  	s28 =	simm.s32 $0x3900  }
0x50: {  	[tilespmem:s28], [sflag:$0x1] =	stream.indirect_vreg.gather [hbm4b:s4+s2], $0x80, v3, vm0, $0xb8;
	[tilespmem:$0x18100] =	vst v63  }
0x51: {  	v3 =	vld [tilespmem:$0x40];
	_ =	sdelay $0x4  }
0x52: {  	v12 =	vshll.u32 v3, $0x1  }
0x53: {  	v3 =	vand.u32 $0x7, v3;
	v4 =	vand.u32 $0xFFFFFFF0, v12  }
0x54: {  	v3 =	vor.u32 v3, v4  }
0x55: {  	v4 =	vperm.xlane v3, v0;
	_ =	sdelay $0x1  }
0x56: {  	v3 =	vperm.xlane v3, v2;
	v4 =	vadd.s32 v1, v4;
	_ =	sdelay $0x1  }
0x57: {  	v3 =	vadd.s32 v1, v3;
	_ =	sdelay $0x1  }
0x58: {  	s5 =	simm.s32 $0x4100  }
0x59: {  	[tilespmem:s5], [sflag:$0x1] =	stream.indirect_vreg.gather [hbm4b:s4+s2], $0x80, v4, vm0, $0xb8;
	[tilespmem:$0x18100] =	vst v63  }
0x5a: {  	s6 =	simm.s32 $0x4900  }
0x5b: {  	[tilespmem:s6], [sflag:$0x1] =	stream.indirect_vreg.gather [hbm4b:s4+s2], $0x80, v3, vm0, $0xb8;
	[tilespmem:$0x18100] =	vst v63  }
0x5c: {  	v3 =	vld [tilespmem:$0x50];
	_ =	sdelay $0x4  }
0x5d: {  	v13 =	vshll.u32 v3, $0x1  }
0x5e: {  	v3 =	vand.u32 $0x7, v3;
	v4 =	vand.u32 $0xFFFFFFF0, v13  }
0x5f: {  	v3 =	vor.u32 v3, v4  }
0x60: {  	v4 =	vperm.xlane v3, v0;
	_ =	sdelay $0x1  }
0x61: {  	v3 =	vperm.xlane v3, v2;
	v4 =	vadd.s32 v1, v4;
	_ =	sdelay $0x1  }
0x62: {  	v3 =	vadd.s32 v1, v3;
	_ =	sdelay $0x1  }
0x63: {  	s7 =	simm.s32 $0x5100  }
0x64: {  	[tilespmem:s7], [sflag:$0x1] =	stream.indirect_vreg.gather [hbm4b:s4+s2], $0x80, v4, vm0, $0xb8;
	[tilespmem:$0x18100] =	vst v63  }
0x65: {  	s8 =	simm.s32 $0x5900  }
0x66: {  	[tilespmem:s8], [sflag:$0x1] =	stream.indirect_vreg.gather [hbm4b:s4+s2], $0x80, v3, vm0, $0xb8;
	[tilespmem:$0x18100] =	vst v63  }
0x67: {  	v3 =	vld [tilespmem:$0x60];
	_ =	sdelay $0x4  }
0x68: {  	v14 =	vshll.u32 v3, $0x1  }
0x69: {  	v3 =	vand.u32 $0x7, v3;
	v4 =	vand.u32 $0xFFFFFFF0, v14  }
0x6a: {  	v3 =	vor.u32 v3, v4  }
0x6b: {  	v4 =	vperm.xlane v3, v0;
	_ =	sdelay $0x1  }
0x6c: {  	v3 =	vperm.xlane v3, v2;
	v4 =	vadd.s32 v1, v4;
	_ =	sdelay $0x1  }
0x6d: {  	v3 =	vadd.s32 v1, v3;
	_ =	sdelay $0x1  }
0x6e: {  	s14 =	simm.s32 $0x6100  }
0x6f: {  	[tilespmem:s14], [sflag:$0x1] =	stream.indirect_vreg.gather [hbm4b:s4+s2], $0x80, v4, vm0, $0xb8;
	[tilespmem:$0x18100] =	vst v63  }
0x70: {  	s17 =	simm.s32 $0x6900  }
0x71: {  	[tilespmem:s17], [sflag:$0x1] =	stream.indirect_vreg.gather [hbm4b:s4+s2], $0x80, v3, vm0, $0xb8;
	[tilespmem:$0x18100] =	vst v63  }
0x72: {  	v3 =	vld [tilespmem:$0x70];
	_ =	sdelay $0x4  }
0x73: {  	v15 =	vshll.u32 v3, $0x1  }
0x74: {  	v3 =	vand.u32 $0x7, v3;
	v4 =	vand.u32 $0xFFFFFFF0, v15  }
0x75: {  	v3 =	vor.u32 v3, v4  }
0x76: {  	v4 =	vperm.xlane v3, v0;
	_ =	sdelay $0x1  }
0x77: {  	v3 =	vperm.xlane v3, v2;
	v4 =	vadd.s32 v1, v4;
	_ =	sdelay $0x1  }
0x78: {  	v3 =	vadd.s32 v1, v3;
	_ =	sdelay $0x1  }
0x79: {  	s18 =	simm.s32 $0x7100  }
0x7a: {  	[tilespmem:s18], [sflag:$0x1] =	stream.indirect_vreg.gather [hbm4b:s4+s2], $0x80, v4, vm0, $0xb8;
	[tilespmem:$0x18100] =	vst v63  }
0x7b: {  	s26 =	simm.s32 $0x7900  }
0x7c: {  	[tilespmem:s26], [sflag:$0x1] =	stream.indirect_vreg.gather [hbm4b:s4+s2], $0x80, v3, vm0, $0xb8;
	[tilespmem:$0x18100] =	vst v63  }
0x7d: {  	s8 =	rddreg [dreg:$0x12]  }
0x7e: {  	[tilespmem:s29], [sflag:$0x3] =	stream.linear.gather [hbm4b:s8+s2], $0x80, $0x38;
	[tilespmem:$0x18100] =	vst v63  }
0x7f: {  	_ =	swait.ge [sflag:s11], $0x80  }
0x80: {  	[sflag:s11] =	ssyncset.done $0x0  }
0x81: {  	[sflag:s11] =	ssyncadd.s32 $0xFFFFFF80  }
0x82: {  	v3 =	vld [tilespmem:$0x80];
	_ =	sdelay $0x4  }
0x83: {  	v16 =	vshll.u32 v3, $0x1  }
0x84: {  	v3 =	vand.u32 $0x7, v3;
	v4 =	vand.u32 $0xFFFFFFF0, v16  }
0x85: {  	v3 =	vor.u32 v3, v4  }
0x86: {  	v4 =	vperm.xlane v3, v0;
	_ =	sdelay $0x1  }
0x87: {  	v3 =	vperm.xlane v3, v2;
	v4 =	vadd.s32 v1, v4;
	_ =	sdelay $0x1  }
0x88: {  	v3 =	vadd.s32 v1, v3;
	_ =	sdelay $0x1  }
0x89: {  	s3 =	simm.s32 $0x8100  }
0x8a: {  	[tilespmem:s3], [sflag:$0x2] =	stream.indirect_vreg.gather [hbm4b:s4+s2], $0x80, v4, vm0, $0xb8;
	[tilespmem:$0x18100] =	vst v63  }
0x8b: {  	_ = 	snop  }
0x8c: {  	[tilespmem:s30], [sflag:$0x2] =	stream.indirect_vreg.gather [hbm4b:s4+s2], $0x80, v3, vm0, $0xb8;
	[tilespmem:$0x18100] =	vst v63  }
0x8d: {  	v3 =	vld [tilespmem:$0x90];
	_ =	sdelay $0x4  }
0x8e: {  	v17 =	vshll.u32 v3, $0x1  }
0x8f: {  	v3 =	vand.u32 $0x7, v3;
	v4 =	vand.u32 $0xFFFFFFF0, v17  }
0x90: {  	v3 =	vor.u32 v3, v4  }
0x91: {  	v4 =	vperm.xlane v3, v0;
	_ =	sdelay $0x1  }
0x92: {  	v3 =	vperm.xlane v3, v2;
	v4 =	vadd.s32 v1, v4;
	_ =	sdelay $0x1  }
0x93: {  	v3 =	vadd.s32 v1, v3;
	_ =	sdelay $0x1  }
0x94: {  	s5 =	simm.s32 $0x9100  }
0x95: {  	[tilespmem:s5], [sflag:$0x2] =	stream.indirect_vreg.gather [hbm4b:s4+s2], $0x80, v4, vm0, $0xb8;
	[tilespmem:$0x18100] =	vst v63  }
0x96: {  	s6 =	simm.s32 $0x9900  }
0x97: {  	[tilespmem:s6], [sflag:$0x2] =	stream.indirect_vreg.gather [hbm4b:s4+s2], $0x80, v3, vm0, $0xb8;
	[tilespmem:$0x18100] =	vst v63  }
0x98: {  	v3 =	vld [tilespmem:$0xA0];
	_ =	sdelay $0x4  }
0x99: {  	v18 =	vshll.u32 v3, $0x1  }
0x9a: {  	v3 =	vand.u32 $0x7, v3;
	v4 =	vand.u32 $0xFFFFFFF0, v18  }
0x9b: {  	v3 =	vor.u32 v3, v4  }
0x9c: {  	v4 =	vperm.xlane v3, v0;
	_ =	sdelay $0x1  }
0x9d: {  	v3 =	vperm.xlane v3, v2;
	v4 =	vadd.s32 v1, v4;
	_ =	sdelay $0x1  }
0x9e: {  	v3 =	vadd.s32 v1, v3;
	_ =	sdelay $0x1  }
0x9f: {  	s7 =	simm.s32 $0xA100  }
0xa0: {  	[tilespmem:s7], [sflag:$0x2] =	stream.indirect_vreg.gather [hbm4b:s4+s2], $0x80, v4, vm0, $0xb8;
	[tilespmem:$0x18100] =	vst v63  }
0xa1: {  	s28 =	simm.s32 $0xA900  }
0xa2: {  	[tilespmem:s28], [sflag:$0x2] =	stream.indirect_vreg.gather [hbm4b:s4+s2], $0x80, v3, vm0, $0xb8;
	[tilespmem:$0x18100] =	vst v63  }
0xa3: {  	v3 =	vld [tilespmem:$0xB0];
	_ =	sdelay $0x4  }
0xa4: {  	v19 =	vshll.u32 v3, $0x1  }
0xa5: {  	v3 =	vand.u32 $0x7, v3;
	v4 =	vand.u32 $0xFFFFFFF0, v19  }
0xa6: {  	v3 =	vor.u32 v3, v4  }
0xa7: {  	v4 =	vperm.xlane v3, v0;
	_ =	sdelay $0x1  }
0xa8: {  	v3 =	vperm.xlane v3, v2;
	v4 =	vadd.s32 v1, v4;
	_ =	sdelay $0x1  }
0xa9: {  	v3 =	vadd.s32 v1, v3;
	_ =	sdelay $0x1  }
0xaa: {  	s14 =	simm.s32 $0xB100  }
0xab: {  	[tilespmem:s14], [sflag:$0x2] =	stream.indirect_vreg.gather [hbm4b:s4+s2], $0x80, v4, vm0, $0xb8;
	[tilespmem:$0x18100] =	vst v63  }
0xac: {  	s17 =	simm.s32 $0xB900  }
0xad: {  	[tilespmem:s17], [sflag:$0x2] =	stream.indirect_vreg.gather [hbm4b:s4+s2], $0x80, v3, vm0, $0xb8;
	[tilespmem:$0x18100] =	vst v63  }
0xae: {  	v3 =	vld [tilespmem:$0xC0];
	_ =	sdelay $0x4  }
0xaf: {  	v20 =	vshll.u32 v3, $0x1  }
0xb0: {  	v3 =	vand.u32 $0x7, v3;
	v4 =	vand.u32 $0xFFFFFFF0, v20  }
0xb1: {  	v3 =	vor.u32 v3, v4  }
0xb2: {  	v4 =	vperm.xlane v3, v0;
	_ =	sdelay $0x1  }
0xb3: {  	v3 =	vperm.xlane v3, v2;
	v4 =	vadd.s32 v1, v4;
	_ =	sdelay $0x1  }
0xb4: {  	v3 =	vadd.s32 v1, v3;
	_ =	sdelay $0x1  }
0xb5: {  	s18 =	simm.s32 $0xC100  }
0xb6: {  	[tilespmem:s18], [sflag:$0x2] =	stream.indirect_vreg.gather [hbm4b:s4+s2], $0x80, v4, vm0, $0xb8;
	[tilespmem:$0x18100] =	vst v63  }
0xb7: {  	s26 =	simm.s32 $0xC900  }
0xb8: {  	[tilespmem:s26], [sflag:$0x2] =	stream.indirect_vreg.gather [hbm4b:s4+s2], $0x80, v3, vm0, $0xb8;
	[tilespmem:$0x18100] =	vst v63  }
0xb9: {  	v3 =	vld [tilespmem:$0xD0];
	_ =	sdelay $0x4  }
0xba: {  	v21 =	vshll.u32 v3, $0x1  }
0xbb: {  	v3 =	vand.u32 $0x7, v3;
	v4 =	vand.u32 $0xFFFFFFF0, v21  }
0xbc: {  	v3 =	vor.u32 v3, v4  }
0xbd: {  	v4 =	vperm.xlane v3, v0;
	_ =	sdelay $0x1  }
0xbe: {  	v3 =	vperm.xlane v3, v2;
	v4 =	vadd.s32 v1, v4;
	_ =	sdelay $0x1  }
0xbf: {  	v3 =	vadd.s32 v1, v3;
	_ =	sdelay $0x1  }
0xc0: {  	s28 =	simm.s32 $0xD100  }
0xc1: {  	[tilespmem:s28], [sflag:$0x2] =	stream.indirect_vreg.gather [hbm4b:s4+s2], $0x80, v4, vm0, $0xb8;
	[tilespmem:$0x18100] =	vst v63  }
0xc2: {  	_ = 	snop  }
0xc3: {  	[tilespmem:s21], [sflag:$0x2] =	stream.indirect_vreg.gather [hbm4b:s4+s2], $0x80, v3, vm0, $0xb8;
	[tilespmem:$0x18100] =	vst v63  }
0xc4: {  	v3 =	vld [tilespmem:$0xE0];
	_ =	sdelay $0x4  }
0xc5: {  	v22 =	vshll.u32 v3, $0x1  }
0xc6: {  	v3 =	vand.u32 $0x7, v3;
	v4 =	vand.u32 $0xFFFFFFF0, v22  }
0xc7: {  	v3 =	vor.u32 v3, v4  }
0xc8: {  	v4 =	vperm.xlane v3, v0;
	_ =	sdelay $0x1  }
0xc9: {  	v3 =	vperm.xlane v3, v2;
	v4 =	vadd.s32 v1, v4;
	_ =	sdelay $0x1  }
0xca: {  	v3 =	vadd.s32 v1, v3;
	_ =	sdelay $0x2  }
0xcb: {  	[tilespmem:s22], [sflag:$0x2] =	stream.indirect_vreg.gather [hbm4b:s4+s2], $0x80, v4, vm0, $0xb8;
	[tilespmem:$0x18100] =	vst v63  }
0xcc: {  	_ = 	snop  }
0xcd: {  	[tilespmem:s23], [sflag:$0x2] =	stream.indirect_vreg.gather [hbm4b:s4+s2], $0x80, v3, vm0, $0xb8;
	[tilespmem:$0x18100] =	vst v63  }
0xce: {  	v3 =	vld [tilespmem:$0xF0];
	_ =	sdelay $0x4  }
0xcf: {  	v23 =	vshll.u32 v3, $0x1  }
0xd0: {  	v3 =	vand.u32 $0x7, v3;
	v4 =	vand.u32 $0xFFFFFFF0, v23  }
0xd1: {  	v3 =	vor.u32 v3, v4  }
0xd2: {  	v4 =	vperm.xlane v3, v0;
	_ =	sdelay $0x1  }
0xd3: {  	v3 =	vperm.xlane v3, v2;
	v4 =	vadd.s32 v1, v4;
	_ =	sdelay $0x1  }
0xd4: {  	v3 =	vadd.s32 v1, v3;
	_ =	sdelay $0x2  }
0xd5: {  	[tilespmem:s24], [sflag:$0x2] =	stream.indirect_vreg.gather [hbm4b:s4+s2], $0x80, v4, vm0, $0xb8;
	[tilespmem:$0x18100] =	vst v63  }
0xd6: {  	_ = 	snop  }
0xd7: {  	[tilespmem:s25], [sflag:$0x2] =	stream.indirect_vreg.gather [hbm4b:s4+s2], $0x80, v3, vm0, $0xb8;
	[tilespmem:$0x18100] =	vst v63  }
0xd8: {  	_ =	swait.ge [sflag:s31], $0x8000  }
0xd9: {  	[sflag:s31] =	ssyncset.done $0x0  }
0xda: {  	s14 =	rddreg [dreg:$0x3];
	[sflag:s31] =	ssyncadd.s32 $0xFFFF8000  }
0xdb: {  	[hbm4b:s14+s2] =	stream.linear.scatter [tilespmem:s20], [sflag:$0x3], $0x8000, $0x38;
	[tilespmem:$0x18100] =	vst v63  }
0xdc: {  	_ =	swait.ge [sflag:s11], $0x8000  }
0xdd: {  	[sflag:s11] =	ssyncset.done $0x0  }
0xde: {  	s14 =	rddreg [dreg:$0x13];
	[sflag:s11] =	ssyncadd.s32 $0xFFFF8000  }
0xdf: {  	[tilespmem:s2], [sflag:$0x3] =	stream.linear.gather [hbm4b:s14+s2], $0x80, $0x38;
	[tilespmem:$0x18100] =	vst v63  }
0xe0: {  	_ =	swait.ge [sflag:s11], $0x80  }
0xe1: {  	[sflag:s11] =	ssyncset.done $0x0  }
0xe2: {  	[sflag:s11] =	ssyncadd.s32 $0xFFFFFF80  }
0xe3: {  	v3 =	vld [tilespmem:$0x0];
	_ =	sdelay $0x4  }
0xe4: {  	v24 =	vshll.u32 v3, $0x1  }
0xe5: {  	v3 =	vand.u32 $0x7, v3;
	v4 =	vand.u32 $0xFFFFFFF0, v24  }
0xe6: {  	v3 =	vor.u32 v3, v4  }
0xe7: {  	v4 =	vperm.xlane v3, v0;
	_ =	sdelay $0x1  }
0xe8: {  	v3 =	vperm.xlane v3, v2;
	v4 =	vadd.s32 v1, v4;
	_ =	sdelay $0x1  }
0xe9: {  	v3 =	vadd.s32 v1, v3;
	_ =	sdelay $0x2  }
0xea: {  	[tilespmem:s20], [sflag:$0x1] =	stream.indirect_vreg.gather [hbm4b:s4+s2], $0x80, v4, vm0, $0xb8;
	[tilespmem:$0x18100] =	vst v63  }
0xeb: {  	s9 =	simm.s32 $0x900  }
0xec: {  	[tilespmem:s9], [sflag:$0x1] =	stream.indirect_vreg.gather [hbm4b:s4+s2], $0x80, v3, vm0, $0xb8;
	[tilespmem:$0x18100] =	vst v63  }
0xed: {  	v3 =	vld [tilespmem:$0x10];
	_ =	sdelay $0x4  }
0xee: {  	v25 =	vshll.u32 v3, $0x1  }
0xef: {  	v3 =	vand.u32 $0x7, v3;
	v4 =	vand.u32 $0xFFFFFFF0, v25  }
0xf0: {  	v3 =	vor.u32 v3, v4  }
0xf1: {  	v4 =	vperm.xlane v3, v0;
	_ =	sdelay $0x1  }
0xf2: {  	v3 =	vperm.xlane v3, v2;
	v4 =	vadd.s32 v1, v4;
	_ =	sdelay $0x1  }
0xf3: {  	v3 =	vadd.s32 v1, v3;
	_ =	sdelay $0x1  }
0xf4: {  	s15 =	simm.s32 $0x1100  }
0xf5: {  	[tilespmem:s15], [sflag:$0x1] =	stream.indirect_vreg.gather [hbm4b:s4+s2], $0x80, v4, vm0, $0xb8;
	[tilespmem:$0x18100] =	vst v63  }
0xf6: {  	s12 =	simm.s32 $0x1900  }
0xf7: {  	[tilespmem:s12], [sflag:$0x1] =	stream.indirect_vreg.gather [hbm4b:s4+s2], $0x80, v3, vm0, $0xb8;
	[tilespmem:$0x18100] =	vst v63  }
0xf8: {  	v3 =	vld [tilespmem:$0x20];
	_ =	sdelay $0x4  }
0xf9: {  	v26 =	vshll.u32 v3, $0x1  }
0xfa: {  	v3 =	vand.u32 $0x7, v3;
	v4 =	vand.u32 $0xFFFFFFF0, v26  }
0xfb: {  	v3 =	vor.u32 v3, v4  }
0xfc: {  	v4 =	vperm.xlane v3, v0;
	_ =	sdelay $0x1  }
0xfd: {  	v3 =	vperm.xlane v3, v2;
	v4 =	vadd.s32 v1, v4;
	_ =	sdelay $0x1  }
0xfe: {  	v3 =	vadd.s32 v1, v3;
	_ =	sdelay $0x1  }
0xff: {  	s28 =	simm.s32 $0x2100  }
0x100: {  	[tilespmem:s28], [sflag:$0x1] =	stream.indirect_vreg.gather [hbm4b:s4+s2], $0x80, v4, vm0, $0xb8;
	[tilespmem:$0x18100] =	vst v63  }
0x101: {  	s13 =	simm.s32 $0x2900  }
0x102: {  	[tilespmem:s13], [sflag:$0x1] =	stream.indirect_vreg.gather [hbm4b:s4+s2], $0x80, v3, vm0, $0xb8;
	[tilespmem:$0x18100] =	vst v63  }
0x103: {  	v3 =	vld [tilespmem:$0x30];
	_ =	sdelay $0x4  }
0x104: {  	v27 =	vshll.u32 v3, $0x1  }
0x105: {  	v3 =	vand.u32 $0x7, v3;
	v4 =	vand.u32 $0xFFFFFFF0, v27  }
0x106: {  	v3 =	vor.u32 v3, v4  }
0x107: {  	v4 =	vperm.xlane v3, v0;
	_ =	sdelay $0x1  }
0x108: {  	v3 =	vperm.xlane v3, v2;
	v4 =	vadd.s32 v1, v4;
	_ =	sdelay $0x1  }
0x109: {  	v3 =	vadd.s32 v1, v3;
	_ =	sdelay $0x1  }
0x10a: {  	s26 =	simm.s32 $0x3100  }
0x10b: {  	[tilespmem:s26], [sflag:$0x1] =	stream.indirect_vreg.gather [hbm4b:s4+s2], $0x80, v4, vm0, $0xb8;
	[tilespmem:$0x18100] =	vst v63  }
0x10c: {  	s16 =	simm.s32 $0x3900  }
0x10d: {  	[tilespmem:s16], [sflag:$0x1] =	stream.indirect_vreg.gather [hbm4b:s4+s2], $0x80, v3, vm0, $0xb8;
	[tilespmem:$0x18100] =	vst v63  }
0x10e: {  	v3 =	vld [tilespmem:$0x40];
	_ =	sdelay $0x4  }
0x10f: {  	v28 =	vshll.u32 v3, $0x1  }
0x110: {  	v3 =	vand.u32 $0x7, v3;
	v4 =	vand.u32 $0xFFFFFFF0, v28  }
0x111: {  	v3 =	vor.u32 v3, v4  }
0x112: {  	v4 =	vperm.xlane v3, v0;
	_ =	sdelay $0x1  }
0x113: {  	v3 =	vperm.xlane v3, v2;
	v4 =	vadd.s32 v1, v4;
	_ =	sdelay $0x1  }
0x114: {  	v3 =	vadd.s32 v1, v3;
	_ =	sdelay $0x1  }
0x115: {  	s12 =	simm.s32 $0x4100  }
0x116: {  	[tilespmem:s12], [sflag:$0x1] =	stream.indirect_vreg.gather [hbm4b:s4+s2], $0x80, v4, vm0, $0xb8;
	[tilespmem:$0x18100] =	vst v63  }
0x117: {  	s17 =	simm.s32 $0x4900  }
0x118: {  	[tilespmem:s17], [sflag:$0x1] =	stream.indirect_vreg.gather [hbm4b:s4+s2], $0x80, v3, vm0, $0xb8;
	[tilespmem:$0x18100] =	vst v63  }
0x119: {  	v3 =	vld [tilespmem:$0x50];
	_ =	sdelay $0x4  }
0x11a: {  	v29 =	vshll.u32 v3, $0x1  }
0x11b: {  	v3 =	vand.u32 $0x7, v3;
	v4 =	vand.u32 $0xFFFFFFF0, v29  }
0x11c: {  	v3 =	vor.u32 v3, v4  }
0x11d: {  	v4 =	vperm.xlane v3, v0;
	_ =	sdelay $0x1  }
0x11e: {  	v3 =	vperm.xlane v3, v2;
	v4 =	vadd.s32 v1, v4;
	_ =	sdelay $0x1  }
0x11f: {  	v3 =	vadd.s32 v1, v3;
	_ =	sdelay $0x1  }
0x120: {  	s9 =	simm.s32 $0x5100  }
0x121: {  	[tilespmem:s9], [sflag:$0x1] =	stream.indirect_vreg.gather [hbm4b:s4+s2], $0x80, v4, vm0, $0xb8;
	[tilespmem:$0x18100] =	vst v63  }
0x122: {  	s18 =	simm.s32 $0x5900  }
0x123: {  	[tilespmem:s18], [sflag:$0x1] =	stream.indirect_vreg.gather [hbm4b:s4+s2], $0x80, v3, vm0, $0xb8;
	[tilespmem:$0x18100] =	vst v63  }
0x124: {  	v3 =	vld [tilespmem:$0x60];
	_ =	sdelay $0x4  }
0x125: {  	v30 =	vshll.u32 v3, $0x1  }
0x126: {  	v3 =	vand.u32 $0x7, v3;
	v4 =	vand.u32 $0xFFFFFFF0, v30  }
0x127: {  	v3 =	vor.u32 v3, v4  }
0x128: {  	v4 =	vperm.xlane v3, v0;
	_ =	sdelay $0x1  }
0x129: {  	v3 =	vperm.xlane v3, v2;
	v4 =	vadd.s32 v1, v4;
	_ =	sdelay $0x1  }
0x12a: {  	v3 =	vadd.s32 v1, v3;
	_ =	sdelay $0x1  }
0x12b: {  	s13 =	simm.s32 $0x6100  }
0x12c: {  	[tilespmem:s13], [sflag:$0x1] =	stream.indirect_vreg.gather [hbm4b:s4+s2], $0x80, v4, vm0, $0xb8;
	[tilespmem:$0x18100] =	vst v63  }
0x12d: {  	_ = 	snop  }
0x12e: {  	[tilespmem:s19], [sflag:$0x1] =	stream.indirect_vreg.gather [hbm4b:s4+s2], $0x80, v3, vm0, $0xb8;
	[tilespmem:$0x18100] =	vst v63  }
0x12f: {  	v3 =	vld [tilespmem:$0x70];
	_ =	sdelay $0x4  }
0x130: {  	v31 =	vshll.u32 v3, $0x1  }
0x131: {  	v3 =	vand.u32 $0x7, v3;
	v4 =	vand.u32 $0xFFFFFFF0, v31  }
0x132: {  	v3 =	vor.u32 v3, v4  }
0x133: {  	v4 =	vperm.xlane v3, v0;
	_ =	sdelay $0x1  }
0x134: {  	v3 =	vperm.xlane v3, v2;
	v4 =	vadd.s32 v1, v4;
	_ =	sdelay $0x1  }
0x135: {  	v3 =	vadd.s32 v1, v3;
	_ =	sdelay $0x1  }
0x136: {  	s16 =	simm.s32 $0x7100  }
0x137: {  	[tilespmem:s16], [sflag:$0x1] =	stream.indirect_vreg.gather [hbm4b:s4+s2], $0x80, v4, vm0, $0xb8;
	[tilespmem:$0x18100] =	vst v63  }
0x138: {  	s15 =	simm.s32 $0x7900  }
0x139: {  	[tilespmem:s15], [sflag:$0x1] =	stream.indirect_vreg.gather [hbm4b:s4+s2], $0x80, v3, vm0, $0xb8;
	[tilespmem:$0x18100] =	vst v63  }
0x13a: {  	_ =	swait.ge [sflag:s0], $0x8000  }
0x13b: {  	[sflag:s0] =	ssyncset.done $0x0  }
0x13c: {  	s15 =	rddreg [dreg:$0x4];
	[sflag:s0] =	ssyncadd.s32 $0xFFFF8000  }
0x13d: {  	[hbm4b:s15+s2] =	stream.linear.scatter [tilespmem:s3], [sflag:$0x3], $0x8000, $0x38;
	[tilespmem:$0x18100] =	vst v63  }
0x13e: {  	_ =	swait.ge [sflag:s11], $0x8000  }
0x13f: {  	[sflag:s11] =	ssyncset.done $0x0  }
0x140: {  	s15 =	rddreg [dreg:$0x14];
	[sflag:s11] =	ssyncadd.s32 $0xFFFF8000  }
0x141: {  	[tilespmem:s29], [sflag:$0x3] =	stream.linear.gather [hbm4b:s15+s2], $0x80, $0x38;
	[tilespmem:$0x18100] =	vst v63  }
0x142: {  	_ =	swait.ge [sflag:s11], $0x80  }
0x143: {  	[sflag:s11] =	ssyncset.done $0x0  }
0x144: {  	[sflag:s11] =	ssyncadd.s32 $0xFFFFFF80  }
0x145: {  	v3 =	vld [tilespmem:$0x80];
	_ =	sdelay $0x4  }
0x146: {  	v32 =	vshll.u32 v3, $0x1  }
0x147: {  	v3 =	vand.u32 $0x7, v3;
	v4 =	vand.u32 $0xFFFFFFF0, v32  }
0x148: {  	v3 =	vor.u32 v3, v4  }
0x149: {  	v4 =	vperm.xlane v3, v0;
	_ =	sdelay $0x1  }
0x14a: {  	v3 =	vperm.xlane v3, v2;
	v4 =	vadd.s32 v1, v4;
	_ =	sdelay $0x1  }
0x14b: {  	v3 =	vadd.s32 v1, v3;
	_ =	sdelay $0x2  }
0x14c: {  	[tilespmem:s3], [sflag:$0x2] =	stream.indirect_vreg.gather [hbm4b:s4+s2], $0x80, v4, vm0, $0xb8;
	[tilespmem:$0x18100] =	vst v63  }
0x14d: {  	_ = 	snop  }
0x14e: {  	[tilespmem:s30], [sflag:$0x2] =	stream.indirect_vreg.gather [hbm4b:s4+s2], $0x80, v3, vm0, $0xb8;
	[tilespmem:$0x18100] =	vst v63  }
0x14f: {  	v3 =	vld [tilespmem:$0x90];
	_ =	sdelay $0x4  }
0x150: {  	v33 =	vshll.u32 v3, $0x1  }
0x151: {  	v3 =	vand.u32 $0x7, v3;
	v4 =	vand.u32 $0xFFFFFFF0, v33  }
0x152: {  	v3 =	vor.u32 v3, v4  }
0x153: {  	v4 =	vperm.xlane v3, v0;
	_ =	sdelay $0x1  }
0x154: {  	v3 =	vperm.xlane v3, v2;
	v4 =	vadd.s32 v1, v4;
	_ =	sdelay $0x1  }
0x155: {  	v3 =	vadd.s32 v1, v3;
	_ =	sdelay $0x2  }
0x156: {  	[tilespmem:s5], [sflag:$0x2] =	stream.indirect_vreg.gather [hbm4b:s4+s2], $0x80, v4, vm0, $0xb8;
	[tilespmem:$0x18100] =	vst v63  }
0x157: {  	_ = 	snop  }
0x158: {  	[tilespmem:s6], [sflag:$0x2] =	stream.indirect_vreg.gather [hbm4b:s4+s2], $0x80, v3, vm0, $0xb8;
	[tilespmem:$0x18100] =	vst v63  }
0x159: {  	v3 =	vld [tilespmem:$0xA0];
	_ =	sdelay $0x4  }
0x15a: {  	v34 =	vshll.u32 v3, $0x1  }
0x15b: {  	v3 =	vand.u32 $0x7, v3;
	v4 =	vand.u32 $0xFFFFFFF0, v34  }
0x15c: {  	v3 =	vor.u32 v3, v4  }
0x15d: {  	v4 =	vperm.xlane v3, v0;
	_ =	sdelay $0x1  }
0x15e: {  	v3 =	vperm.xlane v3, v2;
	v4 =	vadd.s32 v1, v4;
	_ =	sdelay $0x1  }
0x15f: {  	v3 =	vadd.s32 v1, v3;
	_ =	sdelay $0x1  }
0x160: {  	s7 =	simm.s32 $0xA100  }
0x161: {  	[tilespmem:s7], [sflag:$0x2] =	stream.indirect_vreg.gather [hbm4b:s4+s2], $0x80, v4, vm0, $0xb8;
	[tilespmem:$0x18100] =	vst v63  }
0x162: {  	s7 =	simm.s32 $0xA900  }
0x163: {  	[tilespmem:s7], [sflag:$0x2] =	stream.indirect_vreg.gather [hbm4b:s4+s2], $0x80, v3, vm0, $0xb8;
	[tilespmem:$0x18100] =	vst v63  }
0x164: {  	v3 =	vld [tilespmem:$0xB0];
	_ =	sdelay $0x4  }
0x165: {  	v35 =	vshll.u32 v3, $0x1  }
0x166: {  	v3 =	vand.u32 $0x7, v3;
	v4 =	vand.u32 $0xFFFFFFF0, v35  }
0x167: {  	v3 =	vor.u32 v3, v4  }
0x168: {  	v4 =	vperm.xlane v3, v0;
	_ =	sdelay $0x1  }
0x169: {  	v3 =	vperm.xlane v3, v2;
	v4 =	vadd.s32 v1, v4;
	_ =	sdelay $0x1  }
0x16a: {  	v3 =	vadd.s32 v1, v3;
	_ =	sdelay $0x1  }
0x16b: {  	s7 =	simm.s32 $0xB100  }
0x16c: {  	[tilespmem:s7], [sflag:$0x2] =	stream.indirect_vreg.gather [hbm4b:s4+s2], $0x80, v4, vm0, $0xb8;
	[tilespmem:$0x18100] =	vst v63  }
0x16d: {  	s7 =	simm.s32 $0xB900  }
0x16e: {  	[tilespmem:s7], [sflag:$0x2] =	stream.indirect_vreg.gather [hbm4b:s4+s2], $0x80, v3, vm0, $0xb8;
	[tilespmem:$0x18100] =	vst v63  }
0x16f: {  	v3 =	vld [tilespmem:$0xC0];
	_ =	sdelay $0x4  }
0x170: {  	v36 =	vshll.u32 v3, $0x1  }
0x171: {  	v3 =	vand.u32 $0x7, v3;
	v4 =	vand.u32 $0xFFFFFFF0, v36  }
0x172: {  	v3 =	vor.u32 v3, v4  }
0x173: {  	v4 =	vperm.xlane v3, v0;
	_ =	sdelay $0x1  }
0x174: {  	v3 =	vperm.xlane v3, v2;
	v4 =	vadd.s32 v1, v4;
	_ =	sdelay $0x1  }
0x175: {  	v3 =	vadd.s32 v1, v3;
	_ =	sdelay $0x1  }
0x176: {  	s7 =	simm.s32 $0xC100  }
0x177: {  	[tilespmem:s7], [sflag:$0x2] =	stream.indirect_vreg.gather [hbm4b:s4+s2], $0x80, v4, vm0, $0xb8;
	[tilespmem:$0x18100] =	vst v63  }
0x178: {  	s7 =	simm.s32 $0xC900  }
0x179: {  	[tilespmem:s7], [sflag:$0x2] =	stream.indirect_vreg.gather [hbm4b:s4+s2], $0x80, v3, vm0, $0xb8;
	[tilespmem:$0x18100] =	vst v63  }
0x17a: {  	v3 =	vld [tilespmem:$0xD0];
	_ =	sdelay $0x4  }
0x17b: {  	v37 =	vshll.u32 v3, $0x1  }
0x17c: {  	v3 =	vand.u32 $0x7, v3;
	v4 =	vand.u32 $0xFFFFFFF0, v37  }
0x17d: {  	v3 =	vor.u32 v3, v4  }
0x17e: {  	v4 =	vperm.xlane v3, v0;
	_ =	sdelay $0x1  }
0x17f: {  	v3 =	vperm.xlane v3, v2;
	v4 =	vadd.s32 v1, v4;
	_ =	sdelay $0x1  }
0x180: {  	v3 =	vadd.s32 v1, v3;
	_ =	sdelay $0x1  }
0x181: {  	s7 =	simm.s32 $0xD100  }
0x182: {  	[tilespmem:s7], [sflag:$0x2] =	stream.indirect_vreg.gather [hbm4b:s4+s2], $0x80, v4, vm0, $0xb8;
	[tilespmem:$0x18100] =	vst v63  }
0x183: {  	_ = 	snop  }
0x184: {  	[tilespmem:s21], [sflag:$0x2] =	stream.indirect_vreg.gather [hbm4b:s4+s2], $0x80, v3, vm0, $0xb8;
	[tilespmem:$0x18100] =	vst v63  }
0x185: {  	v3 =	vld [tilespmem:$0xE0];
	_ =	sdelay $0x4  }
0x186: {  	v38 =	vshll.u32 v3, $0x1  }
0x187: {  	v3 =	vand.u32 $0x7, v3;
	v4 =	vand.u32 $0xFFFFFFF0, v38  }
0x188: {  	v3 =	vor.u32 v3, v4  }
0x189: {  	v4 =	vperm.xlane v3, v0;
	_ =	sdelay $0x1  }
0x18a: {  	v3 =	vperm.xlane v3, v2;
	v4 =	vadd.s32 v1, v4;
	_ =	sdelay $0x1  }
0x18b: {  	v3 =	vadd.s32 v1, v3;
	_ =	sdelay $0x2  }
0x18c: {  	[tilespmem:s22], [sflag:$0x2] =	stream.indirect_vreg.gather [hbm4b:s4+s2], $0x80, v4, vm0, $0xb8;
	[tilespmem:$0x18100] =	vst v63  }
0x18d: {  	_ = 	snop  }
0x18e: {  	[tilespmem:s23], [sflag:$0x2] =	stream.indirect_vreg.gather [hbm4b:s4+s2], $0x80, v3, vm0, $0xb8;
	[tilespmem:$0x18100] =	vst v63  }
0x18f: {  	v3 =	vld [tilespmem:$0xF0];
	_ =	sdelay $0x4  }
0x190: {  	v39 =	vshll.u32 v3, $0x1  }
0x191: {  	v3 =	vand.u32 $0x7, v3;
	v4 =	vand.u32 $0xFFFFFFF0, v39  }
0x192: {  	v3 =	vor.u32 v3, v4  }
0x193: {  	v4 =	vperm.xlane v3, v0;
	_ =	sdelay $0x1  }
0x194: {  	v3 =	vperm.xlane v3, v2;
	v4 =	vadd.s32 v1, v4;
	_ =	sdelay $0x1  }
0x195: {  	v3 =	vadd.s32 v1, v3;
	_ =	sdelay $0x2  }
0x196: {  	[tilespmem:s24], [sflag:$0x2] =	stream.indirect_vreg.gather [hbm4b:s4+s2], $0x80, v4, vm0, $0xb8;
	[tilespmem:$0x18100] =	vst v63  }
0x197: {  	_ = 	snop  }
0x198: {  	[tilespmem:s25], [sflag:$0x2] =	stream.indirect_vreg.gather [hbm4b:s4+s2], $0x80, v3, vm0, $0xb8;
	[tilespmem:$0x18100] =	vst v63  }
0x199: {  	_ =	swait.ge [sflag:s31], $0x8000  }
0x19a: {  	[sflag:s31] =	ssyncset.done $0x0  }
0x19b: {  	s7 =	rddreg [dreg:$0x5];
	[sflag:s31] =	ssyncadd.s32 $0xFFFF8000  }
0x19c: {  	[hbm4b:s7+s2] =	stream.linear.scatter [tilespmem:s20], [sflag:$0x3], $0x8000, $0x38;
	[tilespmem:$0x18100] =	vst v63  }
0x19d: {  	_ =	swait.ge [sflag:s11], $0x8000  }
0x19e: {  	[sflag:s11] =	ssyncset.done $0x0  }
0x19f: {  	s7 =	rddreg [dreg:$0x6];
	[sflag:s11] =	ssyncadd.s32 $0xFFFF8000  }
0x1a0: {  	[tilespmem:s2], [sflag:$0x3] =	stream.linear.gather [hbm4b:s7+s2], $0x80, $0x38;
	[tilespmem:$0x18100] =	vst v63  }
0x1a1: {  	_ =	swait.ge [sflag:s11], $0x80  }
0x1a2: {  	[sflag:s11] =	ssyncset.done $0x0  }
0x1a3: {  	[sflag:s11] =	ssyncadd.s32 $0xFFFFFF80  }
0x1a4: {  	v3 =	vld [tilespmem:$0x0];
	_ =	sdelay $0x4  }
0x1a5: {  	v40 =	vshll.u32 v3, $0x1  }
0x1a6: {  	v3 =	vand.u32 $0x7, v3;
	v4 =	vand.u32 $0xFFFFFFF0, v40  }
0x1a7: {  	v3 =	vor.u32 v3, v4  }
0x1a8: {  	v4 =	vperm.xlane v3, v0;
	_ =	sdelay $0x1  }
0x1a9: {  	v3 =	vperm.xlane v3, v2;
	v4 =	vadd.s32 v1, v4;
	_ =	sdelay $0x1  }
0x1aa: {  	v3 =	vadd.s32 v1, v3;
	_ =	sdelay $0x2  }
0x1ab: {  	[tilespmem:s20], [sflag:$0x1] =	stream.indirect_vreg.gather [hbm4b:s4+s2], $0x80, v4, vm0, $0xb8;
	[tilespmem:$0x18100] =	vst v63  }
0x1ac: {  	s7 =	simm.s32 $0x900  }
0x1ad: {  	[tilespmem:s7], [sflag:$0x1] =	stream.indirect_vreg.gather [hbm4b:s4+s2], $0x80, v3, vm0, $0xb8;
	[tilespmem:$0x18100] =	vst v63  }
0x1ae: {  	v3 =	vld [tilespmem:$0x10];
	_ =	sdelay $0x4  }
0x1af: {  	v41 =	vshll.u32 v3, $0x1  }
0x1b0: {  	v3 =	vand.u32 $0x7, v3;
	v4 =	vand.u32 $0xFFFFFFF0, v41  }
0x1b1: {  	v3 =	vor.u32 v3, v4  }
0x1b2: {  	v4 =	vperm.xlane v3, v0;
	_ =	sdelay $0x1  }
0x1b3: {  	v3 =	vperm.xlane v3, v2;
	v4 =	vadd.s32 v1, v4;
	_ =	sdelay $0x1  }
0x1b4: {  	v3 =	vadd.s32 v1, v3;
	_ =	sdelay $0x1  }
0x1b5: {  	s7 =	simm.s32 $0x1100  }
0x1b6: {  	[tilespmem:s7], [sflag:$0x1] =	stream.indirect_vreg.gather [hbm4b:s4+s2], $0x80, v4, vm0, $0xb8;
	[tilespmem:$0x18100] =	vst v63  }
0x1b7: {  	s7 =	simm.s32 $0x1900  }
0x1b8: {  	[tilespmem:s7], [sflag:$0x1] =	stream.indirect_vreg.gather [hbm4b:s4+s2], $0x80, v3, vm0, $0xb8;
	[tilespmem:$0x18100] =	vst v63  }
0x1b9: {  	v3 =	vld [tilespmem:$0x20];
	_ =	sdelay $0x4  }
0x1ba: {  	v42 =	vshll.u32 v3, $0x1  }
0x1bb: {  	v3 =	vand.u32 $0x7, v3;
	v4 =	vand.u32 $0xFFFFFFF0, v42  }
0x1bc: {  	v3 =	vor.u32 v3, v4  }
0x1bd: {  	v4 =	vperm.xlane v3, v0;
	_ =	sdelay $0x1  }
0x1be: {  	v3 =	vperm.xlane v3, v2;
	v4 =	vadd.s32 v1, v4;
	_ =	sdelay $0x1  }
0x1bf: {  	v3 =	vadd.s32 v1, v3;
	_ =	sdelay $0x2  }
0x1c0: {  	[tilespmem:s28], [sflag:$0x1] =	stream.indirect_vreg.gather [hbm4b:s4+s2], $0x80, v4, vm0, $0xb8;
	[tilespmem:$0x18100] =	vst v63  }
0x1c1: {  	s7 =	simm.s32 $0x2900  }
0x1c2: {  	[tilespmem:s7], [sflag:$0x1] =	stream.indirect_vreg.gather [hbm4b:s4+s2], $0x80, v3, vm0, $0xb8;
	[tilespmem:$0x18100] =	vst v63  }
0x1c3: {  	v3 =	vld [tilespmem:$0x30];
	_ =	sdelay $0x4  }
0x1c4: {  	v43 =	vshll.u32 v3, $0x1  }
0x1c5: {  	v3 =	vand.u32 $0x7, v3;
	v4 =	vand.u32 $0xFFFFFFF0, v43  }
0x1c6: {  	v3 =	vor.u32 v3, v4  }
0x1c7: {  	v4 =	vperm.xlane v3, v0;
	_ =	sdelay $0x1  }
0x1c8: {  	v3 =	vperm.xlane v3, v2;
	v4 =	vadd.s32 v1, v4;
	_ =	sdelay $0x1  }
0x1c9: {  	v3 =	vadd.s32 v1, v3;
	_ =	sdelay $0x2  }
0x1ca: {  	[tilespmem:s26], [sflag:$0x1] =	stream.indirect_vreg.gather [hbm4b:s4+s2], $0x80, v4, vm0, $0xb8;
	[tilespmem:$0x18100] =	vst v63  }
0x1cb: {  	s26 =	simm.s32 $0x3900  }
0x1cc: {  	[tilespmem:s26], [sflag:$0x1] =	stream.indirect_vreg.gather [hbm4b:s4+s2], $0x80, v3, vm0, $0xb8;
	[tilespmem:$0x18100] =	vst v63  }
0x1cd: {  	v3 =	vld [tilespmem:$0x40];
	_ =	sdelay $0x4  }
0x1ce: {  	v44 =	vshll.u32 v3, $0x1  }
0x1cf: {  	v3 =	vand.u32 $0x7, v3;
	v4 =	vand.u32 $0xFFFFFFF0, v44  }
0x1d0: {  	v3 =	vor.u32 v3, v4  }
0x1d1: {  	v4 =	vperm.xlane v3, v0;
	_ =	sdelay $0x1  }
0x1d2: {  	v3 =	vperm.xlane v3, v2;
	v4 =	vadd.s32 v1, v4;
	_ =	sdelay $0x1  }
0x1d3: {  	v3 =	vadd.s32 v1, v3;
	_ =	sdelay $0x2  }
0x1d4: {  	[tilespmem:s12], [sflag:$0x1] =	stream.indirect_vreg.gather [hbm4b:s4+s2], $0x80, v4, vm0, $0xb8;
	[tilespmem:$0x18100] =	vst v63  }
0x1d5: {  	_ = 	snop  }
0x1d6: {  	[tilespmem:s17], [sflag:$0x1] =	stream.indirect_vreg.gather [hbm4b:s4+s2], $0x80, v3, vm0, $0xb8;
	[tilespmem:$0x18100] =	vst v63  }
0x1d7: {  	v3 =	vld [tilespmem:$0x50];
	_ =	sdelay $0x4  }
0x1d8: {  	v45 =	vshll.u32 v3, $0x1  }
0x1d9: {  	v3 =	vand.u32 $0x7, v3;
	v4 =	vand.u32 $0xFFFFFFF0, v45  }
0x1da: {  	v3 =	vor.u32 v3, v4  }
0x1db: {  	v4 =	vperm.xlane v3, v0;
	_ =	sdelay $0x1  }
0x1dc: {  	v3 =	vperm.xlane v3, v2;
	v4 =	vadd.s32 v1, v4;
	_ =	sdelay $0x1  }
0x1dd: {  	v3 =	vadd.s32 v1, v3;
	_ =	sdelay $0x2  }
0x1de: {  	[tilespmem:s9], [sflag:$0x1] =	stream.indirect_vreg.gather [hbm4b:s4+s2], $0x80, v4, vm0, $0xb8;
	[tilespmem:$0x18100] =	vst v63  }
0x1df: {  	_ = 	snop  }
0x1e0: {  	[tilespmem:s18], [sflag:$0x1] =	stream.indirect_vreg.gather [hbm4b:s4+s2], $0x80, v3, vm0, $0xb8;
	[tilespmem:$0x18100] =	vst v63  }
0x1e1: {  	v3 =	vld [tilespmem:$0x60];
	_ =	sdelay $0x4  }
0x1e2: {  	v46 =	vshll.u32 v3, $0x1  }
0x1e3: {  	v3 =	vand.u32 $0x7, v3;
	v4 =	vand.u32 $0xFFFFFFF0, v46  }
0x1e4: {  	v3 =	vor.u32 v3, v4  }
0x1e5: {  	v4 =	vperm.xlane v3, v0;
	_ =	sdelay $0x1  }
0x1e6: {  	v3 =	vperm.xlane v3, v2;
	v4 =	vadd.s32 v1, v4;
	_ =	sdelay $0x1  }
0x1e7: {  	v3 =	vadd.s32 v1, v3;
	_ =	sdelay $0x2  }
0x1e8: {  	[tilespmem:s13], [sflag:$0x1] =	stream.indirect_vreg.gather [hbm4b:s4+s2], $0x80, v4, vm0, $0xb8;
	[tilespmem:$0x18100] =	vst v63  }
0x1e9: {  	_ = 	snop  }
0x1ea: {  	[tilespmem:s19], [sflag:$0x1] =	stream.indirect_vreg.gather [hbm4b:s4+s2], $0x80, v3, vm0, $0xb8;
	[tilespmem:$0x18100] =	vst v63  }
0x1eb: {  	v3 =	vld [tilespmem:$0x70];
	_ =	sdelay $0x4  }
0x1ec: {  	v47 =	vshll.u32 v3, $0x1  }
0x1ed: {  	v3 =	vand.u32 $0x7, v3;
	v4 =	vand.u32 $0xFFFFFFF0, v47  }
0x1ee: {  	v3 =	vor.u32 v3, v4  }
0x1ef: {  	v4 =	vperm.xlane v3, v0;
	_ =	sdelay $0x1  }
0x1f0: {  	v3 =	vperm.xlane v3, v2;
	v4 =	vadd.s32 v1, v4;
	_ =	sdelay $0x1  }
0x1f1: {  	v3 =	vadd.s32 v1, v3;
	_ =	sdelay $0x2  }
0x1f2: {  	[tilespmem:s16], [sflag:$0x1] =	stream.indirect_vreg.gather [hbm4b:s4+s2], $0x80, v4, vm0, $0xb8;
	[tilespmem:$0x18100] =	vst v63  }
0x1f3: {  	s16 =	simm.s32 $0x7900  }
0x1f4: {  	[tilespmem:s16], [sflag:$0x1] =	stream.indirect_vreg.gather [hbm4b:s4+s2], $0x80, v3, vm0, $0xb8;
	[tilespmem:$0x18100] =	vst v63  }
0x1f5: {  	_ =	swait.ge [sflag:s0], $0x8000  }
0x1f6: {  	[sflag:s0] =	ssyncset.done $0x0  }
0x1f7: {  	s7 =	rddreg [dreg:$0x7];
	[sflag:s0] =	ssyncadd.s32 $0xFFFF8000  }
0x1f8: {  	[hbm4b:s7+s2] =	stream.linear.scatter [tilespmem:s3], [sflag:$0x3], $0x8000, $0x38;
	[tilespmem:$0x18100] =	vst v63  }
0x1f9: {  	_ =	swait.ge [sflag:s11], $0x8000  }
0x1fa: {  	[sflag:s11] =	ssyncset.done $0x0  }
0x1fb: {  	s7 =	rddreg [dreg:$0x8];
	[sflag:s11] =	ssyncadd.s32 $0xFFFF8000  }
0x1fc: {  	[tilespmem:s29], [sflag:$0x3] =	stream.linear.gather [hbm4b:s7+s2], $0x80, $0x38;
	[tilespmem:$0x18100] =	vst v63  }
0x1fd: {  	_ =	swait.ge [sflag:s11], $0x80  }
0x1fe: {  	[sflag:s11] =	ssyncset.done $0x0  }
0x1ff: {  	[sflag:s11] =	ssyncadd.s32 $0xFFFFFF80  }
0x200: {  	v3 =	vld [tilespmem:$0x80];
	_ =	sdelay $0x4  }
0x201: {  	v48 =	vshll.u32 v3, $0x1  }
0x202: {  	v3 =	vand.u32 $0x7, v3;
	v4 =	vand.u32 $0xFFFFFFF0, v48  }
0x203: {  	v3 =	vor.u32 v3, v4  }
0x204: {  	v4 =	vperm.xlane v3, v0;
	_ =	sdelay $0x1  }
0x205: {  	v3 =	vperm.xlane v3, v2;
	v4 =	vadd.s32 v1, v4;
	_ =	sdelay $0x1  }
0x206: {  	v3 =	vadd.s32 v1, v3;
	_ =	sdelay $0x2  }
0x207: {  	[tilespmem:s3], [sflag:$0x2] =	stream.indirect_vreg.gather [hbm4b:s4+s2], $0x80, v4, vm0, $0xb8;
	[tilespmem:$0x18100] =	vst v63  }
0x208: {  	_ = 	snop  }
0x209: {  	[tilespmem:s30], [sflag:$0x2] =	stream.indirect_vreg.gather [hbm4b:s4+s2], $0x80, v3, vm0, $0xb8;
	[tilespmem:$0x18100] =	vst v63  }
0x20a: {  	v3 =	vld [tilespmem:$0x90];
	_ =	sdelay $0x4  }
0x20b: {  	v49 =	vshll.u32 v3, $0x1  }
0x20c: {  	v3 =	vand.u32 $0x7, v3;
	v4 =	vand.u32 $0xFFFFFFF0, v49  }
0x20d: {  	v3 =	vor.u32 v3, v4  }
0x20e: {  	v4 =	vperm.xlane v3, v0;
	_ =	sdelay $0x1  }
0x20f: {  	v3 =	vperm.xlane v3, v2;
	v4 =	vadd.s32 v1, v4;
	_ =	sdelay $0x1  }
0x210: {  	v3 =	vadd.s32 v1, v3;
	_ =	sdelay $0x2  }
0x211: {  	[tilespmem:s5], [sflag:$0x2] =	stream.indirect_vreg.gather [hbm4b:s4+s2], $0x80, v4, vm0, $0xb8;
	[tilespmem:$0x18100] =	vst v63  }
0x212: {  	_ = 	snop  }
0x213: {  	[tilespmem:s6], [sflag:$0x2] =	stream.indirect_vreg.gather [hbm4b:s4+s2], $0x80, v3, vm0, $0xb8;
	[tilespmem:$0x18100] =	vst v63  }
0x214: {  	v3 =	vld [tilespmem:$0xA0];
	_ =	sdelay $0x4  }
0x215: {  	v50 =	vshll.u32 v3, $0x1  }
0x216: {  	v3 =	vand.u32 $0x7, v3;
	v4 =	vand.u32 $0xFFFFFFF0, v50  }
0x217: {  	v3 =	vor.u32 v3, v4  }
0x218: {  	v4 =	vperm.xlane v3, v0;
	_ =	sdelay $0x1  }
0x219: {  	v3 =	vperm.xlane v3, v2;
	v4 =	vadd.s32 v1, v4;
	_ =	sdelay $0x1  }
0x21a: {  	v3 =	vadd.s32 v1, v3;
	_ =	sdelay $0x1  }
0x21b: {  	s7 =	simm.s32 $0xA100  }
0x21c: {  	[tilespmem:s7], [sflag:$0x2] =	stream.indirect_vreg.gather [hbm4b:s4+s2], $0x80, v4, vm0, $0xb8;
	[tilespmem:$0x18100] =	vst v63  }
0x21d: {  	s6 =	simm.s32 $0xA900  }
0x21e: {  	[tilespmem:s6], [sflag:$0x2] =	stream.indirect_vreg.gather [hbm4b:s4+s2], $0x80, v3, vm0, $0xb8;
	[tilespmem:$0x18100] =	vst v63  }
0x21f: {  	v3 =	vld [tilespmem:$0xB0];
	_ =	sdelay $0x4  }
0x220: {  	v51 =	vshll.u32 v3, $0x1  }
0x221: {  	v3 =	vand.u32 $0x7, v3;
	v4 =	vand.u32 $0xFFFFFFF0, v51  }
0x222: {  	v3 =	vor.u32 v3, v4  }
0x223: {  	v4 =	vperm.xlane v3, v0;
	_ =	sdelay $0x1  }
0x224: {  	v3 =	vperm.xlane v3, v2;
	v4 =	vadd.s32 v1, v4;
	_ =	sdelay $0x1  }
0x225: {  	v3 =	vadd.s32 v1, v3;
	_ =	sdelay $0x1  }
0x226: {  	s7 =	simm.s32 $0xB100  }
0x227: {  	[tilespmem:s7], [sflag:$0x2] =	stream.indirect_vreg.gather [hbm4b:s4+s2], $0x80, v4, vm0, $0xb8;
	[tilespmem:$0x18100] =	vst v63  }
0x228: {  	s6 =	simm.s32 $0xB900  }
0x229: {  	[tilespmem:s6], [sflag:$0x2] =	stream.indirect_vreg.gather [hbm4b:s4+s2], $0x80, v3, vm0, $0xb8;
	[tilespmem:$0x18100] =	vst v63  }
0x22a: {  	v3 =	vld [tilespmem:$0xC0];
	_ =	sdelay $0x4  }
0x22b: {  	v52 =	vshll.u32 v3, $0x1  }
0x22c: {  	v3 =	vand.u32 $0x7, v3;
	v4 =	vand.u32 $0xFFFFFFF0, v52  }
0x22d: {  	v3 =	vor.u32 v3, v4  }
0x22e: {  	v4 =	vperm.xlane v3, v0;
	_ =	sdelay $0x1  }
0x22f: {  	v3 =	vperm.xlane v3, v2;
	v4 =	vadd.s32 v1, v4;
	_ =	sdelay $0x1  }
0x230: {  	v3 =	vadd.s32 v1, v3;
	_ =	sdelay $0x1  }
0x231: {  	s7 =	simm.s32 $0xC100  }
0x232: {  	[tilespmem:s7], [sflag:$0x2] =	stream.indirect_vreg.gather [hbm4b:s4+s2], $0x80, v4, vm0, $0xb8;
	[tilespmem:$0x18100] =	vst v63  }
0x233: {  	s6 =	simm.s32 $0xC900  }
0x234: {  	[tilespmem:s6], [sflag:$0x2] =	stream.indirect_vreg.gather [hbm4b:s4+s2], $0x80, v3, vm0, $0xb8;
	[tilespmem:$0x18100] =	vst v63  }
0x235: {  	v3 =	vld [tilespmem:$0xD0];
	_ =	sdelay $0x4  }
0x236: {  	v53 =	vshll.u32 v3, $0x1  }
0x237: {  	v3 =	vand.u32 $0x7, v3;
	v4 =	vand.u32 $0xFFFFFFF0, v53  }
0x238: {  	v3 =	vor.u32 v3, v4  }
0x239: {  	v4 =	vperm.xlane v3, v0;
	_ =	sdelay $0x1  }
0x23a: {  	v3 =	vperm.xlane v3, v2;
	v4 =	vadd.s32 v1, v4;
	_ =	sdelay $0x1  }
0x23b: {  	v3 =	vadd.s32 v1, v3;
	_ =	sdelay $0x1  }
0x23c: {  	s7 =	simm.s32 $0xD100  }
0x23d: {  	[tilespmem:s7], [sflag:$0x2] =	stream.indirect_vreg.gather [hbm4b:s4+s2], $0x80, v4, vm0, $0xb8;
	[tilespmem:$0x18100] =	vst v63  }
0x23e: {  	_ = 	snop  }
0x23f: {  	[tilespmem:s21], [sflag:$0x2] =	stream.indirect_vreg.gather [hbm4b:s4+s2], $0x80, v3, vm0, $0xb8;
	[tilespmem:$0x18100] =	vst v63  }
0x240: {  	v3 =	vld [tilespmem:$0xE0];
	_ =	sdelay $0x4  }
0x241: {  	v54 =	vshll.u32 v3, $0x1  }
0x242: {  	v3 =	vand.u32 $0x7, v3;
	v4 =	vand.u32 $0xFFFFFFF0, v54  }
0x243: {  	v3 =	vor.u32 v3, v4  }
0x244: {  	v4 =	vperm.xlane v3, v0;
	_ =	sdelay $0x1  }
0x245: {  	v3 =	vperm.xlane v3, v2;
	v4 =	vadd.s32 v1, v4;
	_ =	sdelay $0x1  }
0x246: {  	v3 =	vadd.s32 v1, v3;
	_ =	sdelay $0x2  }
0x247: {  	[tilespmem:s22], [sflag:$0x2] =	stream.indirect_vreg.gather [hbm4b:s4+s2], $0x80, v4, vm0, $0xb8;
	[tilespmem:$0x18100] =	vst v63  }
0x248: {  	_ = 	snop  }
0x249: {  	[tilespmem:s23], [sflag:$0x2] =	stream.indirect_vreg.gather [hbm4b:s4+s2], $0x80, v3, vm0, $0xb8;
	[tilespmem:$0x18100] =	vst v63  }
0x24a: {  	v3 =	vld [tilespmem:$0xF0];
	_ =	sdelay $0x4  }
0x24b: {  	v55 =	vshll.u32 v3, $0x1  }
0x24c: {  	v3 =	vand.u32 $0x7, v3;
	v4 =	vand.u32 $0xFFFFFFF0, v55  }
0x24d: {  	v3 =	vor.u32 v3, v4  }
0x24e: {  	v4 =	vperm.xlane v3, v0;
	_ =	sdelay $0x1  }
0x24f: {  	v3 =	vperm.xlane v3, v2;
	v4 =	vadd.s32 v1, v4;
	_ =	sdelay $0x1  }
0x250: {  	v3 =	vadd.s32 v1, v3;
	_ =	sdelay $0x2  }
0x251: {  	[tilespmem:s24], [sflag:$0x2] =	stream.indirect_vreg.gather [hbm4b:s4+s2], $0x80, v4, vm0, $0xb8;
	[tilespmem:$0x18100] =	vst v63  }
0x252: {  	_ = 	snop  }
0x253: {  	[tilespmem:s25], [sflag:$0x2] =	stream.indirect_vreg.gather [hbm4b:s4+s2], $0x80, v3, vm0, $0xb8;
	[tilespmem:$0x18100] =	vst v63  }
0x254: {  	_ =	swait.ge [sflag:s31], $0x8000  }
0x255: {  	[sflag:s31] =	ssyncset.done $0x0  }
0x256: {  	s5 =	rddreg [dreg:$0x9];
	[sflag:s31] =	ssyncadd.s32 $0xFFFF8000  }
0x257: {  	[hbm4b:s5+s2] =	stream.linear.scatter [tilespmem:s20], [sflag:$0x3], $0x8000, $0x38;
	[tilespmem:$0x18100] =	vst v63  }
0x258: {  	_ =	swait.ge [sflag:s11], $0x8000  }
0x259: {  	[sflag:s11] =	ssyncset.done $0x0  }
0x25a: {  	s6 =	rddreg [dreg:$0xa];
	[sflag:s11] =	ssyncadd.s32 $0xFFFF8000  }
0x25b: {  	[tilespmem:s2], [sflag:$0x3] =	stream.linear.gather [hbm4b:s6+s2], $0x80, $0x38;
	[tilespmem:$0x18100] =	vst v63  }
0x25c: {  	_ =	swait.ge [sflag:s11], $0x80  }
0x25d: {  	[sflag:s11] =	ssyncset.done $0x0  }
0x25e: {  	[sflag:s11] =	ssyncadd.s32 $0xFFFFFF80  }
0x25f: {  	v3 =	vld [tilespmem:$0x0];
	_ =	sdelay $0x4  }
0x260: {  	v56 =	vshll.u32 v3, $0x1  }
0x261: {  	v3 =	vand.u32 $0x7, v3;
	v4 =	vand.u32 $0xFFFFFFF0, v56  }
0x262: {  	v3 =	vor.u32 v3, v4  }
0x263: {  	v4 =	vperm.xlane v3, v0;
	_ =	sdelay $0x1  }
0x264: {  	v3 =	vperm.xlane v3, v2;
	v4 =	vadd.s32 v1, v4;
	_ =	sdelay $0x1  }
0x265: {  	v3 =	vadd.s32 v1, v3;
	_ =	sdelay $0x2  }
0x266: {  	[tilespmem:s20], [sflag:$0x1] =	stream.indirect_vreg.gather [hbm4b:s1+s2], $0x80, v4, vm0, $0xb8;
	[tilespmem:$0x18100] =	vst v63  }
0x267: {  	s7 =	simm.s32 $0x900  }
0x268: {  	[tilespmem:s7], [sflag:$0x1] =	stream.indirect_vreg.gather [hbm4b:s1+s2], $0x80, v3, vm0, $0xb8;
	[tilespmem:$0x18100] =	vst v63  }
0x269: {  	v3 =	vld [tilespmem:$0x10];
	_ =	sdelay $0x4  }
0x26a: {  	v57 =	vshll.u32 v3, $0x1  }
0x26b: {  	v3 =	vand.u32 $0x7, v3;
	v4 =	vand.u32 $0xFFFFFFF0, v57  }
0x26c: {  	v3 =	vor.u32 v3, v4  }
0x26d: {  	v4 =	vperm.xlane v3, v0;
	_ =	sdelay $0x1  }
0x26e: {  	v3 =	vperm.xlane v3, v2;
	v4 =	vadd.s32 v1, v4;
	_ =	sdelay $0x1  }
0x26f: {  	v3 =	vadd.s32 v1, v3;
	_ =	sdelay $0x1  }
0x270: {  	s6 =	simm.s32 $0x1100  }
0x271: {  	[tilespmem:s6], [sflag:$0x1] =	stream.indirect_vreg.gather [hbm4b:s1+s2], $0x80, v4, vm0, $0xb8;
	[tilespmem:$0x18100] =	vst v63  }
0x272: {  	s7 =	simm.s32 $0x1900  }
0x273: {  	[tilespmem:s7], [sflag:$0x1] =	stream.indirect_vreg.gather [hbm4b:s1+s2], $0x80, v3, vm0, $0xb8;
	[tilespmem:$0x18100] =	vst v63  }
0x274: {  	v3 =	vld [tilespmem:$0x20];
	_ =	sdelay $0x4  }
0x275: {  	v58 =	vshll.u32 v3, $0x1  }
0x276: {  	v3 =	vand.u32 $0x7, v3;
	v4 =	vand.u32 $0xFFFFFFF0, v58  }
0x277: {  	v3 =	vor.u32 v3, v4  }
0x278: {  	v4 =	vperm.xlane v3, v0;
	_ =	sdelay $0x1  }
0x279: {  	v3 =	vperm.xlane v3, v2;
	v4 =	vadd.s32 v1, v4;
	_ =	sdelay $0x1  }
0x27a: {  	v3 =	vadd.s32 v1, v3;
	_ =	sdelay $0x1  }
0x27b: {  	s28 =	simm.s32 $0x2100  }
0x27c: {  	[tilespmem:s28], [sflag:$0x1] =	stream.indirect_vreg.gather [hbm4b:s1+s2], $0x80, v4, vm0, $0xb8;
	[tilespmem:$0x18100] =	vst v63  }
0x27d: {  	s28 =	simm.s32 $0x2900  }
0x27e: {  	[tilespmem:s28], [sflag:$0x1] =	stream.indirect_vreg.gather [hbm4b:s1+s2], $0x80, v3, vm0, $0xb8;
	[tilespmem:$0x18100] =	vst v63  }
0x27f: {  	v3 =	vld [tilespmem:$0x30];
	_ =	sdelay $0x4  }
0x280: {  	v59 =	vshll.u32 v3, $0x1  }
0x281: {  	v3 =	vand.u32 $0x7, v3;
	v4 =	vand.u32 $0xFFFFFFF0, v59  }
0x282: {  	v3 =	vor.u32 v3, v4  }
0x283: {  	v4 =	vperm.xlane v3, v0;
	_ =	sdelay $0x1  }
0x284: {  	v3 =	vperm.xlane v3, v2;
	v4 =	vadd.s32 v1, v4;
	_ =	sdelay $0x1  }
0x285: {  	v3 =	vadd.s32 v1, v3;
	_ =	sdelay $0x1  }
0x286: {  	s6 =	simm.s32 $0x3100  }
0x287: {  	[tilespmem:s6], [sflag:$0x1] =	stream.indirect_vreg.gather [hbm4b:s1+s2], $0x80, v4, vm0, $0xb8;
	[tilespmem:$0x18100] =	vst v63  }
0x288: {  	s7 =	simm.s32 $0x3900  }
0x289: {  	[tilespmem:s7], [sflag:$0x1] =	stream.indirect_vreg.gather [hbm4b:s1+s2], $0x80, v3, vm0, $0xb8;
	[tilespmem:$0x18100] =	vst v63  }
0x28a: {  	v3 =	vld [tilespmem:$0x40];
	_ =	sdelay $0x4  }
0x28b: {  	v60 =	vshll.u32 v3, $0x1  }
0x28c: {  	v3 =	vand.u32 $0x7, v3;
	v4 =	vand.u32 $0xFFFFFFF0, v60  }
0x28d: {  	v3 =	vor.u32 v3, v4  }
0x28e: {  	v4 =	vperm.xlane v3, v0;
	_ =	sdelay $0x1  }
0x28f: {  	v3 =	vperm.xlane v3, v2;
	v4 =	vadd.s32 v1, v4;
	_ =	sdelay $0x1  }
0x290: {  	v3 =	vadd.s32 v1, v3;
	_ =	sdelay $0x1  }
0x291: {  	s26 =	simm.s32 $0x4100  }
0x292: {  	[tilespmem:s26], [sflag:$0x1] =	stream.indirect_vreg.gather [hbm4b:s1+s2], $0x80, v4, vm0, $0xb8;
	[tilespmem:$0x18100] =	vst v63  }
0x293: {  	s28 =	simm.s32 $0x4900  }
0x294: {  	[tilespmem:s28], [sflag:$0x1] =	stream.indirect_vreg.gather [hbm4b:s1+s2], $0x80, v3, vm0, $0xb8;
	[tilespmem:$0x18100] =	vst v63  }
0x295: {  	v3 =	vld [tilespmem:$0x50];
	_ =	sdelay $0x4  }
0x296: {  	v61 =	vshll.u32 v3, $0x1  }
0x297: {  	v3 =	vand.u32 $0x7, v3;
	v4 =	vand.u32 $0xFFFFFFF0, v61  }
0x298: {  	v3 =	vor.u32 v3, v4  }
0x299: {  	v4 =	vperm.xlane v3, v0;
	_ =	sdelay $0x1  }
0x29a: {  	v3 =	vperm.xlane v3, v2;
	v4 =	vadd.s32 v1, v4;
	_ =	sdelay $0x1  }
0x29b: {  	v3 =	vadd.s32 v1, v3;
	_ =	sdelay $0x1  }
0x29c: {  	s12 =	simm.s32 $0x5100  }
0x29d: {  	[tilespmem:s12], [sflag:$0x1] =	stream.indirect_vreg.gather [hbm4b:s1+s2], $0x80, v4, vm0, $0xb8;
	[tilespmem:$0x18100] =	vst v63  }
0x29e: {  	s17 =	simm.s32 $0x5900  }
0x29f: {  	[tilespmem:s17], [sflag:$0x1] =	stream.indirect_vreg.gather [hbm4b:s1+s2], $0x80, v3, vm0, $0xb8;
	[tilespmem:$0x18100] =	vst v63  }
0x2a0: {  	v3 =	vld [tilespmem:$0x60];
	_ =	sdelay $0x4  }
0x2a1: {  	v62 =	vshll.u32 v3, $0x1  }
0x2a2: {  	v3 =	vand.u32 $0x7, v3;
	v4 =	vand.u32 $0xFFFFFFF0, v62  }
0x2a3: {  	v3 =	vor.u32 v3, v4  }
0x2a4: {  	v4 =	vperm.xlane v3, v0;
	_ =	sdelay $0x1  }
0x2a5: {  	v3 =	vperm.xlane v3, v2;
	v4 =	vadd.s32 v1, v4;
	_ =	sdelay $0x1  }
0x2a6: {  	v3 =	vadd.s32 v1, v3;
	_ =	sdelay $0x1  }
0x2a7: {  	s9 =	simm.s32 $0x6100  }
0x2a8: {  	[tilespmem:s9], [sflag:$0x1] =	stream.indirect_vreg.gather [hbm4b:s1+s2], $0x80, v4, vm0, $0xb8;
	[tilespmem:$0x18100] =	vst v63  }
0x2a9: {  	s18 =	simm.s32 $0x6900  }
0x2aa: {  	[tilespmem:s18], [sflag:$0x1] =	stream.indirect_vreg.gather [hbm4b:s1+s2], $0x80, v3, vm0, $0xb8;
	[tilespmem:$0x18100] =	vst v63  }
0x2ab: {  	v3 =	vld [tilespmem:$0x70];
	_ =	sdelay $0x4  }
0x2ac: {  	v63 =	vshll.u32 v3, $0x1  }
0x2ad: {  	v3 =	vand.u32 $0x7, v3;
	v4 =	vand.u32 $0xFFFFFFF0, v63  }
0x2ae: {  	v3 =	vor.u32 v3, v4  }
0x2af: {  	v4 =	vperm.xlane v3, v0;
	_ =	sdelay $0x1  }
0x2b0: {  	v3 =	vperm.xlane v3, v2;
	v4 =	vadd.s32 v1, v4;
	_ =	sdelay $0x1  }
0x2b1: {  	v3 =	vadd.s32 v1, v3;
	_ =	sdelay $0x1  }
0x2b2: {  	s13 =	simm.s32 $0x7100  }
0x2b3: {  	[tilespmem:s13], [sflag:$0x1] =	stream.indirect_vreg.gather [hbm4b:s1+s2], $0x80, v4, vm0, $0xb8;
	[tilespmem:$0x18100] =	vst v63  }
0x2b4: {  	s16 =	simm.s32 $0x7900  }
0x2b5: {  	[tilespmem:s16], [sflag:$0x1] =	stream.indirect_vreg.gather [hbm4b:s1+s2], $0x80, v3, vm0, $0xb8;
	[tilespmem:$0x18100] =	vst v63  }
0x2b6: {  	_ =	swait.ge [sflag:s0], $0x8000  }
0x2b7: {  	[sflag:s0] =	ssyncset.done $0x0  }
0x2b8: {  	s6 =	rddreg [dreg:$0xb];
	[sflag:s0] =	ssyncadd.s32 $0xFFFF8000  }
0x2b9: {  	[hbm4b:s6+s2] =	stream.linear.scatter [tilespmem:s3], [sflag:$0x3], $0x8000, $0x38;
	[tilespmem:$0x18100] =	vst v63  }
0x2ba: {  	_ =	swait.ge [sflag:s11], $0x8000  }
0x2bb: {  	[sflag:s11] =	ssyncset.done $0x0  }
0x2bc: {  	s7 =	rddreg [dreg:$0x11];
	[sflag:s11] =	ssyncadd.s32 $0xFFFF8000  }
0x2bd: {  	[tilespmem:s29], [sflag:$0x3] =	stream.linear.gather [hbm4b:s7+s2], $0x80, $0x38;
	[tilespmem:$0x18100] =	vst v63  }
0x2be: {  	_ =	swait.ge [sflag:s11], $0x80  }
0x2bf: {  	[sflag:s11] =	ssyncset.done $0x0  }
0x2c0: {  	s9 =	simm.s32 $0x14100;
	s12 =	rddreg [dreg:$0x15];
	[sflag:s11] =	ssyncadd.s32 $0xFFFFFF80  }
0x2c1: {  	[tilespmem:s9], [sflag:$0x2] =	stream.indirect.gather [hbm4b:s12+s29], $0x80, s29, s29, $0xb8;
	[tilespmem:$0x18100] =	vst v63  }
0x2c2: {  	_ =	swait.ge [sflag:s31], $0x8000  }
0x2c3: {  	[sflag:s31] =	ssyncset.done $0x0  }
0x2c4: {  	s13 =	rddreg [dreg:$0xc];
	[sflag:s31] =	ssyncadd.s32 $0xFFFF8000  }
0x2c5: {  	[hbm4b:s13+s2] =	stream.linear.scatter [tilespmem:s20], [sflag:$0x3], $0x8000, $0x38;
	[tilespmem:$0x18100] =	vst v63  }
0x2c6: {  	_ =	swait.ge [sflag:s11], $0x8000  }
0x2c7: {  	[sflag:s11] =	ssyncset.done $0x0  }
0x2c8: {  	[sflag:s11] =	ssyncadd.s32 $0xFFFF8000  }
0x2c9: {  	[tilespmem:s2], [sflag:$0x3] =	stream.linear.gather [hbm4b:s8+s2], $0x80, $0x38;
	[tilespmem:$0x18100] =	vst v63  }
0x2ca: {  	_ =	swait.ge [sflag:s11], $0x80  }
0x2cb: {  	[sflag:s11] =	ssyncset.done $0x0  }
0x2cc: {  	s16 =	simm.s32 $0x10100;
	[sflag:s11] =	ssyncadd.s32 $0xFFFFFF80  }
0x2cd: {  	[tilespmem:s16], [sflag:$0x1] =	stream.indirect.gather [hbm4b:s12+s29], $0x80, s2, s29, $0xb8;
	[tilespmem:$0x18100] =	vst v63  }
0x2ce: {  	_ =	swait.ge [sflag:s0], $0x4000  }
0x2cf: {  	[sflag:s0] =	ssyncset.done $0x0  }
0x2d0: {  	s17 =	rddreg [dreg:$0xd];
	[sflag:s0] =	ssyncadd.s32 $0xFFFFC000  }
0x2d1: {  	[hbm4b:s17+s2] =	stream.linear.scatter [tilespmem:s9], [sflag:$0x3], $0x4000, $0x38;
	[tilespmem:$0x18100] =	vst v63  }
0x2d2: {  	_ =	swait.ge [sflag:s11], $0x4000  }
0x2d3: {  	[sflag:s11] =	ssyncset.done $0x0  }
0x2d4: {  	[sflag:s11] =	ssyncadd.s32 $0xFFFFC000  }
0x2d5: {  	[tilespmem:s29], [sflag:$0x3] =	stream.linear.gather [hbm4b:s14+s2], $0x80, $0x38;
	[tilespmem:$0x18100] =	vst v63  }
0x2d6: {  	_ =	swait.ge [sflag:s11], $0x80  }
0x2d7: {  	[sflag:s11] =	ssyncset.done $0x0  }
0x2d8: {  	[sflag:s11] =	ssyncadd.s32 $0xFFFFFF80  }
0x2d9: {  	[tilespmem:s9], [sflag:$0x2] =	stream.indirect.gather [hbm4b:s12+s29], $0x80, s29, s29, $0xb8;
	[tilespmem:$0x18100] =	vst v63  }
0x2da: {  	_ =	swait.ge [sflag:s31], $0x4000  }
0x2db: {  	[sflag:s31] =	ssyncset.done $0x0  }
0x2dc: {  	s18 =	rddreg [dreg:$0xe];
	[sflag:s31] =	ssyncadd.s32 $0xFFFFC000  }
0x2dd: {  	[hbm4b:s18+s2] =	stream.linear.scatter [tilespmem:s16], [sflag:$0x3], $0x4000, $0x38;
	[tilespmem:$0x18100] =	vst v63  }
0x2de: {  	_ =	swait.ge [sflag:s11], $0x4000  }
0x2df: {  	[sflag:s11] =	ssyncset.done $0x0  }
0x2e0: {  	[sflag:s11] =	ssyncadd.s32 $0xFFFFC000  }
0x2e1: {  	[tilespmem:s2], [sflag:$0x3] =	stream.linear.gather [hbm4b:s15+s2], $0x80, $0x38;
	[tilespmem:$0x18100] =	vst v63  }
0x2e2: {  	_ =	swait.ge [sflag:s11], $0x80  }
0x2e3: {  	[sflag:s11] =	ssyncset.done $0x0  }
0x2e4: {  	[sflag:s11] =	ssyncadd.s32 $0xFFFFFF80  }
0x2e5: {  	[tilespmem:s16], [sflag:$0x1] =	stream.indirect.gather [hbm4b:s12+s29], $0x80, s2, s29, $0xb8;
	[tilespmem:$0x18100] =	vst v63  }
0x2e6: {  	_ =	swait.ge [sflag:s0], $0x4000  }
0x2e7: {  	[sflag:s0] =	ssyncset.done $0x0  }
0x2e8: {  	s26 =	rddreg [dreg:$0xf];
	[sflag:s0] =	ssyncadd.s32 $0xFFFFC000  }
0x2e9: {  	[hbm4b:s26+s2] =	stream.linear.scatter [tilespmem:s9], [sflag:$0x3], $0x4000, $0x38;
	[tilespmem:$0x18100] =	vst v63  }
0x2ea: {  	_ =	swait.ge [sflag:s11], $0x4000  }
0x2eb: {  	[sflag:s11] =	ssyncset.done $0x0  }
0x2ec: {  	[sflag:s11] =	ssyncadd.s32 $0xFFFFC000  }
0x2ed: {  	_ =	swait.ge [sflag:s31], $0x4000  }
0x2ee: {  	p0 =	sne.s32 s10, $0x1;
	[sflag:s31] =	ssyncset.done $0x0  }
.Ltmp0:
0x2ef: {  	s28 =	rddreg [dreg:$0x10];
	[sflag:s31] =	ssyncadd.s32 $0xFFFFC000;
	(pc) =	sbr.rel @p0 .LBB2_1-.Ltmp0, $4  }
0x2f0: {  	[hbm4b:s28+s2] =	stream.linear.scatter [tilespmem:s16], [sflag:$0x3], $0x4000, $0x38;
	[tilespmem:$0x18100] =	vst v63  }
0x2f1: {  	_ =	swait.ge [sflag:s11], $0x4000  }
0x2f2: {  	[sflag:s11] =	ssyncset.done $0x0  }
0x2f3: {  	s10 =	sadd.s32 $0xFFFFFFFF, s10;
	[sflag:s11] =	ssyncadd.s32 $0xFFFFC000  }
0x2f4: {  	_ =	sfence.sel $0x180000  }
0x2f5: {  	[bflag:$0x0] =	sbarrier.arrive $0xFFFF  }
0x2f6: {  	_ =	strace $0x90000050  }
0x2f7: {  	s0 =	stileid.u32;
	[bflag:$0x2] =	sbarrier.arrive $0xFFFF  }
0x2f8: {  	p0 =	sne.s32 s0, $0x0;
	s0 =	rddreg [dreg:$0x2]  }
0x2f9: {  	s0 =	sadd.s32 @!p0 $0x100000, s0  }
0x2fa: {  	[sflag:s0] =	ssyncadd.tile.s32 @!p0 $0x1;
	_ =	shalt  }
.Lfunc_end2:
_tile_overlayer_lowered:
.L_overlay_start_2:
0x2fb: {  	(tag) =	ssettag $0x2  }
0x2fc: {  	s0 =	rddreg [dreg:$0x0];
	s2 =	stileid.u32  }
0x2fd: {  	s1 =	rddreg [dreg:$0x1];
	p0 =	sne.s32 s2, $0x0  }
0x2fe: {  	s3 =	rddreg [dreg:$0x2];
	[bflag:$0x3] =	sbarrier.arrive $0xFFFF;
	s2 =	simm.s32 @!p0 $0x1C03  }
0x2ff: {  	[timem:s3], [sflag:s2] =	dma.local @!p0 [hbm:s0], s1  }
0x300: {  	s0 =	simm.s32 @!p0 $0x3  }
0x301: {  	_ =	swait.ge @!p0 [sflag:s0], s1  }
0x302: {  	s1 =	ssub.s32 @!p0 $0x0, s1;
	[sflag:s0] =	ssyncset.done @!p0 $0x0  }
0x303: {  	[sflag:s0] =	ssyncadd.s32 @!p0 s1  }
0x304: {  	[bflag:$0x3] =	sbarrier.arrive $0xFFFF  }
0x305: {  	_ =	shalt  }

</sc_bundles>
